<compile_context>
chip_gen: v7x
topology: tpu7x:2x2x1
jax: 0.10.2.dev20260603
libtpu: 0.0.44.dev20260713+nightly
codegen_flags: <defaults>
</compile_context>

<pallas_src>
import functools

import jax
import jax.numpy as jnp
from jax import lax
from jax.experimental import pallas as pl
from jax.experimental.pallas import tpu as pltpu
from jax.experimental.pallas import tpu_sc as plsc

N = 10000
E = 320000
H = 128
G = 64
_BN_C = 0.9999950000374997

NC, NS, L = 2, 16, 16
NW = NC * NS
NPAD = 10240
EPW = E // NW
CH = 80
NCHUNK = EPW // CH
ROWS_PT = NPAD // NS
DCH = 80
DNCH = EPW // DCH

_MESH = plsc.VectorSubcoreMesh(core_axis_name="c", subcore_axis_name="s",
                               num_cores=NC, num_subcores=NS)



@functools.partial(
    pl.kernel,
    out_type=jax.ShapeDtypeStruct((NW, NPAD), jnp.float32),
    mesh=_MESH,
    compiler_params=pltpu.CompilerParams(needs_layout_passes=False),
    scratch_types=[
        pltpu.VMEM((NPAD,), jnp.float32),
        pltpu.VMEM((DNCH, DCH), jnp.int32),
    ],
)
def _deg_kernel(dst3_hbm, out_hbm, hist_v, dstall):
    c = lax.axis_index("c")
    s = lax.axis_index("s")
    wid = c * NS + s

    pltpu.sync_copy(dst3_hbm.at[wid], dstall)

    def zero_body(i, carry):
        hist_v[pl.ds(i * L, L)] = jnp.zeros((L,), jnp.float32)
        return carry
    lax.fori_loop(0, NPAD // L, zero_body, 0)

    ones = jnp.ones((L,), jnp.float32)

    def chunk_body(i, carry):
        for j in range(DCH // L):
            idx = dstall[i, pl.ds(j * L, L)]
            plsc.addupdate_scatter(hist_v, [idx], ones)
        return carry
    lax.fori_loop(0, DNCH, chunk_body, 0)

    pltpu.sync_copy(hist_v, out_hbm.at[wid])


_NBUF = 4


@functools.partial(
    pl.kernel,
    out_type=jax.ShapeDtypeStruct((NC, NPAD, H), jnp.float32),
    mesh=_MESH,
    scratch_types=[
        [pltpu.VMEM((CH,), jnp.int32)] * _NBUF,
        [pltpu.VMEM((CH,), jnp.int32)] * _NBUF,
        [pltpu.VMEM((CH, H), jnp.float32)] * _NBUF,
        [pltpu.SemaphoreType.DMA] * _NBUF,
        [pltpu.SemaphoreType.DMA] * _NBUF,
        [pltpu.SemaphoreType.DMA] * _NBUF,
        pltpu.VMEM_SHARED((NPAD, H), jnp.float32),
    ],
)
def _agg_kernel(hh_hbm, src_hbm, dst_hbm, out_hbm, srcv, dstv, rows,
                isem, gsem, ssem, acc_sh):
    c = lax.axis_index("c")
    s = lax.axis_index("s")
    wid = c * NS + s
    ebase = wid * EPW

    def zrow(r, carry):
        for j in range(H // L):
            rows[0][r, pl.ds(j * L, L)] = jnp.zeros((L,), jnp.float32)
        return carry
    lax.fori_loop(0, CH, zrow, 0)
    for k in range(ROWS_PT // CH):
        pltpu.sync_copy(rows[0], acc_sh.at[pl.ds(s * ROWS_PT + k * CH, CH)])
    plsc.subcore_barrier()

    def start_idx(i, b):
        pltpu.async_copy(src_hbm.at[pl.ds(ebase + i * CH, CH)], srcv[b],
                         isem[b])
        pltpu.async_copy(dst_hbm.at[pl.ds(ebase + i * CH, CH)], dstv[b],
                         isem[b])

    def wait_idx(i, b):
        pltpu.make_async_copy(src_hbm.at[pl.ds(ebase + i * CH, CH)],
                              srcv[b], isem[b]).wait()
        pltpu.make_async_copy(dst_hbm.at[pl.ds(ebase + i * CH, CH)],
                              dstv[b], isem[b]).wait()

    def start_gather(i, b):
        pltpu.async_copy(hh_hbm.at[srcv[b]], rows[b], gsem[b])

    def wait_gather(i, b):
        pltpu.make_async_copy(hh_hbm.at[srcv[b]], rows[b], gsem[b]).wait()

    def start_scatter(i, b):
        pltpu.async_copy(rows[b], acc_sh.at[dstv[b]], ssem[b], add=True)

    def wait_scatter(i, b):
        pltpu.make_async_copy(rows[b], acc_sh.at[dstv[b]], ssem[b]).wait()

    start_idx(0, 0)
    start_idx(1, 1)
    wait_idx(0, 0)
    start_gather(0, 0)
    for i in range(2):
        start_idx(i + 2, (i + 2) % _NBUF)
        wait_idx(i + 1, (i + 1) % _NBUF)
        start_gather(i + 1, (i + 1) % _NBUF)
        wait_gather(i, i % _NBUF)
        start_scatter(i, i % _NBUF)

    n_main = NCHUNK - 5
    assert n_main % _NBUF == 0

    def group(g, carry):
        for k in range(_NBUF):
            i = 2 + g * _NBUF + k
            b = (2 + k) % _NBUF
            b1 = (3 + k) % _NBUF
            b2 = k
            wait_scatter(i - 2, b2)
            start_idx(i + 2, b2)
            wait_idx(i + 1, b1)
            start_gather(i + 1, b1)
            wait_gather(i, b)
            start_scatter(i, b)
        return carry
    lax.fori_loop(0, n_main // _NBUF, group, 0)

    for i in range(NCHUNK - 3, NCHUNK):
        b = i % _NBUF
        if i + 2 < NCHUNK:
            wait_scatter(i - 2, (i + 2) % _NBUF)
            start_idx(i + 2, (i + 2) % _NBUF)
        if i + 1 < NCHUNK:
            wait_idx(i + 1, (i + 1) % _NBUF)
            start_gather(i + 1, (i + 1) % _NBUF)
        wait_gather(i, b)
        start_scatter(i, b)
    for i in range(NCHUNK - 4, NCHUNK):
        wait_scatter(i, i % _NBUF)

    plsc.subcore_barrier()
    pltpu.sync_copy(acc_sh.at[pl.ds(s * ROWS_PT, ROWS_PT)],
                    out_hbm.at[c, pl.ds(s * ROWS_PT, ROWS_PT)])



_BLK = 1000


def _dinv_body(hist_ref, o_ref):
    deg = 1.0 + jnp.sum(hist_ref[...], axis=0, keepdims=True)
    o_ref[...] = lax.rsqrt(deg)


def _dinv_from_hists(hists):
    return pl.pallas_call(
        _dinv_body,
        in_specs=[pl.BlockSpec((NW, NPAD), lambda: (0, 0))],
        out_specs=pl.BlockSpec((1, NPAD), lambda: (0, 0)),
        out_shape=jax.ShapeDtypeStruct((1, NPAD), jnp.float32),
    )(hists)


def _mm_scale_body(x_ref, w_ref, dinv_ref, o_ref):
    o_ref[...] = jnp.dot(x_ref[...], w_ref[...],
                         preferred_element_type=jnp.float32) * dinv_ref[...]


def _mm_scale(x, w, dinv2):
    return pl.pallas_call(
        _mm_scale_body,
        grid=(N // _BLK,),
        in_specs=[
            pl.BlockSpec((_BLK, H), lambda i: (i, 0)),
            pl.BlockSpec((H, H), lambda i: (0, 0)),
            pl.BlockSpec((_BLK, 1), lambda i: (i, 0)),
        ],
        out_specs=pl.BlockSpec((_BLK, H), lambda i: (i, 0)),
        out_shape=jax.ShapeDtypeStruct((N, H), jnp.float32),
    )(x, w, dinv2)


def _mid_body(acc_ref, hh_ref, dinv_ref, w_ref, b_ref, g_ref, be_ref, o_ref):
    dinv = dinv_ref[...]
    a = (acc_ref[0] + acc_ref[1] + hh_ref[...]) * dinv + b_ref[...]
    z = jnp.maximum(a * _BN_C * g_ref[...] + be_ref[...], 0.0)
    o_ref[...] = jnp.dot(z, w_ref[...],
                         preferred_element_type=jnp.float32) * dinv


def _mid_layer(accs, hh, dinv2, w_next, b, g, be):
    return pl.pallas_call(
        _mid_body,
        grid=(N // _BLK,),
        in_specs=[
            pl.BlockSpec((NC, _BLK, H), lambda i: (0, i, 0)),
            pl.BlockSpec((_BLK, H), lambda i: (i, 0)),
            pl.BlockSpec((_BLK, 1), lambda i: (i, 0)),
            pl.BlockSpec((H, H), lambda i: (0, 0)),
            pl.BlockSpec((H,), lambda i: (0,)),
            pl.BlockSpec((H,), lambda i: (0,)),
            pl.BlockSpec((H,), lambda i: (0,)),
        ],
        out_specs=pl.BlockSpec((_BLK, H), lambda i: (i, 0)),
        out_shape=jax.ShapeDtypeStruct((N, H), jnp.float32),
    )(accs, hh, dinv2, w_next, b, g, be)


def _head_body(acc_ref, hh_ref, dinv_ref, b_ref, g_ref, be_ref,
               brow_ref, bcol_ref, wm1_ref, bm1_ref, wm2_ref, bm2_ref,
               wm3_ref, bm3_ref, o_ref, mx_ref):
    a = (acc_ref[0] + acc_ref[1] + hh_ref[...]) * dinv_ref[...] + b_ref[...]
    h = jnp.maximum(a * _BN_C * g_ref[...] + be_ref[...], 0.0)
    brow = brow_ref[...]
    bcol = bcol_ref[...]
    gids = lax.broadcasted_iota(jnp.int32, (G, N), 0)
    onehot = (brow == gids).astype(jnp.float32)
    sums = jnp.dot(onehot, h, preferred_element_type=jnp.float32,
                   precision=lax.Precision.HIGHEST)
    cnt = jnp.sum(onehot, axis=1, keepdims=True)
    mean = sums / jnp.maximum(cnt, 1.0)

    def body(g, carry):
        m = jnp.where(bcol == g, h, -jnp.inf)
        mx_ref[pl.ds(g, 1), :] = jnp.max(m, axis=0, keepdims=True)
        return carry
    lax.fori_loop(0, G, body, 0)

    xg = jnp.concatenate([mean, mx_ref[...]], axis=1)
    o = jnp.maximum(jnp.dot(xg, wm1_ref[...],
                            preferred_element_type=jnp.float32)
                    + bm1_ref[...], 0.0)
    o = jnp.maximum(jnp.dot(o, wm2_ref[...],
                            preferred_element_type=jnp.float32)
                    + bm2_ref[...], 0.0)
    o = jnp.dot(o, wm3_ref[...], preferred_element_type=jnp.float32) \
        + bm3_ref[...]
    o_ref[...] = o[:, 0]


def _head(accs, hh, dinv2, b3, g3, be3, batch, Wm1, bm1, Wm2, bm2, Wm3, bm3):
    return pl.pallas_call(
        _head_body,
        grid=(1,),
        in_specs=[
            pl.BlockSpec((NC, N, H), lambda i: (0, 0, 0)),
            pl.BlockSpec((N, H), lambda i: (0, 0)),
            pl.BlockSpec((N, 1), lambda i: (0, 0)),
            pl.BlockSpec((H,), lambda i: (0,)),
            pl.BlockSpec((H,), lambda i: (0,)),
            pl.BlockSpec((H,), lambda i: (0,)),
            pl.BlockSpec((1, N), lambda i: (0, 0)),
            pl.BlockSpec((N, 1), lambda i: (0, 0)),
            pl.BlockSpec((2 * H, 256), lambda i: (0, 0)),
            pl.BlockSpec((256,), lambda i: (0,)),
            pl.BlockSpec((256, 64), lambda i: (0, 0)),
            pl.BlockSpec((64,), lambda i: (0,)),
            pl.BlockSpec((64, 1), lambda i: (0, 0)),
            pl.BlockSpec((1,), lambda i: (0,)),
        ],
        out_specs=pl.BlockSpec((G,), lambda i: (0,)),
        out_shape=jax.ShapeDtypeStruct((G,), jnp.float32),
        scratch_shapes=[pltpu.VMEM((G, H), jnp.float32)],
    )(accs, hh, dinv2, b3, g3, be3, batch[None, :], batch[:, None],
      Wm1, bm1, Wm2, bm2, Wm3, bm3)



def kernel(x, edge_index, batch, W1, b1, g1, be1, W2, b2, g2, be2,
           W3, b3, g3, be3, Wm1, bm1, Wm2, bm2, Wm3, bm3):
    src = edge_index[0]
    dst = edge_index[1]
    dst3d = dst.reshape(NW, DNCH, DCH)

    hists = _deg_kernel(dst3d)
    dinv_row = _dinv_from_hists(hists)
    dinv2 = dinv_row[0, :N][:, None]

    hh = _mm_scale(x, W1, dinv2)
    accs1 = _agg_kernel(hh, src, dst)
    hh2 = _mid_layer(accs1, hh, dinv2, W2, b1, g1, be1)
    accs2 = _agg_kernel(hh2, src, dst)
    hh3 = _mid_layer(accs2, hh2, dinv2, W3, b2, g2, be2)
    accs3 = _agg_kernel(hh3, src, dst)
    return _head(accs3, hh3, dinv2, b3, g3, be3, batch,
                 Wm1, bm1, Wm2, bm2, Wm3, bm3)

# --- scband reference (transcript-rebuilt; emitter-appended) ---
"""Pipeline reference for scband-molecule-gnn-18442589569774 (READ-ONLY COPY).

The authoritative reference and input builder live on the scoring server;
editing this copy changes nothing except your own understanding.
"""

import jax, jax.numpy as jnp
import numpy as np

N = 10000
E = 320000
F_IN = 128
H = 128
G = 64


def _gcn_conv(x, src, dst, W, b, n):
    # PyG GCNConv (eval): add self loops, symmetric normalization, linear transform
    h = x @ W
    loop = jnp.arange(n, dtype=src.dtype)
    s = jnp.concatenate([src, loop])
    d = jnp.concatenate([dst, loop])
    deg = jax.ops.segment_sum(jnp.ones(s.shape[0], dtype=h.dtype), d, num_segments=n)
    dinv = jnp.where(deg > 0, jax.lax.rsqrt(jnp.maximum(deg, 1e-12)), 0.0)
    norm = dinv[s] * dinv[d]
    msg = h[s] * norm[:, None]
    return jax.ops.segment_sum(msg, d, num_segments=n) + b


def _bn_eval(x, g, b, eps=1e-5):
    # freshly-initialized BatchNorm1d in eval mode: running_mean=0, running_var=1
    return (x - 0.0) * jax.lax.rsqrt(jnp.asarray(1.0 + eps, x.dtype)) * g + b


def setup_inputs(seed: int = 0) -> dict:
    key = jax.random.key(seed)
    ks = jax.random.split(key, 12)
    x = jax.random.normal(ks[0], (N, F_IN), dtype=jnp.float32)
    edge_index = jax.random.randint(ks[1], (2, E), 0, N, dtype=jnp.int32)
    batch = jnp.sort(jax.random.randint(ks[2], (N,), 0, G, dtype=jnp.int32))

    def lin(k, i, o):
        return jax.random.normal(k, (i, o), dtype=jnp.float32) * (1.0 / np.sqrt(i))

    inp = {"x": x, "edge_index": edge_index, "batch": batch}
    inp["W1"] = lin(ks[3], F_IN, H)
    inp["b1"] = jnp.zeros((H,), jnp.float32)
    inp["g1"] = jnp.ones((H,), jnp.float32)
    inp["be1"] = jnp.zeros((H,), jnp.float32)
    inp["W2"] = lin(ks[4], H, H)
    inp["b2"] = jnp.zeros((H,), jnp.float32)
    inp["g2"] = jnp.ones((H,), jnp.float32)
    inp["be2"] = jnp.zeros((H,), jnp.float32)
    inp["W3"] = lin(ks[5], H, H)
    inp["b3"] = jnp.zeros((H,), jnp.float32)
    inp["g3"] = jnp.ones((H,), jnp.float32)
    inp["be3"] = jnp.zeros((H,), jnp.float32)
    inp["Wm1"] = lin(ks[6], 2 * H, 256)
    inp["bm1"] = jnp.zeros((256,), jnp.float32)
    inp["Wm2"] = lin(ks[7], 256, 64)
    inp["bm2"] = jnp.zeros((64,), jnp.float32)
    inp["Wm3"] = lin(ks[8], 64, 1)
    inp["bm3"] = jnp.zeros((1,), jnp.float32)
    return inp


def reference(x, edge_index, batch, W1, b1, g1, be1, W2, b2, g2, be2, W3, b3, g3, be3, Wm1, bm1, Wm2, bm2, Wm3, bm3):
    src = edge_index[0]
    dst = edge_index[1]
    h = _gcn_conv(x, src, dst, W1, b1, N)
    h = jax.nn.relu(_bn_eval(h, g1, be1))
    # dropout is identity in eval mode
    h = _gcn_conv(h, src, dst, W2, b2, N)
    h = jax.nn.relu(_bn_eval(h, g2, be2))
    h = _gcn_conv(h, src, dst, W3, b3, N)
    h = jax.nn.relu(_bn_eval(h, g3, be3))
    sums = jax.ops.segment_sum(h, batch, num_segments=G)
    cnt = jax.ops.segment_sum(jnp.ones((N,), h.dtype), batch, num_segments=G)
    x_mean = sums / jnp.maximum(cnt, 1.0)[:, None]
    x_max = jax.ops.segment_max(h, batch, num_segments=G)
    xg = jnp.concatenate([x_mean, x_max], axis=1)
    o = jax.nn.relu(xg @ Wm1 + bm1)
    o = jax.nn.relu(o @ Wm2 + bm2)
    o = o @ Wm3 + bm3
    return o[:, 0]

if __name__ == "__main__":
    import jax
    _d = setup_inputs()
    print(jax.jit(kernel)(*tuple(_d.values())))

</pallas_src>

<mosaic_0001>
#map = affine_map<(d0, d1) -> (0, 0)>
#map1 = affine_map<(d0, d1) -> (0)>
#map2 = affine_map<(d0, d1) -> (0, 0, 0)>
module attributes {stable_mosaic.version = 14 : i64} {
  func.func @_agg_kernel(%arg0: i32, %arg1: i32, %arg2: memref<10000x128xf32, #tpu.memory_space<hbm>>, %arg3: memref<320000xi32, #tpu.memory_space<hbm>>, %arg4: memref<320000xi32, #tpu.memory_space<hbm>>, %arg5: memref<2x10240x128xf32, #tpu.memory_space<hbm>>, %arg6: memref<80xi32, #tpu.memory_space<vmem>>, %arg7: memref<80xi32, #tpu.memory_space<vmem>>, %arg8: memref<80xi32, #tpu.memory_space<vmem>>, %arg9: memref<80xi32, #tpu.memory_space<vmem>>, %arg10: memref<80xi32, #tpu.memory_space<vmem>>, %arg11: memref<80xi32, #tpu.memory_space<vmem>>, %arg12: memref<80xi32, #tpu.memory_space<vmem>>, %arg13: memref<80xi32, #tpu.memory_space<vmem>>, %arg14: memref<80x128xf32, #tpu.memory_space<vmem>>, %arg15: memref<80x128xf32, #tpu.memory_space<vmem>>, %arg16: memref<80x128xf32, #tpu.memory_space<vmem>>, %arg17: memref<80x128xf32, #tpu.memory_space<vmem>>, %arg18: memref<!tpu.dma_semaphore, #tpu.memory_space<semaphore_mem>>, %arg19: memref<!tpu.dma_semaphore, #tpu.memory_space<semaphore_mem>>, %arg20: memref<!tpu.dma_semaphore, #tpu.memory_space<semaphore_mem>>, %arg21: memref<!tpu.dma_semaphore, #tpu.memory_space<semaphore_mem>>, %arg22: memref<!tpu.dma_semaphore, #tpu.memory_space<semaphore_mem>>, %arg23: memref<!tpu.dma_semaphore, #tpu.memory_space<semaphore_mem>>, %arg24: memref<!tpu.dma_semaphore, #tpu.memory_space<semaphore_mem>>, %arg25: memref<!tpu.dma_semaphore, #tpu.memory_space<semaphore_mem>>, %arg26: memref<!tpu.dma_semaphore, #tpu.memory_space<semaphore_mem>>, %arg27: memref<!tpu.dma_semaphore, #tpu.memory_space<semaphore_mem>>, %arg28: memref<!tpu.dma_semaphore, #tpu.memory_space<semaphore_mem>>, %arg29: memref<!tpu.dma_semaphore, #tpu.memory_space<semaphore_mem>>, %arg30: memref<10240x128xf32, #tpu.memory_space<vmem_shared>>) attributes {dimension_semantics = [#tpu.dimension_semantics<core_parallel>, #tpu.dimension_semantics<subcore_parallel>], iteration_bounds = array<i64: 2, 16>, scalar_prefetch = 0 : i64, scratch_operands = 25 : i64, tpu.core_type = #tpu.core_type<sc_vector_subcore>, window_params = [{transform_indices = #map}, {transform_indices = #map1}, {transform_indices = #map1}, {transform_indices = #map2}]} {
    %mul3A = arith.constant 16 : i32
    %mul3A_0 = arith.muli %arg0, %mul3A : i32
    %add3A = arith.addi %mul3A_0, %arg1 : i32
    %mul3A_1 = arith.constant 10000 : i32
    %mul3A_2 = arith.muli %add3A, %mul3A_1 : i32
    %scan3A = arith.constant 0 : i32
    %scan3A_3 = arith.constant 0 : i32
    %scan3A_4 = arith.constant 80 : i32
    %scan3A_5 = arith.addi %scan3A_3, %scan3A_4 : i32
    %scan3A_6 = arith.constant 1 : i32
    scf.for %scan3A_189 = %scan3A_3 to %scan3A_5 step %scan3A_6  : i32 {
      %broadcast_in_dim3A = arith.constant 0.000000e+00 : f32
      %broadcast_in_dim3A_190 = vector.broadcast %broadcast_in_dim3A : f32 to vector<16xf32>
      %swap3A = arith.index_cast %scan3A_189 : i32 to index
      %swap3A_191 = arith.constant 0 : index
      %swap3A_192 = tpu.vector_load %arg14[%swap3A, %swap3A_191] {strides = array<i32>} : memref<80x128xf32, #tpu.memory_space<vmem>>, vector<1x16xf32>,
      %swap3A_193 = vector.shape_cast %swap3A_192 : vector<1x16xf32> to vector<16xf32>
      %swap3A_194 = vector.shape_cast %broadcast_in_dim3A_190 : vector<16xf32> to vector<1x16xf32>
      tpu.vector_store %arg14[%swap3A, %swap3A_191], %swap3A_194 {strides = array<i32>} : memref<80x128xf32, #tpu.memory_space<vmem>>, vector<1x16xf32>,
      %broadcast_in_dim3A_195 = arith.constant 0.000000e+00 : f32
      %broadcast_in_dim3A_196 = vector.broadcast %broadcast_in_dim3A_195 : f32 to vector<16xf32>
      %swap3A_197 = arith.index_cast %scan3A_189 : i32 to index
      %swap3A_198 = arith.constant 16 : index
      %swap3A_199 = tpu.vector_load %arg14[%swap3A_197, %swap3A_198] {strides = array<i32>} : memref<80x128xf32, #tpu.memory_space<vmem>>, vector<1x16xf32>,
      %swap3A_200 = vector.shape_cast %swap3A_199 : vector<1x16xf32> to vector<16xf32>
      %swap3A_201 = vector.shape_cast %broadcast_in_dim3A_196 : vector<16xf32> to vector<1x16xf32>
      tpu.vector_store %arg14[%swap3A_197, %swap3A_198], %swap3A_201 {strides = array<i32>} : memref<80x128xf32, #tpu.memory_space<vmem>>, vector<1x16xf32>,
      %broadcast_in_dim3A_202 = arith.constant 0.000000e+00 : f32
      %broadcast_in_dim3A_203 = vector.broadcast %broadcast_in_dim3A_202 : f32 to vector<16xf32>
      %swap3A_204 = arith.index_cast %scan3A_189 : i32 to index
      %swap3A_205 = arith.constant 32 : index
      %swap3A_206 = tpu.vector_load %arg14[%swap3A_204, %swap3A_205] {strides = array<i32>} : memref<80x128xf32, #tpu.memory_space<vmem>>, vector<1x16xf32>,
      %swap3A_207 = vector.shape_cast %swap3A_206 : vector<1x16xf32> to vector<16xf32>
      %swap3A_208 = vector.shape_cast %broadcast_in_dim3A_203 : vector<16xf32> to vector<1x16xf32>
      tpu.vector_store %arg14[%swap3A_204, %swap3A_205], %swap3A_208 {strides = array<i32>} : memref<80x128xf32, #tpu.memory_space<vmem>>, vector<1x16xf32>,
      %broadcast_in_dim3A_209 = arith.constant 0.000000e+00 : f32
      %broadcast_in_dim3A_210 = vector.broadcast %broadcast_in_dim3A_209 : f32 to vector<16xf32>
      %swap3A_211 = arith.index_cast %scan3A_189 : i32 to index
      %swap3A_212 = arith.constant 48 : index
      %swap3A_213 = tpu.vector_load %arg14[%swap3A_211, %swap3A_212] {strides = array<i32>} : memref<80x128xf32, #tpu.memory_space<vmem>>, vector<1x16xf32>,
      %swap3A_214 = vector.shape_cast %swap3A_213 : vector<1x16xf32> to vector<16xf32>
      %swap3A_215 = vector.shape_cast %broadcast_in_dim3A_210 : vector<16xf32> to vector<1x16xf32>
      tpu.vector_store %arg14[%swap3A_211, %swap3A_212], %swap3A_215 {strides = array<i32>} : memref<80x128xf32, #tpu.memory_space<vmem>>, vector<1x16xf32>,
      %broadcast_in_dim3A_216 = arith.constant 0.000000e+00 : f32
      %broadcast_in_dim3A_217 = vector.broadcast %broadcast_in_dim3A_216 : f32 to vector<16xf32>
      %swap3A_218 = arith.index_cast %scan3A_189 : i32 to index
      %swap3A_219 = arith.constant 64 : index
      %swap3A_220 = tpu.vector_load %arg14[%swap3A_218, %swap3A_219] {strides = array<i32>} : memref<80x128xf32, #tpu.memory_space<vmem>>, vector<1x16xf32>,
      %swap3A_221 = vector.shape_cast %swap3A_220 : vector<1x16xf32> to vector<16xf32>
      %swap3A_222 = vector.shape_cast %broadcast_in_dim3A_217 : vector<16xf32> to vector<1x16xf32>
      tpu.vector_store %arg14[%swap3A_218, %swap3A_219], %swap3A_222 {strides = array<i32>} : memref<80x128xf32, #tpu.memory_space<vmem>>, vector<1x16xf32>,
      %broadcast_in_dim3A_223 = arith.constant 0.000000e+00 : f32
      %broadcast_in_dim3A_224 = vector.broadcast %broadcast_in_dim3A_223 : f32 to vector<16xf32>
      %swap3A_225 = arith.index_cast %scan3A_189 : i32 to index
      %swap3A_226 = arith.constant 80 : index
      %swap3A_227 = tpu.vector_load %arg14[%swap3A_225, %swap3A_226] {strides = array<i32>} : memref<80x128xf32, #tpu.memory_space<vmem>>, vector<1x16xf32>,
      %swap3A_228 = vector.shape_cast %swap3A_227 : vector<1x16xf32> to vector<16xf32>
      %swap3A_229 = vector.shape_cast %broadcast_in_dim3A_224 : vector<16xf32> to vector<1x16xf32>
      tpu.vector_store %arg14[%swap3A_225, %swap3A_226], %swap3A_229 {strides = array<i32>} : memref<80x128xf32, #tpu.memory_space<vmem>>, vector<1x16xf32>,
      %broadcast_in_dim3A_230 = arith.constant 0.000000e+00 : f32
      %broadcast_in_dim3A_231 = vector.broadcast %broadcast_in_dim3A_230 : f32 to vector<16xf32>
      %swap3A_232 = arith.index_cast %scan3A_189 : i32 to index
      %swap3A_233 = arith.constant 96 : index
      %swap3A_234 = tpu.vector_load %arg14[%swap3A_232, %swap3A_233] {strides = array<i32>} : memref<80x128xf32, #tpu.memory_space<vmem>>, vector<1x16xf32>,
      %swap3A_235 = vector.shape_cast %swap3A_234 : vector<1x16xf32> to vector<16xf32>
      %swap3A_236 = vector.shape_cast %broadcast_in_dim3A_231 : vector<16xf32> to vector<1x16xf32>
      tpu.vector_store %arg14[%swap3A_232, %swap3A_233], %swap3A_236 {strides = array<i32>} : memref<80x128xf32, #tpu.memory_space<vmem>>, vector<1x16xf32>,
      %broadcast_in_dim3A_237 = arith.constant 0.000000e+00 : f32
      %broadcast_in_dim3A_238 = vector.broadcast %broadcast_in_dim3A_237 : f32 to vector<16xf32>
      %swap3A_239 = arith.index_cast %scan3A_189 : i32 to index
      %swap3A_240 = arith.constant 112 : index
      %swap3A_241 = tpu.vector_load %arg14[%swap3A_239, %swap3A_240] {strides = array<i32>} : memref<80x128xf32, #tpu.memory_space<vmem>>, vector<1x16xf32>,
      %swap3A_242 = vector.shape_cast %swap3A_241 : vector<1x16xf32> to vector<16xf32>
      %swap3A_243 = vector.shape_cast %broadcast_in_dim3A_238 : vector<16xf32> to vector<1x16xf32>
      tpu.vector_store %arg14[%swap3A_239, %swap3A_240], %swap3A_243 {strides = array<i32>} : memref<80x128xf32, #tpu.memory_space<vmem>>, vector<1x16xf32>,
    }
    %scan3A_7 = arith.constant 80 : i32
    %mul3A_8 = arith.constant 640 : i32
    %mul3A_9 = arith.muli %arg1, %mul3A_8 : i32
    %add3A_10 = arith.constant 0 : i32
    %add3A_11 = arith.addi %mul3A_9, %add3A_10 : i32
    "tpu.region"() ({
      %run_scoped3A = tpu.sem_alloc : memref<!tpu.dma_semaphore, #tpu.memory_space<semaphore_mem>>
      %dma_start3A_189 = arith.constant 0 : i32
      %dma_start3A_190 = tpu.memref_slice %arg30[%add3A_11, %dma_start3A_189] : memref<10240x128xf32, #tpu.memory_space<vmem_shared>> -> memref<80x128xf32, #tpu.memory_space<vmem_shared>>
      %dma_start3A_191 = arith.constant 0 : i32
      %dma_start3A_192 = tpu.memref_slice %arg30[%add3A_11, %dma_start3A_191] : memref<10240x128xf32, #tpu.memory_space<vmem_shared>> -> memref<80x128xf32, #tpu.memory_space<vmem_shared>>
      tpu.enqueue_dma source(%arg14 : memref<80x128xf32, #tpu.memory_space<vmem>>) target(%dma_start3A_192 : memref<80x128xf32, #tpu.memory_space<vmem_shared>>) target_semaphore(%run_scoped3A : memref<!tpu.dma_semaphore, #tpu.memory_space<semaphore_mem>>)
      %dma_wait3A_193 = arith.constant 0 : i32
      %dma_wait3A_194 = tpu.memref_slice %arg30[%add3A_11, %dma_wait3A_193] : memref<10240x128xf32, #tpu.memory_space<vmem_shared>> -> memref<80x128xf32, #tpu.memory_space<vmem_shared>>
      %dma_wait3A_195 = arith.constant 0 : i32
      %dma_wait3A_196 = tpu.memref_slice %arg30[%add3A_11, %dma_wait3A_195] : memref<10240x128xf32, #tpu.memory_space<vmem_shared>> -> memref<80x128xf32, #tpu.memory_space<vmem_shared>>
      tpu.wait_dma2 semaphore(%run_scoped3A : memref<!tpu.dma_semaphore, #tpu.memory_space<semaphore_mem>>) src(%arg14 : memref<80x128xf32, #tpu.memory_space<vmem>>) dst(%dma_wait3A_196 : memref<80x128xf32, #tpu.memory_space<vmem_shared>>)
      tpu.yield
    }) : () -> ()
    %mul3A_12 = arith.constant 640 : i32
    %mul3A_13 = arith.muli %arg1, %mul3A_12 : i32
    %add3A_14 = arith.constant 80 : i32
    %add3A_15 = arith.addi %mul3A_13, %add3A_14 : i32
    "tpu.region"() ({
      %run_scoped3A = tpu.sem_alloc : memref<!tpu.dma_semaphore, #tpu.memory_space<semaphore_mem>>
      %dma_start3A_189 = arith.constant 0 : i32
      %dma_start3A_190 = tpu.memref_slice %arg30[%add3A_15, %dma_start3A_189] : memref<10240x128xf32, #tpu.memory_space<vmem_shared>> -> memref<80x128xf32, #tpu.memory_space<vmem_shared>>
      %dma_start3A_191 = arith.constant 0 : i32
      %dma_start3A_192 = tpu.memref_slice %arg30[%add3A_15, %dma_start3A_191] : memref<10240x128xf32, #tpu.memory_space<vmem_shared>> -> memref<80x128xf32, #tpu.memory_space<vmem_shared>>
      tpu.enqueue_dma source(%arg14 : memref<80x128xf32, #tpu.memory_space<vmem>>) target(%dma_start3A_192 : memref<80x128xf32, #tpu.memory_space<vmem_shared>>) target_semaphore(%run_scoped3A : memref<!tpu.dma_semaphore, #tpu.memory_space<semaphore_mem>>)
      %dma_wait3A_193 = arith.constant 0 : i32
      %dma_wait3A_194 = tpu.memref_slice %arg30[%add3A_15, %dma_wait3A_193] : memref<10240x128xf32, #tpu.memory_space<vmem_shared>> -> memref<80x128xf32, #tpu.memory_space<vmem_shared>>
      %dma_wait3A_195 = arith.constant 0 : i32
      %dma_wait3A_196 = tpu.memref_slice %arg30[%add3A_15, %dma_wait3A_195] : memref<10240x128xf32, #tpu.memory_space<vmem_shared>> -> memref<80x128xf32, #tpu.memory_space<vmem_shared>>
      tpu.wait_dma2 semaphore(%run_scoped3A : memref<!tpu.dma_semaphore, #tpu.memory_space<semaphore_mem>>) src(%arg14 : memref<80x128xf32, #tpu.memory_space<vmem>>) dst(%dma_wait3A_196 : memref<80x128xf32, #tpu.memory_space<vmem_shared>>)
      tpu.yield
    }) : () -> ()
    %mul3A_16 = arith.constant 640 : i32
    %mul3A_17 = arith.muli %arg1, %mul3A_16 : i32
    %add3A_18 = arith.constant 160 : i32
    %add3A_19 = arith.addi %mul3A_17, %add3A_18 : i32
    "tpu.region"() ({
      %run_scoped3A = tpu.sem_alloc : memref<!tpu.dma_semaphore, #tpu.memory_space<semaphore_mem>>
      %dma_start3A_189 = arith.constant 0 : i32
      %dma_start3A_190 = tpu.memref_slice %arg30[%add3A_19, %dma_start3A_189] : memref<10240x128xf32, #tpu.memory_space<vmem_shared>> -> memref<80x128xf32, #tpu.memory_space<vmem_shared>>
      %dma_start3A_191 = arith.constant 0 : i32
      %dma_start3A_192 = tpu.memref_slice %arg30[%add3A_19, %dma_start3A_191] : memref<10240x128xf32, #tpu.memory_space<vmem_shared>> -> memref<80x128xf32, #tpu.memory_space<vmem_shared>>
      tpu.enqueue_dma source(%arg14 : memref<80x128xf32, #tpu.memory_space<vmem>>) target(%dma_start3A_192 : memref<80x128xf32, #tpu.memory_space<vmem_shared>>) target_semaphore(%run_scoped3A : memref<!tpu.dma_semaphore, #tpu.memory_space<semaphore_mem>>)
      %dma_wait3A_193 = arith.constant 0 : i32
      %dma_wait3A_194 = tpu.memref_slice %arg30[%add3A_19, %dma_wait3A_193] : memref<10240x128xf32, #tpu.memory_space<vmem_shared>> -> memref<80x128xf32, #tpu.memory_space<vmem_shared>>
      %dma_wait3A_195 = arith.constant 0 : i32
      %dma_wait3A_196 = tpu.memref_slice %arg30[%add3A_19, %dma_wait3A_195] : memref<10240x128xf32, #tpu.memory_space<vmem_shared>> -> memref<80x128xf32, #tpu.memory_space<vmem_shared>>
      tpu.wait_dma2 semaphore(%run_scoped3A : memref<!tpu.dma_semaphore, #tpu.memory_space<semaphore_mem>>) src(%arg14 : memref<80x128xf32, #tpu.memory_space<vmem>>) dst(%dma_wait3A_196 : memref<80x128xf32, #tpu.memory_space<vmem_shared>>)
      tpu.yield
    }) : () -> ()
    %mul3A_20 = arith.constant 640 : i32
    %mul3A_21 = arith.muli %arg1, %mul3A_20 : i32
    %add3A_22 = arith.constant 240 : i32
    %add3A_23 = arith.addi %mul3A_21, %add3A_22 : i32
    "tpu.region"() ({
      %run_scoped3A = tpu.sem_alloc : memref<!tpu.dma_semaphore, #tpu.memory_space<semaphore_mem>>
      %dma_start3A_189 = arith.constant 0 : i32
      %dma_start3A_190 = tpu.memref_slice %arg30[%add3A_23, %dma_start3A_189] : memref<10240x128xf32, #tpu.memory_space<vmem_shared>> -> memref<80x128xf32, #tpu.memory_space<vmem_shared>>
      %dma_start3A_191 = arith.constant 0 : i32
      %dma_start3A_192 = tpu.memref_slice %arg30[%add3A_23, %dma_start3A_191] : memref<10240x128xf32, #tpu.memory_space<vmem_shared>> -> memref<80x128xf32, #tpu.memory_space<vmem_shared>>
      tpu.enqueue_dma source(%arg14 : memref<80x128xf32, #tpu.memory_space<vmem>>) target(%dma_start3A_192 : memref<80x128xf32, #tpu.memory_space<vmem_shared>>) target_semaphore(%run_scoped3A : memref<!tpu.dma_semaphore, #tpu.memory_space<semaphore_mem>>)
      %dma_wait3A_193 = arith.constant 0 : i32
      %dma_wait3A_194 = tpu.memref_slice %arg30[%add3A_23, %dma_wait3A_193] : memref<10240x128xf32, #tpu.memory_space<vmem_shared>> -> memref<80x128xf32, #tpu.memory_space<vmem_shared>>
      %dma_wait3A_195 = arith.constant 0 : i32
      %dma_wait3A_196 = tpu.memref_slice %arg30[%add3A_23, %dma_wait3A_195] : memref<10240x128xf32, #tpu.memory_space<vmem_shared>> -> memref<80x128xf32, #tpu.memory_space<vmem_shared>>
      tpu.wait_dma2 semaphore(%run_scoped3A : memref<!tpu.dma_semaphore, #tpu.memory_space<semaphore_mem>>) src(%arg14 : memref<80x128xf32, #tpu.memory_space<vmem>>) dst(%dma_wait3A_196 : memref<80x128xf32, #tpu.memory_space<vmem_shared>>)
      tpu.yield
    }) : () -> ()
    %mul3A_24 = arith.constant 640 : i32
    %mul3A_25 = arith.muli %arg1, %mul3A_24 : i32
    %add3A_26 = arith.constant 320 : i32
    %add3A_27 = arith.addi %mul3A_25, %add3A_26 : i32
    "tpu.region"() ({
      %run_scoped3A = tpu.sem_alloc : memref<!tpu.dma_semaphore, #tpu.memory_space<semaphore_mem>>
      %dma_start3A_189 = arith.constant 0 : i32
      %dma_start3A_190 = tpu.memref_slice %arg30[%add3A_27, %dma_start3A_189] : memref<10240x128xf32, #tpu.memory_space<vmem_shared>> -> memref<80x128xf32, #tpu.memory_space<vmem_shared>>
      %dma_start3A_191 = arith.constant 0 : i32
      %dma_start3A_192 = tpu.memref_slice %arg30[%add3A_27, %dma_start3A_191] : memref<10240x128xf32, #tpu.memory_space<vmem_shared>> -> memref<80x128xf32, #tpu.memory_space<vmem_shared>>
      tpu.enqueue_dma source(%arg14 : memref<80x128xf32, #tpu.memory_space<vmem>>) target(%dma_start3A_192 : memref<80x128xf32, #tpu.memory_space<vmem_shared>>) target_semaphore(%run_scoped3A : memref<!tpu.dma_semaphore, #tpu.memory_space<semaphore_mem>>)
      %dma_wait3A_193 = arith.constant 0 : i32
      %dma_wait3A_194 = tpu.memref_slice %arg30[%add3A_27, %dma_wait3A_193] : memref<10240x128xf32, #tpu.memory_space<vmem_shared>> -> memref<80x128xf32, #tpu.memory_space<vmem_shared>>
      %dma_wait3A_195 = arith.constant 0 : i32
      %dma_wait3A_196 = tpu.memref_slice %arg30[%add3A_27, %dma_wait3A_195] : memref<10240x128xf32, #tpu.memory_space<vmem_shared>> -> memref<80x128xf32, #tpu.memory_space<vmem_shared>>
      tpu.wait_dma2 semaphore(%run_scoped3A : memref<!tpu.dma_semaphore, #tpu.memory_space<semaphore_mem>>) src(%arg14 : memref<80x128xf32, #tpu.memory_space<vmem>>) dst(%dma_wait3A_196 : memref<80x128xf32, #tpu.memory_space<vmem_shared>>)
      tpu.yield
    }) : () -> ()
    %mul3A_28 = arith.constant 640 : i32
    %mul3A_29 = arith.muli %arg1, %mul3A_28 : i32
    %add3A_30 = arith.constant 400 : i32
    %add3A_31 = arith.addi %mul3A_29, %add3A_30 : i32
    "tpu.region"() ({
      %run_scoped3A = tpu.sem_alloc : memref<!tpu.dma_semaphore, #tpu.memory_space<semaphore_mem>>
      %dma_start3A_189 = arith.constant 0 : i32
      %dma_start3A_190 = tpu.memref_slice %arg30[%add3A_31, %dma_start3A_189] : memref<10240x128xf32, #tpu.memory_space<vmem_shared>> -> memref<80x128xf32, #tpu.memory_space<vmem_shared>>
      %dma_start3A_191 = arith.constant 0 : i32
      %dma_start3A_192 = tpu.memref_slice %arg30[%add3A_31, %dma_start3A_191] : memref<10240x128xf32, #tpu.memory_space<vmem_shared>> -> memref<80x128xf32, #tpu.memory_space<vmem_shared>>
      tpu.enqueue_dma source(%arg14 : memref<80x128xf32, #tpu.memory_space<vmem>>) target(%dma_start3A_192 : memref<80x128xf32, #tpu.memory_space<vmem_shared>>) target_semaphore(%run_scoped3A : memref<!tpu.dma_semaphore, #tpu.memory_space<semaphore_mem>>)
      %dma_wait3A_193 = arith.constant 0 : i32
      %dma_wait3A_194 = tpu.memref_slice %arg30[%add3A_31, %dma_wait3A_193] : memref<10240x128xf32, #tpu.memory_space<vmem_shared>> -> memref<80x128xf32, #tpu.memory_space<vmem_shared>>
      %dma_wait3A_195 = arith.constant 0 : i32
      %dma_wait3A_196 = tpu.memref_slice %arg30[%add3A_31, %dma_wait3A_195] : memref<10240x128xf32, #tpu.memory_space<vmem_shared>> -> memref<80x128xf32, #tpu.memory_space<vmem_shared>>
      tpu.wait_dma2 semaphore(%run_scoped3A : memref<!tpu.dma_semaphore, #tpu.memory_space<semaphore_mem>>) src(%arg14 : memref<80x128xf32, #tpu.memory_space<vmem>>) dst(%dma_wait3A_196 : memref<80x128xf32, #tpu.memory_space<vmem_shared>>)
      tpu.yield
    }) : () -> ()
    %mul3A_32 = arith.constant 640 : i32
    %mul3A_33 = arith.muli %arg1, %mul3A_32 : i32
    %add3A_34 = arith.constant 480 : i32
    %add3A_35 = arith.addi %mul3A_33, %add3A_34 : i32
    "tpu.region"() ({
      %run_scoped3A = tpu.sem_alloc : memref<!tpu.dma_semaphore, #tpu.memory_space<semaphore_mem>>
      %dma_start3A_189 = arith.constant 0 : i32
      %dma_start3A_190 = tpu.memref_slice %arg30[%add3A_35, %dma_start3A_189] : memref<10240x128xf32, #tpu.memory_space<vmem_shared>> -> memref<80x128xf32, #tpu.memory_space<vmem_shared>>
      %dma_start3A_191 = arith.constant 0 : i32
      %dma_start3A_192 = tpu.memref_slice %arg30[%add3A_35, %dma_start3A_191] : memref<10240x128xf32, #tpu.memory_space<vmem_shared>> -> memref<80x128xf32, #tpu.memory_space<vmem_shared>>
      tpu.enqueue_dma source(%arg14 : memref<80x128xf32, #tpu.memory_space<vmem>>) target(%dma_start3A_192 : memref<80x128xf32, #tpu.memory_space<vmem_shared>>) target_semaphore(%run_scoped3A : memref<!tpu.dma_semaphore, #tpu.memory_space<semaphore_mem>>)
      %dma_wait3A_193 = arith.constant 0 : i32
      %dma_wait3A_194 = tpu.memref_slice %arg30[%add3A_35, %dma_wait3A_193] : memref<10240x128xf32, #tpu.memory_space<vmem_shared>> -> memref<80x128xf32, #tpu.memory_space<vmem_shared>>
      %dma_wait3A_195 = arith.constant 0 : i32
      %dma_wait3A_196 = tpu.memref_slice %arg30[%add3A_35, %dma_wait3A_195] : memref<10240x128xf32, #tpu.memory_space<vmem_shared>> -> memref<80x128xf32, #tpu.memory_space<vmem_shared>>
      tpu.wait_dma2 semaphore(%run_scoped3A : memref<!tpu.dma_semaphore, #tpu.memory_space<semaphore_mem>>) src(%arg14 : memref<80x128xf32, #tpu.memory_space<vmem>>) dst(%dma_wait3A_196 : memref<80x128xf32, #tpu.memory_space<vmem_shared>>)
      tpu.yield
    }) : () -> ()
    %mul3A_36 = arith.constant 640 : i32
    %mul3A_37 = arith.muli %arg1, %mul3A_36 : i32
    %add3A_38 = arith.constant 560 : i32
    %add3A_39 = arith.addi %mul3A_37, %add3A_38 : i32
    "tpu.region"() ({
      %run_scoped3A = tpu.sem_alloc : memref<!tpu.dma_semaphore, #tpu.memory_space<semaphore_mem>>
      %dma_start3A_189 = arith.constant 0 : i32
      %dma_start3A_190 = tpu.memref_slice %arg30[%add3A_39, %dma_start3A_189] : memref<10240x128xf32, #tpu.memory_space<vmem_shared>> -> memref<80x128xf32, #tpu.memory_space<vmem_shared>>
      %dma_start3A_191 = arith.constant 0 : i32
      %dma_start3A_192 = tpu.memref_slice %arg30[%add3A_39, %dma_start3A_191] : memref<10240x128xf32, #tpu.memory_space<vmem_shared>> -> memref<80x128xf32, #tpu.memory_space<vmem_shared>>
      tpu.enqueue_dma source(%arg14 : memref<80x128xf32, #tpu.memory_space<vmem>>) target(%dma_start3A_192 : memref<80x128xf32, #tpu.memory_space<vmem_shared>>) target_semaphore(%run_scoped3A : memref<!tpu.dma_semaphore, #tpu.memory_space<semaphore_mem>>)
      %dma_wait3A_193 = arith.constant 0 : i32
      %dma_wait3A_194 = tpu.memref_slice %arg30[%add3A_39, %dma_wait3A_193] : memref<10240x128xf32, #tpu.memory_space<vmem_shared>> -> memref<80x128xf32, #tpu.memory_space<vmem_shared>>
      %dma_wait3A_195 = arith.constant 0 : i32
      %dma_wait3A_196 = tpu.memref_slice %arg30[%add3A_39, %dma_wait3A_195] : memref<10240x128xf32, #tpu.memory_space<vmem_shared>> -> memref<80x128xf32, #tpu.memory_space<vmem_shared>>
      tpu.wait_dma2 semaphore(%run_scoped3A : memref<!tpu.dma_semaphore, #tpu.memory_space<semaphore_mem>>) src(%arg14 : memref<80x128xf32, #tpu.memory_space<vmem>>) dst(%dma_wait3A_196 : memref<80x128xf32, #tpu.memory_space<vmem_shared>>)
      tpu.yield
    }) : () -> ()
    %barrier3A = arith.constant 0 : index
    tpu.barrier barrier_id(%barrier3A)
    %add3A_40 = arith.constant 0 : i32
    %add3A_41 = arith.addi %mul3A_2, %add3A_40 : i32
    %dma_start3A = tpu.memref_slice %arg3[%add3A_41] : memref<320000xi32, #tpu.memory_space<hbm>> -> memref<80xi32, #tpu.memory_space<hbm>>
    %dma_start3A_42 = tpu.memref_slice %arg3[%add3A_41] : memref<320000xi32, #tpu.memory_space<hbm>> -> memref<80xi32, #tpu.memory_space<hbm>>
    tpu.enqueue_dma source(%dma_start3A_42 : memref<80xi32, #tpu.memory_space<hbm>>) target(%arg6 : memref<80xi32, #tpu.memory_space<vmem>>) target_semaphore(%arg18 : memref<!tpu.dma_semaphore, #tpu.memory_space<semaphore_mem>>)
    %add3A_43 = arith.constant 0 : i32
    %add3A_44 = arith.addi %mul3A_2, %add3A_43 : i32
    %dma_start3A_45 = tpu.memref_slice %arg4[%add3A_44] : memref<320000xi32, #tpu.memory_space<hbm>> -> memref<80xi32, #tpu.memory_space<hbm>>
    %dma_start3A_46 = tpu.memref_slice %arg4[%add3A_44] : memref<320000xi32, #tpu.memory_space<hbm>> -> memref<80xi32, #tpu.memory_space<hbm>>
    tpu.enqueue_dma source(%dma_start3A_46 : memref<80xi32, #tpu.memory_space<hbm>>) target(%arg10 : memref<80xi32, #tpu.memory_space<vmem>>) target_semaphore(%arg18 : memref<!tpu.dma_semaphore, #tpu.memory_space<semaphore_mem>>)
    %add3A_47 = arith.constant 80 : i32
    %add3A_48 = arith.addi %mul3A_2, %add3A_47 : i32
    %dma_start3A_49 = tpu.memref_slice %arg3[%add3A_48] : memref<320000xi32, #tpu.memory_space<hbm>> -> memref<80xi32, #tpu.memory_space<hbm>>
    %dma_start3A_50 = tpu.memref_slice %arg3[%add3A_48] : memref<320000xi32, #tpu.memory_space<hbm>> -> memref<80xi32, #tpu.memory_space<hbm>>
    tpu.enqueue_dma source(%dma_start3A_50 : memref<80xi32, #tpu.memory_space<hbm>>) target(%arg7 : memref<80xi32, #tpu.memory_space<vmem>>) target_semaphore(%arg19 : memref<!tpu.dma_semaphore, #tpu.memory_space<semaphore_mem>>)
    %add3A_51 = arith.constant 80 : i32
    %add3A_52 = arith.addi %mul3A_2, %add3A_51 : i32
    %dma_start3A_53 = tpu.memref_slice %arg4[%add3A_52] : memref<320000xi32, #tpu.memory_space<hbm>> -> memref<80xi32, #tpu.memory_space<hbm>>
    %dma_start3A_54 = tpu.memref_slice %arg4[%add3A_52] : memref<320000xi32, #tpu.memory_space<hbm>> -> memref<80xi32, #tpu.memory_space<hbm>>
    tpu.enqueue_dma source(%dma_start3A_54 : memref<80xi32, #tpu.memory_space<hbm>>) target(%arg11 : memref<80xi32, #tpu.memory_space<vmem>>) target_semaphore(%arg19 : memref<!tpu.dma_semaphore, #tpu.memory_space<semaphore_mem>>)
    %add3A_55 = arith.constant 0 : i32
    %add3A_56 = arith.addi %mul3A_2, %add3A_55 : i32
    %dma_wait3A = tpu.memref_slice %arg3[%add3A_56] : memref<320000xi32, #tpu.memory_space<hbm>> -> memref<80xi32, #tpu.memory_space<hbm>>
    %dma_wait3A_57 = tpu.memref_slice %arg3[%add3A_56] : memref<320000xi32, #tpu.memory_space<hbm>> -> memref<80xi32, #tpu.memory_space<hbm>>
    tpu.wait_dma2 semaphore(%arg18 : memref<!tpu.dma_semaphore, #tpu.memory_space<semaphore_mem>>) src(%dma_wait3A_57 : memref<80xi32, #tpu.memory_space<hbm>>) dst(%arg6 : memref<80xi32, #tpu.memory_space<vmem>>)
    %add3A_58 = arith.constant 0 : i32
    %add3A_59 = arith.addi %mul3A_2, %add3A_58 : i32
    %dma_wait3A_60 = tpu.memref_slice %arg4[%add3A_59] : memref<320000xi32, #tpu.memory_space<hbm>> -> memref<80xi32, #tpu.memory_space<hbm>>
    %dma_wait3A_61 = tpu.memref_slice %arg4[%add3A_59] : memref<320000xi32, #tpu.memory_space<hbm>> -> memref<80xi32, #tpu.memory_space<hbm>>
    tpu.wait_dma2 semaphore(%arg18 : memref<!tpu.dma_semaphore, #tpu.memory_space<semaphore_mem>>) src(%dma_wait3A_61 : memref<80xi32, #tpu.memory_space<hbm>>) dst(%arg10 : memref<80xi32, #tpu.memory_space<vmem>>)
    %dma_start3A_62 = arith.constant 0 : i32
    %dma_start3A_63 = arith.constant 0 : i32
    %dma_start3A_64 = tpu.memref_slice %arg2[%dma_start3A_62, %dma_start3A_63] : memref<10000x128xf32, #tpu.memory_space<hbm>> -> memref<10000x128xf32, #tpu.memory_space<hbm>>
    tpu.enqueue_indirect_dma source(%dma_start3A_64 : memref<10000x128xf32, #tpu.memory_space<hbm>>) target(%arg14 : memref<80x128xf32, #tpu.memory_space<vmem>>) offsets(%arg6 : memref<80xi32, #tpu.memory_space<vmem>>) semaphore(%arg22 : memref<!tpu.dma_semaphore, #tpu.memory_space<semaphore_mem>>)
    %add3A_65 = arith.constant 160 : i32
    %add3A_66 = arith.addi %mul3A_2, %add3A_65 : i32
    %dma_start3A_67 = tpu.memref_slice %arg3[%add3A_66] : memref<320000xi32, #tpu.memory_space<hbm>> -> memref<80xi32, #tpu.memory_space<hbm>>
    %dma_start3A_68 = tpu.memref_slice %arg3[%add3A_66] : memref<320000xi32, #tpu.memory_space<hbm>> -> memref<80xi32, #tpu.memory_space<hbm>>
    tpu.enqueue_dma source(%dma_start3A_68 : memref<80xi32, #tpu.memory_space<hbm>>) target(%arg8 : memref<80xi32, #tpu.memory_space<vmem>>) target_semaphore(%arg20 : memref<!tpu.dma_semaphore, #tpu.memory_space<semaphore_mem>>)
    %add3A_69 = arith.constant 160 : i32
    %add3A_70 = arith.addi %mul3A_2, %add3A_69 : i32
    %dma_start3A_71 = tpu.memref_slice %arg4[%add3A_70] : memref<320000xi32, #tpu.memory_space<hbm>> -> memref<80xi32, #tpu.memory_space<hbm>>
    %dma_start3A_72 = tpu.memref_slice %arg4[%add3A_70] : memref<320000xi32, #tpu.memory_space<hbm>> -> memref<80xi32, #tpu.memory_space<hbm>>
    tpu.enqueue_dma source(%dma_start3A_72 : memref<80xi32, #tpu.memory_space<hbm>>) target(%arg12 : memref<80xi32, #tpu.memory_space<vmem>>) target_semaphore(%arg20 : memref<!tpu.dma_semaphore, #tpu.memory_space<semaphore_mem>>)
    %add3A_73 = arith.constant 80 : i32
    %add3A_74 = arith.addi %mul3A_2, %add3A_73 : i32
    %dma_wait3A_75 = tpu.memref_slice %arg3[%add3A_74] : memref<320000xi32, #tpu.memory_space<hbm>> -> memref<80xi32, #tpu.memory_space<hbm>>
    %dma_wait3A_76 = tpu.memref_slice %arg3[%add3A_74] : memref<320000xi32, #tpu.memory_space<hbm>> -> memref<80xi32, #tpu.memory_space<hbm>>
    tpu.wait_dma2 semaphore(%arg19 : memref<!tpu.dma_semaphore, #tpu.memory_space<semaphore_mem>>) src(%dma_wait3A_76 : memref<80xi32, #tpu.memory_space<hbm>>) dst(%arg7 : memref<80xi32, #tpu.memory_space<vmem>>)
    %add3A_77 = arith.constant 80 : i32
    %add3A_78 = arith.addi %mul3A_2, %add3A_77 : i32
    %dma_wait3A_79 = tpu.memref_slice %arg4[%add3A_78] : memref<320000xi32, #tpu.memory_space<hbm>> -> memref<80xi32, #tpu.memory_space<hbm>>
    %dma_wait3A_80 = tpu.memref_slice %arg4[%add3A_78] : memref<320000xi32, #tpu.memory_space<hbm>> -> memref<80xi32, #tpu.memory_space<hbm>>
    tpu.wait_dma2 semaphore(%arg19 : memref<!tpu.dma_semaphore, #tpu.memory_space<semaphore_mem>>) src(%dma_wait3A_80 : memref<80xi32, #tpu.memory_space<hbm>>) dst(%arg11 : memref<80xi32, #tpu.memory_space<vmem>>)
    %dma_start3A_81 = arith.constant 0 : i32
    %dma_start3A_82 = arith.constant 0 : i32
    %dma_start3A_83 = tpu.memref_slice %arg2[%dma_start3A_81, %dma_start3A_82] : memref<10000x128xf32, #tpu.memory_space<hbm>> -> memref<10000x128xf32, #tpu.memory_space<hbm>>
    tpu.enqueue_indirect_dma source(%dma_start3A_83 : memref<10000x128xf32, #tpu.memory_space<hbm>>) target(%arg15 : memref<80x128xf32, #tpu.memory_space<vmem>>) offsets(%arg7 : memref<80xi32, #tpu.memory_space<vmem>>) semaphore(%arg23 : memref<!tpu.dma_semaphore, #tpu.memory_space<semaphore_mem>>)
    %dma_wait3A_84 = arith.constant 0 : i32
    %dma_wait3A_85 = arith.constant 0 : i32
    %dma_wait3A_86 = tpu.memref_slice %arg2[%dma_wait3A_84, %dma_wait3A_85] : memref<10000x128xf32, #tpu.memory_space<hbm>> -> memref<10000x128xf32, #tpu.memory_space<hbm>>
    tpu.wait_indirect_dma semaphore(%arg22 : memref<!tpu.dma_semaphore, #tpu.memory_space<semaphore_mem>>) src(%dma_wait3A_86 : memref<10000x128xf32, #tpu.memory_space<hbm>>) dst(%arg14 : memref<80x128xf32, #tpu.memory_space<vmem>>)
    %dma_start3A_87 = arith.constant 0 : i32
    %dma_start3A_88 = arith.constant 0 : i32
    %dma_start3A_89 = tpu.memref_slice %arg30[%dma_start3A_87, %dma_start3A_88] : memref<10240x128xf32, #tpu.memory_space<vmem_shared>> -> memref<10240x128xf32, #tpu.memory_space<vmem_shared>>
    tpu.enqueue_indirect_dma source(%arg14 : memref<80x128xf32, #tpu.memory_space<vmem>>) target(%dma_start3A_89 : memref<10240x128xf32, #tpu.memory_space<vmem_shared>>) offsets(%arg10 : memref<80xi32, #tpu.memory_space<vmem>>) semaphore(%arg26 : memref<!tpu.dma_semaphore, #tpu.memory_space<semaphore_mem>>) {add = true}
    %add3A_90 = arith.constant 240 : i32
    %add3A_91 = arith.addi %mul3A_2, %add3A_90 : i32
    %dma_start3A_92 = tpu.memref_slice %arg3[%add3A_91] : memref<320000xi32, #tpu.memory_space<hbm>> -> memref<80xi32, #tpu.memory_space<hbm>>
    %dma_start3A_93 = tpu.memref_slice %arg3[%add3A_91] : memref<320000xi32, #tpu.memory_space<hbm>> -> memref<80xi32, #tpu.memory_space<hbm>>
    tpu.enqueue_dma source(%dma_start3A_93 : memref<80xi32, #tpu.memory_space<hbm>>) target(%arg9 : memref<80xi32, #tpu.memory_space<vmem>>) target_semaphore(%arg21 : memref<!tpu.dma_semaphore, #tpu.memory_space<semaphore_mem>>)
    %add3A_94 = arith.constant 240 : i32
    %add3A_95 = arith.addi %mul3A_2, %add3A_94 : i32
    %dma_start3A_96 = tpu.memref_slice %arg4[%add3A_95] : memref<320000xi32, #tpu.memory_space<hbm>> -> memref<80xi32, #tpu.memory_space<hbm>>
    %dma_start3A_97 = tpu.memref_slice %arg4[%add3A_95] : memref<320000xi32, #tpu.memory_space<hbm>> -> memref<80xi32, #tpu.memory_space<hbm>>
    tpu.enqueue_dma source(%dma_start3A_97 : memref<80xi32, #tpu.memory_space<hbm>>) target(%arg13 : memref<80xi32, #tpu.memory_space<vmem>>) target_semaphore(%arg21 : memref<!tpu.dma_semaphore, #tpu.memory_space<semaphore_mem>>)
    %add3A_98 = arith.constant 160 : i32
    %add3A_99 = arith.addi %mul3A_2, %add3A_98 : i32
    %dma_wait3A_100 = tpu.memref_slice %arg3[%add3A_99] : memref<320000xi32, #tpu.memory_space<hbm>> -> memref<80xi32, #tpu.memory_space<hbm>>
    %dma_wait3A_101 = tpu.memref_slice %arg3[%add3A_99] : memref<320000xi32, #tpu.memory_space<hbm>> -> memref<80xi32, #tpu.memory_space<hbm>>
    tpu.wait_dma2 semaphore(%arg20 : memref<!tpu.dma_semaphore, #tpu.memory_space<semaphore_mem>>) src(%dma_wait3A_101 : memref<80xi32, #tpu.memory_space<hbm>>) dst(%arg8 : memref<80xi32, #tpu.memory_space<vmem>>)
    %add3A_102 = arith.constant 160 : i32
    %add3A_103 = arith.addi %mul3A_2, %add3A_102 : i32
    %dma_wait3A_104 = tpu.memref_slice %arg4[%add3A_103] : memref<320000xi32, #tpu.memory_space<hbm>> -> memref<80xi32, #tpu.memory_space<hbm>>
    %dma_wait3A_105 = tpu.memref_slice %arg4[%add3A_103] : memref<320000xi32, #tpu.memory_space<hbm>> -> memref<80xi32, #tpu.memory_space<hbm>>
    tpu.wait_dma2 semaphore(%arg20 : memref<!tpu.dma_semaphore, #tpu.memory_space<semaphore_mem>>) src(%dma_wait3A_105 : memref<80xi32, #tpu.memory_space<hbm>>) dst(%arg12 : memref<80xi32, #tpu.memory_space<vmem>>)
    %dma_start3A_106 = arith.constant 0 : i32
    %dma_start3A_107 = arith.constant 0 : i32
    %dma_start3A_108 = tpu.memref_slice %arg2[%dma_start3A_106, %dma_start3A_107] : memref<10000x128xf32, #tpu.memory_space<hbm>> -> memref<10000x128xf32, #tpu.memory_space<hbm>>
    tpu.enqueue_indirect_dma source(%dma_start3A_108 : memref<10000x128xf32, #tpu.memory_space<hbm>>) target(%arg16 : memref<80x128xf32, #tpu.memory_space<vmem>>) offsets(%arg8 : memref<80xi32, #tpu.memory_space<vmem>>) semaphore(%arg24 : memref<!tpu.dma_semaphore, #tpu.memory_space<semaphore_mem>>)
    %dma_wait3A_109 = arith.constant 0 : i32
    %dma_wait3A_110 = arith.constant 0 : i32
    %dma_wait3A_111 = tpu.memref_slice %arg2[%dma_wait3A_109, %dma_wait3A_110] : memref<10000x128xf32, #tpu.memory_space<hbm>> -> memref<10000x128xf32, #tpu.memory_space<hbm>>
    tpu.wait_indirect_dma semaphore(%arg23 : memref<!tpu.dma_semaphore, #tpu.memory_space<semaphore_mem>>) src(%dma_wait3A_111 : memref<10000x128xf32, #tpu.memory_space<hbm>>) dst(%arg15 : memref<80x128xf32, #tpu.memory_space<vmem>>)
    %dma_start3A_112 = arith.constant 0 : i32
    %dma_start3A_113 = arith.constant 0 : i32
    %dma_start3A_114 = tpu.memref_slice %arg30[%dma_start3A_112, %dma_start3A_113] : memref<10240x128xf32, #tpu.memory_space<vmem_shared>> -> memref<10240x128xf32, #tpu.memory_space<vmem_shared>>
    tpu.enqueue_indirect_dma source(%arg15 : memref<80x128xf32, #tpu.memory_space<vmem>>) target(%dma_start3A_114 : memref<10240x128xf32, #tpu.memory_space<vmem_shared>>) offsets(%arg11 : memref<80xi32, #tpu.memory_space<vmem>>) semaphore(%arg27 : memref<!tpu.dma_semaphore, #tpu.memory_space<semaphore_mem>>) {add = true}
    %scan3A_115 = arith.constant 0 : i32
    %scan3A_116 = arith.constant 0 : i32
    %scan3A_117 = arith.constant 30 : i32
    %scan3A_118 = arith.addi %scan3A_116, %scan3A_117 : i32
    %scan3A_119 = arith.constant 1 : i32
    scf.for %scan3A_189 = %scan3A_116 to %scan3A_118 step %scan3A_119  : i32 {
      %mul3A_190 = arith.constant 4 : i32
      %mul3A_191 = arith.muli %scan3A_189, %mul3A_190 : i32
      %add3A_192 = arith.constant 2 : i32
      %add3A_193 = arith.addi %add3A_192, %mul3A_191 : i32
      %add3A_194 = arith.constant 0 : i32
      %add3A_195 = arith.addi %add3A_193, %add3A_194 : i32
      %sub3A = arith.constant 2 : i32
      %sub3A_196 = arith.subi %add3A_195, %sub3A : i32
      %dma_wait3A_197 = arith.constant 0 : i32
      %dma_wait3A_198 = arith.constant 0 : i32
      %dma_wait3A_199 = tpu.memref_slice %arg30[%dma_wait3A_197, %dma_wait3A_198] : memref<10240x128xf32, #tpu.memory_space<vmem_shared>> -> memref<10240x128xf32, #tpu.memory_space<vmem_shared>>
      tpu.wait_indirect_dma semaphore(%arg26 : memref<!tpu.dma_semaphore, #tpu.memory_space<semaphore_mem>>) src(%arg14 : memref<80x128xf32, #tpu.memory_space<vmem>>) dst(%dma_wait3A_199 : memref<10240x128xf32, #tpu.memory_space<vmem_shared>>)
      %add3A_200 = arith.constant 2 : i32
      %add3A_201 = arith.addi %add3A_195, %add3A_200 : i32
      %mul3A_202 = arith.constant 80 : i32
      %mul3A_203 = arith.muli %add3A_201, %mul3A_202 : i32
      %add3A_204 = arith.addi %mul3A_2, %mul3A_203 : i32
      %dma_start3A_205 = tpu.memref_slice %arg3[%add3A_204] : memref<320000xi32, #tpu.memory_space<hbm>> -> memref<80xi32, #tpu.memory_space<hbm>>
      %dma_start3A_206 = tpu.memref_slice %arg3[%add3A_204] : memref<320000xi32, #tpu.memory_space<hbm>> -> memref<80xi32, #tpu.memory_space<hbm>>
      tpu.enqueue_dma source(%dma_start3A_206 : memref<80xi32, #tpu.memory_space<hbm>>) target(%arg6 : memref<80xi32, #tpu.memory_space<vmem>>) target_semaphore(%arg18 : memref<!tpu.dma_semaphore, #tpu.memory_space<semaphore_mem>>)
      %mul3A_207 = arith.constant 80 : i32
      %mul3A_208 = arith.muli %add3A_201, %mul3A_207 : i32
      %add3A_209 = arith.addi %mul3A_2, %mul3A_208 : i32
      %dma_start3A_210 = tpu.memref_slice %arg4[%add3A_209] : memref<320000xi32, #tpu.memory_space<hbm>> -> memref<80xi32, #tpu.memory_space<hbm>>
      %dma_start3A_211 = tpu.memref_slice %arg4[%add3A_209] : memref<320000xi32, #tpu.memory_space<hbm>> -> memref<80xi32, #tpu.memory_space<hbm>>
      tpu.enqueue_dma source(%dma_start3A_211 : memref<80xi32, #tpu.memory_space<hbm>>) target(%arg10 : memref<80xi32, #tpu.memory_space<vmem>>) target_semaphore(%arg18 : memref<!tpu.dma_semaphore, #tpu.memory_space<semaphore_mem>>)
      %add3A_212 = arith.constant 1 : i32
      %add3A_213 = arith.addi %add3A_195, %add3A_212 : i32
      %mul3A_214 = arith.constant 80 : i32
      %mul3A_215 = arith.muli %add3A_213, %mul3A_214 : i32
      %add3A_216 = arith.addi %mul3A_2, %mul3A_215 : i32
      %dma_wait3A_217 = tpu.memref_slice %arg3[%add3A_216] : memref<320000xi32, #tpu.memory_space<hbm>> -> memref<80xi32, #tpu.memory_space<hbm>>
      %dma_wait3A_218 = tpu.memref_slice %arg3[%add3A_216] : memref<320000xi32, #tpu.memory_space<hbm>> -> memref<80xi32, #tpu.memory_space<hbm>>
      tpu.wait_dma2 semaphore(%arg21 : memref<!tpu.dma_semaphore, #tpu.memory_space<semaphore_mem>>) src(%dma_wait3A_218 : memref<80xi32, #tpu.memory_space<hbm>>) dst(%arg9 : memref<80xi32, #tpu.memory_space<vmem>>)
      %mul3A_219 = arith.constant 80 : i32
      %mul3A_220 = arith.muli %add3A_213, %mul3A_219 : i32
      %add3A_221 = arith.addi %mul3A_2, %mul3A_220 : i32
      %dma_wait3A_222 = tpu.memref_slice %arg4[%add3A_221] : memref<320000xi32, #tpu.memory_space<hbm>> -> memref<80xi32, #tpu.memory_space<hbm>>
      %dma_wait3A_223 = tpu.memref_slice %arg4[%add3A_221] : memref<320000xi32, #tpu.memory_space<hbm>> -> memref<80xi32, #tpu.memory_space<hbm>>
      tpu.wait_dma2 semaphore(%arg21 : memref<!tpu.dma_semaphore, #tpu.memory_space<semaphore_mem>>) src(%dma_wait3A_223 : memref<80xi32, #tpu.memory_space<hbm>>) dst(%arg13 : memref<80xi32, #tpu.memory_space<vmem>>)
      %add3A_224 = arith.constant 1 : i32
      %add3A_225 = arith.addi %add3A_195, %add3A_224 : i32
      %dma_start3A_226 = arith.constant 0 : i32
      %dma_start3A_227 = arith.constant 0 : i32
      %dma_start3A_228 = tpu.memref_slice %arg2[%dma_start3A_226, %dma_start3A_227] : memref<10000x128xf32, #tpu.memory_space<hbm>> -> memref<10000x128xf32, #tpu.memory_space<hbm>>
      tpu.enqueue_indirect_dma source(%dma_start3A_228 : memref<10000x128xf32, #tpu.memory_space<hbm>>) target(%arg17 : memref<80x128xf32, #tpu.memory_space<vmem>>) offsets(%arg9 : memref<80xi32, #tpu.memory_space<vmem>>) semaphore(%arg25 : memref<!tpu.dma_semaphore, #tpu.memory_space<semaphore_mem>>)
      %dma_wait3A_229 = arith.constant 0 : i32
      %dma_wait3A_230 = arith.constant 0 : i32
      %dma_wait3A_231 = tpu.memref_slice %arg2[%dma_wait3A_229, %dma_wait3A_230] : memref<10000x128xf32, #tpu.memory_space<hbm>> -> memref<10000x128xf32, #tpu.memory_space<hbm>>
      tpu.wait_indirect_dma semaphore(%arg24 : memref<!tpu.dma_semaphore, #tpu.memory_space<semaphore_mem>>) src(%dma_wait3A_231 : memref<10000x128xf32, #tpu.memory_space<hbm>>) dst(%arg16 : memref<80x128xf32, #tpu.memory_space<vmem>>)
      %dma_start3A_232 = arith.constant 0 : i32
      %dma_start3A_233 = arith.constant 0 : i32
      %dma_start3A_234 = tpu.memref_slice %arg30[%dma_start3A_232, %dma_start3A_233] : memref<10240x128xf32, #tpu.memory_space<vmem_shared>> -> memref<10240x128xf32, #tpu.memory_space<vmem_shared>>
      tpu.enqueue_indirect_dma source(%arg16 : memref<80x128xf32, #tpu.memory_space<vmem>>) target(%dma_start3A_234 : memref<10240x128xf32, #tpu.memory_space<vmem_shared>>) offsets(%arg12 : memref<80xi32, #tpu.memory_space<vmem>>) semaphore(%arg28 : memref<!tpu.dma_semaphore, #tpu.memory_space<semaphore_mem>>) {add = true}
      %mul3A_235 = arith.constant 4 : i32
      %mul3A_236 = arith.muli %scan3A_189, %mul3A_235 : i32
      %add3A_237 = arith.constant 2 : i32
      %add3A_238 = arith.addi %add3A_237, %mul3A_236 : i32
      %add3A_239 = arith.constant 1 : i32
      %add3A_240 = arith.addi %add3A_238, %add3A_239 : i32
      %sub3A_241 = arith.constant 2 : i32
      %sub3A_242 = arith.subi %add3A_240, %sub3A_241 : i32
      %dma_wait3A_243 = arith.constant 0 : i32
      %dma_wait3A_244 = arith.constant 0 : i32
      %dma_wait3A_245 = tpu.memref_slice %arg30[%dma_wait3A_243, %dma_wait3A_244] : memref<10240x128xf32, #tpu.memory_space<vmem_shared>> -> memref<10240x128xf32, #tpu.memory_space<vmem_shared>>
      tpu.wait_indirect_dma semaphore(%arg27 : memref<!tpu.dma_semaphore, #tpu.memory_space<semaphore_mem>>) src(%arg15 : memref<80x128xf32, #tpu.memory_space<vmem>>) dst(%dma_wait3A_245 : memref<10240x128xf32, #tpu.memory_space<vmem_shared>>)
      %add3A_246 = arith.constant 2 : i32
      %add3A_247 = arith.addi %add3A_240, %add3A_246 : i32
      %mul3A_248 = arith.constant 80 : i32
      %mul3A_249 = arith.muli %add3A_247, %mul3A_248 : i32
      %add3A_250 = arith.addi %mul3A_2, %mul3A_249 : i32
      %dma_start3A_251 = tpu.memref_slice %arg3[%add3A_250] : memref<320000xi32, #tpu.memory_space<hbm>> -> memref<80xi32, #tpu.memory_space<hbm>>
      %dma_start3A_252 = tpu.memref_slice %arg3[%add3A_250] : memref<320000xi32, #tpu.memory_space<hbm>> -> memref<80xi32, #tpu.memory_space<hbm>>
      tpu.enqueue_dma source(%dma_start3A_252 : memref<80xi32, #tpu.memory_space<hbm>>) target(%arg7 : memref<80xi32, #tpu.memory_space<vmem>>) target_semaphore(%arg19 : memref<!tpu.dma_semaphore, #tpu.memory_space<semaphore_mem>>)
      %mul3A_253 = arith.constant 80 : i32
      %mul3A_254 = arith.muli %add3A_247, %mul3A_253 : i32
      %add3A_255 = arith.addi %mul3A_2, %mul3A_254 : i32
      %dma_start3A_256 = tpu.memref_slice %arg4[%add3A_255] : memref<320000xi32, #tpu.memory_space<hbm>> -> memref<80xi32, #tpu.memory_space<hbm>>
      %dma_start3A_257 = tpu.memref_slice %arg4[%add3A_255] : memref<320000xi32, #tpu.memory_space<hbm>> -> memref<80xi32, #tpu.memory_space<hbm>>
      tpu.enqueue_dma source(%dma_start3A_257 : memref<80xi32, #tpu.memory_space<hbm>>) target(%arg11 : memref<80xi32, #tpu.memory_space<vmem>>) target_semaphore(%arg19 : memref<!tpu.dma_semaphore, #tpu.memory_space<semaphore_mem>>)
      %add3A_258 = arith.constant 1 : i32
      %add3A_259 = arith.addi %add3A_240, %add3A_258 : i32
      %mul3A_260 = arith.constant 80 : i32
      %mul3A_261 = arith.muli %add3A_259, %mul3A_260 : i32
      %add3A_262 = arith.addi %mul3A_2, %mul3A_261 : i32
      %dma_wait3A_263 = tpu.memref_slice %arg3[%add3A_262] : memref<320000xi32, #tpu.memory_space<hbm>> -> memref<80xi32, #tpu.memory_space<hbm>>
      %dma_wait3A_264 = tpu.memref_slice %arg3[%add3A_262] : memref<320000xi32, #tpu.memory_space<hbm>> -> memref<80xi32, #tpu.memory_space<hbm>>
      tpu.wait_dma2 semaphore(%arg18 : memref<!tpu.dma_semaphore, #tpu.memory_space<semaphore_mem>>) src(%dma_wait3A_264 : memref<80xi32, #tpu.memory_space<hbm>>) dst(%arg6 : memref<80xi32, #tpu.memory_space<vmem>>)
      %mul3A_265 = arith.constant 80 : i32
      %mul3A_266 = arith.muli %add3A_259, %mul3A_265 : i32
      %add3A_267 = arith.addi %mul3A_2, %mul3A_266 : i32
      %dma_wait3A_268 = tpu.memref_slice %arg4[%add3A_267] : memref<320000xi32, #tpu.memory_space<hbm>> -> memref<80xi32, #tpu.memory_space<hbm>>
      %dma_wait3A_269 = tpu.memref_slice %arg4[%add3A_267] : memref<320000xi32, #tpu.memory_space<hbm>> -> memref<80xi32, #tpu.memory_space<hbm>>
      tpu.wait_dma2 semaphore(%arg18 : memref<!tpu.dma_semaphore, #tpu.memory_space<semaphore_mem>>) src(%dma_wait3A_269 : memref<80xi32, #tpu.memory_space<hbm>>) dst(%arg10 : memref<80xi32, #tpu.memory_space<vmem>>)
      %add3A_270 = arith.constant 1 : i32
      %add3A_271 = arith.addi %add3A_240, %add3A_270 : i32
      %dma_start3A_272 = arith.constant 0 : i32
      %dma_start3A_273 = arith.constant 0 : i32
      %dma_start3A_274 = tpu.memref_slice %arg2[%dma_start3A_272, %dma_start3A_273] : memref<10000x128xf32, #tpu.memory_space<hbm>> -> memref<10000x128xf32, #tpu.memory_space<hbm>>
      tpu.enqueue_indirect_dma source(%dma_start3A_274 : memref<10000x128xf32, #tpu.memory_space<hbm>>) target(%arg14 : memref<80x128xf32, #tpu.memory_space<vmem>>) offsets(%arg6 : memref<80xi32, #tpu.memory_space<vmem>>) semaphore(%arg22 : memref<!tpu.dma_semaphore, #tpu.memory_space<semaphore_mem>>)
      %dma_wait3A_275 = arith.constant 0 : i32
      %dma_wait3A_276 = arith.constant 0 : i32
      %dma_wait3A_277 = tpu.memref_slice %arg2[%dma_wait3A_275, %dma_wait3A_276] : memref<10000x128xf32, #tpu.memory_space<hbm>> -> memref<10000x128xf32, #tpu.memory_space<hbm>>
      tpu.wait_indirect_dma semaphore(%arg25 : memref<!tpu.dma_semaphore, #tpu.memory_space<semaphore_mem>>) src(%dma_wait3A_277 : memref<10000x128xf32, #tpu.memory_space<hbm>>) dst(%arg17 : memref<80x128xf32, #tpu.memory_space<vmem>>)
      %dma_start3A_278 = arith.constant 0 : i32
      %dma_start3A_279 = arith.constant 0 : i32
      %dma_start3A_280 = tpu.memref_slice %arg30[%dma_start3A_278, %dma_start3A_279] : memref<10240x128xf32, #tpu.memory_space<vmem_shared>> -> memref<10240x128xf32, #tpu.memory_space<vmem_shared>>
      tpu.enqueue_indirect_dma source(%arg17 : memref<80x128xf32, #tpu.memory_space<vmem>>) target(%dma_start3A_280 : memref<10240x128xf32, #tpu.memory_space<vmem_shared>>) offsets(%arg13 : memref<80xi32, #tpu.memory_space<vmem>>) semaphore(%arg29 : memref<!tpu.dma_semaphore, #tpu.memory_space<semaphore_mem>>) {add = true}
      %mul3A_281 = arith.constant 4 : i32
      %mul3A_282 = arith.muli %scan3A_189, %mul3A_281 : i32
      %add3A_283 = arith.constant 2 : i32
      %add3A_284 = arith.addi %add3A_283, %mul3A_282 : i32
      %add3A_285 = arith.constant 2 : i32
      %add3A_286 = arith.addi %add3A_284, %add3A_285 : i32
      %sub3A_287 = arith.constant 2 : i32
      %sub3A_288 = arith.subi %add3A_286, %sub3A_287 : i32
      %dma_wait3A_289 = arith.constant 0 : i32
      %dma_wait3A_290 = arith.constant 0 : i32
      %dma_wait3A_291 = tpu.memref_slice %arg30[%dma_wait3A_289, %dma_wait3A_290] : memref<10240x128xf32, #tpu.memory_space<vmem_shared>> -> memref<10240x128xf32, #tpu.memory_space<vmem_shared>>
      tpu.wait_indirect_dma semaphore(%arg28 : memref<!tpu.dma_semaphore, #tpu.memory_space<semaphore_mem>>) src(%arg16 : memref<80x128xf32, #tpu.memory_space<vmem>>) dst(%dma_wait3A_291 : memref<10240x128xf32, #tpu.memory_space<vmem_shared>>)
      %add3A_292 = arith.constant 2 : i32
      %add3A_293 = arith.addi %add3A_286, %add3A_292 : i32
      %mul3A_294 = arith.constant 80 : i32
      %mul3A_295 = arith.muli %add3A_293, %mul3A_294 : i32
      %add3A_296 = arith.addi %mul3A_2, %mul3A_295 : i32
      %dma_start3A_297 = tpu.memref_slice %arg3[%add3A_296] : memref<320000xi32, #tpu.memory_space<hbm>> -> memref<80xi32, #tpu.memory_space<hbm>>
      %dma_start3A_298 = tpu.memref_slice %arg3[%add3A_296] : memref<320000xi32, #tpu.memory_space<hbm>> -> memref<80xi32, #tpu.memory_space<hbm>>
      tpu.enqueue_dma source(%dma_start3A_298 : memref<80xi32, #tpu.memory_space<hbm>>) target(%arg8 : memref<80xi32, #tpu.memory_space<vmem>>) target_semaphore(%arg20 : memref<!tpu.dma_semaphore, #tpu.memory_space<semaphore_mem>>)
      %mul3A_299 = arith.constant 80 : i32
      %mul3A_300 = arith.muli %add3A_293, %mul3A_299 : i32
      %add3A_301 = arith.addi %mul3A_2, %mul3A_300 : i32
      %dma_start3A_302 = tpu.memref_slice %arg4[%add3A_301] : memref<320000xi32, #tpu.memory_space<hbm>> -> memref<80xi32, #tpu.memory_space<hbm>>
      %dma_start3A_303 = tpu.memref_slice %arg4[%add3A_301] : memref<320000xi32, #tpu.memory_space<hbm>> -> memref<80xi32, #tpu.memory_space<hbm>>
      tpu.enqueue_dma source(%dma_start3A_303 : memref<80xi32, #tpu.memory_space<hbm>>) target(%arg12 : memref<80xi32, #tpu.memory_space<vmem>>) target_semaphore(%arg20 : memref<!tpu.dma_semaphore, #tpu.memory_space<semaphore_mem>>)
      %add3A_304 = arith.constant 1 : i32
      %add3A_305 = arith.addi %add3A_286, %add3A_304 : i32
      %mul3A_306 = arith.constant 80 : i32
      %mul3A_307 = arith.muli %add3A_305, %mul3A_306 : i32
      %add3A_308 = arith.addi %mul3A_2, %mul3A_307 : i32
      %dma_wait3A_309 = tpu.memref_slice %arg3[%add3A_308] : memref<320000xi32, #tpu.memory_space<hbm>> -> memref<80xi32, #tpu.memory_space<hbm>>
      %dma_wait3A_310 = tpu.memref_slice %arg3[%add3A_308] : memref<320000xi32, #tpu.memory_space<hbm>> -> memref<80xi32, #tpu.memory_space<hbm>>
      tpu.wait_dma2 semaphore(%arg19 : memref<!tpu.dma_semaphore, #tpu.memory_space<semaphore_mem>>) src(%dma_wait3A_310 : memref<80xi32, #tpu.memory_space<hbm>>) dst(%arg7 : memref<80xi32, #tpu.memory_space<vmem>>)
      %mul3A_311 = arith.constant 80 : i32
      %mul3A_312 = arith.muli %add3A_305, %mul3A_311 : i32
      %add3A_313 = arith.addi %mul3A_2, %mul3A_312 : i32
      %dma_wait3A_314 = tpu.memref_slice %arg4[%add3A_313] : memref<320000xi32, #tpu.memory_space<hbm>> -> memref<80xi32, #tpu.memory_space<hbm>>
      %dma_wait3A_315 = tpu.memref_slice %arg4[%add3A_313] : memref<320000xi32, #tpu.memory_space<hbm>> -> memref<80xi32, #tpu.memory_space<hbm>>
      tpu.wait_dma2 semaphore(%arg19 : memref<!tpu.dma_semaphore, #tpu.memory_space<semaphore_mem>>) src(%dma_wait3A_315 : memref<80xi32, #tpu.memory_space<hbm>>) dst(%arg11 : memref<80xi32, #tpu.memory_space<vmem>>)
      %add3A_316 = arith.constant 1 : i32
      %add3A_317 = arith.addi %add3A_286, %add3A_316 : i32
      %dma_start3A_318 = arith.constant 0 : i32
      %dma_start3A_319 = arith.constant 0 : i32
      %dma_start3A_320 = tpu.memref_slice %arg2[%dma_start3A_318, %dma_start3A_319] : memref<10000x128xf32, #tpu.memory_space<hbm>> -> memref<10000x128xf32, #tpu.memory_space<hbm>>
      tpu.enqueue_indirect_dma source(%dma_start3A_320 : memref<10000x128xf32, #tpu.memory_space<hbm>>) target(%arg15 : memref<80x128xf32, #tpu.memory_space<vmem>>) offsets(%arg7 : memref<80xi32, #tpu.memory_space<vmem>>) semaphore(%arg23 : memref<!tpu.dma_semaphore, #tpu.memory_space<semaphore_mem>>)
      %dma_wait3A_321 = arith.constant 0 : i32
      %dma_wait3A_322 = arith.constant 0 : i32
      %dma_wait3A_323 = tpu.memref_slice %arg2[%dma_wait3A_321, %dma_wait3A_322] : memref<10000x128xf32, #tpu.memory_space<hbm>> -> memref<10000x128xf32, #tpu.memory_space<hbm>>
      tpu.wait_indirect_dma semaphore(%arg22 : memref<!tpu.dma_semaphore, #tpu.memory_space<semaphore_mem>>) src(%dma_wait3A_323 : memref<10000x128xf32, #tpu.memory_space<hbm>>) dst(%arg14 : memref<80x128xf32, #tpu.memory_space<vmem>>)
      %dma_start3A_324 = arith.constant 0 : i32
      %dma_start3A_325 = arith.constant 0 : i32
      %dma_start3A_326 = tpu.memref_slice %arg30[%dma_start3A_324, %dma_start3A_325] : memref<10240x128xf32, #tpu.memory_space<vmem_shared>> -> memref<10240x128xf32, #tpu.memory_space<vmem_shared>>
      tpu.enqueue_indirect_dma source(%arg14 : memref<80x128xf32, #tpu.memory_space<vmem>>) target(%dma_start3A_326 : memref<10240x128xf32, #tpu.memory_space<vmem_shared>>) offsets(%arg10 : memref<80xi32, #tpu.memory_space<vmem>>) semaphore(%arg26 : memref<!tpu.dma_semaphore, #tpu.memory_space<semaphore_mem>>) {add = true}
      %mul3A_327 = arith.constant 4 : i32
      %mul3A_328 = arith.muli %scan3A_189, %mul3A_327 : i32
      %add3A_329 = arith.constant 2 : i32
      %add3A_330 = arith.addi %add3A_329, %mul3A_328 : i32
      %add3A_331 = arith.constant 3 : i32
      %add3A_332 = arith.addi %add3A_330, %add3A_331 : i32
      %sub3A_333 = arith.constant 2 : i32
      %sub3A_334 = arith.subi %add3A_332, %sub3A_333 : i32
      %dma_wait3A_335 = arith.constant 0 : i32
      %dma_wait3A_336 = arith.constant 0 : i32
      %dma_wait3A_337 = tpu.memref_slice %arg30[%dma_wait3A_335, %dma_wait3A_336] : memref<10240x128xf32, #tpu.memory_space<vmem_shared>> -> memref<10240x128xf32, #tpu.memory_space<vmem_shared>>
      tpu.wait_indirect_dma semaphore(%arg29 : memref<!tpu.dma_semaphore, #tpu.memory_space<semaphore_mem>>) src(%arg17 : memref<80x128xf32, #tpu.memory_space<vmem>>) dst(%dma_wait3A_337 : memref<10240x128xf32, #tpu.memory_space<vmem_shared>>)
      %add3A_338 = arith.constant 2 : i32
      %add3A_339 = arith.addi %add3A_332, %add3A_338 : i32
      %mul3A_340 = arith.constant 80 : i32
      %mul3A_341 = arith.muli %add3A_339, %mul3A_340 : i32
      %add3A_342 = arith.addi %mul3A_2, %mul3A_341 : i32
      %dma_start3A_343 = tpu.memref_slice %arg3[%add3A_342] : memref<320000xi32, #tpu.memory_space<hbm>> -> memref<80xi32, #tpu.memory_space<hbm>>
      %dma_start3A_344 = tpu.memref_slice %arg3[%add3A_342] : memref<320000xi32, #tpu.memory_space<hbm>> -> memref<80xi32, #tpu.memory_space<hbm>>
      tpu.enqueue_dma source(%dma_start3A_344 : memref<80xi32, #tpu.memory_space<hbm>>) target(%arg9 : memref<80xi32, #tpu.memory_space<vmem>>) target_semaphore(%arg21 : memref<!tpu.dma_semaphore, #tpu.memory_space<semaphore_mem>>)
      %mul3A_345 = arith.constant 80 : i32
      %mul3A_346 = arith.muli %add3A_339, %mul3A_345 : i32
      %add3A_347 = arith.addi %mul3A_2, %mul3A_346 : i32
      %dma_start3A_348 = tpu.memref_slice %arg4[%add3A_347] : memref<320000xi32, #tpu.memory_space<hbm>> -> memref<80xi32, #tpu.memory_space<hbm>>
      %dma_start3A_349 = tpu.memref_slice %arg4[%add3A_347] : memref<320000xi32, #tpu.memory_space<hbm>> -> memref<80xi32, #tpu.memory_space<hbm>>
      tpu.enqueue_dma source(%dma_start3A_349 : memref<80xi32, #tpu.memory_space<hbm>>) target(%arg13 : memref<80xi32, #tpu.memory_space<vmem>>) target_semaphore(%arg21 : memref<!tpu.dma_semaphore, #tpu.memory_space<semaphore_mem>>)
      %add3A_350 = arith.constant 1 : i32
      %add3A_351 = arith.addi %add3A_332, %add3A_350 : i32
      %mul3A_352 = arith.constant 80 : i32
      %mul3A_353 = arith.muli %add3A_351, %mul3A_352 : i32
      %add3A_354 = arith.addi %mul3A_2, %mul3A_353 : i32
      %dma_wait3A_355 = tpu.memref_slice %arg3[%add3A_354] : memref<320000xi32, #tpu.memory_space<hbm>> -> memref<80xi32, #tpu.memory_space<hbm>>
      %dma_wait3A_356 = tpu.memref_slice %arg3[%add3A_354] : memref<320000xi32, #tpu.memory_space<hbm>> -> memref<80xi32, #tpu.memory_space<hbm>>
      tpu.wait_dma2 semaphore(%arg20 : memref<!tpu.dma_semaphore, #tpu.memory_space<semaphore_mem>>) src(%dma_wait3A_356 : memref<80xi32, #tpu.memory_space<hbm>>) dst(%arg8 : memref<80xi32, #tpu.memory_space<vmem>>)
      %mul3A_357 = arith.constant 80 : i32
      %mul3A_358 = arith.muli %add3A_351, %mul3A_357 : i32
      %add3A_359 = arith.addi %mul3A_2, %mul3A_358 : i32
      %dma_wait3A_360 = tpu.memref_slice %arg4[%add3A_359] : memref<320000xi32, #tpu.memory_space<hbm>> -> memref<80xi32, #tpu.memory_space<hbm>>
      %dma_wait3A_361 = tpu.memref_slice %arg4[%add3A_359] : memref<320000xi32, #tpu.memory_space<hbm>> -> memref<80xi32, #tpu.memory_space<hbm>>
      tpu.wait_dma2 semaphore(%arg20 : memref<!tpu.dma_semaphore, #tpu.memory_space<semaphore_mem>>) src(%dma_wait3A_361 : memref<80xi32, #tpu.memory_space<hbm>>) dst(%arg12 : memref<80xi32, #tpu.memory_space<vmem>>)
      %add3A_362 = arith.constant 1 : i32
      %add3A_363 = arith.addi %add3A_332, %add3A_362 : i32
      %dma_start3A_364 = arith.constant 0 : i32
      %dma_start3A_365 = arith.constant 0 : i32
      %dma_start3A_366 = tpu.memref_slice %arg2[%dma_start3A_364, %dma_start3A_365] : memref<10000x128xf32, #tpu.memory_space<hbm>> -> memref<10000x128xf32, #tpu.memory_space<hbm>>
      tpu.enqueue_indirect_dma source(%dma_start3A_366 : memref<10000x128xf32, #tpu.memory_space<hbm>>) target(%arg16 : memref<80x128xf32, #tpu.memory_space<vmem>>) offsets(%arg8 : memref<80xi32, #tpu.memory_space<vmem>>) semaphore(%arg24 : memref<!tpu.dma_semaphore, #tpu.memory_space<semaphore_mem>>)
      %dma_wait3A_367 = arith.constant 0 : i32
      %dma_wait3A_368 = arith.constant 0 : i32
      %dma_wait3A_369 = tpu.memref_slice %arg2[%dma_wait3A_367, %dma_wait3A_368] : memref<10000x128xf32, #tpu.memory_space<hbm>> -> memref<10000x128xf32, #tpu.memory_space<hbm>>
      tpu.wait_indirect_dma semaphore(%arg23 : memref<!tpu.dma_semaphore, #tpu.memory_space<semaphore_mem>>) src(%dma_wait3A_369 : memref<10000x128xf32, #tpu.memory_space<hbm>>) dst(%arg15 : memref<80x128xf32, #tpu.memory_space<vmem>>)
      %dma_start3A_370 = arith.constant 0 : i32
      %dma_start3A_371 = arith.constant 0 : i32
      %dma_start3A_372 = tpu.memref_slice %arg30[%dma_start3A_370, %dma_start3A_371] : memref<10240x128xf32, #tpu.memory_space<vmem_shared>> -> memref<10240x128xf32, #tpu.memory_space<vmem_shared>>
      tpu.enqueue_indirect_dma source(%arg15 : memref<80x128xf32, #tpu.memory_space<vmem>>) target(%dma_start3A_372 : memref<10240x128xf32, #tpu.memory_space<vmem_shared>>) offsets(%arg11 : memref<80xi32, #tpu.memory_space<vmem>>) semaphore(%arg27 : memref<!tpu.dma_semaphore, #tpu.memory_space<semaphore_mem>>) {add = true}
    }
    %scan3A_120 = arith.constant 30 : i32
    %dma_wait3A_121 = arith.constant 0 : i32
    %dma_wait3A_122 = arith.constant 0 : i32
    %dma_wait3A_123 = tpu.memref_slice %arg30[%dma_wait3A_121, %dma_wait3A_122] : memref<10240x128xf32, #tpu.memory_space<vmem_shared>> -> memref<10240x128xf32, #tpu.memory_space<vmem_shared>>
    tpu.wait_indirect_dma semaphore(%arg26 : memref<!tpu.dma_semaphore, #tpu.memory_space<semaphore_mem>>) src(%arg14 : memref<80x128xf32, #tpu.memory_space<vmem>>) dst(%dma_wait3A_123 : memref<10240x128xf32, #tpu.memory_space<vmem_shared>>)
    %add3A_124 = arith.constant 9920 : i32
    %add3A_125 = arith.addi %mul3A_2, %add3A_124 : i32
    %dma_start3A_126 = tpu.memref_slice %arg3[%add3A_125] : memref<320000xi32, #tpu.memory_space<hbm>> -> memref<80xi32, #tpu.memory_space<hbm>>
    %dma_start3A_127 = tpu.memref_slice %arg3[%add3A_125] : memref<320000xi32, #tpu.memory_space<hbm>> -> memref<80xi32, #tpu.memory_space<hbm>>
    tpu.enqueue_dma source(%dma_start3A_127 : memref<80xi32, #tpu.memory_space<hbm>>) target(%arg6 : memref<80xi32, #tpu.memory_space<vmem>>) target_semaphore(%arg18 : memref<!tpu.dma_semaphore, #tpu.memory_space<semaphore_mem>>)
    %add3A_128 = arith.constant 9920 : i32
    %add3A_129 = arith.addi %mul3A_2, %add3A_128 : i32
    %dma_start3A_130 = tpu.memref_slice %arg4[%add3A_129] : memref<320000xi32, #tpu.memory_space<hbm>> -> memref<80xi32, #tpu.memory_space<hbm>>
    %dma_start3A_131 = tpu.memref_slice %arg4[%add3A_129] : memref<320000xi32, #tpu.memory_space<hbm>> -> memref<80xi32, #tpu.memory_space<hbm>>
    tpu.enqueue_dma source(%dma_start3A_131 : memref<80xi32, #tpu.memory_space<hbm>>) target(%arg10 : memref<80xi32, #tpu.memory_space<vmem>>) target_semaphore(%arg18 : memref<!tpu.dma_semaphore, #tpu.memory_space<semaphore_mem>>)
    %add3A_132 = arith.constant 9840 : i32
    %add3A_133 = arith.addi %mul3A_2, %add3A_132 : i32
    %dma_wait3A_134 = tpu.memref_slice %arg3[%add3A_133] : memref<320000xi32, #tpu.memory_space<hbm>> -> memref<80xi32, #tpu.memory_space<hbm>>
    %dma_wait3A_135 = tpu.memref_slice %arg3[%add3A_133] : memref<320000xi32, #tpu.memory_space<hbm>> -> memref<80xi32, #tpu.memory_space<hbm>>
    tpu.wait_dma2 semaphore(%arg21 : memref<!tpu.dma_semaphore, #tpu.memory_space<semaphore_mem>>) src(%dma_wait3A_135 : memref<80xi32, #tpu.memory_space<hbm>>) dst(%arg9 : memref<80xi32, #tpu.memory_space<vmem>>)
    %add3A_136 = arith.constant 9840 : i32
    %add3A_137 = arith.addi %mul3A_2, %add3A_136 : i32
    %dma_wait3A_138 = tpu.memref_slice %arg4[%add3A_137] : memref<320000xi32, #tpu.memory_space<hbm>> -> memref<80xi32, #tpu.memory_space<hbm>>
    %dma_wait3A_139 = tpu.memref_slice %arg4[%add3A_137] : memref<320000xi32, #tpu.memory_space<hbm>> -> memref<80xi32, #tpu.memory_space<hbm>>
    tpu.wait_dma2 semaphore(%arg21 : memref<!tpu.dma_semaphore, #tpu.memory_space<semaphore_mem>>) src(%dma_wait3A_139 : memref<80xi32, #tpu.memory_space<hbm>>) dst(%arg13 : memref<80xi32, #tpu.memory_space<vmem>>)
    %dma_start3A_140 = arith.constant 0 : i32
    %dma_start3A_141 = arith.constant 0 : i32
    %dma_start3A_142 = tpu.memref_slice %arg2[%dma_start3A_140, %dma_start3A_141] : memref<10000x128xf32, #tpu.memory_space<hbm>> -> memref<10000x128xf32, #tpu.memory_space<hbm>>
    tpu.enqueue_indirect_dma source(%dma_start3A_142 : memref<10000x128xf32, #tpu.memory_space<hbm>>) target(%arg17 : memref<80x128xf32, #tpu.memory_space<vmem>>) offsets(%arg9 : memref<80xi32, #tpu.memory_space<vmem>>) semaphore(%arg25 : memref<!tpu.dma_semaphore, #tpu.memory_space<semaphore_mem>>)
    %dma_wait3A_143 = arith.constant 0 : i32
    %dma_wait3A_144 = arith.constant 0 : i32
    %dma_wait3A_145 = tpu.memref_slice %arg2[%dma_wait3A_143, %dma_wait3A_144] : memref<10000x128xf32, #tpu.memory_space<hbm>> -> memref<10000x128xf32, #tpu.memory_space<hbm>>
    tpu.wait_indirect_dma semaphore(%arg24 : memref<!tpu.dma_semaphore, #tpu.memory_space<semaphore_mem>>) src(%dma_wait3A_145 : memref<10000x128xf32, #tpu.memory_space<hbm>>) dst(%arg16 : memref<80x128xf32, #tpu.memory_space<vmem>>)
    %dma_start3A_146 = arith.constant 0 : i32
    %dma_start3A_147 = arith.constant 0 : i32
    %dma_start3A_148 = tpu.memref_slice %arg30[%dma_start3A_146, %dma_start3A_147] : memref<10240x128xf32, #tpu.memory_space<vmem_shared>> -> memref<10240x128xf32, #tpu.memory_space<vmem_shared>>
    tpu.enqueue_indirect_dma source(%arg16 : memref<80x128xf32, #tpu.memory_space<vmem>>) target(%dma_start3A_148 : memref<10240x128xf32, #tpu.memory_space<vmem_shared>>) offsets(%arg12 : memref<80xi32, #tpu.memory_space<vmem>>) semaphore(%arg28 : memref<!tpu.dma_semaphore, #tpu.memory_space<semaphore_mem>>) {add = true}
    %add3A_149 = arith.constant 9920 : i32
    %add3A_150 = arith.addi %mul3A_2, %add3A_149 : i32
    %dma_wait3A_151 = tpu.memref_slice %arg3[%add3A_150] : memref<320000xi32, #tpu.memory_space<hbm>> -> memref<80xi32, #tpu.memory_space<hbm>>
    %dma_wait3A_152 = tpu.memref_slice %arg3[%add3A_150] : memref<320000xi32, #tpu.memory_space<hbm>> -> memref<80xi32, #tpu.memory_space<hbm>>
    tpu.wait_dma2 semaphore(%arg18 : memref<!tpu.dma_semaphore, #tpu.memory_space<semaphore_mem>>) src(%dma_wait3A_152 : memref<80xi32, #tpu.memory_space<hbm>>) dst(%arg6 : memref<80xi32, #tpu.memory_space<vmem>>)
    %add3A_153 = arith.constant 9920 : i32
    %add3A_154 = arith.addi %mul3A_2, %add3A_153 : i32
    %dma_wait3A_155 = tpu.memref_slice %arg4[%add3A_154] : memref<320000xi32, #tpu.memory_space<hbm>> -> memref<80xi32, #tpu.memory_space<hbm>>
    %dma_wait3A_156 = tpu.memref_slice %arg4[%add3A_154] : memref<320000xi32, #tpu.memory_space<hbm>> -> memref<80xi32, #tpu.memory_space<hbm>>
    tpu.wait_dma2 semaphore(%arg18 : memref<!tpu.dma_semaphore, #tpu.memory_space<semaphore_mem>>) src(%dma_wait3A_156 : memref<80xi32, #tpu.memory_space<hbm>>) dst(%arg10 : memref<80xi32, #tpu.memory_space<vmem>>)
    %dma_start3A_157 = arith.constant 0 : i32
    %dma_start3A_158 = arith.constant 0 : i32
    %dma_start3A_159 = tpu.memref_slice %arg2[%dma_start3A_157, %dma_start3A_158] : memref<10000x128xf32, #tpu.memory_space<hbm>> -> memref<10000x128xf32, #tpu.memory_space<hbm>>
    tpu.enqueue_indirect_dma source(%dma_start3A_159 : memref<10000x128xf32, #tpu.memory_space<hbm>>) target(%arg14 : memref<80x128xf32, #tpu.memory_space<vmem>>) offsets(%arg6 : memref<80xi32, #tpu.memory_space<vmem>>) semaphore(%arg22 : memref<!tpu.dma_semaphore, #tpu.memory_space<semaphore_mem>>)
    %dma_wait3A_160 = arith.constant 0 : i32
    %dma_wait3A_161 = arith.constant 0 : i32
    %dma_wait3A_162 = tpu.memref_slice %arg2[%dma_wait3A_160, %dma_wait3A_161] : memref<10000x128xf32, #tpu.memory_space<hbm>> -> memref<10000x128xf32, #tpu.memory_space<hbm>>
    tpu.wait_indirect_dma semaphore(%arg25 : memref<!tpu.dma_semaphore, #tpu.memory_space<semaphore_mem>>) src(%dma_wait3A_162 : memref<10000x128xf32, #tpu.memory_space<hbm>>) dst(%arg17 : memref<80x128xf32, #tpu.memory_space<vmem>>)
    %dma_start3A_163 = arith.constant 0 : i32
    %dma_start3A_164 = arith.constant 0 : i32
    %dma_start3A_165 = tpu.memref_slice %arg30[%dma_start3A_163, %dma_start3A_164] : memref<10240x128xf32, #tpu.memory_space<vmem_shared>> -> memref<10240x128xf32, #tpu.memory_space<vmem_shared>>
    tpu.enqueue_indirect_dma source(%arg17 : memref<80x128xf32, #tpu.memory_space<vmem>>) target(%dma_start3A_165 : memref<10240x128xf32, #tpu.memory_space<vmem_shared>>) offsets(%arg13 : memref<80xi32, #tpu.memory_space<vmem>>) semaphore(%arg29 : memref<!tpu.dma_semaphore, #tpu.memory_space<semaphore_mem>>) {add = true}
    %dma_wait3A_166 = arith.constant 0 : i32
    %dma_wait3A_167 = arith.constant 0 : i32
    %dma_wait3A_168 = tpu.memref_slice %arg2[%dma_wait3A_166, %dma_wait3A_167] : memref<10000x128xf32, #tpu.memory_space<hbm>> -> memref<10000x128xf32, #tpu.memory_space<hbm>>
    tpu.wait_indirect_dma semaphore(%arg22 : memref<!tpu.dma_semaphore, #tpu.memory_space<semaphore_mem>>) src(%dma_wait3A_168 : memref<10000x128xf32, #tpu.memory_space<hbm>>) dst(%arg14 : memref<80x128xf32, #tpu.memory_space<vmem>>)
    %dma_start3A_169 = arith.constant 0 : i32
    %dma_start3A_170 = arith.constant 0 : i32
    %dma_start3A_171 = tpu.memref_slice %arg30[%dma_start3A_169, %dma_start3A_170] : memref<10240x128xf32, #tpu.memory_space<vmem_shared>> -> memref<10240x128xf32, #tpu.memory_space<vmem_shared>>
    tpu.enqueue_indirect_dma source(%arg14 : memref<80x128xf32, #tpu.memory_space<vmem>>) target(%dma_start3A_171 : memref<10240x128xf32, #tpu.memory_space<vmem_shared>>) offsets(%arg10 : memref<80xi32, #tpu.memory_space<vmem>>) semaphore(%arg26 : memref<!tpu.dma_semaphore, #tpu.memory_space<semaphore_mem>>) {add = true}
    %dma_wait3A_172 = arith.constant 0 : i32
    %dma_wait3A_173 = arith.constant 0 : i32
    %dma_wait3A_174 = tpu.memref_slice %arg30[%dma_wait3A_172, %dma_wait3A_173] : memref<10240x128xf32, #tpu.memory_space<vmem_shared>> -> memref<10240x128xf32, #tpu.memory_space<vmem_shared>>
    tpu.wait_indirect_dma semaphore(%arg27 : memref<!tpu.dma_semaphore, #tpu.memory_space<semaphore_mem>>) src(%arg15 : memref<80x128xf32, #tpu.memory_space<vmem>>) dst(%dma_wait3A_174 : memref<10240x128xf32, #tpu.memory_space<vmem_shared>>)
    %dma_wait3A_175 = arith.constant 0 : i32
    %dma_wait3A_176 = arith.constant 0 : i32
    %dma_wait3A_177 = tpu.memref_slice %arg30[%dma_wait3A_175, %dma_wait3A_176] : memref<10240x128xf32, #tpu.memory_space<vmem_shared>> -> memref<10240x128xf32, #tpu.memory_space<vmem_shared>>
    tpu.wait_indirect_dma semaphore(%arg28 : memref<!tpu.dma_semaphore, #tpu.memory_space<semaphore_mem>>) src(%arg16 : memref<80x128xf32, #tpu.memory_space<vmem>>) dst(%dma_wait3A_177 : memref<10240x128xf32, #tpu.memory_space<vmem_shared>>)
    %dma_wait3A_178 = arith.constant 0 : i32
    %dma_wait3A_179 = arith.constant 0 : i32
    %dma_wait3A_180 = tpu.memref_slice %arg30[%dma_wait3A_178, %dma_wait3A_179] : memref<10240x128xf32, #tpu.memory_space<vmem_shared>> -> memref<10240x128xf32, #tpu.memory_space<vmem_shared>>
    tpu.wait_indirect_dma semaphore(%arg29 : memref<!tpu.dma_semaphore, #tpu.memory_space<semaphore_mem>>) src(%arg17 : memref<80x128xf32, #tpu.memory_space<vmem>>) dst(%dma_wait3A_180 : memref<10240x128xf32, #tpu.memory_space<vmem_shared>>)
    %dma_wait3A_181 = arith.constant 0 : i32
    %dma_wait3A_182 = arith.constant 0 : i32
    %dma_wait3A_183 = tpu.memref_slice %arg30[%dma_wait3A_181, %dma_wait3A_182] : memref<10240x128xf32, #tpu.memory_space<vmem_shared>> -> memref<10240x128xf32, #tpu.memory_space<vmem_shared>>
    tpu.wait_indirect_dma semaphore(%arg26 : memref<!tpu.dma_semaphore, #tpu.memory_space<semaphore_mem>>) src(%arg14 : memref<80x128xf32, #tpu.memory_space<vmem>>) dst(%dma_wait3A_183 : memref<10240x128xf32, #tpu.memory_space<vmem_shared>>)
    %barrier3A_184 = arith.constant 0 : index
    tpu.barrier barrier_id(%barrier3A_184)
    %mul3A_185 = arith.constant 640 : i32
    %mul3A_186 = arith.muli %arg1, %mul3A_185 : i32
    %mul3A_187 = arith.constant 640 : i32
    %mul3A_188 = arith.muli %arg1, %mul3A_187 : i32
    "tpu.region"() ({
      %run_scoped3A = tpu.sem_alloc : memref<!tpu.dma_semaphore, #tpu.memory_space<semaphore_mem>>
      %dma_start3A_189 = arith.constant 0 : i32
      %dma_start3A_190 = tpu.memref_slice %arg5[%arg0, %mul3A_188, %dma_start3A_189] : memref<2x10240x128xf32, #tpu.memory_space<hbm>> -> memref<1x640x128xf32, #tpu.memory_space<hbm>>
      %dma_start3A_191 = tpu.memref_squeeze %dma_start3A_190 : memref<1x640x128xf32, #tpu.memory_space<hbm>> -> memref<640x128xf32, #tpu.memory_space<hbm>>
      %dma_start3A_192 = arith.constant 0 : i32
      %dma_start3A_193 = tpu.memref_slice %arg30[%mul3A_186, %dma_start3A_192] : memref<10240x128xf32, #tpu.memory_space<vmem_shared>> -> memref<640x128xf32, #tpu.memory_space<vmem_shared>>
      tpu.enqueue_dma source(%dma_start3A_193 : memref<640x128xf32, #tpu.memory_space<vmem_shared>>) target(%dma_start3A_191 : memref<640x128xf32, #tpu.memory_space<hbm>>) target_semaphore(%run_scoped3A : memref<!tpu.dma_semaphore, #tpu.memory_space<semaphore_mem>>)
      %dma_wait3A_194 = arith.constant 0 : i32
      %dma_wait3A_195 = tpu.memref_slice %arg5[%arg0, %mul3A_188, %dma_wait3A_194] : memref<2x10240x128xf32, #tpu.memory_space<hbm>> -> memref<1x640x128xf32, #tpu.memory_space<hbm>>
      %dma_wait3A_196 = tpu.memref_squeeze %dma_wait3A_195 : memref<1x640x128xf32, #tpu.memory_space<hbm>> -> memref<640x128xf32, #tpu.memory_space<hbm>>
      %dma_wait3A_197 = arith.constant 0 : i32
      %dma_wait3A_198 = tpu.memref_slice %arg30[%mul3A_186, %dma_wait3A_197] : memref<10240x128xf32, #tpu.memory_space<vmem_shared>> -> memref<640x128xf32, #tpu.memory_space<vmem_shared>>
      tpu.wait_dma2 semaphore(%run_scoped3A : memref<!tpu.dma_semaphore, #tpu.memory_space<semaphore_mem>>) src(%dma_wait3A_198 : memref<640x128xf32, #tpu.memory_space<vmem_shared>>) dst(%dma_wait3A_196 : memref<640x128xf32, #tpu.memory_space<hbm>>)
      tpu.yield
    }) : () -> ()
    return
  }
}

#map = affine_map<(d0, d1) -> (0, 0, 0)>
#map1 = affine_map<(d0, d1) -> (0, 0)>
module attributes {stable_mosaic.version = 14 : i64} {
  func.func @_deg_kernel(%arg0: i32, %arg1: i32, %arg2: memref<32x125x80xi32, #tpu.memory_space<hbm>>, %arg3: memref<32x10240xf32, #tpu.memory_space<hbm>>, %arg4: memref<10240xf32, #tpu.memory_space<vmem>>, %arg5: memref<125x80xi32, #tpu.memory_space<vmem>>) attributes {dimension_semantics = [#tpu.dimension_semantics<core_parallel>, #tpu.dimension_semantics<subcore_parallel>], iteration_bounds = array<i64: 2, 16>, scalar_prefetch = 0 : i64, scratch_operands = 2 : i64, tpu.core_type = #tpu.core_type<sc_vector_subcore>, window_params = [{transform_indices = #map}, {transform_indices = #map1}]} {
    %mul3A = arith.constant 16 : i32
    %mul3A_0 = arith.muli %arg0, %mul3A : i32
    %add3A = arith.addi %mul3A_0, %arg1 : i32
    "tpu.region"() ({
      %run_scoped3A = tpu.sem_alloc : memref<!tpu.dma_semaphore, #tpu.memory_space<semaphore_mem>>
      %dma_start3A = arith.constant 0 : i32
      %dma_start3A_13 = arith.constant 0 : i32
      %dma_start3A_14 = tpu.memref_slice %arg2[%add3A, %dma_start3A, %dma_start3A_13] : memref<32x125x80xi32, #tpu.memory_space<hbm>> -> memref<1x125x80xi32, #tpu.memory_space<hbm>>
      %dma_start3A_15 = tpu.memref_squeeze %dma_start3A_14 : memref<1x125x80xi32, #tpu.memory_space<hbm>> -> memref<125x80xi32, #tpu.memory_space<hbm>>
      %dma_start3A_16 = arith.constant 0 : i32
      %dma_start3A_17 = arith.constant 0 : i32
      %dma_start3A_18 = tpu.memref_slice %arg2[%add3A, %dma_start3A_16, %dma_start3A_17] : memref<32x125x80xi32, #tpu.memory_space<hbm>> -> memref<1x125x80xi32, #tpu.memory_space<hbm>>
      %dma_start3A_19 = tpu.memref_squeeze %dma_start3A_18 : memref<1x125x80xi32, #tpu.memory_space<hbm>> -> memref<125x80xi32, #tpu.memory_space<hbm>>
      tpu.enqueue_dma source(%dma_start3A_19 : memref<125x80xi32, #tpu.memory_space<hbm>>) target(%arg5 : memref<125x80xi32, #tpu.memory_space<vmem>>) target_semaphore(%run_scoped3A : memref<!tpu.dma_semaphore, #tpu.memory_space<semaphore_mem>>)
      %dma_wait3A = arith.constant 0 : i32
      %dma_wait3A_20 = arith.constant 0 : i32
      %dma_wait3A_21 = tpu.memref_slice %arg2[%add3A, %dma_wait3A, %dma_wait3A_20] : memref<32x125x80xi32, #tpu.memory_space<hbm>> -> memref<1x125x80xi32, #tpu.memory_space<hbm>>
      %dma_wait3A_22 = tpu.memref_squeeze %dma_wait3A_21 : memref<1x125x80xi32, #tpu.memory_space<hbm>> -> memref<125x80xi32, #tpu.memory_space<hbm>>
      %dma_wait3A_23 = arith.constant 0 : i32
      %dma_wait3A_24 = arith.constant 0 : i32
      %dma_wait3A_25 = tpu.memref_slice %arg2[%add3A, %dma_wait3A_23, %dma_wait3A_24] : memref<32x125x80xi32, #tpu.memory_space<hbm>> -> memref<1x125x80xi32, #tpu.memory_space<hbm>>
      %dma_wait3A_26 = tpu.memref_squeeze %dma_wait3A_25 : memref<1x125x80xi32, #tpu.memory_space<hbm>> -> memref<125x80xi32, #tpu.memory_space<hbm>>
      tpu.wait_dma2 semaphore(%run_scoped3A : memref<!tpu.dma_semaphore, #tpu.memory_space<semaphore_mem>>) src(%dma_wait3A_26 : memref<125x80xi32, #tpu.memory_space<hbm>>) dst(%arg5 : memref<125x80xi32, #tpu.memory_space<vmem>>)
      tpu.yield
    }) : () -> ()
    %scan3A = arith.constant 0 : i32
    %scan3A_1 = arith.constant 0 : i32
    %scan3A_2 = arith.constant 640 : i32
    %scan3A_3 = arith.addi %scan3A_1, %scan3A_2 : i32
    %scan3A_4 = arith.constant 1 : i32
    scf.for %scan3A_13 = %scan3A_1 to %scan3A_3 step %scan3A_4  : i32 {
      %broadcast_in_dim3A_14 = arith.constant 0.000000e+00 : f32
      %broadcast_in_dim3A_15 = vector.broadcast %broadcast_in_dim3A_14 : f32 to vector<16xf32>
      %mul3A_16 = arith.constant 16 : i32
      %mul3A_17 = arith.muli %scan3A_13, %mul3A_16 : i32
      %swap3A = arith.index_cast %mul3A_17 : i32 to index
      %swap3A_18 = tpu.vector_load %arg4[%swap3A] {strides = array<i32>} : memref<10240xf32, #tpu.memory_space<vmem>>, vector<16xf32>,
      tpu.vector_store %arg4[%swap3A], %broadcast_in_dim3A_15 {strides = array<i32>} : memref<10240xf32, #tpu.memory_space<vmem>>, vector<16xf32>,
    }
    %scan3A_5 = arith.constant 640 : i32
    %broadcast_in_dim3A = arith.constant 1.000000e+00 : f32
    %broadcast_in_dim3A_6 = vector.broadcast %broadcast_in_dim3A : f32 to vector<16xf32>
    %scan3A_7 = arith.constant 0 : i32
    %scan3A_8 = arith.constant 0 : i32
    %scan3A_9 = arith.constant 125 : i32
    %scan3A_10 = arith.addi %scan3A_8, %scan3A_9 : i32
    %scan3A_11 = arith.constant 1 : i32
    scf.for %scan3A_13 = %scan3A_8 to %scan3A_10 step %scan3A_11  : i32 {
      %get3A = arith.index_cast %scan3A_13 : i32 to index
      %get3A_14 = arith.constant 0 : index
      %get3A_15 = tpu.vector_load %arg5[%get3A, %get3A_14] {strides = array<i32>} : memref<125x80xi32, #tpu.memory_space<vmem>>, vector<16xi32>,
      tpu.vector_store_idx %arg4[%get3A_15], %broadcast_in_dim3A_6 {add = true} : memref<10240xf32, #tpu.memory_space<vmem>>[vector<16xi32>], vector<16xf32>,
      %get3A_16 = arith.index_cast %scan3A_13 : i32 to index
      %get3A_17 = arith.constant 16 : index
      %get3A_18 = tpu.vector_load %arg5[%get3A_16, %get3A_17] {strides = array<i32>} : memref<125x80xi32, #tpu.memory_space<vmem>>, vector<16xi32>,
      tpu.vector_store_idx %arg4[%get3A_18], %broadcast_in_dim3A_6 {add = true} : memref<10240xf32, #tpu.memory_space<vmem>>[vector<16xi32>], vector<16xf32>,
      %get3A_19 = arith.index_cast %scan3A_13 : i32 to index
      %get3A_20 = arith.constant 32 : index
      %get3A_21 = tpu.vector_load %arg5[%get3A_19, %get3A_20] {strides = array<i32>} : memref<125x80xi32, #tpu.memory_space<vmem>>, vector<16xi32>,
      tpu.vector_store_idx %arg4[%get3A_21], %broadcast_in_dim3A_6 {add = true} : memref<10240xf32, #tpu.memory_space<vmem>>[vector<16xi32>], vector<16xf32>,
      %get3A_22 = arith.index_cast %scan3A_13 : i32 to index
      %get3A_23 = arith.constant 48 : index
      %get3A_24 = tpu.vector_load %arg5[%get3A_22, %get3A_23] {strides = array<i32>} : memref<125x80xi32, #tpu.memory_space<vmem>>, vector<16xi32>,
      tpu.vector_store_idx %arg4[%get3A_24], %broadcast_in_dim3A_6 {add = true} : memref<10240xf32, #tpu.memory_space<vmem>>[vector<16xi32>], vector<16xf32>,
      %get3A_25 = arith.index_cast %scan3A_13 : i32 to index
      %get3A_26 = arith.constant 64 : index
      %get3A_27 = tpu.vector_load %arg5[%get3A_25, %get3A_26] {strides = array<i32>} : memref<125x80xi32, #tpu.memory_space<vmem>>, vector<16xi32>,
      tpu.vector_store_idx %arg4[%get3A_27], %broadcast_in_dim3A_6 {add = true} : memref<10240xf32, #tpu.memory_space<vmem>>[vector<16xi32>], vector<16xf32>,
    }
    %scan3A_12 = arith.constant 125 : i32
    "tpu.region"() ({
      %run_scoped3A = tpu.sem_alloc : memref<!tpu.dma_semaphore, #tpu.memory_space<semaphore_mem>>
      %dma_start3A = arith.constant 0 : i32
      %dma_start3A_13 = tpu.memref_slice %arg3[%add3A, %dma_start3A] : memref<32x10240xf32, #tpu.memory_space<hbm>> -> memref<1x10240xf32, #tpu.memory_space<hbm>>
      %dma_start3A_14 = tpu.memref_squeeze %dma_start3A_13 : memref<1x10240xf32, #tpu.memory_space<hbm>> -> memref<10240xf32, #tpu.memory_space<hbm>>
      %dma_start3A_15 = arith.constant 0 : i32
      %dma_start3A_16 = tpu.memref_slice %arg3[%add3A, %dma_start3A_15] : memref<32x10240xf32, #tpu.memory_space<hbm>> -> memref<1x10240xf32, #tpu.memory_space<hbm>>
      %dma_start3A_17 = tpu.memref_squeeze %dma_start3A_16 : memref<1x10240xf32, #tpu.memory_space<hbm>> -> memref<10240xf32, #tpu.memory_space<hbm>>
      tpu.enqueue_dma source(%arg4 : memref<10240xf32, #tpu.memory_space<vmem>>) target(%dma_start3A_17 : memref<10240xf32, #tpu.memory_space<hbm>>) target_semaphore(%run_scoped3A : memref<!tpu.dma_semaphore, #tpu.memory_space<semaphore_mem>>)
      %dma_wait3A = arith.constant 0 : i32
      %dma_wait3A_18 = tpu.memref_slice %arg3[%add3A, %dma_wait3A] : memref<32x10240xf32, #tpu.memory_space<hbm>> -> memref<1x10240xf32, #tpu.memory_space<hbm>>
      %dma_wait3A_19 = tpu.memref_squeeze %dma_wait3A_18 : memref<1x10240xf32, #tpu.memory_space<hbm>> -> memref<10240xf32, #tpu.memory_space<hbm>>
      %dma_wait3A_20 = arith.constant 0 : i32
      %dma_wait3A_21 = tpu.memref_slice %arg3[%add3A, %dma_wait3A_20] : memref<32x10240xf32, #tpu.memory_space<hbm>> -> memref<1x10240xf32, #tpu.memory_space<hbm>>
      %dma_wait3A_22 = tpu.memref_squeeze %dma_wait3A_21 : memref<1x10240xf32, #tpu.memory_space<hbm>> -> memref<10240xf32, #tpu.memory_space<hbm>>
      tpu.wait_dma2 semaphore(%run_scoped3A : memref<!tpu.dma_semaphore, #tpu.memory_space<semaphore_mem>>) src(%arg4 : memref<10240xf32, #tpu.memory_space<vmem>>) dst(%dma_wait3A_22 : memref<10240xf32, #tpu.memory_space<hbm>>)
      tpu.yield
    }) : () -> ()
    return
  }
}

#map = affine_map<(d0, d1) -> (0, 0)>
#map1 = affine_map<(d0, d1) -> (0)>
#map2 = affine_map<(d0, d1) -> (0, 0, 0)>
module attributes {stable_mosaic.version = 14 : i64} {
  func.func @_agg_kernel(%arg0: i32, %arg1: i32, %arg2: memref<10000x128xf32, #tpu.memory_space<hbm>>, %arg3: memref<320000xi32, #tpu.memory_space<hbm>>, %arg4: memref<320000xi32, #tpu.memory_space<hbm>>, %arg5: memref<2x10240x128xf32, #tpu.memory_space<hbm>>, %arg6: memref<80xi32, #tpu.memory_space<vmem>>, %arg7: memref<80xi32, #tpu.memory_space<vmem>>, %arg8: memref<80xi32, #tpu.memory_space<vmem>>, %arg9: memref<80xi32, #tpu.memory_space<vmem>>, %arg10: memref<80xi32, #tpu.memory_space<vmem>>, %arg11: memref<80xi32, #tpu.memory_space<vmem>>, %arg12: memref<80xi32, #tpu.memory_space<vmem>>, %arg13: memref<80xi32, #tpu.memory_space<vmem>>, %arg14: memref<80x128xf32, #tpu.memory_space<vmem>>, %arg15: memref<80x128xf32, #tpu.memory_space<vmem>>, %arg16: memref<80x128xf32, #tpu.memory_space<vmem>>, %arg17: memref<80x128xf32, #tpu.memory_space<vmem>>, %arg18: memref<!tpu.dma_semaphore, #tpu.memory_space<semaphore_mem>>, %arg19: memref<!tpu.dma_semaphore, #tpu.memory_space<semaphore_mem>>, %arg20: memref<!tpu.dma_semaphore, #tpu.memory_space<semaphore_mem>>, %arg21: memref<!tpu.dma_semaphore, #tpu.memory_space<semaphore_mem>>, %arg22: memref<!tpu.dma_semaphore, #tpu.memory_space<semaphore_mem>>, %arg23: memref<!tpu.dma_semaphore, #tpu.memory_space<semaphore_mem>>, %arg24: memref<!tpu.dma_semaphore, #tpu.memory_space<semaphore_mem>>, %arg25: memref<!tpu.dma_semaphore, #tpu.memory_space<semaphore_mem>>, %arg26: memref<!tpu.dma_semaphore, #tpu.memory_space<semaphore_mem>>, %arg27: memref<!tpu.dma_semaphore, #tpu.memory_space<semaphore_mem>>, %arg28: memref<!tpu.dma_semaphore, #tpu.memory_space<semaphore_mem>>, %arg29: memref<!tpu.dma_semaphore, #tpu.memory_space<semaphore_mem>>, %arg30: memref<10240x128xf32, #tpu.memory_space<vmem_shared>>) attributes {dimension_semantics = [#tpu.dimension_semantics<core_parallel>, #tpu.dimension_semantics<subcore_parallel>], iteration_bounds = array<i64: 2, 16>, scalar_prefetch = 0 : i64, scratch_operands = 25 : i64, tpu.core_type = #tpu.core_type<sc_vector_subcore>, window_params = [{transform_indices = #map}, {transform_indices = #map1}, {transform_indices = #map1}, {transform_indices = #map2}]} {
    %mul3A = arith.constant 16 : i32
    %mul3A_0 = arith.muli %arg0, %mul3A : i32
    %add3A = arith.addi %mul3A_0, %arg1 : i32
    %mul3A_1 = arith.constant 10000 : i32
    %mul3A_2 = arith.muli %add3A, %mul3A_1 : i32
    %scan3A = arith.constant 0 : i32
    %scan3A_3 = arith.constant 0 : i32
    %scan3A_4 = arith.constant 80 : i32
    %scan3A_5 = arith.addi %scan3A_3, %scan3A_4 : i32
    %scan3A_6 = arith.constant 1 : i32
    scf.for %scan3A_189 = %scan3A_3 to %scan3A_5 step %scan3A_6  : i32 {
      %broadcast_in_dim3A = arith.constant 0.000000e+00 : f32
      %broadcast_in_dim3A_190 = vector.broadcast %broadcast_in_dim3A : f32 to vector<16xf32>
      %swap3A = arith.index_cast %scan3A_189 : i32 to index
      %swap3A_191 = arith.constant 0 : index
      %swap3A_192 = tpu.vector_load %arg14[%swap3A, %swap3A_191] {strides = array<i32>} : memref<80x128xf32, #tpu.memory_space<vmem>>, vector<1x16xf32>,
      %swap3A_193 = vector.shape_cast %swap3A_192 : vector<1x16xf32> to vector<16xf32>
      %swap3A_194 = vector.shape_cast %broadcast_in_dim3A_190 : vector<16xf32> to vector<1x16xf32>
      tpu.vector_store %arg14[%swap3A, %swap3A_191], %swap3A_194 {strides = array<i32>} : memref<80x128xf32, #tpu.memory_space<vmem>>, vector<1x16xf32>,
      %broadcast_in_dim3A_195 = arith.constant 0.000000e+00 : f32
      %broadcast_in_dim3A_196 = vector.broadcast %broadcast_in_dim3A_195 : f32 to vector<16xf32>
      %swap3A_197 = arith.index_cast %scan3A_189 : i32 to index
      %swap3A_198 = arith.constant 16 : index
      %swap3A_199 = tpu.vector_load %arg14[%swap3A_197, %swap3A_198] {strides = array<i32>} : memref<80x128xf32, #tpu.memory_space<vmem>>, vector<1x16xf32>,
      %swap3A_200 = vector.shape_cast %swap3A_199 : vector<1x16xf32> to vector<16xf32>
      %swap3A_201 = vector.shape_cast %broadcast_in_dim3A_196 : vector<16xf32> to vector<1x16xf32>
      tpu.vector_store %arg14[%swap3A_197, %swap3A_198], %swap3A_201 {strides = array<i32>} : memref<80x128xf32, #tpu.memory_space<vmem>>, vector<1x16xf32>,
      %broadcast_in_dim3A_202 = arith.constant 0.000000e+00 : f32
      %broadcast_in_dim3A_203 = vector.broadcast %broadcast_in_dim3A_202 : f32 to vector<16xf32>
      %swap3A_204 = arith.index_cast %scan3A_189 : i32 to index
      %swap3A_205 = arith.constant 32 : index
      %swap3A_206 = tpu.vector_load %arg14[%swap3A_204, %swap3A_205] {strides = array<i32>} : memref<80x128xf32, #tpu.memory_space<vmem>>, vector<1x16xf32>,
      %swap3A_207 = vector.shape_cast %swap3A_206 : vector<1x16xf32> to vector<16xf32>
      %swap3A_208 = vector.shape_cast %broadcast_in_dim3A_203 : vector<16xf32> to vector<1x16xf32>
      tpu.vector_store %arg14[%swap3A_204, %swap3A_205], %swap3A_208 {strides = array<i32>} : memref<80x128xf32, #tpu.memory_space<vmem>>, vector<1x16xf32>,
      %broadcast_in_dim3A_209 = arith.constant 0.000000e+00 : f32
      %broadcast_in_dim3A_210 = vector.broadcast %broadcast_in_dim3A_209 : f32 to vector<16xf32>
      %swap3A_211 = arith.index_cast %scan3A_189 : i32 to index
      %swap3A_212 = arith.constant 48 : index
      %swap3A_213 = tpu.vector_load %arg14[%swap3A_211, %swap3A_212] {strides = array<i32>} : memref<80x128xf32, #tpu.memory_space<vmem>>, vector<1x16xf32>,
      %swap3A_214 = vector.shape_cast %swap3A_213 : vector<1x16xf32> to vector<16xf32>
      %swap3A_215 = vector.shape_cast %broadcast_in_dim3A_210 : vector<16xf32> to vector<1x16xf32>
      tpu.vector_store %arg14[%swap3A_211, %swap3A_212], %swap3A_215 {strides = array<i32>} : memref<80x128xf32, #tpu.memory_space<vmem>>, vector<1x16xf32>,
      %broadcast_in_dim3A_216 = arith.constant 0.000000e+00 : f32
      %broadcast_in_dim3A_217 = vector.broadcast %broadcast_in_dim3A_216 : f32 to vector<16xf32>
      %swap3A_218 = arith.index_cast %scan3A_189 : i32 to index
      %swap3A_219 = arith.constant 64 : index
      %swap3A_220 = tpu.vector_load %arg14[%swap3A_218, %swap3A_219] {strides = array<i32>} : memref<80x128xf32, #tpu.memory_space<vmem>>, vector<1x16xf32>,
      %swap3A_221 = vector.shape_cast %swap3A_220 : vector<1x16xf32> to vector<16xf32>
      %swap3A_222 = vector.shape_cast %broadcast_in_dim3A_217 : vector<16xf32> to vector<1x16xf32>
      tpu.vector_store %arg14[%swap3A_218, %swap3A_219], %swap3A_222 {strides = array<i32>} : memref<80x128xf32, #tpu.memory_space<vmem>>, vector<1x16xf32>,
      %broadcast_in_dim3A_223 = arith.constant 0.000000e+00 : f32
      %broadcast_in_dim3A_224 = vector.broadcast %broadcast_in_dim3A_223 : f32 to vector<16xf32>
      %swap3A_225 = arith.index_cast %scan3A_189 : i32 to index
      %swap3A_226 = arith.constant 80 : index
      %swap3A_227 = tpu.vector_load %arg14[%swap3A_225, %swap3A_226] {strides = array<i32>} : memref<80x128xf32, #tpu.memory_space<vmem>>, vector<1x16xf32>,
      %swap3A_228 = vector.shape_cast %swap3A_227 : vector<1x16xf32> to vector<16xf32>
      %swap3A_229 = vector.shape_cast %broadcast_in_dim3A_224 : vector<16xf32> to vector<1x16xf32>
      tpu.vector_store %arg14[%swap3A_225, %swap3A_226], %swap3A_229 {strides = array<i32>} : memref<80x128xf32, #tpu.memory_space<vmem>>, vector<1x16xf32>,
      %broadcast_in_dim3A_230 = arith.constant 0.000000e+00 : f32
      %broadcast_in_dim3A_231 = vector.broadcast %broadcast_in_dim3A_230 : f32 to vector<16xf32>
      %swap3A_232 = arith.index_cast %scan3A_189 : i32 to index
      %swap3A_233 = arith.constant 96 : index
      %swap3A_234 = tpu.vector_load %arg14[%swap3A_232, %swap3A_233] {strides = array<i32>} : memref<80x128xf32, #tpu.memory_space<vmem>>, vector<1x16xf32>,
      %swap3A_235 = vector.shape_cast %swap3A_234 : vector<1x16xf32> to vector<16xf32>
      %swap3A_236 = vector.shape_cast %broadcast_in_dim3A_231 : vector<16xf32> to vector<1x16xf32>
      tpu.vector_store %arg14[%swap3A_232, %swap3A_233], %swap3A_236 {strides = array<i32>} : memref<80x128xf32, #tpu.memory_space<vmem>>, vector<1x16xf32>,
      %broadcast_in_dim3A_237 = arith.constant 0.000000e+00 : f32
      %broadcast_in_dim3A_238 = vector.broadcast %broadcast_in_dim3A_237 : f32 to vector<16xf32>
      %swap3A_239 = arith.index_cast %scan3A_189 : i32 to index
      %swap3A_240 = arith.constant 112 : index
      %swap3A_241 = tpu.vector_load %arg14[%swap3A_239, %swap3A_240] {strides = array<i32>} : memref<80x128xf32, #tpu.memory_space<vmem>>, vector<1x16xf32>,
      %swap3A_242 = vector.shape_cast %swap3A_241 : vector<1x16xf32> to vector<16xf32>
      %swap3A_243 = vector.shape_cast %broadcast_in_dim3A_238 : vector<16xf32> to vector<1x16xf32>
      tpu.vector_store %arg14[%swap3A_239, %swap3A_240], %swap3A_243 {strides = array<i32>} : memref<80x128xf32, #tpu.memory_space<vmem>>, vector<1x16xf32>,
    }
    %scan3A_7 = arith.constant 80 : i32
    %mul3A_8 = arith.constant 640 : i32
    %mul3A_9 = arith.muli %arg1, %mul3A_8 : i32
    %add3A_10 = arith.constant 0 : i32
    %add3A_11 = arith.addi %mul3A_9, %add3A_10 : i32
    "tpu.region"() ({
      %run_scoped3A = tpu.sem_alloc : memref<!tpu.dma_semaphore, #tpu.memory_space<semaphore_mem>>
      %dma_start3A_189 = arith.constant 0 : i32
      %dma_start3A_190 = tpu.memref_slice %arg30[%add3A_11, %dma_start3A_189] : memref<10240x128xf32, #tpu.memory_space<vmem_shared>> -> memref<80x128xf32, #tpu.memory_space<vmem_shared>>
      %dma_start3A_191 = arith.constant 0 : i32
      %dma_start3A_192 = tpu.memref_slice %arg30[%add3A_11, %dma_start3A_191] : memref<10240x128xf32, #tpu.memory_space<vmem_shared>> -> memref<80x128xf32, #tpu.memory_space<vmem_shared>>
      tpu.enqueue_dma source(%arg14 : memref<80x128xf32, #tpu.memory_space<vmem>>) target(%dma_start3A_192 : memref<80x128xf32, #tpu.memory_space<vmem_shared>>) target_semaphore(%run_scoped3A : memref<!tpu.dma_semaphore, #tpu.memory_space<semaphore_mem>>)
      %dma_wait3A_193 = arith.constant 0 : i32
      %dma_wait3A_194 = tpu.memref_slice %arg30[%add3A_11, %dma_wait3A_193] : memref<10240x128xf32, #tpu.memory_space<vmem_shared>> -> memref<80x128xf32, #tpu.memory_space<vmem_shared>>
      %dma_wait3A_195 = arith.constant 0 : i32
      %dma_wait3A_196 = tpu.memref_slice %arg30[%add3A_11, %dma_wait3A_195] : memref<10240x128xf32, #tpu.memory_space<vmem_shared>> -> memref<80x128xf32, #tpu.memory_space<vmem_shared>>
      tpu.wait_dma2 semaphore(%run_scoped3A : memref<!tpu.dma_semaphore, #tpu.memory_space<semaphore_mem>>) src(%arg14 : memref<80x128xf32, #tpu.memory_space<vmem>>) dst(%dma_wait3A_196 : memref<80x128xf32, #tpu.memory_space<vmem_shared>>)
      tpu.yield
    }) : () -> ()
    %mul3A_12 = arith.constant 640 : i32
    %mul3A_13 = arith.muli %arg1, %mul3A_12 : i32
    %add3A_14 = arith.constant 80 : i32
    %add3A_15 = arith.addi %mul3A_13, %add3A_14 : i32
    "tpu.region"() ({
      %run_scoped3A = tpu.sem_alloc : memref<!tpu.dma_semaphore, #tpu.memory_space<semaphore_mem>>
      %dma_start3A_189 = arith.constant 0 : i32
      %dma_start3A_190 = tpu.memref_slice %arg30[%add3A_15, %dma_start3A_189] : memref<10240x128xf32, #tpu.memory_space<vmem_shared>> -> memref<80x128xf32, #tpu.memory_space<vmem_shared>>
      %dma_start3A_191 = arith.constant 0 : i32
      %dma_start3A_192 = tpu.memref_slice %arg30[%add3A_15, %dma_start3A_191] : memref<10240x128xf32, #tpu.memory_space<vmem_shared>> -> memref<80x128xf32, #tpu.memory_space<vmem_shared>>
      tpu.enqueue_dma source(%arg14 : memref<80x128xf32, #tpu.memory_space<vmem>>) target(%dma_start3A_192 : memref<80x128xf32, #tpu.memory_space<vmem_shared>>) target_semaphore(%run_scoped3A : memref<!tpu.dma_semaphore, #tpu.memory_space<semaphore_mem>>)
      %dma_wait3A_193 = arith.constant 0 : i32
      %dma_wait3A_194 = tpu.memref_slice %arg30[%add3A_15, %dma_wait3A_193] : memref<10240x128xf32, #tpu.memory_space<vmem_shared>> -> memref<80x128xf32, #tpu.memory_space<vmem_shared>>
      %dma_wait3A_195 = arith.constant 0 : i32
      %dma_wait3A_196 = tpu.memref_slice %arg30[%add3A_15, %dma_wait3A_195] : memref<10240x128xf32, #tpu.memory_space<vmem_shared>> -> memref<80x128xf32, #tpu.memory_space<vmem_shared>>
      tpu.wait_dma2 semaphore(%run_scoped3A : memref<!tpu.dma_semaphore, #tpu.memory_space<semaphore_mem>>) src(%arg14 : memref<80x128xf32, #tpu.memory_space<vmem>>) dst(%dma_wait3A_196 : memref<80x128xf32, #tpu.memory_space<vmem_shared>>)
      tpu.yield
    }) : () -> ()
    %mul3A_16 = arith.constant 640 : i32
    %mul3A_17 = arith.muli %arg1, %mul3A_16 : i32
    %add3A_18 = arith.constant 160 : i32
    %add3A_19 = arith.addi %mul3A_17, %add3A_18 : i32
    "tpu.region"() ({
      %run_scoped3A = tpu.sem_alloc : memref<!tpu.dma_semaphore, #tpu.memory_space<semaphore_mem>>
      %dma_start3A_189 = arith.constant 0 : i32
      %dma_start3A_190 = tpu.memref_slice %arg30[%add3A_19, %dma_start3A_189] : memref<10240x128xf32, #tpu.memory_space<vmem_shared>> -> memref<80x128xf32, #tpu.memory_space<vmem_shared>>
      %dma_start3A_191 = arith.constant 0 : i32
      %dma_start3A_192 = tpu.memref_slice %arg30[%add3A_19, %dma_start3A_191] : memref<10240x128xf32, #tpu.memory_space<vmem_shared>> -> memref<80x128xf32, #tpu.memory_space<vmem_shared>>
      tpu.enqueue_dma source(%arg14 : memref<80x128xf32, #tpu.memory_space<vmem>>) target(%dma_start3A_192 : memref<80x128xf32, #tpu.memory_space<vmem_shared>>) target_semaphore(%run_scoped3A : memref<!tpu.dma_semaphore, #tpu.memory_space<semaphore_mem>>)
      %dma_wait3A_193 = arith.constant 0 : i32
      %dma_wait3A_194 = tpu.memref_slice %arg30[%add3A_19, %dma_wait3A_193] : memref<10240x128xf32, #tpu.memory_space<vmem_shared>> -> memref<80x128xf32, #tpu.memory_space<vmem_shared>>
      %dma_wait3A_195 = arith.constant 0 : i32
      %dma_wait3A_196 = tpu.memref_slice %arg30[%add3A_19, %dma_wait3A_195] : memref<10240x128xf32, #tpu.memory_space<vmem_shared>> -> memref<80x128xf32, #tpu.memory_space<vmem_shared>>
      tpu.wait_dma2 semaphore(%run_scoped3A : memref<!tpu.dma_semaphore, #tpu.memory_space<semaphore_mem>>) src(%arg14 : memref<80x128xf32, #tpu.memory_space<vmem>>) dst(%dma_wait3A_196 : memref<80x128xf32, #tpu.memory_space<vmem_shared>>)
      tpu.yield
    }) : () -> ()
    %mul3A_20 = arith.constant 640 : i32
    %mul3A_21 = arith.muli %arg1, %mul3A_20 : i32
    %add3A_22 = arith.constant 240 : i32
    %add3A_23 = arith.addi %mul3A_21, %add3A_22 : i32
    "tpu.region"() ({
      %run_scoped3A = tpu.sem_alloc : memref<!tpu.dma_semaphore, #tpu.memory_space<semaphore_mem>>
      %dma_start3A_189 = arith.constant 0 : i32
      %dma_start3A_190 = tpu.memref_slice %arg30[%add3A_23, %dma_start3A_189] : memref<10240x128xf32, #tpu.memory_space<vmem_shared>> -> memref<80x128xf32, #tpu.memory_space<vmem_shared>>
      %dma_start3A_191 = arith.constant 0 : i32
      %dma_start3A_192 = tpu.memref_slice %arg30[%add3A_23, %dma_start3A_191] : memref<10240x128xf32, #tpu.memory_space<vmem_shared>> -> memref<80x128xf32, #tpu.memory_space<vmem_shared>>
      tpu.enqueue_dma source(%arg14 : memref<80x128xf32, #tpu.memory_space<vmem>>) target(%dma_start3A_192 : memref<80x128xf32, #tpu.memory_space<vmem_shared>>) target_semaphore(%run_scoped3A : memref<!tpu.dma_semaphore, #tpu.memory_space<semaphore_mem>>)
      %dma_wait3A_193 = arith.constant 0 : i32
      %dma_wait3A_194 = tpu.memref_slice %arg30[%add3A_23, %dma_wait3A_193] : memref<10240x128xf32, #tpu.memory_space<vmem_shared>> -> memref<80x128xf32, #tpu.memory_space<vmem_shared>>
      %dma_wait3A_195 = arith.constant 0 : i32
      %dma_wait3A_196 = tpu.memref_slice %arg30[%add3A_23, %dma_wait3A_195] : memref<10240x128xf32, #tpu.memory_space<vmem_shared>> -> memref<80x128xf32, #tpu.memory_space<vmem_shared>>
      tpu.wait_dma2 semaphore(%run_scoped3A : memref<!tpu.dma_semaphore, #tpu.memory_space<semaphore_mem>>) src(%arg14 : memref<80x128xf32, #tpu.memory_space<vmem>>) dst(%dma_wait3A_196 : memref<80x128xf32, #tpu.memory_space<vmem_shared>>)
      tpu.yield
    }) : () -> ()
    %mul3A_24 = arith.constant 640 : i32
    %mul3A_25 = arith.muli %arg1, %mul3A_24 : i32
    %add3A_26 = arith.constant 320 : i32
    %add3A_27 = arith.addi %mul3A_25, %add3A_26 : i32
    "tpu.region"() ({
      %run_scoped3A = tpu.sem_alloc : memref<!tpu.dma_semaphore, #tpu.memory_space<semaphore_mem>>
      %dma_start3A_189 = arith.constant 0 : i32
      %dma_start3A_190 = tpu.memref_slice %arg30[%add3A_27, %dma_start3A_189] : memref<10240x128xf32, #tpu.memory_space<vmem_shared>> -> memref<80x128xf32, #tpu.memory_space<vmem_shared>>
      %dma_start3A_191 = arith.constant 0 : i32
      %dma_start3A_192 = tpu.memref_slice %arg30[%add3A_27, %dma_start3A_191] : memref<10240x128xf32, #tpu.memory_space<vmem_shared>> -> memref<80x128xf32, #tpu.memory_space<vmem_shared>>
      tpu.enqueue_dma source(%arg14 : memref<80x128xf32, #tpu.memory_space<vmem>>) target(%dma_start3A_192 : memref<80x128xf32, #tpu.memory_space<vmem_shared>>) target_semaphore(%run_scoped3A : memref<!tpu.dma_semaphore, #tpu.memory_space<semaphore_mem>>)
      %dma_wait3A_193 = arith.constant 0 : i32
      %dma_wait3A_194 = tpu.memref_slice %arg30[%add3A_27, %dma_wait3A_193] : memref<10240x128xf32, #tpu.memory_space<vmem_shared>> -> memref<80x128xf32, #tpu.memory_space<vmem_shared>>
      %dma_wait3A_195 = arith.constant 0 : i32
      %dma_wait3A_196 = tpu.memref_slice %arg30[%add3A_27, %dma_wait3A_195] : memref<10240x128xf32, #tpu.memory_space<vmem_shared>> -> memref<80x128xf32, #tpu.memory_space<vmem_shared>>
      tpu.wait_dma2 semaphore(%run_scoped3A : memref<!tpu.dma_semaphore, #tpu.memory_space<semaphore_mem>>) src(%arg14 : memref<80x128xf32, #tpu.memory_space<vmem>>) dst(%dma_wait3A_196 : memref<80x128xf32, #tpu.memory_space<vmem_shared>>)
      tpu.yield
    }) : () -> ()
    %mul3A_28 = arith.constant 640 : i32
    %mul3A_29 = arith.muli %arg1, %mul3A_28 : i32
    %add3A_30 = arith.constant 400 : i32
    %add3A_31 = arith.addi %mul3A_29, %add3A_30 : i32
    "tpu.region"() ({
      %run_scoped3A = tpu.sem_alloc : memref<!tpu.dma_semaphore, #tpu.memory_space<semaphore_mem>>
      %dma_start3A_189 = arith.constant 0 : i32
      %dma_start3A_190 = tpu.memref_slice %arg30[%add3A_31, %dma_start3A_189] : memref<10240x128xf32, #tpu.memory_space<vmem_shared>> -> memref<80x128xf32, #tpu.memory_space<vmem_shared>>
      %dma_start3A_191 = arith.constant 0 : i32
      %dma_start3A_192 = tpu.memref_slice %arg30[%add3A_31, %dma_start3A_191] : memref<10240x128xf32, #tpu.memory_space<vmem_shared>> -> memref<80x128xf32, #tpu.memory_space<vmem_shared>>
      tpu.enqueue_dma source(%arg14 : memref<80x128xf32, #tpu.memory_space<vmem>>) target(%dma_start3A_192 : memref<80x128xf32, #tpu.memory_space<vmem_shared>>) target_semaphore(%run_scoped3A : memref<!tpu.dma_semaphore, #tpu.memory_space<semaphore_mem>>)
      %dma_wait3A_193 = arith.constant 0 : i32
      %dma_wait3A_194 = tpu.memref_slice %arg30[%add3A_31, %dma_wait3A_193] : memref<10240x128xf32, #tpu.memory_space<vmem_shared>> -> memref<80x128xf32, #tpu.memory_space<vmem_shared>>
      %dma_wait3A_195 = arith.constant 0 : i32
      %dma_wait3A_196 = tpu.memref_slice %arg30[%add3A_31, %dma_wait3A_195] : memref<10240x128xf32, #tpu.memory_space<vmem_shared>> -> memref<80x128xf32, #tpu.memory_space<vmem_shared>>
      tpu.wait_dma2 semaphore(%run_scoped3A : memref<!tpu.dma_semaphore, #tpu.memory_space<semaphore_mem>>) src(%arg14 : memref<80x128xf32, #tpu.memory_space<vmem>>) dst(%dma_wait3A_196 : memref<80x128xf32, #tpu.memory_space<vmem_shared>>)
      tpu.yield
    }) : () -> ()
    %mul3A_32 = arith.constant 640 : i32
    %mul3A_33 = arith.muli %arg1, %mul3A_32 : i32
    %add3A_34 = arith.constant 480 : i32
    %add3A_35 = arith.addi %mul3A_33, %add3A_34 : i32
    "tpu.region"() ({
      %run_scoped3A = tpu.sem_alloc : memref<!tpu.dma_semaphore, #tpu.memory_space<semaphore_mem>>
      %dma_start3A_189 = arith.constant 0 : i32
      %dma_start3A_190 = tpu.memref_slice %arg30[%add3A_35, %dma_start3A_189] : memref<10240x128xf32, #tpu.memory_space<vmem_shared>> -> memref<80x128xf32, #tpu.memory_space<vmem_shared>>
      %dma_start3A_191 = arith.constant 0 : i32
      %dma_start3A_192 = tpu.memref_slice %arg30[%add3A_35, %dma_start3A_191] : memref<10240x128xf32, #tpu.memory_space<vmem_shared>> -> memref<80x128xf32, #tpu.memory_space<vmem_shared>>
      tpu.enqueue_dma source(%arg14 : memref<80x128xf32, #tpu.memory_space<vmem>>) target(%dma_start3A_192 : memref<80x128xf32, #tpu.memory_space<vmem_shared>>) target_semaphore(%run_scoped3A : memref<!tpu.dma_semaphore, #tpu.memory_space<semaphore_mem>>)
      %dma_wait3A_193 = arith.constant 0 : i32
      %dma_wait3A_194 = tpu.memref_slice %arg30[%add3A_35, %dma_wait3A_193] : memref<10240x128xf32, #tpu.memory_space<vmem_shared>> -> memref<80x128xf32, #tpu.memory_space<vmem_shared>>
      %dma_wait3A_195 = arith.constant 0 : i32
      %dma_wait3A_196 = tpu.memref_slice %arg30[%add3A_35, %dma_wait3A_195] : memref<10240x128xf32, #tpu.memory_space<vmem_shared>> -> memref<80x128xf32, #tpu.memory_space<vmem_shared>>
      tpu.wait_dma2 semaphore(%run_scoped3A : memref<!tpu.dma_semaphore, #tpu.memory_space<semaphore_mem>>) src(%arg14 : memref<80x128xf32, #tpu.memory_space<vmem>>) dst(%dma_wait3A_196 : memref<80x128xf32, #tpu.memory_space<vmem_shared>>)
      tpu.yield
    }) : () -> ()
    %mul3A_36 = arith.constant 640 : i32
    %mul3A_37 = arith.muli %arg1, %mul3A_36 : i32
    %add3A_38 = arith.constant 560 : i32
    %add3A_39 = arith.addi %mul3A_37, %add3A_38 : i32
    "tpu.region"() ({
      %run_scoped3A = tpu.sem_alloc : memref<!tpu.dma_semaphore, #tpu.memory_space<semaphore_mem>>
      %dma_start3A_189 = arith.constant 0 : i32
      %dma_start3A_190 = tpu.memref_slice %arg30[%add3A_39, %dma_start3A_189] : memref<10240x128xf32, #tpu.memory_space<vmem_shared>> -> memref<80x128xf32, #tpu.memory_space<vmem_shared>>
      %dma_start3A_191 = arith.constant 0 : i32
      %dma_start3A_192 = tpu.memref_slice %arg30[%add3A_39, %dma_start3A_191] : memref<10240x128xf32, #tpu.memory_space<vmem_shared>> -> memref<80x128xf32, #tpu.memory_space<vmem_shared>>
      tpu.enqueue_dma source(%arg14 : memref<80x128xf32, #tpu.memory_space<vmem>>) target(%dma_start3A_192 : memref<80x128xf32, #tpu.memory_space<vmem_shared>>) target_semaphore(%run_scoped3A : memref<!tpu.dma_semaphore, #tpu.memory_space<semaphore_mem>>)
      %dma_wait3A_193 = arith.constant 0 : i32
      %dma_wait3A_194 = tpu.memref_slice %arg30[%add3A_39, %dma_wait3A_193] : memref<10240x128xf32, #tpu.memory_space<vmem_shared>> -> memref<80x128xf32, #tpu.memory_space<vmem_shared>>
      %dma_wait3A_195 = arith.constant 0 : i32
      %dma_wait3A_196 = tpu.memref_slice %arg30[%add3A_39, %dma_wait3A_195] : memref<10240x128xf32, #tpu.memory_space<vmem_shared>> -> memref<80x128xf32, #tpu.memory_space<vmem_shared>>
      tpu.wait_dma2 semaphore(%run_scoped3A : memref<!tpu.dma_semaphore, #tpu.memory_space<semaphore_mem>>) src(%arg14 : memref<80x128xf32, #tpu.memory_space<vmem>>) dst(%dma_wait3A_196 : memref<80x128xf32, #tpu.memory_space<vmem_shared>>)
      tpu.yield
    }) : () -> ()
    %barrier3A = arith.constant 0 : index
    tpu.barrier barrier_id(%barrier3A)
    %add3A_40 = arith.constant 0 : i32
    %add3A_41 = arith.addi %mul3A_2, %add3A_40 : i32
    %dma_start3A = tpu.memref_slice %arg3[%add3A_41] : memref<320000xi32, #tpu.memory_space<hbm>> -> memref<80xi32, #tpu.memory_space<hbm>>
    %dma_start3A_42 = tpu.memref_slice %arg3[%add3A_41] : memref<320000xi32, #tpu.memory_space<hbm>> -> memref<80xi32, #tpu.memory_space<hbm>>
    tpu.enqueue_dma source(%dma_start3A_42 : memref<80xi32, #tpu.memory_space<hbm>>) target(%arg6 : memref<80xi32, #tpu.memory_space<vmem>>) target_semaphore(%arg18 : memref<!tpu.dma_semaphore, #tpu.memory_space<semaphore_mem>>)
    %add3A_43 = arith.constant 0 : i32
    %add3A_44 = arith.addi %mul3A_2, %add3A_43 : i32
    %dma_start3A_45 = tpu.memref_slice %arg4[%add3A_44] : memref<320000xi32, #tpu.memory_space<hbm>> -> memref<80xi32, #tpu.memory_space<hbm>>
    %dma_start3A_46 = tpu.memref_slice %arg4[%add3A_44] : memref<320000xi32, #tpu.memory_space<hbm>> -> memref<80xi32, #tpu.memory_space<hbm>>
    tpu.enqueue_dma source(%dma_start3A_46 : memref<80xi32, #tpu.memory_space<hbm>>) target(%arg10 : memref<80xi32, #tpu.memory_space<vmem>>) target_semaphore(%arg18 : memref<!tpu.dma_semaphore, #tpu.memory_space<semaphore_mem>>)
    %add3A_47 = arith.constant 80 : i32
    %add3A_48 = arith.addi %mul3A_2, %add3A_47 : i32
    %dma_start3A_49 = tpu.memref_slice %arg3[%add3A_48] : memref<320000xi32, #tpu.memory_space<hbm>> -> memref<80xi32, #tpu.memory_space<hbm>>
    %dma_start3A_50 = tpu.memref_slice %arg3[%add3A_48] : memref<320000xi32, #tpu.memory_space<hbm>> -> memref<80xi32, #tpu.memory_space<hbm>>
    tpu.enqueue_dma source(%dma_start3A_50 : memref<80xi32, #tpu.memory_space<hbm>>) target(%arg7 : memref<80xi32, #tpu.memory_space<vmem>>) target_semaphore(%arg19 : memref<!tpu.dma_semaphore, #tpu.memory_space<semaphore_mem>>)
    %add3A_51 = arith.constant 80 : i32
    %add3A_52 = arith.addi %mul3A_2, %add3A_51 : i32
    %dma_start3A_53 = tpu.memref_slice %arg4[%add3A_52] : memref<320000xi32, #tpu.memory_space<hbm>> -> memref<80xi32, #tpu.memory_space<hbm>>
    %dma_start3A_54 = tpu.memref_slice %arg4[%add3A_52] : memref<320000xi32, #tpu.memory_space<hbm>> -> memref<80xi32, #tpu.memory_space<hbm>>
    tpu.enqueue_dma source(%dma_start3A_54 : memref<80xi32, #tpu.memory_space<hbm>>) target(%arg11 : memref<80xi32, #tpu.memory_space<vmem>>) target_semaphore(%arg19 : memref<!tpu.dma_semaphore, #tpu.memory_space<semaphore_mem>>)
    %add3A_55 = arith.constant 0 : i32
    %add3A_56 = arith.addi %mul3A_2, %add3A_55 : i32
    %dma_wait3A = tpu.memref_slice %arg3[%add3A_56] : memref<320000xi32, #tpu.memory_space<hbm>> -> memref<80xi32, #tpu.memory_space<hbm>>
    %dma_wait3A_57 = tpu.memref_slice %arg3[%add3A_56] : memref<320000xi32, #tpu.memory_space<hbm>> -> memref<80xi32, #tpu.memory_space<hbm>>
    tpu.wait_dma2 semaphore(%arg18 : memref<!tpu.dma_semaphore, #tpu.memory_space<semaphore_mem>>) src(%dma_wait3A_57 : memref<80xi32, #tpu.memory_space<hbm>>) dst(%arg6 : memref<80xi32, #tpu.memory_space<vmem>>)
    %add3A_58 = arith.constant 0 : i32
    %add3A_59 = arith.addi %mul3A_2, %add3A_58 : i32
    %dma_wait3A_60 = tpu.memref_slice %arg4[%add3A_59] : memref<320000xi32, #tpu.memory_space<hbm>> -> memref<80xi32, #tpu.memory_space<hbm>>
    %dma_wait3A_61 = tpu.memref_slice %arg4[%add3A_59] : memref<320000xi32, #tpu.memory_space<hbm>> -> memref<80xi32, #tpu.memory_space<hbm>>
    tpu.wait_dma2 semaphore(%arg18 : memref<!tpu.dma_semaphore, #tpu.memory_space<semaphore_mem>>) src(%dma_wait3A_61 : memref<80xi32, #tpu.memory_space<hbm>>) dst(%arg10 : memref<80xi32, #tpu.memory_space<vmem>>)
    %dma_start3A_62 = arith.constant 0 : i32
    %dma_start3A_63 = arith.constant 0 : i32
    %dma_start3A_64 = tpu.memref_slice %arg2[%dma_start3A_62, %dma_start3A_63] : memref<10000x128xf32, #tpu.memory_space<hbm>> -> memref<10000x128xf32, #tpu.memory_space<hbm>>
    tpu.enqueue_indirect_dma source(%dma_start3A_64 : memref<10000x128xf32, #tpu.memory_space<hbm>>) target(%arg14 : memref<80x128xf32, #tpu.memory_space<vmem>>) offsets(%arg6 : memref<80xi32, #tpu.memory_space<vmem>>) semaphore(%arg22 : memref<!tpu.dma_semaphore, #tpu.memory_space<semaphore_mem>>)
    %add3A_65 = arith.constant 160 : i32
    %add3A_66 = arith.addi %mul3A_2, %add3A_65 : i32
    %dma_start3A_67 = tpu.memref_slice %arg3[%add3A_66] : memref<320000xi32, #tpu.memory_space<hbm>> -> memref<80xi32, #tpu.memory_space<hbm>>
    %dma_start3A_68 = tpu.memref_slice %arg3[%add3A_66] : memref<320000xi32, #tpu.memory_space<hbm>> -> memref<80xi32, #tpu.memory_space<hbm>>
    tpu.enqueue_dma source(%dma_start3A_68 : memref<80xi32, #tpu.memory_space<hbm>>) target(%arg8 : memref<80xi32, #tpu.memory_space<vmem>>) target_semaphore(%arg20 : memref<!tpu.dma_semaphore, #tpu.memory_space<semaphore_mem>>)
    %add3A_69 = arith.constant 160 : i32
    %add3A_70 = arith.addi %mul3A_2, %add3A_69 : i32
    %dma_start3A_71 = tpu.memref_slice %arg4[%add3A_70] : memref<320000xi32, #tpu.memory_space<hbm>> -> memref<80xi32, #tpu.memory_space<hbm>>
    %dma_start3A_72 = tpu.memref_slice %arg4[%add3A_70] : memref<320000xi32, #tpu.memory_space<hbm>> -> memref<80xi32, #tpu.memory_space<hbm>>
    tpu.enqueue_dma source(%dma_start3A_72 : memref<80xi32, #tpu.memory_space<hbm>>) target(%arg12 : memref<80xi32, #tpu.memory_space<vmem>>) target_semaphore(%arg20 : memref<!tpu.dma_semaphore, #tpu.memory_space<semaphore_mem>>)
    %add3A_73 = arith.constant 80 : i32
    %add3A_74 = arith.addi %mul3A_2, %add3A_73 : i32
    %dma_wait3A_75 = tpu.memref_slice %arg3[%add3A_74] : memref<320000xi32, #tpu.memory_space<hbm>> -> memref<80xi32, #tpu.memory_space<hbm>>
    %dma_wait3A_76 = tpu.memref_slice %arg3[%add3A_74] : memref<320000xi32, #tpu.memory_space<hbm>> -> memref<80xi32, #tpu.memory_space<hbm>>
    tpu.wait_dma2 semaphore(%arg19 : memref<!tpu.dma_semaphore, #tpu.memory_space<semaphore_mem>>) src(%dma_wait3A_76 : memref<80xi32, #tpu.memory_space<hbm>>) dst(%arg7 : memref<80xi32, #tpu.memory_space<vmem>>)
    %add3A_77 = arith.constant 80 : i32
    %add3A_78 = arith.addi %mul3A_2, %add3A_77 : i32
    %dma_wait3A_79 = tpu.memref_slice %arg4[%add3A_78] : memref<320000xi32, #tpu.memory_space<hbm>> -> memref<80xi32, #tpu.memory_space<hbm>>
    %dma_wait3A_80 = tpu.memref_slice %arg4[%add3A_78] : memref<320000xi32, #tpu.memory_space<hbm>> -> memref<80xi32, #tpu.memory_space<hbm>>
    tpu.wait_dma2 semaphore(%arg19 : memref<!tpu.dma_semaphore, #tpu.memory_space<semaphore_mem>>) src(%dma_wait3A_80 : memref<80xi32, #tpu.memory_space<hbm>>) dst(%arg11 : memref<80xi32, #tpu.memory_space<vmem>>)
    %dma_start3A_81 = arith.constant 0 : i32
    %dma_start3A_82 = arith.constant 0 : i32
    %dma_start3A_83 = tpu.memref_slice %arg2[%dma_start3A_81, %dma_start3A_82] : memref<10000x128xf32, #tpu.memory_space<hbm>> -> memref<10000x128xf32, #tpu.memory_space<hbm>>
    tpu.enqueue_indirect_dma source(%dma_start3A_83 : memref<10000x128xf32, #tpu.memory_space<hbm>>) target(%arg15 : memref<80x128xf32, #tpu.memory_space<vmem>>) offsets(%arg7 : memref<80xi32, #tpu.memory_space<vmem>>) semaphore(%arg23 : memref<!tpu.dma_semaphore, #tpu.memory_space<semaphore_mem>>)
    %dma_wait3A_84 = arith.constant 0 : i32
    %dma_wait3A_85 = arith.constant 0 : i32
    %dma_wait3A_86 = tpu.memref_slice %arg2[%dma_wait3A_84, %dma_wait3A_85] : memref<10000x128xf32, #tpu.memory_space<hbm>> -> memref<10000x128xf32, #tpu.memory_space<hbm>>
    tpu.wait_indirect_dma semaphore(%arg22 : memref<!tpu.dma_semaphore, #tpu.memory_space<semaphore_mem>>) src(%dma_wait3A_86 : memref<10000x128xf32, #tpu.memory_space<hbm>>) dst(%arg14 : memref<80x128xf32, #tpu.memory_space<vmem>>)
    %dma_start3A_87 = arith.constant 0 : i32
    %dma_start3A_88 = arith.constant 0 : i32
    %dma_start3A_89 = tpu.memref_slice %arg30[%dma_start3A_87, %dma_start3A_88] : memref<10240x128xf32, #tpu.memory_space<vmem_shared>> -> memref<10240x128xf32, #tpu.memory_space<vmem_shared>>
    tpu.enqueue_indirect_dma source(%arg14 : memref<80x128xf32, #tpu.memory_space<vmem>>) target(%dma_start3A_89 : memref<10240x128xf32, #tpu.memory_space<vmem_shared>>) offsets(%arg10 : memref<80xi32, #tpu.memory_space<vmem>>) semaphore(%arg26 : memref<!tpu.dma_semaphore, #tpu.memory_space<semaphore_mem>>) {add = true}
    %add3A_90 = arith.constant 240 : i32
    %add3A_91 = arith.addi %mul3A_2, %add3A_90 : i32
    %dma_start3A_92 = tpu.memref_slice %arg3[%add3A_91] : memref<320000xi32, #tpu.memory_space<hbm>> -> memref<80xi32, #tpu.memory_space<hbm>>
    %dma_start3A_93 = tpu.memref_slice %arg3[%add3A_91] : memref<320000xi32, #tpu.memory_space<hbm>> -> memref<80xi32, #tpu.memory_space<hbm>>
    tpu.enqueue_dma source(%dma_start3A_93 : memref<80xi32, #tpu.memory_space<hbm>>) target(%arg9 : memref<80xi32, #tpu.memory_space<vmem>>) target_semaphore(%arg21 : memref<!tpu.dma_semaphore, #tpu.memory_space<semaphore_mem>>)
    %add3A_94 = arith.constant 240 : i32
    %add3A_95 = arith.addi %mul3A_2, %add3A_94 : i32
    %dma_start3A_96 = tpu.memref_slice %arg4[%add3A_95] : memref<320000xi32, #tpu.memory_space<hbm>> -> memref<80xi32, #tpu.memory_space<hbm>>
    %dma_start3A_97 = tpu.memref_slice %arg4[%add3A_95] : memref<320000xi32, #tpu.memory_space<hbm>> -> memref<80xi32, #tpu.memory_space<hbm>>
    tpu.enqueue_dma source(%dma_start3A_97 : memref<80xi32, #tpu.memory_space<hbm>>) target(%arg13 : memref<80xi32, #tpu.memory_space<vmem>>) target_semaphore(%arg21 : memref<!tpu.dma_semaphore, #tpu.memory_space<semaphore_mem>>)
    %add3A_98 = arith.constant 160 : i32
    %add3A_99 = arith.addi %mul3A_2, %add3A_98 : i32
    %dma_wait3A_100 = tpu.memref_slice %arg3[%add3A_99] : memref<320000xi32, #tpu.memory_space<hbm>> -> memref<80xi32, #tpu.memory_space<hbm>>
    %dma_wait3A_101 = tpu.memref_slice %arg3[%add3A_99] : memref<320000xi32, #tpu.memory_space<hbm>> -> memref<80xi32, #tpu.memory_space<hbm>>
    tpu.wait_dma2 semaphore(%arg20 : memref<!tpu.dma_semaphore, #tpu.memory_space<semaphore_mem>>) src(%dma_wait3A_101 : memref<80xi32, #tpu.memory_space<hbm>>) dst(%arg8 : memref<80xi32, #tpu.memory_space<vmem>>)
    %add3A_102 = arith.constant 160 : i32
    %add3A_103 = arith.addi %mul3A_2, %add3A_102 : i32
    %dma_wait3A_104 = tpu.memref_slice %arg4[%add3A_103] : memref<320000xi32, #tpu.memory_space<hbm>> -> memref<80xi32, #tpu.memory_space<hbm>>
    %dma_wait3A_105 = tpu.memref_slice %arg4[%add3A_103] : memref<320000xi32, #tpu.memory_space<hbm>> -> memref<80xi32, #tpu.memory_space<hbm>>
    tpu.wait_dma2 semaphore(%arg20 : memref<!tpu.dma_semaphore, #tpu.memory_space<semaphore_mem>>) src(%dma_wait3A_105 : memref<80xi32, #tpu.memory_space<hbm>>) dst(%arg12 : memref<80xi32, #tpu.memory_space<vmem>>)
    %dma_start3A_106 = arith.constant 0 : i32
    %dma_start3A_107 = arith.constant 0 : i32
    %dma_start3A_108 = tpu.memref_slice %arg2[%dma_start3A_106, %dma_start3A_107] : memref<10000x128xf32, #tpu.memory_space<hbm>> -> memref<10000x128xf32, #tpu.memory_space<hbm>>
    tpu.enqueue_indirect_dma source(%dma_start3A_108 : memref<10000x128xf32, #tpu.memory_space<hbm>>) target(%arg16 : memref<80x128xf32, #tpu.memory_space<vmem>>) offsets(%arg8 : memref<80xi32, #tpu.memory_space<vmem>>) semaphore(%arg24 : memref<!tpu.dma_semaphore, #tpu.memory_space<semaphore_mem>>)
    %dma_wait3A_109 = arith.constant 0 : i32
    %dma_wait3A_110 = arith.constant 0 : i32
    %dma_wait3A_111 = tpu.memref_slice %arg2[%dma_wait3A_109, %dma_wait3A_110] : memref<10000x128xf32, #tpu.memory_space<hbm>> -> memref<10000x128xf32, #tpu.memory_space<hbm>>
    tpu.wait_indirect_dma semaphore(%arg23 : memref<!tpu.dma_semaphore, #tpu.memory_space<semaphore_mem>>) src(%dma_wait3A_111 : memref<10000x128xf32, #tpu.memory_space<hbm>>) dst(%arg15 : memref<80x128xf32, #tpu.memory_space<vmem>>)
    %dma_start3A_112 = arith.constant 0 : i32
    %dma_start3A_113 = arith.constant 0 : i32
    %dma_start3A_114 = tpu.memref_slice %arg30[%dma_start3A_112, %dma_start3A_113] : memref<10240x128xf32, #tpu.memory_space<vmem_shared>> -> memref<10240x128xf32, #tpu.memory_space<vmem_shared>>
    tpu.enqueue_indirect_dma source(%arg15 : memref<80x128xf32, #tpu.memory_space<vmem>>) target(%dma_start3A_114 : memref<10240x128xf32, #tpu.memory_space<vmem_shared>>) offsets(%arg11 : memref<80xi32, #tpu.memory_space<vmem>>) semaphore(%arg27 : memref<!tpu.dma_semaphore, #tpu.memory_space<semaphore_mem>>) {add = true}
    %scan3A_115 = arith.constant 0 : i32
    %scan3A_116 = arith.constant 0 : i32
    %scan3A_117 = arith.constant 30 : i32
    %scan3A_118 = arith.addi %scan3A_116, %scan3A_117 : i32
    %scan3A_119 = arith.constant 1 : i32
    scf.for %scan3A_189 = %scan3A_116 to %scan3A_118 step %scan3A_119  : i32 {
      %mul3A_190 = arith.constant 4 : i32
      %mul3A_191 = arith.muli %scan3A_189, %mul3A_190 : i32
      %add3A_192 = arith.constant 2 : i32
      %add3A_193 = arith.addi %add3A_192, %mul3A_191 : i32
      %add3A_194 = arith.constant 0 : i32
      %add3A_195 = arith.addi %add3A_193, %add3A_194 : i32
      %sub3A = arith.constant 2 : i32
      %sub3A_196 = arith.subi %add3A_195, %sub3A : i32
      %dma_wait3A_197 = arith.constant 0 : i32
      %dma_wait3A_198 = arith.constant 0 : i32
      %dma_wait3A_199 = tpu.memref_slice %arg30[%dma_wait3A_197, %dma_wait3A_198] : memref<10240x128xf32, #tpu.memory_space<vmem_shared>> -> memref<10240x128xf32, #tpu.memory_space<vmem_shared>>
      tpu.wait_indirect_dma semaphore(%arg26 : memref<!tpu.dma_semaphore, #tpu.memory_space<semaphore_mem>>) src(%arg14 : memref<80x128xf32, #tpu.memory_space<vmem>>) dst(%dma_wait3A_199 : memref<10240x128xf32, #tpu.memory_space<vmem_shared>>)
      %add3A_200 = arith.constant 2 : i32
      %add3A_201 = arith.addi %add3A_195, %add3A_200 : i32
      %mul3A_202 = arith.constant 80 : i32
      %mul3A_203 = arith.muli %add3A_201, %mul3A_202 : i32
      %add3A_204 = arith.addi %mul3A_2, %mul3A_203 : i32
      %dma_start3A_205 = tpu.memref_slice %arg3[%add3A_204] : memref<320000xi32, #tpu.memory_space<hbm>> -> memref<80xi32, #tpu.memory_space<hbm>>
      %dma_start3A_206 = tpu.memref_slice %arg3[%add3A_204] : memref<320000xi32, #tpu.memory_space<hbm>> -> memref<80xi32, #tpu.memory_space<hbm>>
      tpu.enqueue_dma source(%dma_start3A_206 : memref<80xi32, #tpu.memory_space<hbm>>) target(%arg6 : memref<80xi32, #tpu.memory_space<vmem>>) target_semaphore(%arg18 : memref<!tpu.dma_semaphore, #tpu.memory_space<semaphore_mem>>)
      %mul3A_207 = arith.constant 80 : i32
      %mul3A_208 = arith.muli %add3A_201, %mul3A_207 : i32
      %add3A_209 = arith.addi %mul3A_2, %mul3A_208 : i32
      %dma_start3A_210 = tpu.memref_slice %arg4[%add3A_209] : memref<320000xi32, #tpu.memory_space<hbm>> -> memref<80xi32, #tpu.memory_space<hbm>>
      %dma_start3A_211 = tpu.memref_slice %arg4[%add3A_209] : memref<320000xi32, #tpu.memory_space<hbm>> -> memref<80xi32, #tpu.memory_space<hbm>>
      tpu.enqueue_dma source(%dma_start3A_211 : memref<80xi32, #tpu.memory_space<hbm>>) target(%arg10 : memref<80xi32, #tpu.memory_space<vmem>>) target_semaphore(%arg18 : memref<!tpu.dma_semaphore, #tpu.memory_space<semaphore_mem>>)
      %add3A_212 = arith.constant 1 : i32
      %add3A_213 = arith.addi %add3A_195, %add3A_212 : i32
      %mul3A_214 = arith.constant 80 : i32
      %mul3A_215 = arith.muli %add3A_213, %mul3A_214 : i32
      %add3A_216 = arith.addi %mul3A_2, %mul3A_215 : i32
      %dma_wait3A_217 = tpu.memref_slice %arg3[%add3A_216] : memref<320000xi32, #tpu.memory_space<hbm>> -> memref<80xi32, #tpu.memory_space<hbm>>
      %dma_wait3A_218 = tpu.memref_slice %arg3[%add3A_216] : memref<320000xi32, #tpu.memory_space<hbm>> -> memref<80xi32, #tpu.memory_space<hbm>>
      tpu.wait_dma2 semaphore(%arg21 : memref<!tpu.dma_semaphore, #tpu.memory_space<semaphore_mem>>) src(%dma_wait3A_218 : memref<80xi32, #tpu.memory_space<hbm>>) dst(%arg9 : memref<80xi32, #tpu.memory_space<vmem>>)
      %mul3A_219 = arith.constant 80 : i32
      %mul3A_220 = arith.muli %add3A_213, %mul3A_219 : i32
      %add3A_221 = arith.addi %mul3A_2, %mul3A_220 : i32
      %dma_wait3A_222 = tpu.memref_slice %arg4[%add3A_221] : memref<320000xi32, #tpu.memory_space<hbm>> -> memref<80xi32, #tpu.memory_space<hbm>>
      %dma_wait3A_223 = tpu.memref_slice %arg4[%add3A_221] : memref<320000xi32, #tpu.memory_space<hbm>> -> memref<80xi32, #tpu.memory_space<hbm>>
      tpu.wait_dma2 semaphore(%arg21 : memref<!tpu.dma_semaphore, #tpu.memory_space<semaphore_mem>>) src(%dma_wait3A_223 : memref<80xi32, #tpu.memory_space<hbm>>) dst(%arg13 : memref<80xi32, #tpu.memory_space<vmem>>)
      %add3A_224 = arith.constant 1 : i32
      %add3A_225 = arith.addi %add3A_195, %add3A_224 : i32
      %dma_start3A_226 = arith.constant 0 : i32
      %dma_start3A_227 = arith.constant 0 : i32
      %dma_start3A_228 = tpu.memref_slice %arg2[%dma_start3A_226, %dma_start3A_227] : memref<10000x128xf32, #tpu.memory_space<hbm>> -> memref<10000x128xf32, #tpu.memory_space<hbm>>
      tpu.enqueue_indirect_dma source(%dma_start3A_228 : memref<10000x128xf32, #tpu.memory_space<hbm>>) target(%arg17 : memref<80x128xf32, #tpu.memory_space<vmem>>) offsets(%arg9 : memref<80xi32, #tpu.memory_space<vmem>>) semaphore(%arg25 : memref<!tpu.dma_semaphore, #tpu.memory_space<semaphore_mem>>)
      %dma_wait3A_229 = arith.constant 0 : i32
      %dma_wait3A_230 = arith.constant 0 : i32
      %dma_wait3A_231 = tpu.memref_slice %arg2[%dma_wait3A_229, %dma_wait3A_230] : memref<10000x128xf32, #tpu.memory_space<hbm>> -> memref<10000x128xf32, #tpu.memory_space<hbm>>
      tpu.wait_indirect_dma semaphore(%arg24 : memref<!tpu.dma_semaphore, #tpu.memory_space<semaphore_mem>>) src(%dma_wait3A_231 : memref<10000x128xf32, #tpu.memory_space<hbm>>) dst(%arg16 : memref<80x128xf32, #tpu.memory_space<vmem>>)
      %dma_start3A_232 = arith.constant 0 : i32
      %dma_start3A_233 = arith.constant 0 : i32
      %dma_start3A_234 = tpu.memref_slice %arg30[%dma_start3A_232, %dma_start3A_233] : memref<10240x128xf32, #tpu.memory_space<vmem_shared>> -> memref<10240x128xf32, #tpu.memory_space<vmem_shared>>
      tpu.enqueue_indirect_dma source(%arg16 : memref<80x128xf32, #tpu.memory_space<vmem>>) target(%dma_start3A_234 : memref<10240x128xf32, #tpu.memory_space<vmem_shared>>) offsets(%arg12 : memref<80xi32, #tpu.memory_space<vmem>>) semaphore(%arg28 : memref<!tpu.dma_semaphore, #tpu.memory_space<semaphore_mem>>) {add = true}
      %mul3A_235 = arith.constant 4 : i32
      %mul3A_236 = arith.muli %scan3A_189, %mul3A_235 : i32
      %add3A_237 = arith.constant 2 : i32
      %add3A_238 = arith.addi %add3A_237, %mul3A_236 : i32
      %add3A_239 = arith.constant 1 : i32
      %add3A_240 = arith.addi %add3A_238, %add3A_239 : i32
      %sub3A_241 = arith.constant 2 : i32
      %sub3A_242 = arith.subi %add3A_240, %sub3A_241 : i32
      %dma_wait3A_243 = arith.constant 0 : i32
      %dma_wait3A_244 = arith.constant 0 : i32
      %dma_wait3A_245 = tpu.memref_slice %arg30[%dma_wait3A_243, %dma_wait3A_244] : memref<10240x128xf32, #tpu.memory_space<vmem_shared>> -> memref<10240x128xf32, #tpu.memory_space<vmem_shared>>
      tpu.wait_indirect_dma semaphore(%arg27 : memref<!tpu.dma_semaphore, #tpu.memory_space<semaphore_mem>>) src(%arg15 : memref<80x128xf32, #tpu.memory_space<vmem>>) dst(%dma_wait3A_245 : memref<10240x128xf32, #tpu.memory_space<vmem_shared>>)
      %add3A_246 = arith.constant 2 : i32
      %add3A_247 = arith.addi %add3A_240, %add3A_246 : i32
      %mul3A_248 = arith.constant 80 : i32
      %mul3A_249 = arith.muli %add3A_247, %mul3A_248 : i32
      %add3A_250 = arith.addi %mul3A_2, %mul3A_249 : i32
      %dma_start3A_251 = tpu.memref_slice %arg3[%add3A_250] : memref<320000xi32, #tpu.memory_space<hbm>> -> memref<80xi32, #tpu.memory_space<hbm>>
      %dma_start3A_252 = tpu.memref_slice %arg3[%add3A_250] : memref<320000xi32, #tpu.memory_space<hbm>> -> memref<80xi32, #tpu.memory_space<hbm>>
      tpu.enqueue_dma source(%dma_start3A_252 : memref<80xi32, #tpu.memory_space<hbm>>) target(%arg7 : memref<80xi32, #tpu.memory_space<vmem>>) target_semaphore(%arg19 : memref<!tpu.dma_semaphore, #tpu.memory_space<semaphore_mem>>)
      %mul3A_253 = arith.constant 80 : i32
      %mul3A_254 = arith.muli %add3A_247, %mul3A_253 : i32
      %add3A_255 = arith.addi %mul3A_2, %mul3A_254 : i32
      %dma_start3A_256 = tpu.memref_slice %arg4[%add3A_255] : memref<320000xi32, #tpu.memory_space<hbm>> -> memref<80xi32, #tpu.memory_space<hbm>>
      %dma_start3A_257 = tpu.memref_slice %arg4[%add3A_255] : memref<320000xi32, #tpu.memory_space<hbm>> -> memref<80xi32, #tpu.memory_space<hbm>>
      tpu.enqueue_dma source(%dma_start3A_257 : memref<80xi32, #tpu.memory_space<hbm>>) target(%arg11 : memref<80xi32, #tpu.memory_space<vmem>>) target_semaphore(%arg19 : memref<!tpu.dma_semaphore, #tpu.memory_space<semaphore_mem>>)
      %add3A_258 = arith.constant 1 : i32
      %add3A_259 = arith.addi %add3A_240, %add3A_258 : i32
      %mul3A_260 = arith.constant 80 : i32
      %mul3A_261 = arith.muli %add3A_259, %mul3A_260 : i32
      %add3A_262 = arith.addi %mul3A_2, %mul3A_261 : i32
      %dma_wait3A_263 = tpu.memref_slice %arg3[%add3A_262] : memref<320000xi32, #tpu.memory_space<hbm>> -> memref<80xi32, #tpu.memory_space<hbm>>
      %dma_wait3A_264 = tpu.memref_slice %arg3[%add3A_262] : memref<320000xi32, #tpu.memory_space<hbm>> -> memref<80xi32, #tpu.memory_space<hbm>>
      tpu.wait_dma2 semaphore(%arg18 : memref<!tpu.dma_semaphore, #tpu.memory_space<semaphore_mem>>) src(%dma_wait3A_264 : memref<80xi32, #tpu.memory_space<hbm>>) dst(%arg6 : memref<80xi32, #tpu.memory_space<vmem>>)
      %mul3A_265 = arith.constant 80 : i32
      %mul3A_266 = arith.muli %add3A_259, %mul3A_265 : i32
      %add3A_267 = arith.addi %mul3A_2, %mul3A_266 : i32
      %dma_wait3A_268 = tpu.memref_slice %arg4[%add3A_267] : memref<320000xi32, #tpu.memory_space<hbm>> -> memref<80xi32, #tpu.memory_space<hbm>>
      %dma_wait3A_269 = tpu.memref_slice %arg4[%add3A_267] : memref<320000xi32, #tpu.memory_space<hbm>> -> memref<80xi32, #tpu.memory_space<hbm>>
      tpu.wait_dma2 semaphore(%arg18 : memref<!tpu.dma_semaphore, #tpu.memory_space<semaphore_mem>>) src(%dma_wait3A_269 : memref<80xi32, #tpu.memory_space<hbm>>) dst(%arg10 : memref<80xi32, #tpu.memory_space<vmem>>)
      %add3A_270 = arith.constant 1 : i32
      %add3A_271 = arith.addi %add3A_240, %add3A_270 : i32
      %dma_start3A_272 = arith.constant 0 : i32
      %dma_start3A_273 = arith.constant 0 : i32
      %dma_start3A_274 = tpu.memref_slice %arg2[%dma_start3A_272, %dma_start3A_273] : memref<10000x128xf32, #tpu.memory_space<hbm>> -> memref<10000x128xf32, #tpu.memory_space<hbm>>
      tpu.enqueue_indirect_dma source(%dma_start3A_274 : memref<10000x128xf32, #tpu.memory_space<hbm>>) target(%arg14 : memref<80x128xf32, #tpu.memory_space<vmem>>) offsets(%arg6 : memref<80xi32, #tpu.memory_space<vmem>>) semaphore(%arg22 : memref<!tpu.dma_semaphore, #tpu.memory_space<semaphore_mem>>)
      %dma_wait3A_275 = arith.constant 0 : i32
      %dma_wait3A_276 = arith.constant 0 : i32
      %dma_wait3A_277 = tpu.memref_slice %arg2[%dma_wait3A_275, %dma_wait3A_276] : memref<10000x128xf32, #tpu.memory_space<hbm>> -> memref<10000x128xf32, #tpu.memory_space<hbm>>
      tpu.wait_indirect_dma semaphore(%arg25 : memref<!tpu.dma_semaphore, #tpu.memory_space<semaphore_mem>>) src(%dma_wait3A_277 : memref<10000x128xf32, #tpu.memory_space<hbm>>) dst(%arg17 : memref<80x128xf32, #tpu.memory_space<vmem>>)
      %dma_start3A_278 = arith.constant 0 : i32
      %dma_start3A_279 = arith.constant 0 : i32
      %dma_start3A_280 = tpu.memref_slice %arg30[%dma_start3A_278, %dma_start3A_279] : memref<10240x128xf32, #tpu.memory_space<vmem_shared>> -> memref<10240x128xf32, #tpu.memory_space<vmem_shared>>
      tpu.enqueue_indirect_dma source(%arg17 : memref<80x128xf32, #tpu.memory_space<vmem>>) target(%dma_start3A_280 : memref<10240x128xf32, #tpu.memory_space<vmem_shared>>) offsets(%arg13 : memref<80xi32, #tpu.memory_space<vmem>>) semaphore(%arg29 : memref<!tpu.dma_semaphore, #tpu.memory_space<semaphore_mem>>) {add = true}
      %mul3A_281 = arith.constant 4 : i32
      %mul3A_282 = arith.muli %scan3A_189, %mul3A_281 : i32
      %add3A_283 = arith.constant 2 : i32
      %add3A_284 = arith.addi %add3A_283, %mul3A_282 : i32
      %add3A_285 = arith.constant 2 : i32
      %add3A_286 = arith.addi %add3A_284, %add3A_285 : i32
      %sub3A_287 = arith.constant 2 : i32
      %sub3A_288 = arith.subi %add3A_286, %sub3A_287 : i32
      %dma_wait3A_289 = arith.constant 0 : i32
      %dma_wait3A_290 = arith.constant 0 : i32
      %dma_wait3A_291 = tpu.memref_slice %arg30[%dma_wait3A_289, %dma_wait3A_290] : memref<10240x128xf32, #tpu.memory_space<vmem_shared>> -> memref<10240x128xf32, #tpu.memory_space<vmem_shared>>
      tpu.wait_indirect_dma semaphore(%arg28 : memref<!tpu.dma_semaphore, #tpu.memory_space<semaphore_mem>>) src(%arg16 : memref<80x128xf32, #tpu.memory_space<vmem>>) dst(%dma_wait3A_291 : memref<10240x128xf32, #tpu.memory_space<vmem_shared>>)
      %add3A_292 = arith.constant 2 : i32
      %add3A_293 = arith.addi %add3A_286, %add3A_292 : i32
      %mul3A_294 = arith.constant 80 : i32
      %mul3A_295 = arith.muli %add3A_293, %mul3A_294 : i32
      %add3A_296 = arith.addi %mul3A_2, %mul3A_295 : i32
      %dma_start3A_297 = tpu.memref_slice %arg3[%add3A_296] : memref<320000xi32, #tpu.memory_space<hbm>> -> memref<80xi32, #tpu.memory_space<hbm>>
      %dma_start3A_298 = tpu.memref_slice %arg3[%add3A_296] : memref<320000xi32, #tpu.memory_space<hbm>> -> memref<80xi32, #tpu.memory_space<hbm>>
      tpu.enqueue_dma source(%dma_start3A_298 : memref<80xi32, #tpu.memory_space<hbm>>) target(%arg8 : memref<80xi32, #tpu.memory_space<vmem>>) target_semaphore(%arg20 : memref<!tpu.dma_semaphore, #tpu.memory_space<semaphore_mem>>)
      %mul3A_299 = arith.constant 80 : i32
      %mul3A_300 = arith.muli %add3A_293, %mul3A_299 : i32
      %add3A_301 = arith.addi %mul3A_2, %mul3A_300 : i32
      %dma_start3A_302 = tpu.memref_slice %arg4[%add3A_301] : memref<320000xi32, #tpu.memory_space<hbm>> -> memref<80xi32, #tpu.memory_space<hbm>>
      %dma_start3A_303 = tpu.memref_slice %arg4[%add3A_301] : memref<320000xi32, #tpu.memory_space<hbm>> -> memref<80xi32, #tpu.memory_space<hbm>>
      tpu.enqueue_dma source(%dma_start3A_303 : memref<80xi32, #tpu.memory_space<hbm>>) target(%arg12 : memref<80xi32, #tpu.memory_space<vmem>>) target_semaphore(%arg20 : memref<!tpu.dma_semaphore, #tpu.memory_space<semaphore_mem>>)
      %add3A_304 = arith.constant 1 : i32
      %add3A_305 = arith.addi %add3A_286, %add3A_304 : i32
      %mul3A_306 = arith.constant 80 : i32
      %mul3A_307 = arith.muli %add3A_305, %mul3A_306 : i32
      %add3A_308 = arith.addi %mul3A_2, %mul3A_307 : i32
      %dma_wait3A_309 = tpu.memref_slice %arg3[%add3A_308] : memref<320000xi32, #tpu.memory_space<hbm>> -> memref<80xi32, #tpu.memory_space<hbm>>
      %dma_wait3A_310 = tpu.memref_slice %arg3[%add3A_308] : memref<320000xi32, #tpu.memory_space<hbm>> -> memref<80xi32, #tpu.memory_space<hbm>>
      tpu.wait_dma2 semaphore(%arg19 : memref<!tpu.dma_semaphore, #tpu.memory_space<semaphore_mem>>) src(%dma_wait3A_310 : memref<80xi32, #tpu.memory_space<hbm>>) dst(%arg7 : memref<80xi32, #tpu.memory_space<vmem>>)
      %mul3A_311 = arith.constant 80 : i32
      %mul3A_312 = arith.muli %add3A_305, %mul3A_311 : i32
      %add3A_313 = arith.addi %mul3A_2, %mul3A_312 : i32
      %dma_wait3A_314 = tpu.memref_slice %arg4[%add3A_313] : memref<320000xi32, #tpu.memory_space<hbm>> -> memref<80xi32, #tpu.memory_space<hbm>>
      %dma_wait3A_315 = tpu.memref_slice %arg4[%add3A_313] : memref<320000xi32, #tpu.memory_space<hbm>> -> memref<80xi32, #tpu.memory_space<hbm>>
      tpu.wait_dma2 semaphore(%arg19 : memref<!tpu.dma_semaphore, #tpu.memory_space<semaphore_mem>>) src(%dma_wait3A_315 : memref<80xi32, #tpu.memory_space<hbm>>) dst(%arg11 : memref<80xi32, #tpu.memory_space<vmem>>)
      %add3A_316 = arith.constant 1 : i32
      %add3A_317 = arith.addi %add3A_286, %add3A_316 : i32
      %dma_start3A_318 = arith.constant 0 : i32
      %dma_start3A_319 = arith.constant 0 : i32
      %dma_start3A_320 = tpu.memref_slice %arg2[%dma_start3A_318, %dma_start3A_319] : memref<10000x128xf32, #tpu.memory_space<hbm>> -> memref<10000x128xf32, #tpu.memory_space<hbm>>
      tpu.enqueue_indirect_dma source(%dma_start3A_320 : memref<10000x128xf32, #tpu.memory_space<hbm>>) target(%arg15 : memref<80x128xf32, #tpu.memory_space<vmem>>) offsets(%arg7 : memref<80xi32, #tpu.memory_space<vmem>>) semaphore(%arg23 : memref<!tpu.dma_semaphore, #tpu.memory_space<semaphore_mem>>)
      %dma_wait3A_321 = arith.constant 0 : i32
      %dma_wait3A_322 = arith.constant 0 : i32
      %dma_wait3A_323 = tpu.memref_slice %arg2[%dma_wait3A_321, %dma_wait3A_322] : memref<10000x128xf32, #tpu.memory_space<hbm>> -> memref<10000x128xf32, #tpu.memory_space<hbm>>
      tpu.wait_indirect_dma semaphore(%arg22 : memref<!tpu.dma_semaphore, #tpu.memory_space<semaphore_mem>>) src(%dma_wait3A_323 : memref<10000x128xf32, #tpu.memory_space<hbm>>) dst(%arg14 : memref<80x128xf32, #tpu.memory_space<vmem>>)
      %dma_start3A_324 = arith.constant 0 : i32
      %dma_start3A_325 = arith.constant 0 : i32
      %dma_start3A_326 = tpu.memref_slice %arg30[%dma_start3A_324, %dma_start3A_325] : memref<10240x128xf32, #tpu.memory_space<vmem_shared>> -> memref<10240x128xf32, #tpu.memory_space<vmem_shared>>
      tpu.enqueue_indirect_dma source(%arg14 : memref<80x128xf32, #tpu.memory_space<vmem>>) target(%dma_start3A_326 : memref<10240x128xf32, #tpu.memory_space<vmem_shared>>) offsets(%arg10 : memref<80xi32, #tpu.memory_space<vmem>>) semaphore(%arg26 : memref<!tpu.dma_semaphore, #tpu.memory_space<semaphore_mem>>) {add = true}
      %mul3A_327 = arith.constant 4 : i32
      %mul3A_328 = arith.muli %scan3A_189, %mul3A_327 : i32
      %add3A_329 = arith.constant 2 : i32
      %add3A_330 = arith.addi %add3A_329, %mul3A_328 : i32
      %add3A_331 = arith.constant 3 : i32
      %add3A_332 = arith.addi %add3A_330, %add3A_331 : i32
      %sub3A_333 = arith.constant 2 : i32
      %sub3A_334 = arith.subi %add3A_332, %sub3A_333 : i32
      %dma_wait3A_335 = arith.constant 0 : i32
      %dma_wait3A_336 = arith.constant 0 : i32
      %dma_wait3A_337 = tpu.memref_slice %arg30[%dma_wait3A_335, %dma_wait3A_336] : memref<10240x128xf32, #tpu.memory_space<vmem_shared>> -> memref<10240x128xf32, #tpu.memory_space<vmem_shared>>
      tpu.wait_indirect_dma semaphore(%arg29 : memref<!tpu.dma_semaphore, #tpu.memory_space<semaphore_mem>>) src(%arg17 : memref<80x128xf32, #tpu.memory_space<vmem>>) dst(%dma_wait3A_337 : memref<10240x128xf32, #tpu.memory_space<vmem_shared>>)
      %add3A_338 = arith.constant 2 : i32
      %add3A_339 = arith.addi %add3A_332, %add3A_338 : i32
      %mul3A_340 = arith.constant 80 : i32
      %mul3A_341 = arith.muli %add3A_339, %mul3A_340 : i32
      %add3A_342 = arith.addi %mul3A_2, %mul3A_341 : i32
      %dma_start3A_343 = tpu.memref_slice %arg3[%add3A_342] : memref<320000xi32, #tpu.memory_space<hbm>> -> memref<80xi32, #tpu.memory_space<hbm>>
      %dma_start3A_344 = tpu.memref_slice %arg3[%add3A_342] : memref<320000xi32, #tpu.memory_space<hbm>> -> memref<80xi32, #tpu.memory_space<hbm>>
      tpu.enqueue_dma source(%dma_start3A_344 : memref<80xi32, #tpu.memory_space<hbm>>) target(%arg9 : memref<80xi32, #tpu.memory_space<vmem>>) target_semaphore(%arg21 : memref<!tpu.dma_semaphore, #tpu.memory_space<semaphore_mem>>)
      %mul3A_345 = arith.constant 80 : i32
      %mul3A_346 = arith.muli %add3A_339, %mul3A_345 : i32
      %add3A_347 = arith.addi %mul3A_2, %mul3A_346 : i32
      %dma_start3A_348 = tpu.memref_slice %arg4[%add3A_347] : memref<320000xi32, #tpu.memory_space<hbm>> -> memref<80xi32, #tpu.memory_space<hbm>>
      %dma_start3A_349 = tpu.memref_slice %arg4[%add3A_347] : memref<320000xi32, #tpu.memory_space<hbm>> -> memref<80xi32, #tpu.memory_space<hbm>>
      tpu.enqueue_dma source(%dma_start3A_349 : memref<80xi32, #tpu.memory_space<hbm>>) target(%arg13 : memref<80xi32, #tpu.memory_space<vmem>>) target_semaphore(%arg21 : memref<!tpu.dma_semaphore, #tpu.memory_space<semaphore_mem>>)
      %add3A_350 = arith.constant 1 : i32
      %add3A_351 = arith.addi %add3A_332, %add3A_350 : i32
      %mul3A_352 = arith.constant 80 : i32
      %mul3A_353 = arith.muli %add3A_351, %mul3A_352 : i32
      %add3A_354 = arith.addi %mul3A_2, %mul3A_353 : i32
      %dma_wait3A_355 = tpu.memref_slice %arg3[%add3A_354] : memref<320000xi32, #tpu.memory_space<hbm>> -> memref<80xi32, #tpu.memory_space<hbm>>
      %dma_wait3A_356 = tpu.memref_slice %arg3[%add3A_354] : memref<320000xi32, #tpu.memory_space<hbm>> -> memref<80xi32, #tpu.memory_space<hbm>>
      tpu.wait_dma2 semaphore(%arg20 : memref<!tpu.dma_semaphore, #tpu.memory_space<semaphore_mem>>) src(%dma_wait3A_356 : memref<80xi32, #tpu.memory_space<hbm>>) dst(%arg8 : memref<80xi32, #tpu.memory_space<vmem>>)
      %mul3A_357 = arith.constant 80 : i32
      %mul3A_358 = arith.muli %add3A_351, %mul3A_357 : i32
      %add3A_359 = arith.addi %mul3A_2, %mul3A_358 : i32
      %dma_wait3A_360 = tpu.memref_slice %arg4[%add3A_359] : memref<320000xi32, #tpu.memory_space<hbm>> -> memref<80xi32, #tpu.memory_space<hbm>>
      %dma_wait3A_361 = tpu.memref_slice %arg4[%add3A_359] : memref<320000xi32, #tpu.memory_space<hbm>> -> memref<80xi32, #tpu.memory_space<hbm>>
      tpu.wait_dma2 semaphore(%arg20 : memref<!tpu.dma_semaphore, #tpu.memory_space<semaphore_mem>>) src(%dma_wait3A_361 : memref<80xi32, #tpu.memory_space<hbm>>) dst(%arg12 : memref<80xi32, #tpu.memory_space<vmem>>)
      %add3A_362 = arith.constant 1 : i32
      %add3A_363 = arith.addi %add3A_332, %add3A_362 : i32
      %dma_start3A_364 = arith.constant 0 : i32
      %dma_start3A_365 = arith.constant 0 : i32
      %dma_start3A_366 = tpu.memref_slice %arg2[%dma_start3A_364, %dma_start3A_365] : memref<10000x128xf32, #tpu.memory_space<hbm>> -> memref<10000x128xf32, #tpu.memory_space<hbm>>
      tpu.enqueue_indirect_dma source(%dma_start3A_366 : memref<10000x128xf32, #tpu.memory_space<hbm>>) target(%arg16 : memref<80x128xf32, #tpu.memory_space<vmem>>) offsets(%arg8 : memref<80xi32, #tpu.memory_space<vmem>>) semaphore(%arg24 : memref<!tpu.dma_semaphore, #tpu.memory_space<semaphore_mem>>)
      %dma_wait3A_367 = arith.constant 0 : i32
      %dma_wait3A_368 = arith.constant 0 : i32
      %dma_wait3A_369 = tpu.memref_slice %arg2[%dma_wait3A_367, %dma_wait3A_368] : memref<10000x128xf32, #tpu.memory_space<hbm>> -> memref<10000x128xf32, #tpu.memory_space<hbm>>
      tpu.wait_indirect_dma semaphore(%arg23 : memref<!tpu.dma_semaphore, #tpu.memory_space<semaphore_mem>>) src(%dma_wait3A_369 : memref<10000x128xf32, #tpu.memory_space<hbm>>) dst(%arg15 : memref<80x128xf32, #tpu.memory_space<vmem>>)
      %dma_start3A_370 = arith.constant 0 : i32
      %dma_start3A_371 = arith.constant 0 : i32
      %dma_start3A_372 = tpu.memref_slice %arg30[%dma_start3A_370, %dma_start3A_371] : memref<10240x128xf32, #tpu.memory_space<vmem_shared>> -> memref<10240x128xf32, #tpu.memory_space<vmem_shared>>
      tpu.enqueue_indirect_dma source(%arg15 : memref<80x128xf32, #tpu.memory_space<vmem>>) target(%dma_start3A_372 : memref<10240x128xf32, #tpu.memory_space<vmem_shared>>) offsets(%arg11 : memref<80xi32, #tpu.memory_space<vmem>>) semaphore(%arg27 : memref<!tpu.dma_semaphore, #tpu.memory_space<semaphore_mem>>) {add = true}
    }
    %scan3A_120 = arith.constant 30 : i32
    %dma_wait3A_121 = arith.constant 0 : i32
    %dma_wait3A_122 = arith.constant 0 : i32
    %dma_wait3A_123 = tpu.memref_slice %arg30[%dma_wait3A_121, %dma_wait3A_122] : memref<10240x128xf32, #tpu.memory_space<vmem_shared>> -> memref<10240x128xf32, #tpu.memory_space<vmem_shared>>
    tpu.wait_indirect_dma semaphore(%arg26 : memref<!tpu.dma_semaphore, #tpu.memory_space<semaphore_mem>>) src(%arg14 : memref<80x128xf32, #tpu.memory_space<vmem>>) dst(%dma_wait3A_123 : memref<10240x128xf32, #tpu.memory_space<vmem_shared>>)
    %add3A_124 = arith.constant 9920 : i32
    %add3A_125 = arith.addi %mul3A_2, %add3A_124 : i32
    %dma_start3A_126 = tpu.memref_slice %arg3[%add3A_125] : memref<320000xi32, #tpu.memory_space<hbm>> -> memref<80xi32, #tpu.memory_space<hbm>>
    %dma_start3A_127 = tpu.memref_slice %arg3[%add3A_125] : memref<320000xi32, #tpu.memory_space<hbm>> -> memref<80xi32, #tpu.memory_space<hbm>>
    tpu.enqueue_dma source(%dma_start3A_127 : memref<80xi32, #tpu.memory_space<hbm>>) target(%arg6 : memref<80xi32, #tpu.memory_space<vmem>>) target_semaphore(%arg18 : memref<!tpu.dma_semaphore, #tpu.memory_space<semaphore_mem>>)
    %add3A_128 = arith.constant 9920 : i32
    %add3A_129 = arith.addi %mul3A_2, %add3A_128 : i32
    %dma_start3A_130 = tpu.memref_slice %arg4[%add3A_129] : memref<320000xi32, #tpu.memory_space<hbm>> -> memref<80xi32, #tpu.memory_space<hbm>>
    %dma_start3A_131 = tpu.memref_slice %arg4[%add3A_129] : memref<320000xi32, #tpu.memory_space<hbm>> -> memref<80xi32, #tpu.memory_space<hbm>>
    tpu.enqueue_dma source(%dma_start3A_131 : memref<80xi32, #tpu.memory_space<hbm>>) target(%arg10 : memref<80xi32, #tpu.memory_space<vmem>>) target_semaphore(%arg18 : memref<!tpu.dma_semaphore, #tpu.memory_space<semaphore_mem>>)
    %add3A_132 = arith.constant 9840 : i32
    %add3A_133 = arith.addi %mul3A_2, %add3A_132 : i32
    %dma_wait3A_134 = tpu.memref_slice %arg3[%add3A_133] : memref<320000xi32, #tpu.memory_space<hbm>> -> memref<80xi32, #tpu.memory_space<hbm>>
    %dma_wait3A_135 = tpu.memref_slice %arg3[%add3A_133] : memref<320000xi32, #tpu.memory_space<hbm>> -> memref<80xi32, #tpu.memory_space<hbm>>
    tpu.wait_dma2 semaphore(%arg21 : memref<!tpu.dma_semaphore, #tpu.memory_space<semaphore_mem>>) src(%dma_wait3A_135 : memref<80xi32, #tpu.memory_space<hbm>>) dst(%arg9 : memref<80xi32, #tpu.memory_space<vmem>>)
    %add3A_136 = arith.constant 9840 : i32
    %add3A_137 = arith.addi %mul3A_2, %add3A_136 : i32
    %dma_wait3A_138 = tpu.memref_slice %arg4[%add3A_137] : memref<320000xi32, #tpu.memory_space<hbm>> -> memref<80xi32, #tpu.memory_space<hbm>>
    %dma_wait3A_139 = tpu.memref_slice %arg4[%add3A_137] : memref<320000xi32, #tpu.memory_space<hbm>> -> memref<80xi32, #tpu.memory_space<hbm>>
    tpu.wait_dma2 semaphore(%arg21 : memref<!tpu.dma_semaphore, #tpu.memory_space<semaphore_mem>>) src(%dma_wait3A_139 : memref<80xi32, #tpu.memory_space<hbm>>) dst(%arg13 : memref<80xi32, #tpu.memory_space<vmem>>)
    %dma_start3A_140 = arith.constant 0 : i32
    %dma_start3A_141 = arith.constant 0 : i32
    %dma_start3A_142 = tpu.memref_slice %arg2[%dma_start3A_140, %dma_start3A_141] : memref<10000x128xf32, #tpu.memory_space<hbm>> -> memref<10000x128xf32, #tpu.memory_space<hbm>>
    tpu.enqueue_indirect_dma source(%dma_start3A_142 : memref<10000x128xf32, #tpu.memory_space<hbm>>) target(%arg17 : memref<80x128xf32, #tpu.memory_space<vmem>>) offsets(%arg9 : memref<80xi32, #tpu.memory_space<vmem>>) semaphore(%arg25 : memref<!tpu.dma_semaphore, #tpu.memory_space<semaphore_mem>>)
    %dma_wait3A_143 = arith.constant 0 : i32
    %dma_wait3A_144 = arith.constant 0 : i32
    %dma_wait3A_145 = tpu.memref_slice %arg2[%dma_wait3A_143, %dma_wait3A_144] : memref<10000x128xf32, #tpu.memory_space<hbm>> -> memref<10000x128xf32, #tpu.memory_space<hbm>>
    tpu.wait_indirect_dma semaphore(%arg24 : memref<!tpu.dma_semaphore, #tpu.memory_space<semaphore_mem>>) src(%dma_wait3A_145 : memref<10000x128xf32, #tpu.memory_space<hbm>>) dst(%arg16 : memref<80x128xf32, #tpu.memory_space<vmem>>)
    %dma_start3A_146 = arith.constant 0 : i32
    %dma_start3A_147 = arith.constant 0 : i32
    %dma_start3A_148 = tpu.memref_slice %arg30[%dma_start3A_146, %dma_start3A_147] : memref<10240x128xf32, #tpu.memory_space<vmem_shared>> -> memref<10240x128xf32, #tpu.memory_space<vmem_shared>>
    tpu.enqueue_indirect_dma source(%arg16 : memref<80x128xf32, #tpu.memory_space<vmem>>) target(%dma_start3A_148 : memref<10240x128xf32, #tpu.memory_space<vmem_shared>>) offsets(%arg12 : memref<80xi32, #tpu.memory_space<vmem>>) semaphore(%arg28 : memref<!tpu.dma_semaphore, #tpu.memory_space<semaphore_mem>>) {add = true}
    %add3A_149 = arith.constant 9920 : i32
    %add3A_150 = arith.addi %mul3A_2, %add3A_149 : i32
    %dma_wait3A_151 = tpu.memref_slice %arg3[%add3A_150] : memref<320000xi32, #tpu.memory_space<hbm>> -> memref<80xi32, #tpu.memory_space<hbm>>
    %dma_wait3A_152 = tpu.memref_slice %arg3[%add3A_150] : memref<320000xi32, #tpu.memory_space<hbm>> -> memref<80xi32, #tpu.memory_space<hbm>>
    tpu.wait_dma2 semaphore(%arg18 : memref<!tpu.dma_semaphore, #tpu.memory_space<semaphore_mem>>) src(%dma_wait3A_152 : memref<80xi32, #tpu.memory_space<hbm>>) dst(%arg6 : memref<80xi32, #tpu.memory_space<vmem>>)
    %add3A_153 = arith.constant 9920 : i32
    %add3A_154 = arith.addi %mul3A_2, %add3A_153 : i32
    %dma_wait3A_155 = tpu.memref_slice %arg4[%add3A_154] : memref<320000xi32, #tpu.memory_space<hbm>> -> memref<80xi32, #tpu.memory_space<hbm>>
    %dma_wait3A_156 = tpu.memref_slice %arg4[%add3A_154] : memref<320000xi32, #tpu.memory_space<hbm>> -> memref<80xi32, #tpu.memory_space<hbm>>
    tpu.wait_dma2 semaphore(%arg18 : memref<!tpu.dma_semaphore, #tpu.memory_space<semaphore_mem>>) src(%dma_wait3A_156 : memref<80xi32, #tpu.memory_space<hbm>>) dst(%arg10 : memref<80xi32, #tpu.memory_space<vmem>>)
    %dma_start3A_157 = arith.constant 0 : i32
    %dma_start3A_158 = arith.constant 0 : i32
    %dma_start3A_159 = tpu.memref_slice %arg2[%dma_start3A_157, %dma_start3A_158] : memref<10000x128xf32, #tpu.memory_space<hbm>> -> memref<10000x128xf32, #tpu.memory_space<hbm>>
    tpu.enqueue_indirect_dma source(%dma_start3A_159 : memref<10000x128xf32, #tpu.memory_space<hbm>>) target(%arg14 : memref<80x128xf32, #tpu.memory_space<vmem>>) offsets(%arg6 : memref<80xi32, #tpu.memory_space<vmem>>) semaphore(%arg22 : memref<!tpu.dma_semaphore, #tpu.memory_space<semaphore_mem>>)
    %dma_wait3A_160 = arith.constant 0 : i32
    %dma_wait3A_161 = arith.constant 0 : i32
    %dma_wait3A_162 = tpu.memref_slice %arg2[%dma_wait3A_160, %dma_wait3A_161] : memref<10000x128xf32, #tpu.memory_space<hbm>> -> memref<10000x128xf32, #tpu.memory_space<hbm>>
    tpu.wait_indirect_dma semaphore(%arg25 : memref<!tpu.dma_semaphore, #tpu.memory_space<semaphore_mem>>) src(%dma_wait3A_162 : memref<10000x128xf32, #tpu.memory_space<hbm>>) dst(%arg17 : memref<80x128xf32, #tpu.memory_space<vmem>>)
    %dma_start3A_163 = arith.constant 0 : i32
    %dma_start3A_164 = arith.constant 0 : i32
    %dma_start3A_165 = tpu.memref_slice %arg30[%dma_start3A_163, %dma_start3A_164] : memref<10240x128xf32, #tpu.memory_space<vmem_shared>> -> memref<10240x128xf32, #tpu.memory_space<vmem_shared>>
    tpu.enqueue_indirect_dma source(%arg17 : memref<80x128xf32, #tpu.memory_space<vmem>>) target(%dma_start3A_165 : memref<10240x128xf32, #tpu.memory_space<vmem_shared>>) offsets(%arg13 : memref<80xi32, #tpu.memory_space<vmem>>) semaphore(%arg29 : memref<!tpu.dma_semaphore, #tpu.memory_space<semaphore_mem>>) {add = true}
    %dma_wait3A_166 = arith.constant 0 : i32
    %dma_wait3A_167 = arith.constant 0 : i32
    %dma_wait3A_168 = tpu.memref_slice %arg2[%dma_wait3A_166, %dma_wait3A_167] : memref<10000x128xf32, #tpu.memory_space<hbm>> -> memref<10000x128xf32, #tpu.memory_space<hbm>>
    tpu.wait_indirect_dma semaphore(%arg22 : memref<!tpu.dma_semaphore, #tpu.memory_space<semaphore_mem>>) src(%dma_wait3A_168 : memref<10000x128xf32, #tpu.memory_space<hbm>>) dst(%arg14 : memref<80x128xf32, #tpu.memory_space<vmem>>)
    %dma_start3A_169 = arith.constant 0 : i32
    %dma_start3A_170 = arith.constant 0 : i32
    %dma_start3A_171 = tpu.memref_slice %arg30[%dma_start3A_169, %dma_start3A_170] : memref<10240x128xf32, #tpu.memory_space<vmem_shared>> -> memref<10240x128xf32, #tpu.memory_space<vmem_shared>>
    tpu.enqueue_indirect_dma source(%arg14 : memref<80x128xf32, #tpu.memory_space<vmem>>) target(%dma_start3A_171 : memref<10240x128xf32, #tpu.memory_space<vmem_shared>>) offsets(%arg10 : memref<80xi32, #tpu.memory_space<vmem>>) semaphore(%arg26 : memref<!tpu.dma_semaphore, #tpu.memory_space<semaphore_mem>>) {add = true}
    %dma_wait3A_172 = arith.constant 0 : i32
    %dma_wait3A_173 = arith.constant 0 : i32
    %dma_wait3A_174 = tpu.memref_slice %arg30[%dma_wait3A_172, %dma_wait3A_173] : memref<10240x128xf32, #tpu.memory_space<vmem_shared>> -> memref<10240x128xf32, #tpu.memory_space<vmem_shared>>
    tpu.wait_indirect_dma semaphore(%arg27 : memref<!tpu.dma_semaphore, #tpu.memory_space<semaphore_mem>>) src(%arg15 : memref<80x128xf32, #tpu.memory_space<vmem>>) dst(%dma_wait3A_174 : memref<10240x128xf32, #tpu.memory_space<vmem_shared>>)
    %dma_wait3A_175 = arith.constant 0 : i32
    %dma_wait3A_176 = arith.constant 0 : i32
    %dma_wait3A_177 = tpu.memref_slice %arg30[%dma_wait3A_175, %dma_wait3A_176] : memref<10240x128xf32, #tpu.memory_space<vmem_shared>> -> memref<10240x128xf32, #tpu.memory_space<vmem_shared>>
    tpu.wait_indirect_dma semaphore(%arg28 : memref<!tpu.dma_semaphore, #tpu.memory_space<semaphore_mem>>) src(%arg16 : memref<80x128xf32, #tpu.memory_space<vmem>>) dst(%dma_wait3A_177 : memref<10240x128xf32, #tpu.memory_space<vmem_shared>>)
    %dma_wait3A_178 = arith.constant 0 : i32
    %dma_wait3A_179 = arith.constant 0 : i32
    %dma_wait3A_180 = tpu.memref_slice %arg30[%dma_wait3A_178, %dma_wait3A_179] : memref<10240x128xf32, #tpu.memory_space<vmem_shared>> -> memref<10240x128xf32, #tpu.memory_space<vmem_shared>>
    tpu.wait_indirect_dma semaphore(%arg29 : memref<!tpu.dma_semaphore, #tpu.memory_space<semaphore_mem>>) src(%arg17 : memref<80x128xf32, #tpu.memory_space<vmem>>) dst(%dma_wait3A_180 : memref<10240x128xf32, #tpu.memory_space<vmem_shared>>)
    %dma_wait3A_181 = arith.constant 0 : i32
    %dma_wait3A_182 = arith.constant 0 : i32
    %dma_wait3A_183 = tpu.memref_slice %arg30[%dma_wait3A_181, %dma_wait3A_182] : memref<10240x128xf32, #tpu.memory_space<vmem_shared>> -> memref<10240x128xf32, #tpu.memory_space<vmem_shared>>
    tpu.wait_indirect_dma semaphore(%arg26 : memref<!tpu.dma_semaphore, #tpu.memory_space<semaphore_mem>>) src(%arg14 : memref<80x128xf32, #tpu.memory_space<vmem>>) dst(%dma_wait3A_183 : memref<10240x128xf32, #tpu.memory_space<vmem_shared>>)
    %barrier3A_184 = arith.constant 0 : index
    tpu.barrier barrier_id(%barrier3A_184)
    %mul3A_185 = arith.constant 640 : i32
    %mul3A_186 = arith.muli %arg1, %mul3A_185 : i32
    %mul3A_187 = arith.constant 640 : i32
    %mul3A_188 = arith.muli %arg1, %mul3A_187 : i32
    "tpu.region"() ({
      %run_scoped3A = tpu.sem_alloc : memref<!tpu.dma_semaphore, #tpu.memory_space<semaphore_mem>>
      %dma_start3A_189 = arith.constant 0 : i32
      %dma_start3A_190 = tpu.memref_slice %arg5[%arg0, %mul3A_188, %dma_start3A_189] : memref<2x10240x128xf32, #tpu.memory_space<hbm>> -> memref<1x640x128xf32, #tpu.memory_space<hbm>>
      %dma_start3A_191 = tpu.memref_squeeze %dma_start3A_190 : memref<1x640x128xf32, #tpu.memory_space<hbm>> -> memref<640x128xf32, #tpu.memory_space<hbm>>
      %dma_start3A_192 = arith.constant 0 : i32
      %dma_start3A_193 = tpu.memref_slice %arg30[%mul3A_186, %dma_start3A_192] : memref<10240x128xf32, #tpu.memory_space<vmem_shared>> -> memref<640x128xf32, #tpu.memory_space<vmem_shared>>
      tpu.enqueue_dma source(%dma_start3A_193 : memref<640x128xf32, #tpu.memory_space<vmem_shared>>) target(%dma_start3A_191 : memref<640x128xf32, #tpu.memory_space<hbm>>) target_semaphore(%run_scoped3A : memref<!tpu.dma_semaphore, #tpu.memory_space<semaphore_mem>>)
      %dma_wait3A_194 = arith.constant 0 : i32
      %dma_wait3A_195 = tpu.memref_slice %arg5[%arg0, %mul3A_188, %dma_wait3A_194] : memref<2x10240x128xf32, #tpu.memory_space<hbm>> -> memref<1x640x128xf32, #tpu.memory_space<hbm>>
      %dma_wait3A_196 = tpu.memref_squeeze %dma_wait3A_195 : memref<1x640x128xf32, #tpu.memory_space<hbm>> -> memref<640x128xf32, #tpu.memory_space<hbm>>
      %dma_wait3A_197 = arith.constant 0 : i32
      %dma_wait3A_198 = tpu.memref_slice %arg30[%mul3A_186, %dma_wait3A_197] : memref<10240x128xf32, #tpu.memory_space<vmem_shared>> -> memref<640x128xf32, #tpu.memory_space<vmem_shared>>
      tpu.wait_dma2 semaphore(%run_scoped3A : memref<!tpu.dma_semaphore, #tpu.memory_space<semaphore_mem>>) src(%dma_wait3A_198 : memref<640x128xf32, #tpu.memory_space<vmem_shared>>) dst(%dma_wait3A_196 : memref<640x128xf32, #tpu.memory_space<hbm>>)
      tpu.yield
    }) : () -> ()
    return
  }
}

#map = affine_map<(d0, d1) -> (0, 0)>
#map1 = affine_map<(d0, d1) -> (0)>
#map2 = affine_map<(d0, d1) -> (0, 0, 0)>
module attributes {stable_mosaic.version = 14 : i64} {
  func.func @_agg_kernel(%arg0: i32, %arg1: i32, %arg2: memref<10000x128xf32, #tpu.memory_space<hbm>>, %arg3: memref<320000xi32, #tpu.memory_space<hbm>>, %arg4: memref<320000xi32, #tpu.memory_space<hbm>>, %arg5: memref<2x10240x128xf32, #tpu.memory_space<hbm>>, %arg6: memref<80xi32, #tpu.memory_space<vmem>>, %arg7: memref<80xi32, #tpu.memory_space<vmem>>, %arg8: memref<80xi32, #tpu.memory_space<vmem>>, %arg9: memref<80xi32, #tpu.memory_space<vmem>>, %arg10: memref<80xi32, #tpu.memory_space<vmem>>, %arg11: memref<80xi32, #tpu.memory_space<vmem>>, %arg12: memref<80xi32, #tpu.memory_space<vmem>>, %arg13: memref<80xi32, #tpu.memory_space<vmem>>, %arg14: memref<80x128xf32, #tpu.memory_space<vmem>>, %arg15: memref<80x128xf32, #tpu.memory_space<vmem>>, %arg16: memref<80x128xf32, #tpu.memory_space<vmem>>, %arg17: memref<80x128xf32, #tpu.memory_space<vmem>>, %arg18: memref<!tpu.dma_semaphore, #tpu.memory_space<semaphore_mem>>, %arg19: memref<!tpu.dma_semaphore, #tpu.memory_space<semaphore_mem>>, %arg20: memref<!tpu.dma_semaphore, #tpu.memory_space<semaphore_mem>>, %arg21: memref<!tpu.dma_semaphore, #tpu.memory_space<semaphore_mem>>, %arg22: memref<!tpu.dma_semaphore, #tpu.memory_space<semaphore_mem>>, %arg23: memref<!tpu.dma_semaphore, #tpu.memory_space<semaphore_mem>>, %arg24: memref<!tpu.dma_semaphore, #tpu.memory_space<semaphore_mem>>, %arg25: memref<!tpu.dma_semaphore, #tpu.memory_space<semaphore_mem>>, %arg26: memref<!tpu.dma_semaphore, #tpu.memory_space<semaphore_mem>>, %arg27: memref<!tpu.dma_semaphore, #tpu.memory_space<semaphore_mem>>, %arg28: memref<!tpu.dma_semaphore, #tpu.memory_space<semaphore_mem>>, %arg29: memref<!tpu.dma_semaphore, #tpu.memory_space<semaphore_mem>>, %arg30: memref<10240x128xf32, #tpu.memory_space<vmem_shared>>) attributes {dimension_semantics = [#tpu.dimension_semantics<core_parallel>, #tpu.dimension_semantics<subcore_parallel>], iteration_bounds = array<i64: 2, 16>, scalar_prefetch = 0 : i64, scratch_operands = 25 : i64, tpu.core_type = #tpu.core_type<sc_vector_subcore>, window_params = [{transform_indices = #map}, {transform_indices = #map1}, {transform_indices = #map1}, {transform_indices = #map2}]} {
    %mul3A = arith.constant 16 : i32
    %mul3A_0 = arith.muli %arg0, %mul3A : i32
    %add3A = arith.addi %mul3A_0, %arg1 : i32
    %mul3A_1 = arith.constant 10000 : i32
    %mul3A_2 = arith.muli %add3A, %mul3A_1 : i32
    %scan3A = arith.constant 0 : i32
    %scan3A_3 = arith.constant 0 : i32
    %scan3A_4 = arith.constant 80 : i32
    %scan3A_5 = arith.addi %scan3A_3, %scan3A_4 : i32
    %scan3A_6 = arith.constant 1 : i32
    scf.for %scan3A_189 = %scan3A_3 to %scan3A_5 step %scan3A_6  : i32 {
      %broadcast_in_dim3A = arith.constant 0.000000e+00 : f32
      %broadcast_in_dim3A_190 = vector.broadcast %broadcast_in_dim3A : f32 to vector<16xf32>
      %swap3A = arith.index_cast %scan3A_189 : i32 to index
      %swap3A_191 = arith.constant 0 : index
      %swap3A_192 = tpu.vector_load %arg14[%swap3A, %swap3A_191] {strides = array<i32>} : memref<80x128xf32, #tpu.memory_space<vmem>>, vector<1x16xf32>,
      %swap3A_193 = vector.shape_cast %swap3A_192 : vector<1x16xf32> to vector<16xf32>
      %swap3A_194 = vector.shape_cast %broadcast_in_dim3A_190 : vector<16xf32> to vector<1x16xf32>
      tpu.vector_store %arg14[%swap3A, %swap3A_191], %swap3A_194 {strides = array<i32>} : memref<80x128xf32, #tpu.memory_space<vmem>>, vector<1x16xf32>,
      %broadcast_in_dim3A_195 = arith.constant 0.000000e+00 : f32
      %broadcast_in_dim3A_196 = vector.broadcast %broadcast_in_dim3A_195 : f32 to vector<16xf32>
      %swap3A_197 = arith.index_cast %scan3A_189 : i32 to index
      %swap3A_198 = arith.constant 16 : index
      %swap3A_199 = tpu.vector_load %arg14[%swap3A_197, %swap3A_198] {strides = array<i32>} : memref<80x128xf32, #tpu.memory_space<vmem>>, vector<1x16xf32>,
      %swap3A_200 = vector.shape_cast %swap3A_199 : vector<1x16xf32> to vector<16xf32>
      %swap3A_201 = vector.shape_cast %broadcast_in_dim3A_196 : vector<16xf32> to vector<1x16xf32>
      tpu.vector_store %arg14[%swap3A_197, %swap3A_198], %swap3A_201 {strides = array<i32>} : memref<80x128xf32, #tpu.memory_space<vmem>>, vector<1x16xf32>,
      %broadcast_in_dim3A_202 = arith.constant 0.000000e+00 : f32
      %broadcast_in_dim3A_203 = vector.broadcast %broadcast_in_dim3A_202 : f32 to vector<16xf32>
      %swap3A_204 = arith.index_cast %scan3A_189 : i32 to index
      %swap3A_205 = arith.constant 32 : index
      %swap3A_206 = tpu.vector_load %arg14[%swap3A_204, %swap3A_205] {strides = array<i32>} : memref<80x128xf32, #tpu.memory_space<vmem>>, vector<1x16xf32>,
      %swap3A_207 = vector.shape_cast %swap3A_206 : vector<1x16xf32> to vector<16xf32>
      %swap3A_208 = vector.shape_cast %broadcast_in_dim3A_203 : vector<16xf32> to vector<1x16xf32>
      tpu.vector_store %arg14[%swap3A_204, %swap3A_205], %swap3A_208 {strides = array<i32>} : memref<80x128xf32, #tpu.memory_space<vmem>>, vector<1x16xf32>,
      %broadcast_in_dim3A_209 = arith.constant 0.000000e+00 : f32
      %broadcast_in_dim3A_210 = vector.broadcast %broadcast_in_dim3A_209 : f32 to vector<16xf32>
      %swap3A_211 = arith.index_cast %scan3A_189 : i32 to index
      %swap3A_212 = arith.constant 48 : index
      %swap3A_213 = tpu.vector_load %arg14[%swap3A_211, %swap3A_212] {strides = array<i32>} : memref<80x128xf32, #tpu.memory_space<vmem>>, vector<1x16xf32>,
      %swap3A_214 = vector.shape_cast %swap3A_213 : vector<1x16xf32> to vector<16xf32>
      %swap3A_215 = vector.shape_cast %broadcast_in_dim3A_210 : vector<16xf32> to vector<1x16xf32>
      tpu.vector_store %arg14[%swap3A_211, %swap3A_212], %swap3A_215 {strides = array<i32>} : memref<80x128xf32, #tpu.memory_space<vmem>>, vector<1x16xf32>,
      %broadcast_in_dim3A_216 = arith.constant 0.000000e+00 : f32
      %broadcast_in_dim3A_217 = vector.broadcast %broadcast_in_dim3A_216 : f32 to vector<16xf32>
      %swap3A_218 = arith.index_cast %scan3A_189 : i32 to index
      %swap3A_219 = arith.constant 64 : index
      %swap3A_220 = tpu.vector_load %arg14[%swap3A_218, %swap3A_219] {strides = array<i32>} : memref<80x128xf32, #tpu.memory_space<vmem>>, vector<1x16xf32>,
      %swap3A_221 = vector.shape_cast %swap3A_220 : vector<1x16xf32> to vector<16xf32>
      %swap3A_222 = vector.shape_cast %broadcast_in_dim3A_217 : vector<16xf32> to vector<1x16xf32>
      tpu.vector_store %arg14[%swap3A_218, %swap3A_219], %swap3A_222 {strides = array<i32>} : memref<80x128xf32, #tpu.memory_space<vmem>>, vector<1x16xf32>,
      %broadcast_in_dim3A_223 = arith.constant 0.000000e+00 : f32
      %broadcast_in_dim3A_224 = vector.broadcast %broadcast_in_dim3A_223 : f32 to vector<16xf32>
      %swap3A_225 = arith.index_cast %scan3A_189 : i32 to index
      %swap3A_226 = arith.constant 80 : index
      %swap3A_227 = tpu.vector_load %arg14[%swap3A_225, %swap3A_226] {strides = array<i32>} : memref<80x128xf32, #tpu.memory_space<vmem>>, vector<1x16xf32>,
      %swap3A_228 = vector.shape_cast %swap3A_227 : vector<1x16xf32> to vector<16xf32>
      %swap3A_229 = vector.shape_cast %broadcast_in_dim3A_224 : vector<16xf32> to vector<1x16xf32>
      tpu.vector_store %arg14[%swap3A_225, %swap3A_226], %swap3A_229 {strides = array<i32>} : memref<80x128xf32, #tpu.memory_space<vmem>>, vector<1x16xf32>,
      %broadcast_in_dim3A_230 = arith.constant 0.000000e+00 : f32
      %broadcast_in_dim3A_231 = vector.broadcast %broadcast_in_dim3A_230 : f32 to vector<16xf32>
      %swap3A_232 = arith.index_cast %scan3A_189 : i32 to index
      %swap3A_233 = arith.constant 96 : index
      %swap3A_234 = tpu.vector_load %arg14[%swap3A_232, %swap3A_233] {strides = array<i32>} : memref<80x128xf32, #tpu.memory_space<vmem>>, vector<1x16xf32>,
      %swap3A_235 = vector.shape_cast %swap3A_234 : vector<1x16xf32> to vector<16xf32>
      %swap3A_236 = vector.shape_cast %broadcast_in_dim3A_231 : vector<16xf32> to vector<1x16xf32>
      tpu.vector_store %arg14[%swap3A_232, %swap3A_233], %swap3A_236 {strides = array<i32>} : memref<80x128xf32, #tpu.memory_space<vmem>>, vector<1x16xf32>,
      %broadcast_in_dim3A_237 = arith.constant 0.000000e+00 : f32
      %broadcast_in_dim3A_238 = vector.broadcast %broadcast_in_dim3A_237 : f32 to vector<16xf32>
      %swap3A_239 = arith.index_cast %scan3A_189 : i32 to index
      %swap3A_240 = arith.constant 112 : index
      %swap3A_241 = tpu.vector_load %arg14[%swap3A_239, %swap3A_240] {strides = array<i32>} : memref<80x128xf32, #tpu.memory_space<vmem>>, vector<1x16xf32>,
      %swap3A_242 = vector.shape_cast %swap3A_241 : vector<1x16xf32> to vector<16xf32>
      %swap3A_243 = vector.shape_cast %broadcast_in_dim3A_238 : vector<16xf32> to vector<1x16xf32>
      tpu.vector_store %arg14[%swap3A_239, %swap3A_240], %swap3A_243 {strides = array<i32>} : memref<80x128xf32, #tpu.memory_space<vmem>>, vector<1x16xf32>,
    }
    %scan3A_7 = arith.constant 80 : i32
    %mul3A_8 = arith.constant 640 : i32
    %mul3A_9 = arith.muli %arg1, %mul3A_8 : i32
    %add3A_10 = arith.constant 0 : i32
    %add3A_11 = arith.addi %mul3A_9, %add3A_10 : i32
    "tpu.region"() ({
      %run_scoped3A = tpu.sem_alloc : memref<!tpu.dma_semaphore, #tpu.memory_space<semaphore_mem>>
      %dma_start3A_189 = arith.constant 0 : i32
      %dma_start3A_190 = tpu.memref_slice %arg30[%add3A_11, %dma_start3A_189] : memref<10240x128xf32, #tpu.memory_space<vmem_shared>> -> memref<80x128xf32, #tpu.memory_space<vmem_shared>>
      %dma_start3A_191 = arith.constant 0 : i32
      %dma_start3A_192 = tpu.memref_slice %arg30[%add3A_11, %dma_start3A_191] : memref<10240x128xf32, #tpu.memory_space<vmem_shared>> -> memref<80x128xf32, #tpu.memory_space<vmem_shared>>
      tpu.enqueue_dma source(%arg14 : memref<80x128xf32, #tpu.memory_space<vmem>>) target(%dma_start3A_192 : memref<80x128xf32, #tpu.memory_space<vmem_shared>>) target_semaphore(%run_scoped3A : memref<!tpu.dma_semaphore, #tpu.memory_space<semaphore_mem>>)
      %dma_wait3A_193 = arith.constant 0 : i32
      %dma_wait3A_194 = tpu.memref_slice %arg30[%add3A_11, %dma_wait3A_193] : memref<10240x128xf32, #tpu.memory_space<vmem_shared>> -> memref<80x128xf32, #tpu.memory_space<vmem_shared>>
      %dma_wait3A_195 = arith.constant 0 : i32
      %dma_wait3A_196 = tpu.memref_slice %arg30[%add3A_11, %dma_wait3A_195] : memref<10240x128xf32, #tpu.memory_space<vmem_shared>> -> memref<80x128xf32, #tpu.memory_space<vmem_shared>>
      tpu.wait_dma2 semaphore(%run_scoped3A : memref<!tpu.dma_semaphore, #tpu.memory_space<semaphore_mem>>) src(%arg14 : memref<80x128xf32, #tpu.memory_space<vmem>>) dst(%dma_wait3A_196 : memref<80x128xf32, #tpu.memory_space<vmem_shared>>)
      tpu.yield
    }) : () -> ()
    %mul3A_12 = arith.constant 640 : i32
    %mul3A_13 = arith.muli %arg1, %mul3A_12 : i32
    %add3A_14 = arith.constant 80 : i32
    %add3A_15 = arith.addi %mul3A_13, %add3A_14 : i32
    "tpu.region"() ({
      %run_scoped3A = tpu.sem_alloc : memref<!tpu.dma_semaphore, #tpu.memory_space<semaphore_mem>>
      %dma_start3A_189 = arith.constant 0 : i32
      %dma_start3A_190 = tpu.memref_slice %arg30[%add3A_15, %dma_start3A_189] : memref<10240x128xf32, #tpu.memory_space<vmem_shared>> -> memref<80x128xf32, #tpu.memory_space<vmem_shared>>
      %dma_start3A_191 = arith.constant 0 : i32
      %dma_start3A_192 = tpu.memref_slice %arg30[%add3A_15, %dma_start3A_191] : memref<10240x128xf32, #tpu.memory_space<vmem_shared>> -> memref<80x128xf32, #tpu.memory_space<vmem_shared>>
      tpu.enqueue_dma source(%arg14 : memref<80x128xf32, #tpu.memory_space<vmem>>) target(%dma_start3A_192 : memref<80x128xf32, #tpu.memory_space<vmem_shared>>) target_semaphore(%run_scoped3A : memref<!tpu.dma_semaphore, #tpu.memory_space<semaphore_mem>>)
      %dma_wait3A_193 = arith.constant 0 : i32
      %dma_wait3A_194 = tpu.memref_slice %arg30[%add3A_15, %dma_wait3A_193] : memref<10240x128xf32, #tpu.memory_space<vmem_shared>> -> memref<80x128xf32, #tpu.memory_space<vmem_shared>>
      %dma_wait3A_195 = arith.constant 0 : i32
      %dma_wait3A_196 = tpu.memref_slice %arg30[%add3A_15, %dma_wait3A_195] : memref<10240x128xf32, #tpu.memory_space<vmem_shared>> -> memref<80x128xf32, #tpu.memory_space<vmem_shared>>
      tpu.wait_dma2 semaphore(%run_scoped3A : memref<!tpu.dma_semaphore, #tpu.memory_space<semaphore_mem>>) src(%arg14 : memref<80x128xf32, #tpu.memory_space<vmem>>) dst(%dma_wait3A_196 : memref<80x128xf32, #tpu.memory_space<vmem_shared>>)
      tpu.yield
    }) : () -> ()
    %mul3A_16 = arith.constant 640 : i32
    %mul3A_17 = arith.muli %arg1, %mul3A_16 : i32
    %add3A_18 = arith.constant 160 : i32
    %add3A_19 = arith.addi %mul3A_17, %add3A_18 : i32
    "tpu.region"() ({
      %run_scoped3A = tpu.sem_alloc : memref<!tpu.dma_semaphore, #tpu.memory_space<semaphore_mem>>
      %dma_start3A_189 = arith.constant 0 : i32
      %dma_start3A_190 = tpu.memref_slice %arg30[%add3A_19, %dma_start3A_189] : memref<10240x128xf32, #tpu.memory_space<vmem_shared>> -> memref<80x128xf32, #tpu.memory_space<vmem_shared>>
      %dma_start3A_191 = arith.constant 0 : i32
      %dma_start3A_192 = tpu.memref_slice %arg30[%add3A_19, %dma_start3A_191] : memref<10240x128xf32, #tpu.memory_space<vmem_shared>> -> memref<80x128xf32, #tpu.memory_space<vmem_shared>>
      tpu.enqueue_dma source(%arg14 : memref<80x128xf32, #tpu.memory_space<vmem>>) target(%dma_start3A_192 : memref<80x128xf32, #tpu.memory_space<vmem_shared>>) target_semaphore(%run_scoped3A : memref<!tpu.dma_semaphore, #tpu.memory_space<semaphore_mem>>)
      %dma_wait3A_193 = arith.constant 0 : i32
      %dma_wait3A_194 = tpu.memref_slice %arg30[%add3A_19, %dma_wait3A_193] : memref<10240x128xf32, #tpu.memory_space<vmem_shared>> -> memref<80x128xf32, #tpu.memory_space<vmem_shared>>
      %dma_wait3A_195 = arith.constant 0 : i32
      %dma_wait3A_196 = tpu.memref_slice %arg30[%add3A_19, %dma_wait3A_195] : memref<10240x128xf32, #tpu.memory_space<vmem_shared>> -> memref<80x128xf32, #tpu.memory_space<vmem_shared>>
      tpu.wait_dma2 semaphore(%run_scoped3A : memref<!tpu.dma_semaphore, #tpu.memory_space<semaphore_mem>>) src(%arg14 : memref<80x128xf32, #tpu.memory_space<vmem>>) dst(%dma_wait3A_196 : memref<80x128xf32, #tpu.memory_space<vmem_shared>>)
      tpu.yield
    }) : () -> ()
    %mul3A_20 = arith.constant 640 : i32
    %mul3A_21 = arith.muli %arg1, %mul3A_20 : i32
    %add3A_22 = arith.constant 240 : i32
    %add3A_23 = arith.addi %mul3A_21, %add3A_22 : i32
    "tpu.region"() ({
      %run_scoped3A = tpu.sem_alloc : memref<!tpu.dma_semaphore, #tpu.memory_space<semaphore_mem>>
      %dma_start3A_189 = arith.constant 0 : i32
      %dma_start3A_190 = tpu.memref_slice %arg30[%add3A_23, %dma_start3A_189] : memref<10240x128xf32, #tpu.memory_space<vmem_shared>> -> memref<80x128xf32, #tpu.memory_space<vmem_shared>>
      %dma_start3A_191 = arith.constant 0 : i32
      %dma_start3A_192 = tpu.memref_slice %arg30[%add3A_23, %dma_start3A_191] : memref<10240x128xf32, #tpu.memory_space<vmem_shared>> -> memref<80x128xf32, #tpu.memory_space<vmem_shared>>
      tpu.enqueue_dma source(%arg14 : memref<80x128xf32, #tpu.memory_space<vmem>>) target(%dma_start3A_192 : memref<80x128xf32, #tpu.memory_space<vmem_shared>>) target_semaphore(%run_scoped3A : memref<!tpu.dma_semaphore, #tpu.memory_space<semaphore_mem>>)
      %dma_wait3A_193 = arith.constant 0 : i32
      %dma_wait3A_194 = tpu.memref_slice %arg30[%add3A_23, %dma_wait3A_193] : memref<10240x128xf32, #tpu.memory_space<vmem_shared>> -> memref<80x128xf32, #tpu.memory_space<vmem_shared>>
      %dma_wait3A_195 = arith.constant 0 : i32
      %dma_wait3A_196 = tpu.memref_slice %arg30[%add3A_23, %dma_wait3A_195] : memref<10240x128xf32, #tpu.memory_space<vmem_shared>> -> memref<80x128xf32, #tpu.memory_space<vmem_shared>>
      tpu.wait_dma2 semaphore(%run_scoped3A : memref<!tpu.dma_semaphore, #tpu.memory_space<semaphore_mem>>) src(%arg14 : memref<80x128xf32, #tpu.memory_space<vmem>>) dst(%dma_wait3A_196 : memref<80x128xf32, #tpu.memory_space<vmem_shared>>)
      tpu.yield
    }) : () -> ()
    %mul3A_24 = arith.constant 640 : i32
    %mul3A_25 = arith.muli %arg1, %mul3A_24 : i32
    %add3A_26 = arith.constant 320 : i32
    %add3A_27 = arith.addi %mul3A_25, %add3A_26 : i32
    "tpu.region"() ({
      %run_scoped3A = tpu.sem_alloc : memref<!tpu.dma_semaphore, #tpu.memory_space<semaphore_mem>>
      %dma_start3A_189 = arith.constant 0 : i32
      %dma_start3A_190 = tpu.memref_slice %arg30[%add3A_27, %dma_start3A_189] : memref<10240x128xf32, #tpu.memory_space<vmem_shared>> -> memref<80x128xf32, #tpu.memory_space<vmem_shared>>
      %dma_start3A_191 = arith.constant 0 : i32
      %dma_start3A_192 = tpu.memref_slice %arg30[%add3A_27, %dma_start3A_191] : memref<10240x128xf32, #tpu.memory_space<vmem_shared>> -> memref<80x128xf32, #tpu.memory_space<vmem_shared>>
      tpu.enqueue_dma source(%arg14 : memref<80x128xf32, #tpu.memory_space<vmem>>) target(%dma_start3A_192 : memref<80x128xf32, #tpu.memory_space<vmem_shared>>) target_semaphore(%run_scoped3A : memref<!tpu.dma_semaphore, #tpu.memory_space<semaphore_mem>>)
      %dma_wait3A_193 = arith.constant 0 : i32
      %dma_wait3A_194 = tpu.memref_slice %arg30[%add3A_27, %dma_wait3A_193] : memref<10240x128xf32, #tpu.memory_space<vmem_shared>> -> memref<80x128xf32, #tpu.memory_space<vmem_shared>>
      %dma_wait3A_195 = arith.constant 0 : i32
      %dma_wait3A_196 = tpu.memref_slice %arg30[%add3A_27, %dma_wait3A_195] : memref<10240x128xf32, #tpu.memory_space<vmem_shared>> -> memref<80x128xf32, #tpu.memory_space<vmem_shared>>
      tpu.wait_dma2 semaphore(%run_scoped3A : memref<!tpu.dma_semaphore, #tpu.memory_space<semaphore_mem>>) src(%arg14 : memref<80x128xf32, #tpu.memory_space<vmem>>) dst(%dma_wait3A_196 : memref<80x128xf32, #tpu.memory_space<vmem_shared>>)
      tpu.yield
    }) : () -> ()
    %mul3A_28 = arith.constant 640 : i32
    %mul3A_29 = arith.muli %arg1, %mul3A_28 : i32
    %add3A_30 = arith.constant 400 : i32
    %add3A_31 = arith.addi %mul3A_29, %add3A_30 : i32
    "tpu.region"() ({
      %run_scoped3A = tpu.sem_alloc : memref<!tpu.dma_semaphore, #tpu.memory_space<semaphore_mem>>
      %dma_start3A_189 = arith.constant 0 : i32
      %dma_start3A_190 = tpu.memref_slice %arg30[%add3A_31, %dma_start3A_189] : memref<10240x128xf32, #tpu.memory_space<vmem_shared>> -> memref<80x128xf32, #tpu.memory_space<vmem_shared>>
      %dma_start3A_191 = arith.constant 0 : i32
      %dma_start3A_192 = tpu.memref_slice %arg30[%add3A_31, %dma_start3A_191] : memref<10240x128xf32, #tpu.memory_space<vmem_shared>> -> memref<80x128xf32, #tpu.memory_space<vmem_shared>>
      tpu.enqueue_dma source(%arg14 : memref<80x128xf32, #tpu.memory_space<vmem>>) target(%dma_start3A_192 : memref<80x128xf32, #tpu.memory_space<vmem_shared>>) target_semaphore(%run_scoped3A : memref<!tpu.dma_semaphore, #tpu.memory_space<semaphore_mem>>)
      %dma_wait3A_193 = arith.constant 0 : i32
      %dma_wait3A_194 = tpu.memref_slice %arg30[%add3A_31, %dma_wait3A_193] : memref<10240x128xf32, #tpu.memory_space<vmem_shared>> -> memref<80x128xf32, #tpu.memory_space<vmem_shared>>
      %dma_wait3A_195 = arith.constant 0 : i32
      %dma_wait3A_196 = tpu.memref_slice %arg30[%add3A_31, %dma_wait3A_195] : memref<10240x128xf32, #tpu.memory_space<vmem_shared>> -> memref<80x128xf32, #tpu.memory_space<vmem_shared>>
      tpu.wait_dma2 semaphore(%run_scoped3A : memref<!tpu.dma_semaphore, #tpu.memory_space<semaphore_mem>>) src(%arg14 : memref<80x128xf32, #tpu.memory_space<vmem>>) dst(%dma_wait3A_196 : memref<80x128xf32, #tpu.memory_space<vmem_shared>>)
      tpu.yield
    }) : () -> ()
    %mul3A_32 = arith.constant 640 : i32
    %mul3A_33 = arith.muli %arg1, %mul3A_32 : i32
    %add3A_34 = arith.constant 480 : i32
    %add3A_35 = arith.addi %mul3A_33, %add3A_34 : i32
    "tpu.region"() ({
      %run_scoped3A = tpu.sem_alloc : memref<!tpu.dma_semaphore, #tpu.memory_space<semaphore_mem>>
      %dma_start3A_189 = arith.constant 0 : i32
      %dma_start3A_190 = tpu.memref_slice %arg30[%add3A_35, %dma_start3A_189] : memref<10240x128xf32, #tpu.memory_space<vmem_shared>> -> memref<80x128xf32, #tpu.memory_space<vmem_shared>>
      %dma_start3A_191 = arith.constant 0 : i32
      %dma_start3A_192 = tpu.memref_slice %arg30[%add3A_35, %dma_start3A_191] : memref<10240x128xf32, #tpu.memory_space<vmem_shared>> -> memref<80x128xf32, #tpu.memory_space<vmem_shared>>
      tpu.enqueue_dma source(%arg14 : memref<80x128xf32, #tpu.memory_space<vmem>>) target(%dma_start3A_192 : memref<80x128xf32, #tpu.memory_space<vmem_shared>>) target_semaphore(%run_scoped3A : memref<!tpu.dma_semaphore, #tpu.memory_space<semaphore_mem>>)
      %dma_wait3A_193 = arith.constant 0 : i32
      %dma_wait3A_194 = tpu.memref_slice %arg30[%add3A_35, %dma_wait3A_193] : memref<10240x128xf32, #tpu.memory_space<vmem_shared>> -> memref<80x128xf32, #tpu.memory_space<vmem_shared>>
      %dma_wait3A_195 = arith.constant 0 : i32
      %dma_wait3A_196 = tpu.memref_slice %arg30[%add3A_35, %dma_wait3A_195] : memref<10240x128xf32, #tpu.memory_space<vmem_shared>> -> memref<80x128xf32, #tpu.memory_space<vmem_shared>>
      tpu.wait_dma2 semaphore(%run_scoped3A : memref<!tpu.dma_semaphore, #tpu.memory_space<semaphore_mem>>) src(%arg14 : memref<80x128xf32, #tpu.memory_space<vmem>>) dst(%dma_wait3A_196 : memref<80x128xf32, #tpu.memory_space<vmem_shared>>)
      tpu.yield
    }) : () -> ()
    %mul3A_36 = arith.constant 640 : i32
    %mul3A_37 = arith.muli %arg1, %mul3A_36 : i32
    %add3A_38 = arith.constant 560 : i32
    %add3A_39 = arith.addi %mul3A_37, %add3A_38 : i32
    "tpu.region"() ({
      %run_scoped3A = tpu.sem_alloc : memref<!tpu.dma_semaphore, #tpu.memory_space<semaphore_mem>>
      %dma_start3A_189 = arith.constant 0 : i32
      %dma_start3A_190 = tpu.memref_slice %arg30[%add3A_39, %dma_start3A_189] : memref<10240x128xf32, #tpu.memory_space<vmem_shared>> -> memref<80x128xf32, #tpu.memory_space<vmem_shared>>
      %dma_start3A_191 = arith.constant 0 : i32
      %dma_start3A_192 = tpu.memref_slice %arg30[%add3A_39, %dma_start3A_191] : memref<10240x128xf32, #tpu.memory_space<vmem_shared>> -> memref<80x128xf32, #tpu.memory_space<vmem_shared>>
      tpu.enqueue_dma source(%arg14 : memref<80x128xf32, #tpu.memory_space<vmem>>) target(%dma_start3A_192 : memref<80x128xf32, #tpu.memory_space<vmem_shared>>) target_semaphore(%run_scoped3A : memref<!tpu.dma_semaphore, #tpu.memory_space<semaphore_mem>>)
      %dma_wait3A_193 = arith.constant 0 : i32
      %dma_wait3A_194 = tpu.memref_slice %arg30[%add3A_39, %dma_wait3A_193] : memref<10240x128xf32, #tpu.memory_space<vmem_shared>> -> memref<80x128xf32, #tpu.memory_space<vmem_shared>>
      %dma_wait3A_195 = arith.constant 0 : i32
      %dma_wait3A_196 = tpu.memref_slice %arg30[%add3A_39, %dma_wait3A_195] : memref<10240x128xf32, #tpu.memory_space<vmem_shared>> -> memref<80x128xf32, #tpu.memory_space<vmem_shared>>
      tpu.wait_dma2 semaphore(%run_scoped3A : memref<!tpu.dma_semaphore, #tpu.memory_space<semaphore_mem>>) src(%arg14 : memref<80x128xf32, #tpu.memory_space<vmem>>) dst(%dma_wait3A_196 : memref<80x128xf32, #tpu.memory_space<vmem_shared>>)
      tpu.yield
    }) : () -> ()
    %barrier3A = arith.constant 0 : index
    tpu.barrier barrier_id(%barrier3A)
    %add3A_40 = arith.constant 0 : i32
    %add3A_41 = arith.addi %mul3A_2, %add3A_40 : i32
    %dma_start3A = tpu.memref_slice %arg3[%add3A_41] : memref<320000xi32, #tpu.memory_space<hbm>> -> memref<80xi32, #tpu.memory_space<hbm>>
    %dma_start3A_42 = tpu.memref_slice %arg3[%add3A_41] : memref<320000xi32, #tpu.memory_space<hbm>> -> memref<80xi32, #tpu.memory_space<hbm>>
    tpu.enqueue_dma source(%dma_start3A_42 : memref<80xi32, #tpu.memory_space<hbm>>) target(%arg6 : memref<80xi32, #tpu.memory_space<vmem>>) target_semaphore(%arg18 : memref<!tpu.dma_semaphore, #tpu.memory_space<semaphore_mem>>)
    %add3A_43 = arith.constant 0 : i32
    %add3A_44 = arith.addi %mul3A_2, %add3A_43 : i32
    %dma_start3A_45 = tpu.memref_slice %arg4[%add3A_44] : memref<320000xi32, #tpu.memory_space<hbm>> -> memref<80xi32, #tpu.memory_space<hbm>>
    %dma_start3A_46 = tpu.memref_slice %arg4[%add3A_44] : memref<320000xi32, #tpu.memory_space<hbm>> -> memref<80xi32, #tpu.memory_space<hbm>>
    tpu.enqueue_dma source(%dma_start3A_46 : memref<80xi32, #tpu.memory_space<hbm>>) target(%arg10 : memref<80xi32, #tpu.memory_space<vmem>>) target_semaphore(%arg18 : memref<!tpu.dma_semaphore, #tpu.memory_space<semaphore_mem>>)
    %add3A_47 = arith.constant 80 : i32
    %add3A_48 = arith.addi %mul3A_2, %add3A_47 : i32
    %dma_start3A_49 = tpu.memref_slice %arg3[%add3A_48] : memref<320000xi32, #tpu.memory_space<hbm>> -> memref<80xi32, #tpu.memory_space<hbm>>
    %dma_start3A_50 = tpu.memref_slice %arg3[%add3A_48] : memref<320000xi32, #tpu.memory_space<hbm>> -> memref<80xi32, #tpu.memory_space<hbm>>
    tpu.enqueue_dma source(%dma_start3A_50 : memref<80xi32, #tpu.memory_space<hbm>>) target(%arg7 : memref<80xi32, #tpu.memory_space<vmem>>) target_semaphore(%arg19 : memref<!tpu.dma_semaphore, #tpu.memory_space<semaphore_mem>>)
    %add3A_51 = arith.constant 80 : i32
    %add3A_52 = arith.addi %mul3A_2, %add3A_51 : i32
    %dma_start3A_53 = tpu.memref_slice %arg4[%add3A_52] : memref<320000xi32, #tpu.memory_space<hbm>> -> memref<80xi32, #tpu.memory_space<hbm>>
    %dma_start3A_54 = tpu.memref_slice %arg4[%add3A_52] : memref<320000xi32, #tpu.memory_space<hbm>> -> memref<80xi32, #tpu.memory_space<hbm>>
    tpu.enqueue_dma source(%dma_start3A_54 : memref<80xi32, #tpu.memory_space<hbm>>) target(%arg11 : memref<80xi32, #tpu.memory_space<vmem>>) target_semaphore(%arg19 : memref<!tpu.dma_semaphore, #tpu.memory_space<semaphore_mem>>)
    %add3A_55 = arith.constant 0 : i32
    %add3A_56 = arith.addi %mul3A_2, %add3A_55 : i32
    %dma_wait3A = tpu.memref_slice %arg3[%add3A_56] : memref<320000xi32, #tpu.memory_space<hbm>> -> memref<80xi32, #tpu.memory_space<hbm>>
    %dma_wait3A_57 = tpu.memref_slice %arg3[%add3A_56] : memref<320000xi32, #tpu.memory_space<hbm>> -> memref<80xi32, #tpu.memory_space<hbm>>
    tpu.wait_dma2 semaphore(%arg18 : memref<!tpu.dma_semaphore, #tpu.memory_space<semaphore_mem>>) src(%dma_wait3A_57 : memref<80xi32, #tpu.memory_space<hbm>>) dst(%arg6 : memref<80xi32, #tpu.memory_space<vmem>>)
    %add3A_58 = arith.constant 0 : i32
    %add3A_59 = arith.addi %mul3A_2, %add3A_58 : i32
    %dma_wait3A_60 = tpu.memref_slice %arg4[%add3A_59] : memref<320000xi32, #tpu.memory_space<hbm>> -> memref<80xi32, #tpu.memory_space<hbm>>
    %dma_wait3A_61 = tpu.memref_slice %arg4[%add3A_59] : memref<320000xi32, #tpu.memory_space<hbm>> -> memref<80xi32, #tpu.memory_space<hbm>>
    tpu.wait_dma2 semaphore(%arg18 : memref<!tpu.dma_semaphore, #tpu.memory_space<semaphore_mem>>) src(%dma_wait3A_61 : memref<80xi32, #tpu.memory_space<hbm>>) dst(%arg10 : memref<80xi32, #tpu.memory_space<vmem>>)
    %dma_start3A_62 = arith.constant 0 : i32
    %dma_start3A_63 = arith.constant 0 : i32
    %dma_start3A_64 = tpu.memref_slice %arg2[%dma_start3A_62, %dma_start3A_63] : memref<10000x128xf32, #tpu.memory_space<hbm>> -> memref<10000x128xf32, #tpu.memory_space<hbm>>
    tpu.enqueue_indirect_dma source(%dma_start3A_64 : memref<10000x128xf32, #tpu.memory_space<hbm>>) target(%arg14 : memref<80x128xf32, #tpu.memory_space<vmem>>) offsets(%arg6 : memref<80xi32, #tpu.memory_space<vmem>>) semaphore(%arg22 : memref<!tpu.dma_semaphore, #tpu.memory_space<semaphore_mem>>)
    %add3A_65 = arith.constant 160 : i32
    %add3A_66 = arith.addi %mul3A_2, %add3A_65 : i32
    %dma_start3A_67 = tpu.memref_slice %arg3[%add3A_66] : memref<320000xi32, #tpu.memory_space<hbm>> -> memref<80xi32, #tpu.memory_space<hbm>>
    %dma_start3A_68 = tpu.memref_slice %arg3[%add3A_66] : memref<320000xi32, #tpu.memory_space<hbm>> -> memref<80xi32, #tpu.memory_space<hbm>>
    tpu.enqueue_dma source(%dma_start3A_68 : memref<80xi32, #tpu.memory_space<hbm>>) target(%arg8 : memref<80xi32, #tpu.memory_space<vmem>>) target_semaphore(%arg20 : memref<!tpu.dma_semaphore, #tpu.memory_space<semaphore_mem>>)
    %add3A_69 = arith.constant 160 : i32
    %add3A_70 = arith.addi %mul3A_2, %add3A_69 : i32
    %dma_start3A_71 = tpu.memref_slice %arg4[%add3A_70] : memref<320000xi32, #tpu.memory_space<hbm>> -> memref<80xi32, #tpu.memory_space<hbm>>
    %dma_start3A_72 = tpu.memref_slice %arg4[%add3A_70] : memref<320000xi32, #tpu.memory_space<hbm>> -> memref<80xi32, #tpu.memory_space<hbm>>
    tpu.enqueue_dma source(%dma_start3A_72 : memref<80xi32, #tpu.memory_space<hbm>>) target(%arg12 : memref<80xi32, #tpu.memory_space<vmem>>) target_semaphore(%arg20 : memref<!tpu.dma_semaphore, #tpu.memory_space<semaphore_mem>>)
    %add3A_73 = arith.constant 80 : i32
    %add3A_74 = arith.addi %mul3A_2, %add3A_73 : i32
    %dma_wait3A_75 = tpu.memref_slice %arg3[%add3A_74] : memref<320000xi32, #tpu.memory_space<hbm>> -> memref<80xi32, #tpu.memory_space<hbm>>
    %dma_wait3A_76 = tpu.memref_slice %arg3[%add3A_74] : memref<320000xi32, #tpu.memory_space<hbm>> -> memref<80xi32, #tpu.memory_space<hbm>>
    tpu.wait_dma2 semaphore(%arg19 : memref<!tpu.dma_semaphore, #tpu.memory_space<semaphore_mem>>) src(%dma_wait3A_76 : memref<80xi32, #tpu.memory_space<hbm>>) dst(%arg7 : memref<80xi32, #tpu.memory_space<vmem>>)
    %add3A_77 = arith.constant 80 : i32
    %add3A_78 = arith.addi %mul3A_2, %add3A_77 : i32
    %dma_wait3A_79 = tpu.memref_slice %arg4[%add3A_78] : memref<320000xi32, #tpu.memory_space<hbm>> -> memref<80xi32, #tpu.memory_space<hbm>>
    %dma_wait3A_80 = tpu.memref_slice %arg4[%add3A_78] : memref<320000xi32, #tpu.memory_space<hbm>> -> memref<80xi32, #tpu.memory_space<hbm>>
    tpu.wait_dma2 semaphore(%arg19 : memref<!tpu.dma_semaphore, #tpu.memory_space<semaphore_mem>>) src(%dma_wait3A_80 : memref<80xi32, #tpu.memory_space<hbm>>) dst(%arg11 : memref<80xi32, #tpu.memory_space<vmem>>)
    %dma_start3A_81 = arith.constant 0 : i32
    %dma_start3A_82 = arith.constant 0 : i32
    %dma_start3A_83 = tpu.memref_slice %arg2[%dma_start3A_81, %dma_start3A_82] : memref<10000x128xf32, #tpu.memory_space<hbm>> -> memref<10000x128xf32, #tpu.memory_space<hbm>>
    tpu.enqueue_indirect_dma source(%dma_start3A_83 : memref<10000x128xf32, #tpu.memory_space<hbm>>) target(%arg15 : memref<80x128xf32, #tpu.memory_space<vmem>>) offsets(%arg7 : memref<80xi32, #tpu.memory_space<vmem>>) semaphore(%arg23 : memref<!tpu.dma_semaphore, #tpu.memory_space<semaphore_mem>>)
    %dma_wait3A_84 = arith.constant 0 : i32
    %dma_wait3A_85 = arith.constant 0 : i32
    %dma_wait3A_86 = tpu.memref_slice %arg2[%dma_wait3A_84, %dma_wait3A_85] : memref<10000x128xf32, #tpu.memory_space<hbm>> -> memref<10000x128xf32, #tpu.memory_space<hbm>>
    tpu.wait_indirect_dma semaphore(%arg22 : memref<!tpu.dma_semaphore, #tpu.memory_space<semaphore_mem>>) src(%dma_wait3A_86 : memref<10000x128xf32, #tpu.memory_space<hbm>>) dst(%arg14 : memref<80x128xf32, #tpu.memory_space<vmem>>)
    %dma_start3A_87 = arith.constant 0 : i32
    %dma_start3A_88 = arith.constant 0 : i32
    %dma_start3A_89 = tpu.memref_slice %arg30[%dma_start3A_87, %dma_start3A_88] : memref<10240x128xf32, #tpu.memory_space<vmem_shared>> -> memref<10240x128xf32, #tpu.memory_space<vmem_shared>>
    tpu.enqueue_indirect_dma source(%arg14 : memref<80x128xf32, #tpu.memory_space<vmem>>) target(%dma_start3A_89 : memref<10240x128xf32, #tpu.memory_space<vmem_shared>>) offsets(%arg10 : memref<80xi32, #tpu.memory_space<vmem>>) semaphore(%arg26 : memref<!tpu.dma_semaphore, #tpu.memory_space<semaphore_mem>>) {add = true}
    %add3A_90 = arith.constant 240 : i32
    %add3A_91 = arith.addi %mul3A_2, %add3A_90 : i32
    %dma_start3A_92 = tpu.memref_slice %arg3[%add3A_91] : memref<320000xi32, #tpu.memory_space<hbm>> -> memref<80xi32, #tpu.memory_space<hbm>>
    %dma_start3A_93 = tpu.memref_slice %arg3[%add3A_91] : memref<320000xi32, #tpu.memory_space<hbm>> -> memref<80xi32, #tpu.memory_space<hbm>>
    tpu.enqueue_dma source(%dma_start3A_93 : memref<80xi32, #tpu.memory_space<hbm>>) target(%arg9 : memref<80xi32, #tpu.memory_space<vmem>>) target_semaphore(%arg21 : memref<!tpu.dma_semaphore, #tpu.memory_space<semaphore_mem>>)
    %add3A_94 = arith.constant 240 : i32
    %add3A_95 = arith.addi %mul3A_2, %add3A_94 : i32
    %dma_start3A_96 = tpu.memref_slice %arg4[%add3A_95] : memref<320000xi32, #tpu.memory_space<hbm>> -> memref<80xi32, #tpu.memory_space<hbm>>
    %dma_start3A_97 = tpu.memref_slice %arg4[%add3A_95] : memref<320000xi32, #tpu.memory_space<hbm>> -> memref<80xi32, #tpu.memory_space<hbm>>
    tpu.enqueue_dma source(%dma_start3A_97 : memref<80xi32, #tpu.memory_space<hbm>>) target(%arg13 : memref<80xi32, #tpu.memory_space<vmem>>) target_semaphore(%arg21 : memref<!tpu.dma_semaphore, #tpu.memory_space<semaphore_mem>>)
    %add3A_98 = arith.constant 160 : i32
    %add3A_99 = arith.addi %mul3A_2, %add3A_98 : i32
    %dma_wait3A_100 = tpu.memref_slice %arg3[%add3A_99] : memref<320000xi32, #tpu.memory_space<hbm>> -> memref<80xi32, #tpu.memory_space<hbm>>
    %dma_wait3A_101 = tpu.memref_slice %arg3[%add3A_99] : memref<320000xi32, #tpu.memory_space<hbm>> -> memref<80xi32, #tpu.memory_space<hbm>>
    tpu.wait_dma2 semaphore(%arg20 : memref<!tpu.dma_semaphore, #tpu.memory_space<semaphore_mem>>) src(%dma_wait3A_101 : memref<80xi32, #tpu.memory_space<hbm>>) dst(%arg8 : memref<80xi32, #tpu.memory_space<vmem>>)
    %add3A_102 = arith.constant 160 : i32
    %add3A_103 = arith.addi %mul3A_2, %add3A_102 : i32
    %dma_wait3A_104 = tpu.memref_slice %arg4[%add3A_103] : memref<320000xi32, #tpu.memory_space<hbm>> -> memref<80xi32, #tpu.memory_space<hbm>>
    %dma_wait3A_105 = tpu.memref_slice %arg4[%add3A_103] : memref<320000xi32, #tpu.memory_space<hbm>> -> memref<80xi32, #tpu.memory_space<hbm>>
    tpu.wait_dma2 semaphore(%arg20 : memref<!tpu.dma_semaphore, #tpu.memory_space<semaphore_mem>>) src(%dma_wait3A_105 : memref<80xi32, #tpu.memory_space<hbm>>) dst(%arg12 : memref<80xi32, #tpu.memory_space<vmem>>)
    %dma_start3A_106 = arith.constant 0 : i32
    %dma_start3A_107 = arith.constant 0 : i32
    %dma_start3A_108 = tpu.memref_slice %arg2[%dma_start3A_106, %dma_start3A_107] : memref<10000x128xf32, #tpu.memory_space<hbm>> -> memref<10000x128xf32, #tpu.memory_space<hbm>>
    tpu.enqueue_indirect_dma source(%dma_start3A_108 : memref<10000x128xf32, #tpu.memory_space<hbm>>) target(%arg16 : memref<80x128xf32, #tpu.memory_space<vmem>>) offsets(%arg8 : memref<80xi32, #tpu.memory_space<vmem>>) semaphore(%arg24 : memref<!tpu.dma_semaphore, #tpu.memory_space<semaphore_mem>>)
    %dma_wait3A_109 = arith.constant 0 : i32
    %dma_wait3A_110 = arith.constant 0 : i32
    %dma_wait3A_111 = tpu.memref_slice %arg2[%dma_wait3A_109, %dma_wait3A_110] : memref<10000x128xf32, #tpu.memory_space<hbm>> -> memref<10000x128xf32, #tpu.memory_space<hbm>>
    tpu.wait_indirect_dma semaphore(%arg23 : memref<!tpu.dma_semaphore, #tpu.memory_space<semaphore_mem>>) src(%dma_wait3A_111 : memref<10000x128xf32, #tpu.memory_space<hbm>>) dst(%arg15 : memref<80x128xf32, #tpu.memory_space<vmem>>)
    %dma_start3A_112 = arith.constant 0 : i32
    %dma_start3A_113 = arith.constant 0 : i32
    %dma_start3A_114 = tpu.memref_slice %arg30[%dma_start3A_112, %dma_start3A_113] : memref<10240x128xf32, #tpu.memory_space<vmem_shared>> -> memref<10240x128xf32, #tpu.memory_space<vmem_shared>>
    tpu.enqueue_indirect_dma source(%arg15 : memref<80x128xf32, #tpu.memory_space<vmem>>) target(%dma_start3A_114 : memref<10240x128xf32, #tpu.memory_space<vmem_shared>>) offsets(%arg11 : memref<80xi32, #tpu.memory_space<vmem>>) semaphore(%arg27 : memref<!tpu.dma_semaphore, #tpu.memory_space<semaphore_mem>>) {add = true}
    %scan3A_115 = arith.constant 0 : i32
    %scan3A_116 = arith.constant 0 : i32
    %scan3A_117 = arith.constant 30 : i32
    %scan3A_118 = arith.addi %scan3A_116, %scan3A_117 : i32
    %scan3A_119 = arith.constant 1 : i32
    scf.for %scan3A_189 = %scan3A_116 to %scan3A_118 step %scan3A_119  : i32 {
      %mul3A_190 = arith.constant 4 : i32
      %mul3A_191 = arith.muli %scan3A_189, %mul3A_190 : i32
      %add3A_192 = arith.constant 2 : i32
      %add3A_193 = arith.addi %add3A_192, %mul3A_191 : i32
      %add3A_194 = arith.constant 0 : i32
      %add3A_195 = arith.addi %add3A_193, %add3A_194 : i32
      %sub3A = arith.constant 2 : i32
      %sub3A_196 = arith.subi %add3A_195, %sub3A : i32
      %dma_wait3A_197 = arith.constant 0 : i32
      %dma_wait3A_198 = arith.constant 0 : i32
      %dma_wait3A_199 = tpu.memref_slice %arg30[%dma_wait3A_197, %dma_wait3A_198] : memref<10240x128xf32, #tpu.memory_space<vmem_shared>> -> memref<10240x128xf32, #tpu.memory_space<vmem_shared>>
      tpu.wait_indirect_dma semaphore(%arg26 : memref<!tpu.dma_semaphore, #tpu.memory_space<semaphore_mem>>) src(%arg14 : memref<80x128xf32, #tpu.memory_space<vmem>>) dst(%dma_wait3A_199 : memref<10240x128xf32, #tpu.memory_space<vmem_shared>>)
      %add3A_200 = arith.constant 2 : i32
      %add3A_201 = arith.addi %add3A_195, %add3A_200 : i32
      %mul3A_202 = arith.constant 80 : i32
      %mul3A_203 = arith.muli %add3A_201, %mul3A_202 : i32
      %add3A_204 = arith.addi %mul3A_2, %mul3A_203 : i32
      %dma_start3A_205 = tpu.memref_slice %arg3[%add3A_204] : memref<320000xi32, #tpu.memory_space<hbm>> -> memref<80xi32, #tpu.memory_space<hbm>>
      %dma_start3A_206 = tpu.memref_slice %arg3[%add3A_204] : memref<320000xi32, #tpu.memory_space<hbm>> -> memref<80xi32, #tpu.memory_space<hbm>>
      tpu.enqueue_dma source(%dma_start3A_206 : memref<80xi32, #tpu.memory_space<hbm>>) target(%arg6 : memref<80xi32, #tpu.memory_space<vmem>>) target_semaphore(%arg18 : memref<!tpu.dma_semaphore, #tpu.memory_space<semaphore_mem>>)
      %mul3A_207 = arith.constant 80 : i32
      %mul3A_208 = arith.muli %add3A_201, %mul3A_207 : i32
      %add3A_209 = arith.addi %mul3A_2, %mul3A_208 : i32
      %dma_start3A_210 = tpu.memref_slice %arg4[%add3A_209] : memref<320000xi32, #tpu.memory_space<hbm>> -> memref<80xi32, #tpu.memory_space<hbm>>
      %dma_start3A_211 = tpu.memref_slice %arg4[%add3A_209] : memref<320000xi32, #tpu.memory_space<hbm>> -> memref<80xi32, #tpu.memory_space<hbm>>
      tpu.enqueue_dma source(%dma_start3A_211 : memref<80xi32, #tpu.memory_space<hbm>>) target(%arg10 : memref<80xi32, #tpu.memory_space<vmem>>) target_semaphore(%arg18 : memref<!tpu.dma_semaphore, #tpu.memory_space<semaphore_mem>>)
      %add3A_212 = arith.constant 1 : i32
      %add3A_213 = arith.addi %add3A_195, %add3A_212 : i32
      %mul3A_214 = arith.constant 80 : i32
      %mul3A_215 = arith.muli %add3A_213, %mul3A_214 : i32
      %add3A_216 = arith.addi %mul3A_2, %mul3A_215 : i32
      %dma_wait3A_217 = tpu.memref_slice %arg3[%add3A_216] : memref<320000xi32, #tpu.memory_space<hbm>> -> memref<80xi32, #tpu.memory_space<hbm>>
      %dma_wait3A_218 = tpu.memref_slice %arg3[%add3A_216] : memref<320000xi32, #tpu.memory_space<hbm>> -> memref<80xi32, #tpu.memory_space<hbm>>
      tpu.wait_dma2 semaphore(%arg21 : memref<!tpu.dma_semaphore, #tpu.memory_space<semaphore_mem>>) src(%dma_wait3A_218 : memref<80xi32, #tpu.memory_space<hbm>>) dst(%arg9 : memref<80xi32, #tpu.memory_space<vmem>>)
      %mul3A_219 = arith.constant 80 : i32
      %mul3A_220 = arith.muli %add3A_213, %mul3A_219 : i32
      %add3A_221 = arith.addi %mul3A_2, %mul3A_220 : i32
      %dma_wait3A_222 = tpu.memref_slice %arg4[%add3A_221] : memref<320000xi32, #tpu.memory_space<hbm>> -> memref<80xi32, #tpu.memory_space<hbm>>
      %dma_wait3A_223 = tpu.memref_slice %arg4[%add3A_221] : memref<320000xi32, #tpu.memory_space<hbm>> -> memref<80xi32, #tpu.memory_space<hbm>>
      tpu.wait_dma2 semaphore(%arg21 : memref<!tpu.dma_semaphore, #tpu.memory_space<semaphore_mem>>) src(%dma_wait3A_223 : memref<80xi32, #tpu.memory_space<hbm>>) dst(%arg13 : memref<80xi32, #tpu.memory_space<vmem>>)
      %add3A_224 = arith.constant 1 : i32
      %add3A_225 = arith.addi %add3A_195, %add3A_224 : i32
      %dma_start3A_226 = arith.constant 0 : i32
      %dma_start3A_227 = arith.constant 0 : i32
      %dma_start3A_228 = tpu.memref_slice %arg2[%dma_start3A_226, %dma_start3A_227] : memref<10000x128xf32, #tpu.memory_space<hbm>> -> memref<10000x128xf32, #tpu.memory_space<hbm>>
      tpu.enqueue_indirect_dma source(%dma_start3A_228 : memref<10000x128xf32, #tpu.memory_space<hbm>>) target(%arg17 : memref<80x128xf32, #tpu.memory_space<vmem>>) offsets(%arg9 : memref<80xi32, #tpu.memory_space<vmem>>) semaphore(%arg25 : memref<!tpu.dma_semaphore, #tpu.memory_space<semaphore_mem>>)
      %dma_wait3A_229 = arith.constant 0 : i32
      %dma_wait3A_230 = arith.constant 0 : i32
      %dma_wait3A_231 = tpu.memref_slice %arg2[%dma_wait3A_229, %dma_wait3A_230] : memref<10000x128xf32, #tpu.memory_space<hbm>> -> memref<10000x128xf32, #tpu.memory_space<hbm>>
      tpu.wait_indirect_dma semaphore(%arg24 : memref<!tpu.dma_semaphore, #tpu.memory_space<semaphore_mem>>) src(%dma_wait3A_231 : memref<10000x128xf32, #tpu.memory_space<hbm>>) dst(%arg16 : memref<80x128xf32, #tpu.memory_space<vmem>>)
      %dma_start3A_232 = arith.constant 0 : i32
      %dma_start3A_233 = arith.constant 0 : i32
      %dma_start3A_234 = tpu.memref_slice %arg30[%dma_start3A_232, %dma_start3A_233] : memref<10240x128xf32, #tpu.memory_space<vmem_shared>> -> memref<10240x128xf32, #tpu.memory_space<vmem_shared>>
      tpu.enqueue_indirect_dma source(%arg16 : memref<80x128xf32, #tpu.memory_space<vmem>>) target(%dma_start3A_234 : memref<10240x128xf32, #tpu.memory_space<vmem_shared>>) offsets(%arg12 : memref<80xi32, #tpu.memory_space<vmem>>) semaphore(%arg28 : memref<!tpu.dma_semaphore, #tpu.memory_space<semaphore_mem>>) {add = true}
      %mul3A_235 = arith.constant 4 : i32
      %mul3A_236 = arith.muli %scan3A_189, %mul3A_235 : i32
      %add3A_237 = arith.constant 2 : i32
      %add3A_238 = arith.addi %add3A_237, %mul3A_236 : i32
      %add3A_239 = arith.constant 1 : i32
      %add3A_240 = arith.addi %add3A_238, %add3A_239 : i32
      %sub3A_241 = arith.constant 2 : i32
      %sub3A_242 = arith.subi %add3A_240, %sub3A_241 : i32
      %dma_wait3A_243 = arith.constant 0 : i32
      %dma_wait3A_244 = arith.constant 0 : i32
      %dma_wait3A_245 = tpu.memref_slice %arg30[%dma_wait3A_243, %dma_wait3A_244] : memref<10240x128xf32, #tpu.memory_space<vmem_shared>> -> memref<10240x128xf32, #tpu.memory_space<vmem_shared>>
      tpu.wait_indirect_dma semaphore(%arg27 : memref<!tpu.dma_semaphore, #tpu.memory_space<semaphore_mem>>) src(%arg15 : memref<80x128xf32, #tpu.memory_space<vmem>>) dst(%dma_wait3A_245 : memref<10240x128xf32, #tpu.memory_space<vmem_shared>>)
      %add3A_246 = arith.constant 2 : i32
      %add3A_247 = arith.addi %add3A_240, %add3A_246 : i32
      %mul3A_248 = arith.constant 80 : i32
      %mul3A_249 = arith.muli %add3A_247, %mul3A_248 : i32
      %add3A_250 = arith.addi %mul3A_2, %mul3A_249 : i32
      %dma_start3A_251 = tpu.memref_slice %arg3[%add3A_250] : memref<320000xi32, #tpu.memory_space<hbm>> -> memref<80xi32, #tpu.memory_space<hbm>>
      %dma_start3A_252 = tpu.memref_slice %arg3[%add3A_250] : memref<320000xi32, #tpu.memory_space<hbm>> -> memref<80xi32, #tpu.memory_space<hbm>>
      tpu.enqueue_dma source(%dma_start3A_252 : memref<80xi32, #tpu.memory_space<hbm>>) target(%arg7 : memref<80xi32, #tpu.memory_space<vmem>>) target_semaphore(%arg19 : memref<!tpu.dma_semaphore, #tpu.memory_space<semaphore_mem>>)
      %mul3A_253 = arith.constant 80 : i32
      %mul3A_254 = arith.muli %add3A_247, %mul3A_253 : i32
      %add3A_255 = arith.addi %mul3A_2, %mul3A_254 : i32
      %dma_start3A_256 = tpu.memref_slice %arg4[%add3A_255] : memref<320000xi32, #tpu.memory_space<hbm>> -> memref<80xi32, #tpu.memory_space<hbm>>
      %dma_start3A_257 = tpu.memref_slice %arg4[%add3A_255] : memref<320000xi32, #tpu.memory_space<hbm>> -> memref<80xi32, #tpu.memory_space<hbm>>
      tpu.enqueue_dma source(%dma_start3A_257 : memref<80xi32, #tpu.memory_space<hbm>>) target(%arg11 : memref<80xi32, #tpu.memory_space<vmem>>) target_semaphore(%arg19 : memref<!tpu.dma_semaphore, #tpu.memory_space<semaphore_mem>>)
      %add3A_258 = arith.constant 1 : i32
      %add3A_259 = arith.addi %add3A_240, %add3A_258 : i32
      %mul3A_260 = arith.constant 80 : i32
      %mul3A_261 = arith.muli %add3A_259, %mul3A_260 : i32
      %add3A_262 = arith.addi %mul3A_2, %mul3A_261 : i32
      %dma_wait3A_263 = tpu.memref_slice %arg3[%add3A_262] : memref<320000xi32, #tpu.memory_space<hbm>> -> memref<80xi32, #tpu.memory_space<hbm>>
      %dma_wait3A_264 = tpu.memref_slice %arg3[%add3A_262] : memref<320000xi32, #tpu.memory_space<hbm>> -> memref<80xi32, #tpu.memory_space<hbm>>
      tpu.wait_dma2 semaphore(%arg18 : memref<!tpu.dma_semaphore, #tpu.memory_space<semaphore_mem>>) src(%dma_wait3A_264 : memref<80xi32, #tpu.memory_space<hbm>>) dst(%arg6 : memref<80xi32, #tpu.memory_space<vmem>>)
      %mul3A_265 = arith.constant 80 : i32
      %mul3A_266 = arith.muli %add3A_259, %mul3A_265 : i32
      %add3A_267 = arith.addi %mul3A_2, %mul3A_266 : i32
      %dma_wait3A_268 = tpu.memref_slice %arg4[%add3A_267] : memref<320000xi32, #tpu.memory_space<hbm>> -> memref<80xi32, #tpu.memory_space<hbm>>
      %dma_wait3A_269 = tpu.memref_slice %arg4[%add3A_267] : memref<320000xi32, #tpu.memory_space<hbm>> -> memref<80xi32, #tpu.memory_space<hbm>>
      tpu.wait_dma2 semaphore(%arg18 : memref<!tpu.dma_semaphore, #tpu.memory_space<semaphore_mem>>) src(%dma_wait3A_269 : memref<80xi32, #tpu.memory_space<hbm>>) dst(%arg10 : memref<80xi32, #tpu.memory_space<vmem>>)
      %add3A_270 = arith.constant 1 : i32
      %add3A_271 = arith.addi %add3A_240, %add3A_270 : i32
      %dma_start3A_272 = arith.constant 0 : i32
      %dma_start3A_273 = arith.constant 0 : i32
      %dma_start3A_274 = tpu.memref_slice %arg2[%dma_start3A_272, %dma_start3A_273] : memref<10000x128xf32, #tpu.memory_space<hbm>> -> memref<10000x128xf32, #tpu.memory_space<hbm>>
      tpu.enqueue_indirect_dma source(%dma_start3A_274 : memref<10000x128xf32, #tpu.memory_space<hbm>>) target(%arg14 : memref<80x128xf32, #tpu.memory_space<vmem>>) offsets(%arg6 : memref<80xi32, #tpu.memory_space<vmem>>) semaphore(%arg22 : memref<!tpu.dma_semaphore, #tpu.memory_space<semaphore_mem>>)
      %dma_wait3A_275 = arith.constant 0 : i32
      %dma_wait3A_276 = arith.constant 0 : i32
      %dma_wait3A_277 = tpu.memref_slice %arg2[%dma_wait3A_275, %dma_wait3A_276] : memref<10000x128xf32, #tpu.memory_space<hbm>> -> memref<10000x128xf32, #tpu.memory_space<hbm>>
      tpu.wait_indirect_dma semaphore(%arg25 : memref<!tpu.dma_semaphore, #tpu.memory_space<semaphore_mem>>) src(%dma_wait3A_277 : memref<10000x128xf32, #tpu.memory_space<hbm>>) dst(%arg17 : memref<80x128xf32, #tpu.memory_space<vmem>>)
      %dma_start3A_278 = arith.constant 0 : i32
      %dma_start3A_279 = arith.constant 0 : i32
      %dma_start3A_280 = tpu.memref_slice %arg30[%dma_start3A_278, %dma_start3A_279] : memref<10240x128xf32, #tpu.memory_space<vmem_shared>> -> memref<10240x128xf32, #tpu.memory_space<vmem_shared>>
      tpu.enqueue_indirect_dma source(%arg17 : memref<80x128xf32, #tpu.memory_space<vmem>>) target(%dma_start3A_280 : memref<10240x128xf32, #tpu.memory_space<vmem_shared>>) offsets(%arg13 : memref<80xi32, #tpu.memory_space<vmem>>) semaphore(%arg29 : memref<!tpu.dma_semaphore, #tpu.memory_space<semaphore_mem>>) {add = true}
      %mul3A_281 = arith.constant 4 : i32
      %mul3A_282 = arith.muli %scan3A_189, %mul3A_281 : i32
      %add3A_283 = arith.constant 2 : i32
      %add3A_284 = arith.addi %add3A_283, %mul3A_282 : i32
      %add3A_285 = arith.constant 2 : i32
      %add3A_286 = arith.addi %add3A_284, %add3A_285 : i32
      %sub3A_287 = arith.constant 2 : i32
      %sub3A_288 = arith.subi %add3A_286, %sub3A_287 : i32
      %dma_wait3A_289 = arith.constant 0 : i32
      %dma_wait3A_290 = arith.constant 0 : i32
      %dma_wait3A_291 = tpu.memref_slice %arg30[%dma_wait3A_289, %dma_wait3A_290] : memref<10240x128xf32, #tpu.memory_space<vmem_shared>> -> memref<10240x128xf32, #tpu.memory_space<vmem_shared>>
      tpu.wait_indirect_dma semaphore(%arg28 : memref<!tpu.dma_semaphore, #tpu.memory_space<semaphore_mem>>) src(%arg16 : memref<80x128xf32, #tpu.memory_space<vmem>>) dst(%dma_wait3A_291 : memref<10240x128xf32, #tpu.memory_space<vmem_shared>>)
      %add3A_292 = arith.constant 2 : i32
      %add3A_293 = arith.addi %add3A_286, %add3A_292 : i32
      %mul3A_294 = arith.constant 80 : i32
      %mul3A_295 = arith.muli %add3A_293, %mul3A_294 : i32
      %add3A_296 = arith.addi %mul3A_2, %mul3A_295 : i32
      %dma_start3A_297 = tpu.memref_slice %arg3[%add3A_296] : memref<320000xi32, #tpu.memory_space<hbm>> -> memref<80xi32, #tpu.memory_space<hbm>>
      %dma_start3A_298 = tpu.memref_slice %arg3[%add3A_296] : memref<320000xi32, #tpu.memory_space<hbm>> -> memref<80xi32, #tpu.memory_space<hbm>>
      tpu.enqueue_dma source(%dma_start3A_298 : memref<80xi32, #tpu.memory_space<hbm>>) target(%arg8 : memref<80xi32, #tpu.memory_space<vmem>>) target_semaphore(%arg20 : memref<!tpu.dma_semaphore, #tpu.memory_space<semaphore_mem>>)
      %mul3A_299 = arith.constant 80 : i32
      %mul3A_300 = arith.muli %add3A_293, %mul3A_299 : i32
      %add3A_301 = arith.addi %mul3A_2, %mul3A_300 : i32
      %dma_start3A_302 = tpu.memref_slice %arg4[%add3A_301] : memref<320000xi32, #tpu.memory_space<hbm>> -> memref<80xi32, #tpu.memory_space<hbm>>
      %dma_start3A_303 = tpu.memref_slice %arg4[%add3A_301] : memref<320000xi32, #tpu.memory_space<hbm>> -> memref<80xi32, #tpu.memory_space<hbm>>
      tpu.enqueue_dma source(%dma_start3A_303 : memref<80xi32, #tpu.memory_space<hbm>>) target(%arg12 : memref<80xi32, #tpu.memory_space<vmem>>) target_semaphore(%arg20 : memref<!tpu.dma_semaphore, #tpu.memory_space<semaphore_mem>>)
      %add3A_304 = arith.constant 1 : i32
      %add3A_305 = arith.addi %add3A_286, %add3A_304 : i32
      %mul3A_306 = arith.constant 80 : i32
      %mul3A_307 = arith.muli %add3A_305, %mul3A_306 : i32
      %add3A_308 = arith.addi %mul3A_2, %mul3A_307 : i32
      %dma_wait3A_309 = tpu.memref_slice %arg3[%add3A_308] : memref<320000xi32, #tpu.memory_space<hbm>> -> memref<80xi32, #tpu.memory_space<hbm>>
      %dma_wait3A_310 = tpu.memref_slice %arg3[%add3A_308] : memref<320000xi32, #tpu.memory_space<hbm>> -> memref<80xi32, #tpu.memory_space<hbm>>
      tpu.wait_dma2 semaphore(%arg19 : memref<!tpu.dma_semaphore, #tpu.memory_space<semaphore_mem>>) src(%dma_wait3A_310 : memref<80xi32, #tpu.memory_space<hbm>>) dst(%arg7 : memref<80xi32, #tpu.memory_space<vmem>>)
      %mul3A_311 = arith.constant 80 : i32
      %mul3A_312 = arith.muli %add3A_305, %mul3A_311 : i32
      %add3A_313 = arith.addi %mul3A_2, %mul3A_312 : i32
      %dma_wait3A_314 = tpu.memref_slice %arg4[%add3A_313] : memref<320000xi32, #tpu.memory_space<hbm>> -> memref<80xi32, #tpu.memory_space<hbm>>
      %dma_wait3A_315 = tpu.memref_slice %arg4[%add3A_313] : memref<320000xi32, #tpu.memory_space<hbm>> -> memref<80xi32, #tpu.memory_space<hbm>>
      tpu.wait_dma2 semaphore(%arg19 : memref<!tpu.dma_semaphore, #tpu.memory_space<semaphore_mem>>) src(%dma_wait3A_315 : memref<80xi32, #tpu.memory_space<hbm>>) dst(%arg11 : memref<80xi32, #tpu.memory_space<vmem>>)
      %add3A_316 = arith.constant 1 : i32
      %add3A_317 = arith.addi %add3A_286, %add3A_316 : i32
      %dma_start3A_318 = arith.constant 0 : i32
      %dma_start3A_319 = arith.constant 0 : i32
      %dma_start3A_320 = tpu.memref_slice %arg2[%dma_start3A_318, %dma_start3A_319] : memref<10000x128xf32, #tpu.memory_space<hbm>> -> memref<10000x128xf32, #tpu.memory_space<hbm>>
      tpu.enqueue_indirect_dma source(%dma_start3A_320 : memref<10000x128xf32, #tpu.memory_space<hbm>>) target(%arg15 : memref<80x128xf32, #tpu.memory_space<vmem>>) offsets(%arg7 : memref<80xi32, #tpu.memory_space<vmem>>) semaphore(%arg23 : memref<!tpu.dma_semaphore, #tpu.memory_space<semaphore_mem>>)
      %dma_wait3A_321 = arith.constant 0 : i32
      %dma_wait3A_322 = arith.constant 0 : i32
      %dma_wait3A_323 = tpu.memref_slice %arg2[%dma_wait3A_321, %dma_wait3A_322] : memref<10000x128xf32, #tpu.memory_space<hbm>> -> memref<10000x128xf32, #tpu.memory_space<hbm>>
      tpu.wait_indirect_dma semaphore(%arg22 : memref<!tpu.dma_semaphore, #tpu.memory_space<semaphore_mem>>) src(%dma_wait3A_323 : memref<10000x128xf32, #tpu.memory_space<hbm>>) dst(%arg14 : memref<80x128xf32, #tpu.memory_space<vmem>>)
      %dma_start3A_324 = arith.constant 0 : i32
      %dma_start3A_325 = arith.constant 0 : i32
      %dma_start3A_326 = tpu.memref_slice %arg30[%dma_start3A_324, %dma_start3A_325] : memref<10240x128xf32, #tpu.memory_space<vmem_shared>> -> memref<10240x128xf32, #tpu.memory_space<vmem_shared>>
      tpu.enqueue_indirect_dma source(%arg14 : memref<80x128xf32, #tpu.memory_space<vmem>>) target(%dma_start3A_326 : memref<10240x128xf32, #tpu.memory_space<vmem_shared>>) offsets(%arg10 : memref<80xi32, #tpu.memory_space<vmem>>) semaphore(%arg26 : memref<!tpu.dma_semaphore, #tpu.memory_space<semaphore_mem>>) {add = true}
      %mul3A_327 = arith.constant 4 : i32
      %mul3A_328 = arith.muli %scan3A_189, %mul3A_327 : i32
      %add3A_329 = arith.constant 2 : i32
      %add3A_330 = arith.addi %add3A_329, %mul3A_328 : i32
      %add3A_331 = arith.constant 3 : i32
      %add3A_332 = arith.addi %add3A_330, %add3A_331 : i32
      %sub3A_333 = arith.constant 2 : i32
      %sub3A_334 = arith.subi %add3A_332, %sub3A_333 : i32
      %dma_wait3A_335 = arith.constant 0 : i32
      %dma_wait3A_336 = arith.constant 0 : i32
      %dma_wait3A_337 = tpu.memref_slice %arg30[%dma_wait3A_335, %dma_wait3A_336] : memref<10240x128xf32, #tpu.memory_space<vmem_shared>> -> memref<10240x128xf32, #tpu.memory_space<vmem_shared>>
      tpu.wait_indirect_dma semaphore(%arg29 : memref<!tpu.dma_semaphore, #tpu.memory_space<semaphore_mem>>) src(%arg17 : memref<80x128xf32, #tpu.memory_space<vmem>>) dst(%dma_wait3A_337 : memref<10240x128xf32, #tpu.memory_space<vmem_shared>>)
      %add3A_338 = arith.constant 2 : i32
      %add3A_339 = arith.addi %add3A_332, %add3A_338 : i32
      %mul3A_340 = arith.constant 80 : i32
      %mul3A_341 = arith.muli %add3A_339, %mul3A_340 : i32
      %add3A_342 = arith.addi %mul3A_2, %mul3A_341 : i32
      %dma_start3A_343 = tpu.memref_slice %arg3[%add3A_342] : memref<320000xi32, #tpu.memory_space<hbm>> -> memref<80xi32, #tpu.memory_space<hbm>>
      %dma_start3A_344 = tpu.memref_slice %arg3[%add3A_342] : memref<320000xi32, #tpu.memory_space<hbm>> -> memref<80xi32, #tpu.memory_space<hbm>>
      tpu.enqueue_dma source(%dma_start3A_344 : memref<80xi32, #tpu.memory_space<hbm>>) target(%arg9 : memref<80xi32, #tpu.memory_space<vmem>>) target_semaphore(%arg21 : memref<!tpu.dma_semaphore, #tpu.memory_space<semaphore_mem>>)
      %mul3A_345 = arith.constant 80 : i32
      %mul3A_346 = arith.muli %add3A_339, %mul3A_345 : i32
      %add3A_347 = arith.addi %mul3A_2, %mul3A_346 : i32
      %dma_start3A_348 = tpu.memref_slice %arg4[%add3A_347] : memref<320000xi32, #tpu.memory_space<hbm>> -> memref<80xi32, #tpu.memory_space<hbm>>
      %dma_start3A_349 = tpu.memref_slice %arg4[%add3A_347] : memref<320000xi32, #tpu.memory_space<hbm>> -> memref<80xi32, #tpu.memory_space<hbm>>
      tpu.enqueue_dma source(%dma_start3A_349 : memref<80xi32, #tpu.memory_space<hbm>>) target(%arg13 : memref<80xi32, #tpu.memory_space<vmem>>) target_semaphore(%arg21 : memref<!tpu.dma_semaphore, #tpu.memory_space<semaphore_mem>>)
      %add3A_350 = arith.constant 1 : i32
      %add3A_351 = arith.addi %add3A_332, %add3A_350 : i32
      %mul3A_352 = arith.constant 80 : i32
      %mul3A_353 = arith.muli %add3A_351, %mul3A_352 : i32
      %add3A_354 = arith.addi %mul3A_2, %mul3A_353 : i32
      %dma_wait3A_355 = tpu.memref_slice %arg3[%add3A_354] : memref<320000xi32, #tpu.memory_space<hbm>> -> memref<80xi32, #tpu.memory_space<hbm>>
      %dma_wait3A_356 = tpu.memref_slice %arg3[%add3A_354] : memref<320000xi32, #tpu.memory_space<hbm>> -> memref<80xi32, #tpu.memory_space<hbm>>
      tpu.wait_dma2 semaphore(%arg20 : memref<!tpu.dma_semaphore, #tpu.memory_space<semaphore_mem>>) src(%dma_wait3A_356 : memref<80xi32, #tpu.memory_space<hbm>>) dst(%arg8 : memref<80xi32, #tpu.memory_space<vmem>>)
      %mul3A_357 = arith.constant 80 : i32
      %mul3A_358 = arith.muli %add3A_351, %mul3A_357 : i32
      %add3A_359 = arith.addi %mul3A_2, %mul3A_358 : i32
      %dma_wait3A_360 = tpu.memref_slice %arg4[%add3A_359] : memref<320000xi32, #tpu.memory_space<hbm>> -> memref<80xi32, #tpu.memory_space<hbm>>
      %dma_wait3A_361 = tpu.memref_slice %arg4[%add3A_359] : memref<320000xi32, #tpu.memory_space<hbm>> -> memref<80xi32, #tpu.memory_space<hbm>>
      tpu.wait_dma2 semaphore(%arg20 : memref<!tpu.dma_semaphore, #tpu.memory_space<semaphore_mem>>) src(%dma_wait3A_361 : memref<80xi32, #tpu.memory_space<hbm>>) dst(%arg12 : memref<80xi32, #tpu.memory_space<vmem>>)
      %add3A_362 = arith.constant 1 : i32
      %add3A_363 = arith.addi %add3A_332, %add3A_362 : i32
      %dma_start3A_364 = arith.constant 0 : i32
      %dma_start3A_365 = arith.constant 0 : i32
      %dma_start3A_366 = tpu.memref_slice %arg2[%dma_start3A_364, %dma_start3A_365] : memref<10000x128xf32, #tpu.memory_space<hbm>> -> memref<10000x128xf32, #tpu.memory_space<hbm>>
      tpu.enqueue_indirect_dma source(%dma_start3A_366 : memref<10000x128xf32, #tpu.memory_space<hbm>>) target(%arg16 : memref<80x128xf32, #tpu.memory_space<vmem>>) offsets(%arg8 : memref<80xi32, #tpu.memory_space<vmem>>) semaphore(%arg24 : memref<!tpu.dma_semaphore, #tpu.memory_space<semaphore_mem>>)
      %dma_wait3A_367 = arith.constant 0 : i32
      %dma_wait3A_368 = arith.constant 0 : i32
      %dma_wait3A_369 = tpu.memref_slice %arg2[%dma_wait3A_367, %dma_wait3A_368] : memref<10000x128xf32, #tpu.memory_space<hbm>> -> memref<10000x128xf32, #tpu.memory_space<hbm>>
      tpu.wait_indirect_dma semaphore(%arg23 : memref<!tpu.dma_semaphore, #tpu.memory_space<semaphore_mem>>) src(%dma_wait3A_369 : memref<10000x128xf32, #tpu.memory_space<hbm>>) dst(%arg15 : memref<80x128xf32, #tpu.memory_space<vmem>>)
      %dma_start3A_370 = arith.constant 0 : i32
      %dma_start3A_371 = arith.constant 0 : i32
      %dma_start3A_372 = tpu.memref_slice %arg30[%dma_start3A_370, %dma_start3A_371] : memref<10240x128xf32, #tpu.memory_space<vmem_shared>> -> memref<10240x128xf32, #tpu.memory_space<vmem_shared>>
      tpu.enqueue_indirect_dma source(%arg15 : memref<80x128xf32, #tpu.memory_space<vmem>>) target(%dma_start3A_372 : memref<10240x128xf32, #tpu.memory_space<vmem_shared>>) offsets(%arg11 : memref<80xi32, #tpu.memory_space<vmem>>) semaphore(%arg27 : memref<!tpu.dma_semaphore, #tpu.memory_space<semaphore_mem>>) {add = true}
    }
    %scan3A_120 = arith.constant 30 : i32
    %dma_wait3A_121 = arith.constant 0 : i32
    %dma_wait3A_122 = arith.constant 0 : i32
    %dma_wait3A_123 = tpu.memref_slice %arg30[%dma_wait3A_121, %dma_wait3A_122] : memref<10240x128xf32, #tpu.memory_space<vmem_shared>> -> memref<10240x128xf32, #tpu.memory_space<vmem_shared>>
    tpu.wait_indirect_dma semaphore(%arg26 : memref<!tpu.dma_semaphore, #tpu.memory_space<semaphore_mem>>) src(%arg14 : memref<80x128xf32, #tpu.memory_space<vmem>>) dst(%dma_wait3A_123 : memref<10240x128xf32, #tpu.memory_space<vmem_shared>>)
    %add3A_124 = arith.constant 9920 : i32
    %add3A_125 = arith.addi %mul3A_2, %add3A_124 : i32
    %dma_start3A_126 = tpu.memref_slice %arg3[%add3A_125] : memref<320000xi32, #tpu.memory_space<hbm>> -> memref<80xi32, #tpu.memory_space<hbm>>
    %dma_start3A_127 = tpu.memref_slice %arg3[%add3A_125] : memref<320000xi32, #tpu.memory_space<hbm>> -> memref<80xi32, #tpu.memory_space<hbm>>
    tpu.enqueue_dma source(%dma_start3A_127 : memref<80xi32, #tpu.memory_space<hbm>>) target(%arg6 : memref<80xi32, #tpu.memory_space<vmem>>) target_semaphore(%arg18 : memref<!tpu.dma_semaphore, #tpu.memory_space<semaphore_mem>>)
    %add3A_128 = arith.constant 9920 : i32
    %add3A_129 = arith.addi %mul3A_2, %add3A_128 : i32
    %dma_start3A_130 = tpu.memref_slice %arg4[%add3A_129] : memref<320000xi32, #tpu.memory_space<hbm>> -> memref<80xi32, #tpu.memory_space<hbm>>
    %dma_start3A_131 = tpu.memref_slice %arg4[%add3A_129] : memref<320000xi32, #tpu.memory_space<hbm>> -> memref<80xi32, #tpu.memory_space<hbm>>
    tpu.enqueue_dma source(%dma_start3A_131 : memref<80xi32, #tpu.memory_space<hbm>>) target(%arg10 : memref<80xi32, #tpu.memory_space<vmem>>) target_semaphore(%arg18 : memref<!tpu.dma_semaphore, #tpu.memory_space<semaphore_mem>>)
    %add3A_132 = arith.constant 9840 : i32
    %add3A_133 = arith.addi %mul3A_2, %add3A_132 : i32
    %dma_wait3A_134 = tpu.memref_slice %arg3[%add3A_133] : memref<320000xi32, #tpu.memory_space<hbm>> -> memref<80xi32, #tpu.memory_space<hbm>>
    %dma_wait3A_135 = tpu.memref_slice %arg3[%add3A_133] : memref<320000xi32, #tpu.memory_space<hbm>> -> memref<80xi32, #tpu.memory_space<hbm>>
    tpu.wait_dma2 semaphore(%arg21 : memref<!tpu.dma_semaphore, #tpu.memory_space<semaphore_mem>>) src(%dma_wait3A_135 : memref<80xi32, #tpu.memory_space<hbm>>) dst(%arg9 : memref<80xi32, #tpu.memory_space<vmem>>)
    %add3A_136 = arith.constant 9840 : i32
    %add3A_137 = arith.addi %mul3A_2, %add3A_136 : i32
    %dma_wait3A_138 = tpu.memref_slice %arg4[%add3A_137] : memref<320000xi32, #tpu.memory_space<hbm>> -> memref<80xi32, #tpu.memory_space<hbm>>
    %dma_wait3A_139 = tpu.memref_slice %arg4[%add3A_137] : memref<320000xi32, #tpu.memory_space<hbm>> -> memref<80xi32, #tpu.memory_space<hbm>>
    tpu.wait_dma2 semaphore(%arg21 : memref<!tpu.dma_semaphore, #tpu.memory_space<semaphore_mem>>) src(%dma_wait3A_139 : memref<80xi32, #tpu.memory_space<hbm>>) dst(%arg13 : memref<80xi32, #tpu.memory_space<vmem>>)
    %dma_start3A_140 = arith.constant 0 : i32
    %dma_start3A_141 = arith.constant 0 : i32
    %dma_start3A_142 = tpu.memref_slice %arg2[%dma_start3A_140, %dma_start3A_141] : memref<10000x128xf32, #tpu.memory_space<hbm>> -> memref<10000x128xf32, #tpu.memory_space<hbm>>
    tpu.enqueue_indirect_dma source(%dma_start3A_142 : memref<10000x128xf32, #tpu.memory_space<hbm>>) target(%arg17 : memref<80x128xf32, #tpu.memory_space<vmem>>) offsets(%arg9 : memref<80xi32, #tpu.memory_space<vmem>>) semaphore(%arg25 : memref<!tpu.dma_semaphore, #tpu.memory_space<semaphore_mem>>)
    %dma_wait3A_143 = arith.constant 0 : i32
    %dma_wait3A_144 = arith.constant 0 : i32
    %dma_wait3A_145 = tpu.memref_slice %arg2[%dma_wait3A_143, %dma_wait3A_144] : memref<10000x128xf32, #tpu.memory_space<hbm>> -> memref<10000x128xf32, #tpu.memory_space<hbm>>
    tpu.wait_indirect_dma semaphore(%arg24 : memref<!tpu.dma_semaphore, #tpu.memory_space<semaphore_mem>>) src(%dma_wait3A_145 : memref<10000x128xf32, #tpu.memory_space<hbm>>) dst(%arg16 : memref<80x128xf32, #tpu.memory_space<vmem>>)
    %dma_start3A_146 = arith.constant 0 : i32
    %dma_start3A_147 = arith.constant 0 : i32
    %dma_start3A_148 = tpu.memref_slice %arg30[%dma_start3A_146, %dma_start3A_147] : memref<10240x128xf32, #tpu.memory_space<vmem_shared>> -> memref<10240x128xf32, #tpu.memory_space<vmem_shared>>
    tpu.enqueue_indirect_dma source(%arg16 : memref<80x128xf32, #tpu.memory_space<vmem>>) target(%dma_start3A_148 : memref<10240x128xf32, #tpu.memory_space<vmem_shared>>) offsets(%arg12 : memref<80xi32, #tpu.memory_space<vmem>>) semaphore(%arg28 : memref<!tpu.dma_semaphore, #tpu.memory_space<semaphore_mem>>) {add = true}
    %add3A_149 = arith.constant 9920 : i32
    %add3A_150 = arith.addi %mul3A_2, %add3A_149 : i32
    %dma_wait3A_151 = tpu.memref_slice %arg3[%add3A_150] : memref<320000xi32, #tpu.memory_space<hbm>> -> memref<80xi32, #tpu.memory_space<hbm>>
    %dma_wait3A_152 = tpu.memref_slice %arg3[%add3A_150] : memref<320000xi32, #tpu.memory_space<hbm>> -> memref<80xi32, #tpu.memory_space<hbm>>
    tpu.wait_dma2 semaphore(%arg18 : memref<!tpu.dma_semaphore, #tpu.memory_space<semaphore_mem>>) src(%dma_wait3A_152 : memref<80xi32, #tpu.memory_space<hbm>>) dst(%arg6 : memref<80xi32, #tpu.memory_space<vmem>>)
    %add3A_153 = arith.constant 9920 : i32
    %add3A_154 = arith.addi %mul3A_2, %add3A_153 : i32
    %dma_wait3A_155 = tpu.memref_slice %arg4[%add3A_154] : memref<320000xi32, #tpu.memory_space<hbm>> -> memref<80xi32, #tpu.memory_space<hbm>>
    %dma_wait3A_156 = tpu.memref_slice %arg4[%add3A_154] : memref<320000xi32, #tpu.memory_space<hbm>> -> memref<80xi32, #tpu.memory_space<hbm>>
    tpu.wait_dma2 semaphore(%arg18 : memref<!tpu.dma_semaphore, #tpu.memory_space<semaphore_mem>>) src(%dma_wait3A_156 : memref<80xi32, #tpu.memory_space<hbm>>) dst(%arg10 : memref<80xi32, #tpu.memory_space<vmem>>)
    %dma_start3A_157 = arith.constant 0 : i32
    %dma_start3A_158 = arith.constant 0 : i32
    %dma_start3A_159 = tpu.memref_slice %arg2[%dma_start3A_157, %dma_start3A_158] : memref<10000x128xf32, #tpu.memory_space<hbm>> -> memref<10000x128xf32, #tpu.memory_space<hbm>>
    tpu.enqueue_indirect_dma source(%dma_start3A_159 : memref<10000x128xf32, #tpu.memory_space<hbm>>) target(%arg14 : memref<80x128xf32, #tpu.memory_space<vmem>>) offsets(%arg6 : memref<80xi32, #tpu.memory_space<vmem>>) semaphore(%arg22 : memref<!tpu.dma_semaphore, #tpu.memory_space<semaphore_mem>>)
    %dma_wait3A_160 = arith.constant 0 : i32
    %dma_wait3A_161 = arith.constant 0 : i32
    %dma_wait3A_162 = tpu.memref_slice %arg2[%dma_wait3A_160, %dma_wait3A_161] : memref<10000x128xf32, #tpu.memory_space<hbm>> -> memref<10000x128xf32, #tpu.memory_space<hbm>>
    tpu.wait_indirect_dma semaphore(%arg25 : memref<!tpu.dma_semaphore, #tpu.memory_space<semaphore_mem>>) src(%dma_wait3A_162 : memref<10000x128xf32, #tpu.memory_space<hbm>>) dst(%arg17 : memref<80x128xf32, #tpu.memory_space<vmem>>)
    %dma_start3A_163 = arith.constant 0 : i32
    %dma_start3A_164 = arith.constant 0 : i32
    %dma_start3A_165 = tpu.memref_slice %arg30[%dma_start3A_163, %dma_start3A_164] : memref<10240x128xf32, #tpu.memory_space<vmem_shared>> -> memref<10240x128xf32, #tpu.memory_space<vmem_shared>>
    tpu.enqueue_indirect_dma source(%arg17 : memref<80x128xf32, #tpu.memory_space<vmem>>) target(%dma_start3A_165 : memref<10240x128xf32, #tpu.memory_space<vmem_shared>>) offsets(%arg13 : memref<80xi32, #tpu.memory_space<vmem>>) semaphore(%arg29 : memref<!tpu.dma_semaphore, #tpu.memory_space<semaphore_mem>>) {add = true}
    %dma_wait3A_166 = arith.constant 0 : i32
    %dma_wait3A_167 = arith.constant 0 : i32
    %dma_wait3A_168 = tpu.memref_slice %arg2[%dma_wait3A_166, %dma_wait3A_167] : memref<10000x128xf32, #tpu.memory_space<hbm>> -> memref<10000x128xf32, #tpu.memory_space<hbm>>
    tpu.wait_indirect_dma semaphore(%arg22 : memref<!tpu.dma_semaphore, #tpu.memory_space<semaphore_mem>>) src(%dma_wait3A_168 : memref<10000x128xf32, #tpu.memory_space<hbm>>) dst(%arg14 : memref<80x128xf32, #tpu.memory_space<vmem>>)
    %dma_start3A_169 = arith.constant 0 : i32
    %dma_start3A_170 = arith.constant 0 : i32
    %dma_start3A_171 = tpu.memref_slice %arg30[%dma_start3A_169, %dma_start3A_170] : memref<10240x128xf32, #tpu.memory_space<vmem_shared>> -> memref<10240x128xf32, #tpu.memory_space<vmem_shared>>
    tpu.enqueue_indirect_dma source(%arg14 : memref<80x128xf32, #tpu.memory_space<vmem>>) target(%dma_start3A_171 : memref<10240x128xf32, #tpu.memory_space<vmem_shared>>) offsets(%arg10 : memref<80xi32, #tpu.memory_space<vmem>>) semaphore(%arg26 : memref<!tpu.dma_semaphore, #tpu.memory_space<semaphore_mem>>) {add = true}
    %dma_wait3A_172 = arith.constant 0 : i32
    %dma_wait3A_173 = arith.constant 0 : i32
    %dma_wait3A_174 = tpu.memref_slice %arg30[%dma_wait3A_172, %dma_wait3A_173] : memref<10240x128xf32, #tpu.memory_space<vmem_shared>> -> memref<10240x128xf32, #tpu.memory_space<vmem_shared>>
    tpu.wait_indirect_dma semaphore(%arg27 : memref<!tpu.dma_semaphore, #tpu.memory_space<semaphore_mem>>) src(%arg15 : memref<80x128xf32, #tpu.memory_space<vmem>>) dst(%dma_wait3A_174 : memref<10240x128xf32, #tpu.memory_space<vmem_shared>>)
    %dma_wait3A_175 = arith.constant 0 : i32
    %dma_wait3A_176 = arith.constant 0 : i32
    %dma_wait3A_177 = tpu.memref_slice %arg30[%dma_wait3A_175, %dma_wait3A_176] : memref<10240x128xf32, #tpu.memory_space<vmem_shared>> -> memref<10240x128xf32, #tpu.memory_space<vmem_shared>>
    tpu.wait_indirect_dma semaphore(%arg28 : memref<!tpu.dma_semaphore, #tpu.memory_space<semaphore_mem>>) src(%arg16 : memref<80x128xf32, #tpu.memory_space<vmem>>) dst(%dma_wait3A_177 : memref<10240x128xf32, #tpu.memory_space<vmem_shared>>)
    %dma_wait3A_178 = arith.constant 0 : i32
    %dma_wait3A_179 = arith.constant 0 : i32
    %dma_wait3A_180 = tpu.memref_slice %arg30[%dma_wait3A_178, %dma_wait3A_179] : memref<10240x128xf32, #tpu.memory_space<vmem_shared>> -> memref<10240x128xf32, #tpu.memory_space<vmem_shared>>
    tpu.wait_indirect_dma semaphore(%arg29 : memref<!tpu.dma_semaphore, #tpu.memory_space<semaphore_mem>>) src(%arg17 : memref<80x128xf32, #tpu.memory_space<vmem>>) dst(%dma_wait3A_180 : memref<10240x128xf32, #tpu.memory_space<vmem_shared>>)
    %dma_wait3A_181 = arith.constant 0 : i32
    %dma_wait3A_182 = arith.constant 0 : i32
    %dma_wait3A_183 = tpu.memref_slice %arg30[%dma_wait3A_181, %dma_wait3A_182] : memref<10240x128xf32, #tpu.memory_space<vmem_shared>> -> memref<10240x128xf32, #tpu.memory_space<vmem_shared>>
    tpu.wait_indirect_dma semaphore(%arg26 : memref<!tpu.dma_semaphore, #tpu.memory_space<semaphore_mem>>) src(%arg14 : memref<80x128xf32, #tpu.memory_space<vmem>>) dst(%dma_wait3A_183 : memref<10240x128xf32, #tpu.memory_space<vmem_shared>>)
    %barrier3A_184 = arith.constant 0 : index
    tpu.barrier barrier_id(%barrier3A_184)
    %mul3A_185 = arith.constant 640 : i32
    %mul3A_186 = arith.muli %arg1, %mul3A_185 : i32
    %mul3A_187 = arith.constant 640 : i32
    %mul3A_188 = arith.muli %arg1, %mul3A_187 : i32
    "tpu.region"() ({
      %run_scoped3A = tpu.sem_alloc : memref<!tpu.dma_semaphore, #tpu.memory_space<semaphore_mem>>
      %dma_start3A_189 = arith.constant 0 : i32
      %dma_start3A_190 = tpu.memref_slice %arg5[%arg0, %mul3A_188, %dma_start3A_189] : memref<2x10240x128xf32, #tpu.memory_space<hbm>> -> memref<1x640x128xf32, #tpu.memory_space<hbm>>
      %dma_start3A_191 = tpu.memref_squeeze %dma_start3A_190 : memref<1x640x128xf32, #tpu.memory_space<hbm>> -> memref<640x128xf32, #tpu.memory_space<hbm>>
      %dma_start3A_192 = arith.constant 0 : i32
      %dma_start3A_193 = tpu.memref_slice %arg30[%mul3A_186, %dma_start3A_192] : memref<10240x128xf32, #tpu.memory_space<vmem_shared>> -> memref<640x128xf32, #tpu.memory_space<vmem_shared>>
      tpu.enqueue_dma source(%dma_start3A_193 : memref<640x128xf32, #tpu.memory_space<vmem_shared>>) target(%dma_start3A_191 : memref<640x128xf32, #tpu.memory_space<hbm>>) target_semaphore(%run_scoped3A : memref<!tpu.dma_semaphore, #tpu.memory_space<semaphore_mem>>)
      %dma_wait3A_194 = arith.constant 0 : i32
      %dma_wait3A_195 = tpu.memref_slice %arg5[%arg0, %mul3A_188, %dma_wait3A_194] : memref<2x10240x128xf32, #tpu.memory_space<hbm>> -> memref<1x640x128xf32, #tpu.memory_space<hbm>>
      %dma_wait3A_196 = tpu.memref_squeeze %dma_wait3A_195 : memref<1x640x128xf32, #tpu.memory_space<hbm>> -> memref<640x128xf32, #tpu.memory_space<hbm>>
      %dma_wait3A_197 = arith.constant 0 : i32
      %dma_wait3A_198 = tpu.memref_slice %arg30[%mul3A_186, %dma_wait3A_197] : memref<10240x128xf32, #tpu.memory_space<vmem_shared>> -> memref<640x128xf32, #tpu.memory_space<vmem_shared>>
      tpu.wait_dma2 semaphore(%run_scoped3A : memref<!tpu.dma_semaphore, #tpu.memory_space<semaphore_mem>>) src(%dma_wait3A_198 : memref<640x128xf32, #tpu.memory_space<vmem_shared>>) dst(%dma_wait3A_196 : memref<640x128xf32, #tpu.memory_space<hbm>>)
      tpu.yield
    }) : () -> ()
    return
  }
}

module attributes {stable_mosaic.version = 14 : i64} {
  func.func @_dinv_body(%arg0: memref<32x10240xf32, #tpu.memory_space<vmem>>, %arg1: memref<1x10240xf32, #tpu.memory_space<vmem>>) attributes {dimension_semantics = [], scalar_prefetch = 0 : i64, scratch_operands = 0 : i64, tpu.core_type = #tpu.core_type<tc>} {
    %get3A = arith.constant 0 : index
    %get3A_0 = arith.constant 0 : index
    %get3A_1 = vector.load %arg0[%get3A, %get3A_0] : memref<32x10240xf32, #tpu.memory_space<vmem>>, vector<32x10240xf32>
    %reduce_sum3A = arith.constant dense<0.000000e+00> : vector<10240xf32>
    %reduce_sum3A_2 = vector.multi_reduction <add>, %get3A_1, %reduce_sum3A [0] : vector<32x10240xf32> to vector<10240xf32>
    %broadcast_in_dim3A = vector.shape_cast %reduce_sum3A_2 : vector<10240xf32> to vector<1x10240xf32>
    %add3A = arith.constant 1.000000e+00 : f32
    %add3A_3 = vector.broadcast %add3A : f32 to vector<1x10240xf32>
    %add3A_4 = arith.addf %add3A_3, %broadcast_in_dim3A : vector<1x10240xf32>
    %rsqrt3A = math.rsqrt %add3A_4 : vector<1x10240xf32>
    %swap3A = arith.constant 0 : index
    %swap3A_5 = arith.constant 0 : index
    %swap3A_6 = vector.load %arg1[%swap3A, %swap3A_5] : memref<1x10240xf32, #tpu.memory_space<vmem>>, vector<1x10240xf32>
    tpu.vector_store %arg1[%swap3A, %swap3A_5], %rsqrt3A {strides = array<i32>} : memref<1x10240xf32, #tpu.memory_space<vmem>>, vector<1x10240xf32>,
    return
  }
}

module attributes {stable_mosaic.version = 14 : i64} {
  func.func @_mm_scale_body(%arg0: i32, %arg1: memref<1000x128xf32, #tpu.memory_space<vmem>>, %arg2: memref<128x128xf32, #tpu.memory_space<vmem>>, %arg3: memref<1000x1xf32, #tpu.memory_space<vmem>>, %arg4: memref<1000x128xf32, #tpu.memory_space<vmem>>) attributes {dimension_semantics = [#tpu.dimension_semantics<arbitrary>], iteration_bounds = array<i64: 10>, scalar_prefetch = 0 : i64, scratch_operands = 0 : i64, tpu.core_type = #tpu.core_type<tc>, window_params = [{transform_indices = @transform_0, window_bounds = array<i64: 1000, 128>}, {pipeline_mode = #tpu.pipeline_mode<synchronous>, transform_indices = @transform_1, window_bounds = array<i64: 128, 128>}, {transform_indices = @transform_2, window_bounds = array<i64: 1000, 1>}, {transform_indices = @transform_3, window_bounds = array<i64: 1000, 128>}]} {
    %get3A = arith.constant 0 : index
    %get3A_0 = arith.constant 0 : index
    %get3A_1 = vector.load %arg1[%get3A, %get3A_0] : memref<1000x128xf32, #tpu.memory_space<vmem>>, vector<1000x128xf32>
    %get3A_2 = arith.constant 0 : index
    %get3A_3 = arith.constant 0 : index
    %get3A_4 = vector.load %arg2[%get3A_2, %get3A_3] : memref<128x128xf32, #tpu.memory_space<vmem>>, vector<128x128xf32>
    %dot_general3A = arith.constant dense<0.000000e+00> : vector<1000x128xf32>
    %dot_general3A_5 = tpu.matmul %get3A_1, %get3A_4, %dot_general3A {dimension_numbers = #tpu.dot_dimension_numbers<[1], [0], [0], [1], [0, 0, 1, 1], [], []>, transpose_lhs_hint = false} : vector<1000x128xf32>, vector<128x128xf32>, vector<1000x128xf32> -> vector<1000x128xf32>
    %get3A_6 = arith.constant 0 : index
    %get3A_7 = arith.constant 0 : index
    %get3A_8 = vector.load %arg3[%get3A_6, %get3A_7] : memref<1000x1xf32, #tpu.memory_space<vmem>>, vector<1000x1xf32>
    %mul3A = vector.broadcast %get3A_8 : vector<1000x1xf32> to vector<1000x128xf32>
    %mul3A_9 = arith.mulf %dot_general3A_5, %mul3A : vector<1000x128xf32>
    %swap3A = arith.constant 0 : index
    %swap3A_10 = arith.constant 0 : index
    %swap3A_11 = vector.load %arg4[%swap3A, %swap3A_10] : memref<1000x128xf32, #tpu.memory_space<vmem>>, vector<1000x128xf32>
    tpu.vector_store %arg4[%swap3A, %swap3A_10], %mul3A_9 {strides = array<i32>} : memref<1000x128xf32, #tpu.memory_space<vmem>>, vector<1000x128xf32>,
    return
  }
  func.func @transform_0(%arg0: i32) -> (i32, i32) {
    %c0_i32 = arith.constant 0 : i32
    %c0_i32_0 = arith.constant 0 : i32
    return %arg0, %c0_i32 : i32, i32
  }
  func.func @transform_1(%arg0: i32) -> (i32, i32) {
    %c0_i32 = arith.constant 0 : i32
    %c0_i32_0 = arith.constant 0 : i32
    %c0_i32_1 = arith.constant 0 : i32
    return %c0_i32, %c0_i32_0 : i32, i32
  }
  func.func @transform_2(%arg0: i32) -> (i32, i32) {
    %c0_i32 = arith.constant 0 : i32
    %c0_i32_0 = arith.constant 0 : i32
    return %arg0, %c0_i32 : i32, i32
  }
  func.func @transform_3(%arg0: i32) -> (i32, i32) {
    %c0_i32 = arith.constant 0 : i32
    %c0_i32_0 = arith.constant 0 : i32
    return %arg0, %c0_i32 : i32, i32
  }
}

module attributes {stable_mosaic.version = 14 : i64} {
  func.func @_mid_body(%arg0: i32, %arg1: memref<2x1000x128xf32, #tpu.memory_space<vmem>>, %arg2: memref<1000x128xf32, #tpu.memory_space<vmem>>, %arg3: memref<1000x1xf32, #tpu.memory_space<vmem>>, %arg4: memref<128x128xf32, #tpu.memory_space<vmem>>, %arg5: memref<128xf32, #tpu.memory_space<vmem>>, %arg6: memref<128xf32, #tpu.memory_space<vmem>>, %arg7: memref<128xf32, #tpu.memory_space<vmem>>, %arg8: memref<1000x128xf32, #tpu.memory_space<vmem>>) attributes {dimension_semantics = [#tpu.dimension_semantics<arbitrary>], iteration_bounds = array<i64: 10>, scalar_prefetch = 0 : i64, scratch_operands = 0 : i64, tpu.core_type = #tpu.core_type<tc>, window_params = [{transform_indices = @transform_0, window_bounds = array<i64: 2, 1000, 128>}, {transform_indices = @transform_1, window_bounds = array<i64: 1000, 128>}, {transform_indices = @transform_2, window_bounds = array<i64: 1000, 1>}, {pipeline_mode = #tpu.pipeline_mode<synchronous>, transform_indices = @transform_3, window_bounds = array<i64: 128, 128>}, {pipeline_mode = #tpu.pipeline_mode<synchronous>, transform_indices = @transform_4, window_bounds = array<i64: 128>}, {pipeline_mode = #tpu.pipeline_mode<synchronous>, transform_indices = @transform_5, window_bounds = array<i64: 128>}, {pipeline_mode = #tpu.pipeline_mode<synchronous>, transform_indices = @transform_6, window_bounds = array<i64: 128>}, {transform_indices = @transform_7, window_bounds = array<i64: 1000, 128>}]} {
    %get3A = arith.constant 0 : index
    %get3A_0 = arith.constant 0 : index
    %get3A_1 = vector.load %arg3[%get3A, %get3A_0] : memref<1000x1xf32, #tpu.memory_space<vmem>>, vector<1000x1xf32>
    %get3A_2 = arith.constant 0 : index
    %get3A_3 = arith.constant 0 : index
    %get3A_4 = arith.constant 0 : index
    %get3A_5 = vector.load %arg1[%get3A_2, %get3A_3, %get3A_4] : memref<2x1000x128xf32, #tpu.memory_space<vmem>>, vector<1x1000x128xf32>
    %get3A_6 = vector.shape_cast %get3A_5 : vector<1x1000x128xf32> to vector<1000x128xf32>
    %get3A_7 = arith.constant 1 : index
    %get3A_8 = arith.constant 0 : index
    %get3A_9 = arith.constant 0 : index
    %get3A_10 = vector.load %arg1[%get3A_7, %get3A_8, %get3A_9] : memref<2x1000x128xf32, #tpu.memory_space<vmem>>, vector<1x1000x128xf32>
    %get3A_11 = vector.shape_cast %get3A_10 : vector<1x1000x128xf32> to vector<1000x128xf32>
    %add3A = arith.addf %get3A_6, %get3A_11 : vector<1000x128xf32>
    %get3A_12 = arith.constant 0 : index
    %get3A_13 = arith.constant 0 : index
    %get3A_14 = vector.load %arg2[%get3A_12, %get3A_13] : memref<1000x128xf32, #tpu.memory_space<vmem>>, vector<1000x128xf32>
    %add3A_15 = arith.addf %add3A, %get3A_14 : vector<1000x128xf32>
    %mul3A = vector.broadcast %get3A_1 : vector<1000x1xf32> to vector<1000x128xf32>
    %mul3A_16 = arith.mulf %add3A_15, %mul3A : vector<1000x128xf32>
    %get3A_17 = arith.constant 0 : index
    %get3A_18 = vector.load %arg5[%get3A_17] : memref<128xf32, #tpu.memory_space<vmem>>, vector<128xf32>
    %broadcast_in_dim3A = vector.shape_cast %get3A_18 : vector<128xf32> to vector<1x128xf32>
    %add3A_19 = vector.broadcast %broadcast_in_dim3A : vector<1x128xf32> to vector<1000x128xf32>
    %add3A_20 = arith.addf %mul3A_16, %add3A_19 : vector<1000x128xf32>
    %mul3A_21 = arith.constant 0.999994993 : f32
    %mul3A_22 = vector.broadcast %mul3A_21 : f32 to vector<1000x128xf32>
    %mul3A_23 = arith.mulf %add3A_20, %mul3A_22 : vector<1000x128xf32>
    %get3A_24 = arith.constant 0 : index
    %get3A_25 = vector.load %arg6[%get3A_24] : memref<128xf32, #tpu.memory_space<vmem>>, vector<128xf32>
    %broadcast_in_dim3A_26 = vector.shape_cast %get3A_25 : vector<128xf32> to vector<1x128xf32>
    %mul3A_27 = vector.broadcast %broadcast_in_dim3A_26 : vector<1x128xf32> to vector<1000x128xf32>
    %mul3A_28 = arith.mulf %mul3A_23, %mul3A_27 : vector<1000x128xf32>
    %get3A_29 = arith.constant 0 : index
    %get3A_30 = vector.load %arg7[%get3A_29] : memref<128xf32, #tpu.memory_space<vmem>>, vector<128xf32>
    %broadcast_in_dim3A_31 = vector.shape_cast %get3A_30 : vector<128xf32> to vector<1x128xf32>
    %add3A_32 = vector.broadcast %broadcast_in_dim3A_31 : vector<1x128xf32> to vector<1000x128xf32>
    %add3A_33 = arith.addf %mul3A_28, %add3A_32 : vector<1000x128xf32>
    %max3A = arith.constant 0.000000e+00 : f32
    %max3A_34 = vector.broadcast %max3A : f32 to vector<1000x128xf32>
    %max3A_35 = arith.maximumf %add3A_33, %max3A_34 : vector<1000x128xf32>
    %get3A_36 = arith.constant 0 : index
    %get3A_37 = arith.constant 0 : index
    %get3A_38 = vector.load %arg4[%get3A_36, %get3A_37] : memref<128x128xf32, #tpu.memory_space<vmem>>, vector<128x128xf32>
    %dot_general3A = arith.constant dense<0.000000e+00> : vector<1000x128xf32>
    %dot_general3A_39 = tpu.matmul %max3A_35, %get3A_38, %dot_general3A {dimension_numbers = #tpu.dot_dimension_numbers<[1], [0], [0], [1], [0, 0, 1, 1], [], []>, transpose_lhs_hint = false} : vector<1000x128xf32>, vector<128x128xf32>, vector<1000x128xf32> -> vector<1000x128xf32>
    %mul3A_40 = vector.broadcast %get3A_1 : vector<1000x1xf32> to vector<1000x128xf32>
    %mul3A_41 = arith.mulf %dot_general3A_39, %mul3A_40 : vector<1000x128xf32>
    %swap3A = arith.constant 0 : index
    %swap3A_42 = arith.constant 0 : index
    %swap3A_43 = vector.load %arg8[%swap3A, %swap3A_42] : memref<1000x128xf32, #tpu.memory_space<vmem>>, vector<1000x128xf32>
    tpu.vector_store %arg8[%swap3A, %swap3A_42], %mul3A_41 {strides = array<i32>} : memref<1000x128xf32, #tpu.memory_space<vmem>>, vector<1000x128xf32>,
    return
  }
  func.func @transform_0(%arg0: i32) -> (i32, i32, i32) {
    %c0_i32 = arith.constant 0 : i32
    %c0_i32_0 = arith.constant 0 : i32
    %c0_i32_1 = arith.constant 0 : i32
    return %c0_i32, %arg0, %c0_i32_0 : i32, i32, i32
  }
  func.func @transform_1(%arg0: i32) -> (i32, i32) {
    %c0_i32 = arith.constant 0 : i32
    %c0_i32_0 = arith.constant 0 : i32
    return %arg0, %c0_i32 : i32, i32
  }
  func.func @transform_2(%arg0: i32) -> (i32, i32) {
    %c0_i32 = arith.constant 0 : i32
    %c0_i32_0 = arith.constant 0 : i32
    return %arg0, %c0_i32 : i32, i32
  }
  func.func @transform_3(%arg0: i32) -> (i32, i32) {
    %c0_i32 = arith.constant 0 : i32
    %c0_i32_0 = arith.constant 0 : i32
    %c0_i32_1 = arith.constant 0 : i32
    return %c0_i32, %c0_i32_0 : i32, i32
  }
  func.func @transform_4(%arg0: i32) -> i32 {
    %c0_i32 = arith.constant 0 : i32
    %c0_i32_0 = arith.constant 0 : i32
    return %c0_i32 : i32
  }
  func.func @transform_5(%arg0: i32) -> i32 {
    %c0_i32 = arith.constant 0 : i32
    %c0_i32_0 = arith.constant 0 : i32
    return %c0_i32 : i32
  }
  func.func @transform_6(%arg0: i32) -> i32 {
    %c0_i32 = arith.constant 0 : i32
    %c0_i32_0 = arith.constant 0 : i32
    return %c0_i32 : i32
  }
  func.func @transform_7(%arg0: i32) -> (i32, i32) {
    %c0_i32 = arith.constant 0 : i32
    %c0_i32_0 = arith.constant 0 : i32
    return %arg0, %c0_i32 : i32, i32
  }
}

module attributes {stable_mosaic.version = 14 : i64} {
  func.func @_head_body(%arg0: i32, %arg1: memref<2x10000x128xf32, #tpu.memory_space<vmem>>, %arg2: memref<10000x128xf32, #tpu.memory_space<vmem>>, %arg3: memref<10000x1xf32, #tpu.memory_space<vmem>>, %arg4: memref<128xf32, #tpu.memory_space<vmem>>, %arg5: memref<128xf32, #tpu.memory_space<vmem>>, %arg6: memref<128xf32, #tpu.memory_space<vmem>>, %arg7: memref<1x10000xi32, #tpu.memory_space<vmem>>, %arg8: memref<10000x1xi32, #tpu.memory_space<vmem>>, %arg9: memref<256x256xf32, #tpu.memory_space<vmem>>, %arg10: memref<256xf32, #tpu.memory_space<vmem>>, %arg11: memref<256x64xf32, #tpu.memory_space<vmem>>, %arg12: memref<64xf32, #tpu.memory_space<vmem>>, %arg13: memref<64x1xf32, #tpu.memory_space<vmem>>, %arg14: memref<1xf32, #tpu.memory_space<vmem>>, %arg15: memref<64xf32, #tpu.memory_space<vmem>>, %arg16: memref<64x128xf32, #tpu.memory_space<vmem>>) attributes {dimension_semantics = [#tpu.dimension_semantics<arbitrary>], iteration_bounds = array<i64: 1>, scalar_prefetch = 0 : i64, scratch_operands = 1 : i64, tpu.core_type = #tpu.core_type<tc>, window_params = [{transform_indices = @transform_0, window_bounds = array<i64: 2, 10000, 128>}, {pipeline_mode = #tpu.pipeline_mode<synchronous>, transform_indices = @transform_1, window_bounds = array<i64: 10000, 128>}, {pipeline_mode = #tpu.pipeline_mode<synchronous>, transform_indices = @transform_2, window_bounds = array<i64: 10000, 1>}, {pipeline_mode = #tpu.pipeline_mode<synchronous>, transform_indices = @transform_3, window_bounds = array<i64: 128>}, {pipeline_mode = #tpu.pipeline_mode<synchronous>, transform_indices = @transform_4, window_bounds = array<i64: 128>}, {pipeline_mode = #tpu.pipeline_mode<synchronous>, transform_indices = @transform_5, window_bounds = array<i64: 128>}, {pipeline_mode = #tpu.pipeline_mode<synchronous>, transform_indices = @transform_6, window_bounds = array<i64: 1, 10000>}, {pipeline_mode = #tpu.pipeline_mode<synchronous>, transform_indices = @transform_7, window_bounds = array<i64: 10000, 1>}, {pipeline_mode = #tpu.pipeline_mode<synchronous>, transform_indices = @transform_8, window_bounds = array<i64: 256, 256>}, {pipeline_mode = #tpu.pipeline_mode<synchronous>, transform_indices = @transform_9, window_bounds = array<i64: 256>}, {pipeline_mode = #tpu.pipeline_mode<synchronous>, transform_indices = @transform_10, window_bounds = array<i64: 256, 64>}, {pipeline_mode = #tpu.pipeline_mode<synchronous>, transform_indices = @transform_11, window_bounds = array<i64: 64>}, {pipeline_mode = #tpu.pipeline_mode<synchronous>, transform_indices = @transform_12, window_bounds = array<i64: 64, 1>}, {pipeline_mode = #tpu.pipeline_mode<synchronous>, transform_indices = @transform_13, window_bounds = array<i64: 1>}, {pipeline_mode = #tpu.pipeline_mode<synchronous>, transform_indices = @transform_14, window_bounds = array<i64: 64>}]} {
    %get3A = arith.constant 0 : index
    %get3A_0 = arith.constant 0 : index
    %get3A_1 = arith.constant 0 : index
    %get3A_2 = vector.load %arg1[%get3A, %get3A_0, %get3A_1] : memref<2x10000x128xf32, #tpu.memory_space<vmem>>, vector<1x10000x128xf32>
    %get3A_3 = vector.shape_cast %get3A_2 : vector<1x10000x128xf32> to vector<10000x128xf32>
    %get3A_4 = arith.constant 1 : index
    %get3A_5 = arith.constant 0 : index
    %get3A_6 = arith.constant 0 : index
    %get3A_7 = vector.load %arg1[%get3A_4, %get3A_5, %get3A_6] : memref<2x10000x128xf32, #tpu.memory_space<vmem>>, vector<1x10000x128xf32>
    %get3A_8 = vector.shape_cast %get3A_7 : vector<1x10000x128xf32> to vector<10000x128xf32>
    %add3A = arith.addf %get3A_3, %get3A_8 : vector<10000x128xf32>
    %get3A_9 = arith.constant 0 : index
    %get3A_10 = arith.constant 0 : index
    %get3A_11 = vector.load %arg2[%get3A_9, %get3A_10] : memref<10000x128xf32, #tpu.memory_space<vmem>>, vector<10000x128xf32>
    %add3A_12 = arith.addf %add3A, %get3A_11 : vector<10000x128xf32>
    %get3A_13 = arith.constant 0 : index
    %get3A_14 = arith.constant 0 : index
    %get3A_15 = vector.load %arg3[%get3A_13, %get3A_14] : memref<10000x1xf32, #tpu.memory_space<vmem>>, vector<10000x1xf32>
    %mul3A = vector.broadcast %get3A_15 : vector<10000x1xf32> to vector<10000x128xf32>
    %mul3A_16 = arith.mulf %add3A_12, %mul3A : vector<10000x128xf32>
    %get3A_17 = arith.constant 0 : index
    %get3A_18 = vector.load %arg4[%get3A_17] : memref<128xf32, #tpu.memory_space<vmem>>, vector<128xf32>
    %broadcast_in_dim3A = vector.shape_cast %get3A_18 : vector<128xf32> to vector<1x128xf32>
    %add3A_19 = vector.broadcast %broadcast_in_dim3A : vector<1x128xf32> to vector<10000x128xf32>
    %add3A_20 = arith.addf %mul3A_16, %add3A_19 : vector<10000x128xf32>
    %mul3A_21 = arith.constant 0.999994993 : f32
    %mul3A_22 = vector.broadcast %mul3A_21 : f32 to vector<10000x128xf32>
    %mul3A_23 = arith.mulf %add3A_20, %mul3A_22 : vector<10000x128xf32>
    %get3A_24 = arith.constant 0 : index
    %get3A_25 = vector.load %arg5[%get3A_24] : memref<128xf32, #tpu.memory_space<vmem>>, vector<128xf32>
    %broadcast_in_dim3A_26 = vector.shape_cast %get3A_25 : vector<128xf32> to vector<1x128xf32>
    %mul3A_27 = vector.broadcast %broadcast_in_dim3A_26 : vector<1x128xf32> to vector<10000x128xf32>
    %mul3A_28 = arith.mulf %mul3A_23, %mul3A_27 : vector<10000x128xf32>
    %get3A_29 = arith.constant 0 : index
    %get3A_30 = vector.load %arg6[%get3A_29] : memref<128xf32, #tpu.memory_space<vmem>>, vector<128xf32>
    %broadcast_in_dim3A_31 = vector.shape_cast %get3A_30 : vector<128xf32> to vector<1x128xf32>
    %add3A_32 = vector.broadcast %broadcast_in_dim3A_31 : vector<1x128xf32> to vector<10000x128xf32>
    %add3A_33 = arith.addf %mul3A_28, %add3A_32 : vector<10000x128xf32>
    %max3A = arith.constant 0.000000e+00 : f32
    %max3A_34 = vector.broadcast %max3A : f32 to vector<10000x128xf32>
    %max3A_35 = arith.maximumf %add3A_33, %max3A_34 : vector<10000x128xf32>
    %get3A_36 = arith.constant 0 : index
    %get3A_37 = arith.constant 0 : index
    %get3A_38 = vector.load %arg7[%get3A_36, %get3A_37] : memref<1x10000xi32, #tpu.memory_space<vmem>>, vector<1x10000xi32>
    %get3A_39 = arith.constant 0 : index
    %get3A_40 = arith.constant 0 : index
    %get3A_41 = vector.load %arg8[%get3A_39, %get3A_40] : memref<10000x1xi32, #tpu.memory_space<vmem>>, vector<10000x1xi32>
    %iota3A = tpu.iota {dimensions = array<i32: 0>} : vector<64x10000xi32>
    %eq3A = vector.broadcast %get3A_38 : vector<1x10000xi32> to vector<64x10000xi32>
    %eq3A_42 = arith.cmpi eq, %eq3A, %iota3A : vector<64x10000xi32>
    %convert_element_type3A = arith.extui %eq3A_42 : vector<64x10000xi1> to vector<64x10000xi32>
    %convert_element_type3A_43 = arith.sitofp %convert_element_type3A : vector<64x10000xi32> to vector<64x10000xf32>
    %dot_general3A = arith.constant dense<0.000000e+00> : vector<64x128xf32>
    %dot_general3A_44 = tpu.matmul %convert_element_type3A_43, %max3A_35, %dot_general3A {dimension_numbers = #tpu.dot_dimension_numbers<[1], [0], [0], [1], [0, 0, 1, 1], [], []>, precision = #tpu.contract_precision<fp32>, transpose_lhs_hint = false} : vector<64x10000xf32>, vector<10000x128xf32>, vector<64x128xf32> -> vector<64x128xf32>
    %reduce_sum3A = arith.constant dense<0.000000e+00> : vector<64xf32>
    %reduce_sum3A_45 = vector.multi_reduction <add>, %convert_element_type3A_43, %reduce_sum3A [1] : vector<64x10000xf32> to vector<64xf32>
    %broadcast_in_dim3A_46 = vector.shape_cast %reduce_sum3A_45 : vector<64xf32> to vector<64x1xf32>
    %max3A_47 = arith.constant 1.000000e+00 : f32
    %max3A_48 = vector.broadcast %max3A_47 : f32 to vector<64x1xf32>
    %max3A_49 = arith.maximumf %broadcast_in_dim3A_46, %max3A_48 : vector<64x1xf32>
    %div3A = vector.broadcast %max3A_49 : vector<64x1xf32> to vector<64x128xf32>
    %div3A_50 = arith.divf %dot_general3A_44, %div3A : vector<64x128xf32>
    %scan3A = arith.constant 0 : i32
    %scan3A_51 = arith.constant 64 : i32
    %scan3A_52 = arith.addi %scan3A, %scan3A_51 : i32
    %scan3A_53 = arith.constant 1 : i32
    scf.for %scan3A_95 = %scan3A to %scan3A_52 step %scan3A_53  : i32 {
      %eq3A_96 = vector.broadcast %scan3A_95 : i32 to vector<10000x1xi32>
      %eq3A_97 = arith.cmpi eq, %get3A_41, %eq3A_96 : vector<10000x1xi32>
      %jit3A = arith.constant 0xFF800000 : f32
      %broadcast_in_dim3A_98 = vector.shape_cast %eq3A_97 : vector<10000x1xi1> to vector<10000x1xi1>
      %broadcast_in_dim3A_99 = vector.broadcast %broadcast_in_dim3A_98 : vector<10000x1xi1> to vector<10000x128xi1>
      %broadcast_in_dim3A_100 = vector.broadcast %jit3A : f32 to vector<10000x128xf32>
      %select_n3A = arith.select %broadcast_in_dim3A_99, %max3A_35, %broadcast_in_dim3A_100 : vector<10000x128xi1>, vector<10000x128xf32>
      %reduce_max3A = arith.constant dense<0xFF800000> : vector<128xf32>
      %reduce_max3A_101 = vector.multi_reduction <maximumf>, %select_n3A, %reduce_max3A [0] : vector<10000x128xf32> to vector<128xf32>
      %broadcast_in_dim3A_102 = vector.shape_cast %reduce_max3A_101 : vector<128xf32> to vector<1x128xf32>
      %swap3A_103 = arith.index_cast %scan3A_95 : i32 to index
      %swap3A_104 = arith.constant 0 : index
      %swap3A_105 = vector.load %arg16[%swap3A_103, %swap3A_104] : memref<64x128xf32, #tpu.memory_space<vmem>>, vector<1x128xf32>
      tpu.vector_store %arg16[%swap3A_103, %swap3A_104], %broadcast_in_dim3A_102 {strides = array<i32>} : memref<64x128xf32, #tpu.memory_space<vmem>>, vector<1x128xf32>,
    }
    %scan3A_54 = arith.constant 64 : i32
    %get3A_55 = arith.constant 0 : index
    %get3A_56 = arith.constant 0 : index
    %get3A_57 = vector.load %arg16[%get3A_55, %get3A_56] : memref<64x128xf32, #tpu.memory_space<vmem>>, vector<64x128xf32>
    %concatenate3A = tpu.concatenate %div3A_50, %get3A_57 in 1 : vector<64x128xf32>, vector<64x128xf32> -> vector<64x256xf32>
    %get3A_58 = arith.constant 0 : index
    %get3A_59 = arith.constant 0 : index
    %get3A_60 = vector.load %arg9[%get3A_58, %get3A_59] : memref<256x256xf32, #tpu.memory_space<vmem>>, vector<256x256xf32>
    %dot_general3A_61 = arith.constant dense<0.000000e+00> : vector<64x256xf32>
    %dot_general3A_62 = tpu.matmul %concatenate3A, %get3A_60, %dot_general3A_61 {dimension_numbers = #tpu.dot_dimension_numbers<[1], [0], [0], [1], [0, 0, 1, 1], [], []>, transpose_lhs_hint = false} : vector<64x256xf32>, vector<256x256xf32>, vector<64x256xf32> -> vector<64x256xf32>
    %get3A_63 = arith.constant 0 : index
    %get3A_64 = vector.load %arg10[%get3A_63] : memref<256xf32, #tpu.memory_space<vmem>>, vector<256xf32>
    %broadcast_in_dim3A_65 = vector.shape_cast %get3A_64 : vector<256xf32> to vector<1x256xf32>
    %add3A_66 = vector.broadcast %broadcast_in_dim3A_65 : vector<1x256xf32> to vector<64x256xf32>
    %add3A_67 = arith.addf %dot_general3A_62, %add3A_66 : vector<64x256xf32>
    %max3A_68 = arith.constant 0.000000e+00 : f32
    %max3A_69 = vector.broadcast %max3A_68 : f32 to vector<64x256xf32>
    %max3A_70 = arith.maximumf %add3A_67, %max3A_69 : vector<64x256xf32>
    %get3A_71 = arith.constant 0 : index
    %get3A_72 = arith.constant 0 : index
    %get3A_73 = vector.load %arg11[%get3A_71, %get3A_72] : memref<256x64xf32, #tpu.memory_space<vmem>>, vector<256x64xf32>
    %dot_general3A_74 = arith.constant dense<0.000000e+00> : vector<64x64xf32>
    %dot_general3A_75 = tpu.matmul %max3A_70, %get3A_73, %dot_general3A_74 {dimension_numbers = #tpu.dot_dimension_numbers<[1], [0], [0], [1], [0, 0, 1, 1], [], []>, transpose_lhs_hint = false} : vector<64x256xf32>, vector<256x64xf32>, vector<64x64xf32> -> vector<64x64xf32>
    %get3A_76 = arith.constant 0 : index
    %get3A_77 = vector.load %arg12[%get3A_76] : memref<64xf32, #tpu.memory_space<vmem>>, vector<64xf32>
    %broadcast_in_dim3A_78 = vector.shape_cast %get3A_77 : vector<64xf32> to vector<1x64xf32>
    %add3A_79 = vector.broadcast %broadcast_in_dim3A_78 : vector<1x64xf32> to vector<64x64xf32>
    %add3A_80 = arith.addf %dot_general3A_75, %add3A_79 : vector<64x64xf32>
    %max3A_81 = arith.constant 0.000000e+00 : f32
    %max3A_82 = vector.broadcast %max3A_81 : f32 to vector<64x64xf32>
    %max3A_83 = arith.maximumf %add3A_80, %max3A_82 : vector<64x64xf32>
    %get3A_84 = arith.constant 0 : index
    %get3A_85 = arith.constant 0 : index
    %get3A_86 = vector.load %arg13[%get3A_84, %get3A_85] : memref<64x1xf32, #tpu.memory_space<vmem>>, vector<64x1xf32>
    %dot_general3A_87 = arith.constant dense<0.000000e+00> : vector<64x1xf32>
    %dot_general3A_88 = tpu.matmul %max3A_83, %get3A_86, %dot_general3A_87 {dimension_numbers = #tpu.dot_dimension_numbers<[1], [0], [0], [1], [0, 0, 1, 1], [], []>, transpose_lhs_hint = false} : vector<64x64xf32>, vector<64x1xf32>, vector<64x1xf32> -> vector<64x1xf32>
    %get3A_89 = arith.constant 0 : index
    %get3A_90 = vector.load %arg14[%get3A_89] : memref<1xf32, #tpu.memory_space<vmem>>, vector<1xf32>
    %broadcast_in_dim3A_91 = vector.shape_cast %get3A_90 : vector<1xf32> to vector<1x1xf32>
    %add3A_92 = vector.broadcast %broadcast_in_dim3A_91 : vector<1x1xf32> to vector<64x1xf32>
    %add3A_93 = arith.addf %dot_general3A_88, %add3A_92 : vector<64x1xf32>
    %squeeze3A = vector.shape_cast %add3A_93 : vector<64x1xf32> to vector<64xf32>
    %swap3A = arith.constant 0 : index
    %swap3A_94 = vector.load %arg15[%swap3A] : memref<64xf32, #tpu.memory_space<vmem>>, vector<64xf32>
    tpu.vector_store %arg15[%swap3A], %squeeze3A {strides = array<i32>} : memref<64xf32, #tpu.memory_space<vmem>>, vector<64xf32>,
    return
  }
  func.func @transform_0(%arg0: i32) -> (i32, i32, i32) {
    %c0_i32 = arith.constant 0 : i32
    %c0_i32_0 = arith.constant 0 : i32
    %c0_i32_1 = arith.constant 0 : i32
    %c0_i32_2 = arith.constant 0 : i32
    return %c0_i32, %c0_i32_0, %c0_i32_1 : i32, i32, i32
  }
  func.func @transform_1(%arg0: i32) -> (i32, i32) {
    %c0_i32 = arith.constant 0 : i32
    %c0_i32_0 = arith.constant 0 : i32
    %c0_i32_1 = arith.constant 0 : i32
    return %c0_i32, %c0_i32_0 : i32, i32
  }
  func.func @transform_2(%arg0: i32) -> (i32, i32) {
    %c0_i32 = arith.constant 0 : i32
    %c0_i32_0 = arith.constant 0 : i32
    %c0_i32_1 = arith.constant 0 : i32
    return %c0_i32, %c0_i32_0 : i32, i32
  }
  func.func @transform_3(%arg0: i32) -> i32 {
    %c0_i32 = arith.constant 0 : i32
    %c0_i32_0 = arith.constant 0 : i32
    return %c0_i32 : i32
  }
  func.func @transform_4(%arg0: i32) -> i32 {
    %c0_i32 = arith.constant 0 : i32
    %c0_i32_0 = arith.constant 0 : i32
    return %c0_i32 : i32
  }
  func.func @transform_5(%arg0: i32) -> i32 {
    %c0_i32 = arith.constant 0 : i32
    %c0_i32_0 = arith.constant 0 : i32
    return %c0_i32 : i32
  }
  func.func @transform_6(%arg0: i32) -> (i32, i32) {
    %c0_i32 = arith.constant 0 : i32
    %c0_i32_0 = arith.constant 0 : i32
    %c0_i32_1 = arith.constant 0 : i32
    return %c0_i32, %c0_i32_0 : i32, i32
  }
  func.func @transform_7(%arg0: i32) -> (i32, i32) {
    %c0_i32 = arith.constant 0 : i32
    %c0_i32_0 = arith.constant 0 : i32
    %c0_i32_1 = arith.constant 0 : i32
    return %c0_i32, %c0_i32_0 : i32, i32
  }
  func.func @transform_8(%arg0: i32) -> (i32, i32) {
    %c0_i32 = arith.constant 0 : i32
    %c0_i32_0 = arith.constant 0 : i32
    %c0_i32_1 = arith.constant 0 : i32
    return %c0_i32, %c0_i32_0 : i32, i32
  }
  func.func @transform_9(%arg0: i32) -> i32 {
    %c0_i32 = arith.constant 0 : i32
    %c0_i32_0 = arith.constant 0 : i32
    return %c0_i32 : i32
  }
  func.func @transform_10(%arg0: i32) -> (i32, i32) {
    %c0_i32 = arith.constant 0 : i32
    %c0_i32_0 = arith.constant 0 : i32
    %c0_i32_1 = arith.constant 0 : i32
    return %c0_i32, %c0_i32_0 : i32, i32
  }
  func.func @transform_11(%arg0: i32) -> i32 {
    %c0_i32 = arith.constant 0 : i32
    %c0_i32_0 = arith.constant 0 : i32
    return %c0_i32 : i32
  }
  func.func @transform_12(%arg0: i32) -> (i32, i32) {
    %c0_i32 = arith.constant 0 : i32
    %c0_i32_0 = arith.constant 0 : i32
    %c0_i32_1 = arith.constant 0 : i32
    return %c0_i32, %c0_i32_0 : i32, i32
  }
  func.func @transform_13(%arg0: i32) -> i32 {
    %c0_i32 = arith.constant 0 : i32
    %c0_i32_0 = arith.constant 0 : i32
    return %c0_i32 : i32
  }
  func.func @transform_14(%arg0: i32) -> i32 {
    %c0_i32 = arith.constant 0 : i32
    %c0_i32_0 = arith.constant 0 : i32
    return %c0_i32 : i32
  }
}

</mosaic_0001>

<sc_bundles>
// kernel: kernel.11.cloned.1.call-start
scs
__scs_entry_jumppad:
0x0: {  	(pc) =	sbr.rel $0x88, $3  }
0x1: {  	(tag) =	ssettag $0x0;
	lr =	simm.s32 $0x1  }
0x2: {  	[smem:$0x3F8C] =	sst lr;
	_ =	strace $0xD0000000  }
0x3: {  	_ = 	snop  }
0x4: {  	_ = 	snop  }
0x5: {  	_ = 	snop  }
0x6: {  	_ = 	snop  }
0x7: {  	_ = 	snop  }
__scs_overlays_trampoline_lowered:
0x8: {  	[smem:$0x3F9B] =	sst s0  }
0x9: {  	[smem:$0x3F9C] =	sst s1  }
0xa: {  	[smem:$0x3F9D] =	sst s2  }
0xb: {  	[smem:$0x3F9E] =	sst s3  }
0xc: {  	[smem:$0x3F9F] =	sst s4  }
0xd: {  	[smem:$0x3FA0] =	sst s5  }
0xe: {  	[smem:$0x3FA1] =	sst s6  }
0xf: {  	[smem:$0x3FA2] =	sst s7  }
0x10: {  	[smem:$0x3FA3] =	sst s8  }
0x11: {  	[smem:$0x3FA4] =	sst s9;
	s0 =	simm.s32 @!p0 $0x0  }
0x12: {  	s1 =	sld [smem:$0x3F8A];
	s0 =	simm.s32 @p0 $0x1  }
0x13: {  	[smem:$0x3FA5] =	sst s0;
	s0 =	simm.s32 @!p1 $0x0  }
0x14: {  	s2 =	sld [smem:$0x3F89];
	s0 =	simm.s32 @p1 $0x1  }
0x15: {  	[smem:$0x3FA6] =	sst s0;
	s0 =	simm.s32 @!p2 $0x0  }
0x16: {  	s3 =	sld [smem:$0x3FDB];
	s0 =	simm.s32 @p2 $0x1  }
0x17: {  	s4 =	simm.s32 $0x1BF5;
	[smem:$0x3FA8] =	sst s0  }
0x18: {  	s0 =	sld [smem:$0x3F8B];
	_ =	swait.ge [sflag:s4], $0x0  }
0x19: {  	s7 =	sld [smem:$0x3F8C]  }
0x1a: {  	s8 =	sadd.s32 $0xFFFFE003, lr  }
0x1b: {  	s9 =	sadd.s32 $0xFFFFFEF7, lr;
	s5 =	simm.s32 $0xFFFFFFFF;
	p2 =	slt.u32 s8, $0xFFFFF086  }
0x1c: {  	p1 =	slt.u32 s9, $0xF7A;
	s5 =	simm.s32 @!p2 $0x0  }
0x1d: {  	s5 =	simm.s32 @p1 $0x1;
	p0 =	seq.s32 s7, s2  }
0x1e: {  	s7 =	smul.u32 @!p0 $0xF7A, s2;
	p2 =	seq.s32 @!p0 s5, $0x0  }
0x1f: {  	s9 =	smul.u32 $0xF7A, s1;
	s8 =	simm.s32 @!p0 $0x1BF5;
	p2 =	por !p2, p0  }
0x20: {  	[sflag:s8] =	ssyncset.s32 @!p0 $0xFFFFF086;
	s6 =	sadd.s32 @!p0 s3, s7;
	s7 =	simm.s32 @!p0 $0x108  }
0x21: {  	s3 =	sadd.s32 s3, s9;
	s6 =	sadd.s32 @!p0 $0x88, s6;
	s7 =	simm.s32 @p2 $0x1082  }
0x22: {  	[simem:s7], [sflag:s8] =	dma.local @!p0 [hbm:s6], $0xF7A  }
0x23: {  	s9 =	sor.u32 $0xD0000000, s2;
	s6 =	simm.s32 $0x108;
	_ =	swait.ge @!p0 [sflag:s8], $0x0  }
0x24: {  	s3 =	sadd.s32 $0x88, s3;
	s6 =	simm.s32 @!p1 $0x1082;
	[sflag:s4] =	ssyncset.s32 $0xFFFFF086  }
0x25: {  	[simem:s6], [sflag:s4] =	dma.local [hbm:s3], $0xF7A  }
0x26: {  	[smem:$0x3F8C] =	sst s1;
	(tag) =	ssettag s2;
	_ =	strace s9  }
0x27: {  	s1 =	sld [smem:$0x3F9C]  }
0x28: {  	s2 =	sld [smem:$0x3F9D]  }
0x29: {  	s4 =	sld [smem:$0x3F9F]  }
0x2a: {  	p0 =	seq.s32 s5, $0x0;
	s5 =	sld [smem:$0x3FA0]  }
0x2b: {  	s6 =	sld [smem:$0x3FA1]  }
0x2c: {  	s7 =	sld [smem:$0x3FA2]  }
0x2d: {  	s3 =	simm.s32 $0x108;
	s8 =	sld [smem:$0x3FA3]  }
0x2e: {  	s3 =	simm.s32 @!p0 $0x1082;
	s9 =	sld [smem:$0x3FA4]  }
0x2f: {  	lr =	sadd.s32 s0, s3;
	s0 =	sld [smem:$0x3F9B]  }
0x30: {  	s3 =	sld [smem:$0x3F9E]  }
0x31: {  	[smem:$0x3FA7] =	sst s10  }
0x32: {  	s10 =	sld [smem:$0x3FA5];
	_ =	sdelay $0x3  }
0x33: {  	p0 =	seq.s32 s10, $0x1;
	s10 =	sld [smem:$0x3FA7];
	_ =	sdelay $0x3  }
0x34: {  	[smem:$0x3FA7] =	sst s10  }
0x35: {  	s10 =	sld [smem:$0x3FA6];
	_ =	sdelay $0x3  }
0x36: {  	p1 =	seq.s32 s10, $0x1;
	s10 =	sld [smem:$0x3FA7];
	_ =	sdelay $0x3  }
0x37: {  	[smem:$0x3FA7] =	sst s10  }
0x38: {  	s10 =	sld [smem:$0x3FA8]  }
0x39: {  	_ = 	snop;
	(pc) =	sbr.ind lr, $3  }
0x3a: {  	_ = 	snop  }
0x3b: {  	_ = 	snop  }
0x3c: {  	p2 =	seq.s32 s10, $0x1;
	s10 =	sld [smem:$0x3FA7]  }
0x3d: {  	_ =	shalt  }
0x3e: {  	_ =	shalt  }
0x3f: {  	_ =	shalt  }
0x40: {  	_ =	shalt  }
0x41: {  	_ =	shalt  }
0x42: {  	_ =	shalt  }
0x43: {  	_ =	shalt  }
0x44: {  	_ =	shalt  }
0x45: {  	_ =	shalt  }
0x46: {  	_ =	shalt  }
0x47: {  	_ =	shalt  }
0x48: {  	_ =	shalt  }
0x49: {  	_ =	shalt  }
0x4a: {  	_ =	shalt  }
0x4b: {  	_ =	shalt  }
0x4c: {  	_ =	shalt  }
0x4d: {  	_ =	shalt  }
0x4e: {  	_ =	shalt  }
0x4f: {  	_ =	shalt  }
0x50: {  	_ =	shalt  }
0x51: {  	_ =	shalt  }
0x52: {  	_ =	shalt  }
0x53: {  	_ =	shalt  }
0x54: {  	_ =	shalt  }
0x55: {  	_ =	shalt  }
0x56: {  	_ =	shalt  }
0x57: {  	_ =	shalt  }
0x58: {  	_ =	shalt  }
0x59: {  	_ =	shalt  }
0x5a: {  	_ =	shalt  }
0x5b: {  	_ =	shalt  }
0x5c: {  	_ =	shalt  }
0x5d: {  	_ =	shalt  }
0x5e: {  	_ =	shalt  }
0x5f: {  	_ =	shalt  }
0x60: {  	_ =	shalt  }
0x61: {  	_ =	shalt  }
0x62: {  	_ =	shalt  }
0x63: {  	_ =	shalt  }
0x64: {  	_ =	shalt  }
0x65: {  	_ =	shalt  }
0x66: {  	_ =	shalt  }
0x67: {  	_ =	shalt  }
0x68: {  	_ =	shalt  }
0x69: {  	_ =	shalt  }
0x6a: {  	_ =	shalt  }
0x6b: {  	_ =	shalt  }
0x6c: {  	_ =	shalt  }
0x6d: {  	_ =	shalt  }
0x6e: {  	_ =	shalt  }
0x6f: {  	_ =	shalt  }
0x70: {  	_ =	shalt  }
0x71: {  	_ =	shalt  }
0x72: {  	_ =	shalt  }
0x73: {  	_ =	shalt  }
0x74: {  	_ =	shalt  }
0x75: {  	_ =	shalt  }
0x76: {  	_ =	shalt  }
0x77: {  	_ =	shalt  }
0x78: {  	_ =	shalt  }
0x79: {  	_ =	shalt  }
0x7a: {  	_ =	shalt  }
0x7b: {  	_ =	shalt  }
0x7c: {  	_ =	shalt  }
0x7d: {  	_ =	shalt  }
0x7e: {  	_ =	shalt  }
0x7f: {  	_ =	shalt  }
0x80: {  	_ =	shalt  }
0x81: {  	_ =	shalt  }
0x82: {  	_ =	shalt  }
0x83: {  	_ =	shalt  }
0x84: {  	_ =	shalt  }
0x85: {  	_ =	shalt  }
0x86: {  	_ =	shalt  }
0x87: {  	_ =	shalt  }
.Lfunc_end0:
.L_simem_size_0:
called_computation_lowered:
.L_overlay_start_0:
0x88: {  	s2 =	sld [smem:$0x3FD9]  }
0x89: {  	s3 =	sld [smem:$0x3FFE];
	_ =	sdelay $0x1  }
0x8a: {  	s1 =	srdreg.scid  }
0x8b: {  	s0 =	sand.u32 $0x1, s1  }
0x8c: {  	s16 =	sshll.u32 s0, $0xA;
	s2 =	sadd.s32 s3, s2  }
0x8d: {  	s2 =	sadd.s32 s2, s16  }
0x8e: {  	[smem:$0x3FB3] =	sst s2  }
0x8f: {  	_ = 	snop  }
0x90: {  	(tm) =	ssettm $0x1  }
0x91: {  	s17 =	sld [smem:$0x3FFB];
	_ =	sdelay $0x3  }
0x92: {  	_ =	strace s17  }
0x93: {  	s2 =	sld [smem:$0x3FFC];
	_ =	sdelay $0x3  }
0x94: {  	_ =	strace s2  }
0x95: {  	s2 =	sld [smem:$0x3FFD];
	_ =	sdelay $0x3  }
0x96: {  	_ =	strace s2  }
0x97: {  	_ =	strace $0x8FFFFFFF  }
0x98: {  	s18 =	sld [smem:$0x3FDB];
	_ =	sdelay $0x1  }
0x99: {  	s19 =	simm.s32 $_scs_section_size  }
0x9a: {  	s4 =	simm.s32 $_size__tile_overlayer_lowered;
	s5 =	simm.s32 $_tile_overlayer_lowered  }
0x9b: {  	s22 =	simm.s32 $0x1BFF;
	s21 =	sshll.u32 s5, $0x1;
	s2 =	sadd.s32 s19, s18  }
0x9c: {  	s6 =	simm.s32 $0x0;
	s20 =	sshll.u32 s4, $0x1;
	s4 =	sadd.s32 s21, s2  }
0x9d: {  	[timem:s6], [sflag:s22] =	dma.local [hbm:s4], s20  }
0x9e: {  	_ =	swait.ge [sflag:s22], s20  }
0x9f: {  	s3 =	ssub.s32 $0x0, s20;
	[sflag:s22] =	ssyncset.done $0x0  }
0xa0: {  	[sflag:s22] =	ssyncadd.s32 s3;
	_ =	sdelay $0x1  }
0xa1: {  	s23 =	simm.s32 $0x1B8B  }
0xa2: {  	_ =	swait.ge [sflag:s23], $0x1  }
0xa3: {  	[sflag:s23] =	ssyncset.done $0x0  }
0xa4: {  	s25 =	simm.s32 $0x1B8E;
	s24 =	sld [smem:$0x3FFE];
	[sflag:s23] =	ssyncadd.s32 $0xFFFFFFFF  }
0xa5: {  	s26 =	simm.s32 $execute0_lowered;
	[smem:$0x3FD2] =	sst s25  }
0xa6: {  	s4 =	sshll.u32 s26, $0x1;
	_ =	strace $0x80000046;
	[dreg:$0x1] =	wrdreg $0xFFFFFFFF  }
0xa7: {  	s28 =	simm.s32 $_size_execute0_lowered;
	s2 =	sadd.s32 s2, s4;
	[dreg:$0x0] =	wrdreg $0x0  }
0xa8: {  	s4 =	sshll.u32 s28, $0x1;
	[dreg:$0x2] =	wrdreg s2  }
0xa9: {  	[dreg:$0x3] =	wrdreg s4  }
0xaa: {  	[dreg:$0x4] =	wrdreg $0xC0  }
0xab: {  	_ =	task [dreg:s6], $0x5FFFF  }
0xac: {  	[dreg:$0x1] =	wrdreg $0xFFFFFFFF  }
0xad: {  	[dreg:$0x0] =	wrdreg $0x60  }
0xae: {  	[dreg:$0x2] =	wrdreg s24  }
0xaf: {  	[dreg:$0x3] =	wrdreg $0x9  }
0xb0: {  	_ =	task.clear_ibuf [dreg:s6], $0x4FFFF;
	_ =	strace $0x90000046  }
0xb1: {  	s29 =	simm.s32 $0x9;
	_ =	strace $0x80000048  }
0xb2: {  	_ =	swait.ge [sflag:s29], $0x1  }
0xb3: {  	[sflag:s29] =	ssyncadd.s32 $0xFFFFFFFF  }
0xb4: {  	_ =	strace $0x90000048  }
0xb5: {  	_ =	sfence  }
0xb6: {  	s30 =	sld [smem:$0x0];
	_ =	sdelay $0x2  }
0xb7: {  	s31 =	sshll.u32 s1, $0xD;
	s1 =	sshrl.u32 s1, $0x2  }
0xb8: {  	s3 =	sand.u32 $0x4000, s31;
	s1 =	sadd.s32 s1, s30  }
0xb9: {  	s0 =	sor.u32 s3, s0;
	s1 =	sshll.u32 s1, $0x11  }
0xba: {  	s0 =	sor.u32 s1, s0  }
0xbb: {  	s0 =	sadd.s32 $0x8F2B, s0  }
0xbc: {  	[sflag:s0] =	ssyncadd.remote.s32 $0x1  }
0xbd: {  	_ =	sfence.sel $0xFFFF  }
0xbe: {  	[dreg:$0x0] =	wrdreg $0xFFFFFFFF;
	(pc) =	sbr.abs _section_cstart, $3  }
0xbf: {  	[dreg:$0x1] =	wrdreg $0xFFFFFFFF  }
0xc0: {  	_ =	task.clear_ibuf [dreg:s6], $0x2FFFF;
	_ =	strace $0x9FFFFFFF  }
0xc1: {  	(tm) =	ssettm $0x7FFFFFFF  }
tec
execute0_lowered:
.L_overlay_start_1:
0x0: {  	(tag) =	ssettag $0x1  }
0x1: {  	s0 =	srdreg.scid  }
0x2: {  	s4 =	rddreg [dreg:$0x0];
	s3 =	sand.u32 $0x1, s0  }
0x3: {  	s2 =	simm.s32 $0x0;
	s0 =	stileid.u32;
	s1 =	sshll.u32 s3, $0x4  }
0x4: {  	s8 =	simm.s32 $0x80;
	s9 =	simm.s32 $0x400;
	s5 =	sor.u32 s0, s1  }
0x5: {  	s10 =	simm.s32 $0x0;
	[smem:$0x7FF] =	sst s2;
	s6 =	sshrl.u32 s5, $0x3  }
0x6: {  	s7 =	sshll.u32 s0, $0x7;
	s3 =	ssub.s32 $0x2, s3;
	s6 =	smul.u32 $0x14000, s6  }
0x7: {  	s1 =	rddreg [dreg:$0x1];
	s7 =	sand.u32 $0x380, s7;
	_ =	strace $0x80000047  }
0x8: {  	s31 =	sshrl.u32 s3, $0x1;
	s5 =	sshll.u32 s5, $0xB;
	s6 =	sor.u32 s7, s6  }
0x9: {  	s5 =	sadd.s32 s5, s4;
	s7 =	simm.s32 $0x1;
	s6 =	sshrl.u32 s6, $0x3  }
0xa: {  	s4 =	sadd.s32 s6, s4;
	s6 =	ssub.s32 s3, s31;
	s3 =	sadd.s32 $0x18600, s5  }
0xb: {  	v0 =	vimm.f32 $0.0e+00;
	v1 =	vimm.f32 $1.000000000e+00;
	s4 =	sadd.s32 $0x28600, s4;
	s5 =	smax.u32 s6, $0x1;
	s6 =	simm.s32 $0x2800  }
.LBB2_1:
0xc: {  	[tilespmem:s6], [sflag:$0x1] =	stream.linear.gather [hbm4b:s3+s2], $0x3E80, $0x38;
	[tilespmem:$0x6800] =	vst v63  }
0xd: {  	_ =	swait.ge [sflag:s7], $0x3E80  }
0xe: {  	[sflag:s7] =	ssyncset.done $0x0  }
0xf: {  	s11 =	simm.s32 $0x0;
	[sflag:s7] =	ssyncadd.s32 $0xFFFFC180  }
.LBB2_2:
0x10: {  	p0 =	sne.s32 s11, $0x9FC0  }
.Ltmp0:
0x11: {  	_ = 	snop;
	(pc) =	sbr.rel @p0 .LBB2_2-.Ltmp0, $3  }
0x12: {  	_ =	sdelay $0x1  }
0x13: {  	s12 =	sshra.s32 s11, $0x2  }
0x14: {  	s11 =	sadd.s32 $0x40, s11;
	[tilespmem:s12+$0x0] =	vst v0  }
0x15: {  	s11 =	simm.s32 $0x0  }
.LBB2_4:
0x16: {  	s12 =	sshra.s32 s11, $0x2  }
0x17: {  	v2 =	vld [tilespmem:s12+$0x2800];
	_ =	sdelay $0x7  }
0x18: {  	[tilespmem:v2+s2+$0x0] =	vst.idx.add.f32.msk $0xffff, v1  }
0x19: {  	v2 =	vld [tilespmem:s12+$0x2810];
	_ =	sdelay $0x7  }
0x1a: {  	[tilespmem:v2+s2+$0x0] =	vst.idx.add.f32.msk $0xffff, v1  }
0x1b: {  	v2 =	vld [tilespmem:s12+$0x2820];
	_ =	sdelay $0x7  }
0x1c: {  	[tilespmem:v2+s2+$0x0] =	vst.idx.add.f32.msk $0xffff, v1  }
0x1d: {  	v2 =	vld [tilespmem:s12+$0x2830];
	_ =	sdelay $0x7  }
0x1e: {  	[tilespmem:v2+s2+$0x0] =	vst.idx.add.f32.msk $0xffff, v1  }
0x1f: {  	v2 =	vld [tilespmem:s12+$0x2840];
	_ =	sdelay $0x2  }
0x20: {  	p0 =	sne.s32 s11, $0xF800  }
.Ltmp1:
0x21: {  	_ = 	snop;
	(pc) =	sbr.rel @p0 .LBB2_4-.Ltmp1, $2  }
0x22: {  	_ =	sdelay $0x2  }
0x23: {  	s11 =	sadd.s32 $0x200, s11;
	[tilespmem:v2+s2+$0x0] =	vst.idx.add.f32.msk $0xffff, v1  }
0x24: {  	s10 =	sadd.s32 $0x1, s10  }
0x25: {  	p0 =	sne.s32 s10, s5  }
.Ltmp2:
0x26: {  	_ = 	snop;
	(pc) =	sbr.rel @p0 .LBB2_1-.Ltmp2, $4  }
0x27: {  	[hbm4b:s4+s8] =	stream.strided.scatter [tilespmem:s2], [sflag:$0x1], $0x2800, s9, s8, $0x38;
	[tilespmem:$0x6800] =	vst v63  }
0x28: {  	_ =	swait.ge [sflag:s7], $0x2800  }
0x29: {  	[sflag:s7] =	ssyncset.done $0x0  }
0x2a: {  	[sflag:s7] =	ssyncadd.s32 $0xFFFFD800  }
0x2b: {  	_ =	sfence.sel $0x180000  }
0x2c: {  	[bflag:$0x0] =	sbarrier.arrive $0xFFFF  }
0x2d: {  	p0 =	sne.s32 s0, $0x0;
	_ =	strace $0x90000047  }
0x2e: {  	s0 =	sadd.s32 @!p0 $0x100000, s1;
	[bflag:$0x2] =	sbarrier.arrive $0xFFFF  }
0x2f: {  	[sflag:s0] =	ssyncadd.tile.s32 @!p0 $0x1;
	_ =	shalt  }
.Lfunc_end2:
_tile_overlayer_lowered:
.L_overlay_start_2:
0x30: {  	(tag) =	ssettag $0x2  }
0x31: {  	s0 =	rddreg [dreg:$0x0];
	s2 =	stileid.u32  }
0x32: {  	s1 =	rddreg [dreg:$0x1];
	p0 =	sne.s32 s2, $0x0  }
0x33: {  	s3 =	rddreg [dreg:$0x2];
	[bflag:$0x3] =	sbarrier.arrive $0xFFFF;
	s2 =	simm.s32 @!p0 $0x1C01  }
0x34: {  	[timem:s3], [sflag:s2] =	dma.local @!p0 [hbm:s0], s1  }
0x35: {  	s0 =	simm.s32 @!p0 $0x1  }
0x36: {  	_ =	swait.ge @!p0 [sflag:s0], s1  }
0x37: {  	s1 =	ssub.s32 @!p0 $0x0, s1;
	[sflag:s0] =	ssyncset.done @!p0 $0x0  }
0x38: {  	[sflag:s0] =	ssyncadd.s32 @!p0 s1  }
0x39: {  	[bflag:$0x3] =	sbarrier.arrive $0xFFFF  }
0x3a: {  	_ =	shalt  }

// kernel: kernel.14.cloned.1.call-start
scs
__scs_entry_jumppad:
0x0: {  	(pc) =	sbr.rel $0x88, $3  }
0x1: {  	(tag) =	ssettag $0x0;
	lr =	simm.s32 $0x1  }
0x2: {  	[smem:$0x3F8C] =	sst lr;
	_ =	strace $0xD0000000  }
0x3: {  	_ = 	snop  }
0x4: {  	_ = 	snop  }
0x5: {  	_ = 	snop  }
0x6: {  	_ = 	snop  }
0x7: {  	_ = 	snop  }
__scs_overlays_trampoline_lowered:
0x8: {  	[smem:$0x3F9B] =	sst s0  }
0x9: {  	[smem:$0x3F9C] =	sst s1  }
0xa: {  	[smem:$0x3F9D] =	sst s2  }
0xb: {  	[smem:$0x3F9E] =	sst s3  }
0xc: {  	[smem:$0x3F9F] =	sst s4  }
0xd: {  	[smem:$0x3FA0] =	sst s5  }
0xe: {  	[smem:$0x3FA1] =	sst s6  }
0xf: {  	[smem:$0x3FA2] =	sst s7  }
0x10: {  	[smem:$0x3FA3] =	sst s8  }
0x11: {  	[smem:$0x3FA4] =	sst s9;
	s0 =	simm.s32 @!p0 $0x0  }
0x12: {  	s1 =	sld [smem:$0x3F8A];
	s0 =	simm.s32 @p0 $0x1  }
0x13: {  	[smem:$0x3FA5] =	sst s0;
	s0 =	simm.s32 @!p1 $0x0  }
0x14: {  	s2 =	sld [smem:$0x3F89];
	s0 =	simm.s32 @p1 $0x1  }
0x15: {  	[smem:$0x3FA6] =	sst s0;
	s0 =	simm.s32 @!p2 $0x0  }
0x16: {  	s3 =	sld [smem:$0x3FDB];
	s0 =	simm.s32 @p2 $0x1  }
0x17: {  	s4 =	simm.s32 $0x1BF5;
	[smem:$0x3FA8] =	sst s0  }
0x18: {  	s0 =	sld [smem:$0x3F8B];
	_ =	swait.ge [sflag:s4], $0x0  }
0x19: {  	s7 =	sld [smem:$0x3F8C]  }
0x1a: {  	s8 =	sadd.s32 $0xFFFFE003, lr  }
0x1b: {  	s9 =	sadd.s32 $0xFFFFFEF7, lr;
	s5 =	simm.s32 $0xFFFFFFFF;
	p2 =	slt.u32 s8, $0xFFFFF086  }
0x1c: {  	p1 =	slt.u32 s9, $0xF7A;
	s5 =	simm.s32 @!p2 $0x0  }
0x1d: {  	s5 =	simm.s32 @p1 $0x1;
	p0 =	seq.s32 s7, s2  }
0x1e: {  	s7 =	smul.u32 @!p0 $0xF7A, s2;
	p2 =	seq.s32 @!p0 s5, $0x0  }
0x1f: {  	s9 =	smul.u32 $0xF7A, s1;
	s8 =	simm.s32 @!p0 $0x1BF5;
	p2 =	por !p2, p0  }
0x20: {  	[sflag:s8] =	ssyncset.s32 @!p0 $0xFFFFF086;
	s6 =	sadd.s32 @!p0 s3, s7;
	s7 =	simm.s32 @!p0 $0x108  }
0x21: {  	s3 =	sadd.s32 s3, s9;
	s6 =	sadd.s32 @!p0 $0x88, s6;
	s7 =	simm.s32 @p2 $0x1082  }
0x22: {  	[simem:s7], [sflag:s8] =	dma.local @!p0 [hbm:s6], $0xF7A  }
0x23: {  	s9 =	sor.u32 $0xD0000000, s2;
	s6 =	simm.s32 $0x108;
	_ =	swait.ge @!p0 [sflag:s8], $0x0  }
0x24: {  	s3 =	sadd.s32 $0x88, s3;
	s6 =	simm.s32 @!p1 $0x1082;
	[sflag:s4] =	ssyncset.s32 $0xFFFFF086  }
0x25: {  	[simem:s6], [sflag:s4] =	dma.local [hbm:s3], $0xF7A  }
0x26: {  	[smem:$0x3F8C] =	sst s1;
	(tag) =	ssettag s2;
	_ =	strace s9  }
0x27: {  	s1 =	sld [smem:$0x3F9C]  }
0x28: {  	s2 =	sld [smem:$0x3F9D]  }
0x29: {  	s4 =	sld [smem:$0x3F9F]  }
0x2a: {  	p0 =	seq.s32 s5, $0x0;
	s5 =	sld [smem:$0x3FA0]  }
0x2b: {  	s6 =	sld [smem:$0x3FA1]  }
0x2c: {  	s7 =	sld [smem:$0x3FA2]  }
0x2d: {  	s3 =	simm.s32 $0x108;
	s8 =	sld [smem:$0x3FA3]  }
0x2e: {  	s3 =	simm.s32 @!p0 $0x1082;
	s9 =	sld [smem:$0x3FA4]  }
0x2f: {  	lr =	sadd.s32 s0, s3;
	s0 =	sld [smem:$0x3F9B]  }
0x30: {  	s3 =	sld [smem:$0x3F9E]  }
0x31: {  	[smem:$0x3FA7] =	sst s10  }
0x32: {  	s10 =	sld [smem:$0x3FA5];
	_ =	sdelay $0x3  }
0x33: {  	p0 =	seq.s32 s10, $0x1;
	s10 =	sld [smem:$0x3FA7];
	_ =	sdelay $0x3  }
0x34: {  	[smem:$0x3FA7] =	sst s10  }
0x35: {  	s10 =	sld [smem:$0x3FA6];
	_ =	sdelay $0x3  }
0x36: {  	p1 =	seq.s32 s10, $0x1;
	s10 =	sld [smem:$0x3FA7];
	_ =	sdelay $0x3  }
0x37: {  	[smem:$0x3FA7] =	sst s10  }
0x38: {  	s10 =	sld [smem:$0x3FA8]  }
0x39: {  	_ = 	snop;
	(pc) =	sbr.ind lr, $3  }
0x3a: {  	_ = 	snop  }
0x3b: {  	_ = 	snop  }
0x3c: {  	p2 =	seq.s32 s10, $0x1;
	s10 =	sld [smem:$0x3FA7]  }
0x3d: {  	_ =	shalt  }
0x3e: {  	_ =	shalt  }
0x3f: {  	_ =	shalt  }
0x40: {  	_ =	shalt  }
0x41: {  	_ =	shalt  }
0x42: {  	_ =	shalt  }
0x43: {  	_ =	shalt  }
0x44: {  	_ =	shalt  }
0x45: {  	_ =	shalt  }
0x46: {  	_ =	shalt  }
0x47: {  	_ =	shalt  }
0x48: {  	_ =	shalt  }
0x49: {  	_ =	shalt  }
0x4a: {  	_ =	shalt  }
0x4b: {  	_ =	shalt  }
0x4c: {  	_ =	shalt  }
0x4d: {  	_ =	shalt  }
0x4e: {  	_ =	shalt  }
0x4f: {  	_ =	shalt  }
0x50: {  	_ =	shalt  }
0x51: {  	_ =	shalt  }
0x52: {  	_ =	shalt  }
0x53: {  	_ =	shalt  }
0x54: {  	_ =	shalt  }
0x55: {  	_ =	shalt  }
0x56: {  	_ =	shalt  }
0x57: {  	_ =	shalt  }
0x58: {  	_ =	shalt  }
0x59: {  	_ =	shalt  }
0x5a: {  	_ =	shalt  }
0x5b: {  	_ =	shalt  }
0x5c: {  	_ =	shalt  }
0x5d: {  	_ =	shalt  }
0x5e: {  	_ =	shalt  }
0x5f: {  	_ =	shalt  }
0x60: {  	_ =	shalt  }
0x61: {  	_ =	shalt  }
0x62: {  	_ =	shalt  }
0x63: {  	_ =	shalt  }
0x64: {  	_ =	shalt  }
0x65: {  	_ =	shalt  }
0x66: {  	_ =	shalt  }
0x67: {  	_ =	shalt  }
0x68: {  	_ =	shalt  }
0x69: {  	_ =	shalt  }
0x6a: {  	_ =	shalt  }
0x6b: {  	_ =	shalt  }
0x6c: {  	_ =	shalt  }
0x6d: {  	_ =	shalt  }
0x6e: {  	_ =	shalt  }
0x6f: {  	_ =	shalt  }
0x70: {  	_ =	shalt  }
0x71: {  	_ =	shalt  }
0x72: {  	_ =	shalt  }
0x73: {  	_ =	shalt  }
0x74: {  	_ =	shalt  }
0x75: {  	_ =	shalt  }
0x76: {  	_ =	shalt  }
0x77: {  	_ =	shalt  }
0x78: {  	_ =	shalt  }
0x79: {  	_ =	shalt  }
0x7a: {  	_ =	shalt  }
0x7b: {  	_ =	shalt  }
0x7c: {  	_ =	shalt  }
0x7d: {  	_ =	shalt  }
0x7e: {  	_ =	shalt  }
0x7f: {  	_ =	shalt  }
0x80: {  	_ =	shalt  }
0x81: {  	_ =	shalt  }
0x82: {  	_ =	shalt  }
0x83: {  	_ =	shalt  }
0x84: {  	_ =	shalt  }
0x85: {  	_ =	shalt  }
0x86: {  	_ =	shalt  }
0x87: {  	_ =	shalt  }
.Lfunc_end0:
.L_simem_size_0:
called_computation.1_lowered:
.L_overlay_start_0:
0x88: {  	s2 =	sld [smem:$0x3FD9]  }
0x89: {  	s3 =	sld [smem:$0x3FFE];
	_ =	sdelay $0x1  }
0x8a: {  	s1 =	srdreg.scid  }
0x8b: {  	s0 =	sand.u32 $0x1, s1  }
0x8c: {  	s16 =	sshll.u32 s0, $0xA;
	s2 =	sadd.s32 s3, s2  }
0x8d: {  	s2 =	sadd.s32 s2, s16  }
0x8e: {  	[smem:$0x3FB3] =	sst s2  }
0x8f: {  	_ = 	snop  }
0x90: {  	(tm) =	ssettm $0x1  }
0x91: {  	s17 =	sld [smem:$0x3FFB];
	_ =	sdelay $0x3  }
0x92: {  	_ =	strace s17  }
0x93: {  	s2 =	sld [smem:$0x3FFC];
	_ =	sdelay $0x3  }
0x94: {  	_ =	strace s2  }
0x95: {  	s2 =	sld [smem:$0x3FFD];
	_ =	sdelay $0x3  }
0x96: {  	_ =	strace s2  }
0x97: {  	_ =	strace $0x8FFFFFFF  }
0x98: {  	s18 =	sld [smem:$0x3FDB];
	_ =	sdelay $0x1  }
0x99: {  	s19 =	simm.s32 $_scs_section_size  }
0x9a: {  	s4 =	simm.s32 $_size__tile_overlayer_lowered;
	s5 =	simm.s32 $_tile_overlayer_lowered  }
0x9b: {  	s22 =	simm.s32 $0x1BFF;
	s21 =	sshll.u32 s5, $0x1;
	s2 =	sadd.s32 s19, s18  }
0x9c: {  	s6 =	simm.s32 $0x0;
	s20 =	sshll.u32 s4, $0x1;
	s4 =	sadd.s32 s21, s2  }
0x9d: {  	[timem:s6], [sflag:s22] =	dma.local [hbm:s4], s20  }
0x9e: {  	_ =	swait.ge [sflag:s22], s20  }
0x9f: {  	s3 =	ssub.s32 $0x0, s20;
	[sflag:s22] =	ssyncset.done $0x0  }
0xa0: {  	[sflag:s22] =	ssyncadd.s32 s3;
	_ =	sdelay $0x1  }
0xa1: {  	s23 =	simm.s32 $0x1B8B  }
0xa2: {  	_ =	swait.ge [sflag:s23], $0x1  }
0xa3: {  	[sflag:s23] =	ssyncset.done $0x0  }
0xa4: {  	s25 =	simm.s32 $0x1B8E;
	s24 =	sld [smem:$0x3FFE];
	[sflag:s23] =	ssyncadd.s32 $0xFFFFFFFF  }
0xa5: {  	s26 =	simm.s32 $execute0_lowered;
	[smem:$0x3FD2] =	sst s25  }
0xa6: {  	s4 =	sshll.u32 s26, $0x1;
	_ =	strace $0x80000049;
	[dreg:$0x1] =	wrdreg $0xFFFFFFFF  }
0xa7: {  	s28 =	simm.s32 $_size_execute0_lowered;
	s2 =	sadd.s32 s2, s4;
	[dreg:$0x0] =	wrdreg $0x0  }
0xa8: {  	s4 =	sshll.u32 s28, $0x1;
	[dreg:$0x2] =	wrdreg s2  }
0xa9: {  	[dreg:$0x3] =	wrdreg s4  }
0xaa: {  	[dreg:$0x4] =	wrdreg $0xC0  }
0xab: {  	_ =	task [dreg:s6], $0x5FFFF  }
0xac: {  	[dreg:$0x1] =	wrdreg $0xFFFFFFFF  }
0xad: {  	[dreg:$0x0] =	wrdreg $0x60  }
0xae: {  	[dreg:$0x2] =	wrdreg s24  }
0xaf: {  	[dreg:$0x3] =	wrdreg $0xA4000  }
0xb0: {  	[dreg:$0x4] =	wrdreg $0x9  }
0xb1: {  	_ =	task.clear_ibuf [dreg:s6], $0x5FFFF;
	_ =	strace $0x90000049  }
0xb2: {  	s29 =	simm.s32 $0x9;
	_ =	strace $0x8000004B  }
0xb3: {  	_ =	swait.ge [sflag:s29], $0x1  }
0xb4: {  	[sflag:s29] =	ssyncadd.s32 $0xFFFFFFFF  }
0xb5: {  	_ =	strace $0x9000004B  }
0xb6: {  	_ =	sfence  }
0xb7: {  	s30 =	sld [smem:$0x0];
	_ =	sdelay $0x2  }
0xb8: {  	s31 =	sshll.u32 s1, $0xD;
	s1 =	sshrl.u32 s1, $0x2  }
0xb9: {  	s3 =	sand.u32 $0x4000, s31;
	s1 =	sadd.s32 s1, s30  }
0xba: {  	s0 =	sor.u32 s3, s0;
	s1 =	sshll.u32 s1, $0x11  }
0xbb: {  	s0 =	sor.u32 s1, s0  }
0xbc: {  	s0 =	sadd.s32 $0x8F2B, s0  }
0xbd: {  	[sflag:s0] =	ssyncadd.remote.s32 $0x1  }
0xbe: {  	_ =	sfence.sel $0xFFFF  }
0xbf: {  	[dreg:$0x0] =	wrdreg $0xFFFFFFFF;
	(pc) =	sbr.abs _section_cstart, $3  }
0xc0: {  	[dreg:$0x1] =	wrdreg $0xFFFFFFFF  }
0xc1: {  	_ =	task.clear_ibuf [dreg:s6], $0x2FFFF;
	_ =	strace $0x9FFFFFFF  }
0xc2: {  	(tm) =	ssettm $0x7FFFFFFF  }
0xc3: {  	_ =	shalt  }
tec
execute0_lowered:
.L_overlay_start_1:
0x0: {  	(tag) =	ssettag $0x1  }
0x1: {  	s0 =	rddreg [dreg:$0x0]  }
0x2: {  	s1 =	rddreg [dreg:$0x1];
	s10 =	stileid.u32  }
0x3: {  	s2 =	srdreg.scid;
	s3 =	simm.s32 $0x0;
	s6 =	smul.u32 $0x14000, s10  }
0x4: {  	s31 =	simm.s32 $0xD;
	s28 =	simm.s32 $0xB;
	s7 =	smul.u32 $0x50000, s10  }
0x5: {  	s2 =	sand.u32 $0x1, s2;
	[smem:$0x7FF] =	sst s3;
	s14 =	smul.u32 $0x2710, s10  }
0x6: {  	s4 =	sadd.s32 $0x18600, s0;
	s29 =	sadd.s32 $0x4A00, s0;
	s5 =	smul.u32 $0x140000, s2  }
0x7: {  	_ =	strace $0x8000004A;
	s11 =	ssub.s32 $0x2, s2;
	s8 =	sshll.u32 s2, $0x4  }
0x8: {  	s2 =	smul.u32 $0x27100, s2;
	s9 =	sshrl.u32 s11, $0x1;
	s8 =	sor.u32 s10, s8  }
0x9: {  	s7 =	sshrl.u32 s7, $0x2;
	s5 =	sadd.s32 s6, s5;
	s6 =	sadd.s32 $0xE800, s0  }
0xa: {  	s8 =	smul.u32 $0x2710, s8;
	s30 =	sadd.s32 s7, s1;
	s2 =	sadd.s32 s14, s2  }
0xb: {  	s5 =	sshrl.u32 s5, $0x3;
	s7 =	sadd.s32 $0x2800, s30;
	[dreg:$0x9] =	wrdreg s30  }
0xc: {  	s12 =	sadd.s32 $0x5000, s30;
	s13 =	sadd.s32 $0x7800, s30;
	[dreg:$0xa] =	wrdreg s7  }
0xd: {  	s15 =	sadd.s32 $0xA000, s30;
	s16 =	sadd.s32 $0xC800, s30;
	[dreg:$0xb] =	wrdreg s12  }
0xe: {  	s22 =	sadd.s32 $0x230, s2;
	s26 =	sadd.s32 $0x1E0, s2;
	[dreg:$0xc] =	wrdreg s13  }
0xf: {  	s14 =	sadd.s32 $0x190, s2;
	s7 =	sshrl.u32 s8, $0x3;
	[dreg:$0xd] =	wrdreg s15  }
0x10: {  	[dreg:$0xe] =	wrdreg s16;
	s12 =	sshrl.u32 s26, $0x3;
	s26 =	sadd.s32 $0x11800, s30  }
0x11: {  	s10 =	smov.u32 s6;
	s17 =	sadd.s32 s29, s7;
	[dreg:$0x1d] =	wrdreg s26  }
0x12: {  	s24 =	sshrl.u32 s22, $0x3;
	s18 =	sadd.s32 s6, s7;
	[dreg:$0xf] =	wrdreg s17  }
0x13: {  	s0 =	sadd.s32 s5, s0;
	s25 =	sadd.s32 s24, s6;
	[dreg:$0x10] =	wrdreg s18  }
0x14: {  	s5 =	ssub.s32 s11, s9;
	s11 =	sadd.s32 s24, s29;
	[dreg:$0x3] =	wrdreg s25  }
0x15: {  	s16 =	sshrl.u32 s14, $0x3;
	s13 =	sadd.s32 s12, s6;
	[dreg:$0x4] =	wrdreg s11  }
0x16: {  	s14 =	simm.s32 $0x5;
	s15 =	sadd.s32 s12, s29;
	[dreg:$0x5] =	wrdreg s13  }
0x17: {  	s19 =	sadd.s32 $0xA, s7;
	s0 =	sadd.s32 $0x3F800, s0;
	[dreg:$0x6] =	wrdreg s15  }
0x18: {  	s21 =	sadd.s32 $0x14, s7;
	s24 =	sadd.s32 $0x140, s2;
	[dreg:$0x19] =	wrdreg s0  }
0x19: {  	s2 =	simm.s32 $0x400;
	s20 =	sadd.s32 s29, s19;
	[dreg:$0x1b] =	wrdreg s24  }
0x1a: {  	s12 =	simm.s32 $0x2;
	s9 =	sadd.s32 s6, s19;
	[dreg:$0x11] =	wrdreg s20  }
0x1b: {  	s26 =	simm.s32 $0x8;
	s23 =	sadd.s32 s29, s21;
	[dreg:$0x12] =	wrdreg s9  }
0x1c: {  	s8 =	sadd.s32 s6, s21;
	s17 =	sadd.s32 $0x1E, s7;
	[dreg:$0x13] =	wrdreg s23  }
0x1d: {  	s18 =	sadd.s32 s16, s6;
	s7 =	sadd.s32 $0x4D8, s7;
	[dreg:$0x14] =	wrdreg s8  }
0x1e: {  	s25 =	sadd.s32 $0xF000, s30;
	s24 =	simm.s32 $0xA;
	[dreg:$0x7] =	wrdreg s18  }
0x1f: {  	s19 =	sadd.s32 s29, s17;
	s20 =	sadd.s32 s16, s29;
	[dreg:$0x1c] =	wrdreg s25  }
0x20: {  	s21 =	sadd.s32 s6, s17;
	s22 =	sadd.s32 s29, s7;
	[dreg:$0x15] =	wrdreg s19  }
0x21: {  	s7 =	sadd.s32 s6, s7;
	s23 =	smax.u32 s5, $0x1;
	[dreg:$0x16] =	wrdreg s21  }
0x22: {  	s8 =	simm.s32 $0x1;
	s9 =	simm.s32 $0x50;
	[dreg:$0x8] =	wrdreg s20  }
0x23: {  	s17 =	simm.s32 $0x3;
	s25 =	simm.s32 $0xC;
	[dreg:$0x17] =	wrdreg s22  }
0x24: {  	s18 =	simm.s32 $0x2C00;
	s16 =	simm.s32 $0x5400;
	[dreg:$0x18] =	wrdreg s7  }
0x25: {  	[dreg:$0x1a] =	wrdreg s23;
	s19 =	simm.s32 $0x6;
	s20 =	simm.s32 $0x9  }
0x26: {  	v0 =	vimm.f32 $0.0e+00;
	s21 =	simm.s32 $0x4;
	s23 =	simm.s32 $0x7;
	s7 =	simm.s32 $0x0  }
.LBB2_1:
0x27: {  	[dreg:$0x1e] =	wrdreg s7;
	s5 =	simm.s32 $0x0;
	s7 =	simm.s32 $0x200  }
.LBB2_2:
0x28: {  	p0 =	sne.s32 s7, $0x9E00;
	[tilespmem:s5+$0x470] =	vst v0  }
0x29: {  	[tilespmem:s5+$0x400] =	vst v0  }
0x2a: {  	[tilespmem:s5+$0x410] =	vst v0  }
.Ltmp0:
0x2b: {  	[tilespmem:s5+$0x420] =	vst v0;
	(pc) =	sbr.rel @p0 .LBB2_2-.Ltmp0, $4  }
0x2c: {  	[tilespmem:s5+$0x430] =	vst v0  }
0x2d: {  	[tilespmem:s5+$0x440] =	vst v0  }
0x2e: {  	[tilespmem:s5+$0x450] =	vst v0  }
0x2f: {  	[tilespmem:s5+$0x460] =	vst v0;
	s5 =	sshra.s32 s7, $0x2;
	s7 =	sadd.s32 $0x200, s7  }
0x30: {  	[tilespmem:s5+$0x470] =	vst v0  }
0x31: {  	[tilespmem:s5+$0x400] =	vst v0  }
0x32: {  	[tilespmem:s5+$0x410] =	vst v0  }
0x33: {  	[tilespmem:s5+$0x420] =	vst v0  }
0x34: {  	[tilespmem:s5+$0x430] =	vst v0  }
0x35: {  	[tilespmem:s5+$0x440] =	vst v0  }
0x36: {  	[tilespmem:s5+$0x450] =	vst v0  }
0x37: {  	[tilespmem:s5+$0x460] =	vst v0  }
0x38: {  	[spmem:s30] =	stream.linear.scatter [tilespmem:s2], [sflag:$0xD], $0x2800, $0x38;
	[tilespmem:$0x1E400] =	vst v63  }
0x39: {  	_ =	swait.ge [sflag:s31], $0x2800  }
0x3a: {  	[sflag:s31] =	ssyncset.done $0x0  }
0x3b: {  	s0 =	rddreg [dreg:$0xa];
	[sflag:s31] =	ssyncadd.s32 $0xFFFFD800  }
0x3c: {  	[spmem:s0] =	stream.linear.scatter [tilespmem:s2], [sflag:$0xD], $0x2800, $0x38;
	[tilespmem:$0x1E400] =	vst v63  }
0x3d: {  	_ =	swait.ge [sflag:s31], $0x2800  }
0x3e: {  	[sflag:s31] =	ssyncset.done $0x0  }
0x3f: {  	s7 =	rddreg [dreg:$0xb];
	[sflag:s31] =	ssyncadd.s32 $0xFFFFD800  }
0x40: {  	[spmem:s7] =	stream.linear.scatter [tilespmem:s2], [sflag:$0xD], $0x2800, $0x38;
	[tilespmem:$0x1E400] =	vst v63  }
0x41: {  	_ =	swait.ge [sflag:s31], $0x2800  }
0x42: {  	[sflag:s31] =	ssyncset.done $0x0  }
0x43: {  	s11 =	rddreg [dreg:$0xc];
	[sflag:s31] =	ssyncadd.s32 $0xFFFFD800  }
0x44: {  	[spmem:s11] =	stream.linear.scatter [tilespmem:s2], [sflag:$0xD], $0x2800, $0x38;
	[tilespmem:$0x1E400] =	vst v63  }
0x45: {  	_ =	swait.ge [sflag:s31], $0x2800  }
0x46: {  	[sflag:s31] =	ssyncset.done $0x0  }
0x47: {  	s13 =	rddreg [dreg:$0xd];
	[sflag:s31] =	ssyncadd.s32 $0xFFFFD800  }
0x48: {  	[spmem:s13] =	stream.linear.scatter [tilespmem:s2], [sflag:$0xD], $0x2800, $0x38;
	[tilespmem:$0x1E400] =	vst v63  }
0x49: {  	_ =	swait.ge [sflag:s31], $0x2800  }
0x4a: {  	[sflag:s31] =	ssyncset.done $0x0  }
0x4b: {  	s15 =	rddreg [dreg:$0xe];
	[sflag:s31] =	ssyncadd.s32 $0xFFFFD800  }
0x4c: {  	[spmem:s15] =	stream.linear.scatter [tilespmem:s2], [sflag:$0xD], $0x2800, $0x38;
	[tilespmem:$0x1E400] =	vst v63  }
0x4d: {  	_ =	swait.ge [sflag:s31], $0x2800  }
0x4e: {  	[sflag:s31] =	ssyncset.done $0x0  }
0x4f: {  	s22 =	rddreg [dreg:$0x1c];
	[sflag:s31] =	ssyncadd.s32 $0xFFFFD800  }
0x50: {  	[spmem:s22] =	stream.linear.scatter [tilespmem:s2], [sflag:$0xD], $0x2800, $0x38;
	[tilespmem:$0x1E400] =	vst v63  }
0x51: {  	_ =	swait.ge [sflag:s31], $0x2800  }
0x52: {  	[sflag:s31] =	ssyncset.done $0x0  }
0x53: {  	s5 =	rddreg [dreg:$0x1d];
	[sflag:s31] =	ssyncadd.s32 $0xFFFFD800  }
0x54: {  	[spmem:s5] =	stream.linear.scatter [tilespmem:s2], [sflag:$0xD], $0x2800, $0x38;
	[tilespmem:$0x1E400] =	vst v63  }
0x55: {  	_ =	swait.ge [sflag:s31], $0x2800  }
0x56: {  	[sflag:s31] =	ssyncset.done $0x0  }
0x57: {  	[sflag:s31] =	ssyncadd.s32 $0xFFFFD800  }
0x58: {  	[bflag:$0x0] =	sbarrier.arrive $0xFFFF  }
0x59: {  	s5 =	simm.s32 $0x0;
	s6 =	rddreg [dreg:$0xf]  }
0x5a: {  	[tilespmem:s5], [sflag:$0x1] =	stream.linear.gather [hbm4b:s6+s5], $0x50, $0x38;
	[tilespmem:$0x1E400] =	vst v63  }
0x5b: {  	s13 =	simm.s32 $0x200;
	s7 =	rddreg [dreg:$0x10]  }
0x5c: {  	[tilespmem:s13], [sflag:$0x1] =	stream.linear.gather [hbm4b:s7+s5], $0x50, $0x38;
	[tilespmem:$0x1E400] =	vst v63  }
0x5d: {  	s31 =	simm.s32 $0x80;
	s11 =	rddreg [dreg:$0x11]  }
0x5e: {  	[tilespmem:s31], [sflag:$0x2] =	stream.linear.gather [hbm4b:s11+s5], $0x50, $0x38;
	[tilespmem:$0x1E400] =	vst v63  }
0x5f: {  	s22 =	simm.s32 $0x280;
	s15 =	rddreg [dreg:$0x12]  }
0x60: {  	[tilespmem:s22], [sflag:$0x2] =	stream.linear.gather [hbm4b:s15+s5], $0x50, $0x38;
	[tilespmem:$0x1E400] =	vst v63  }
0x61: {  	_ =	swait.ge [sflag:s8], $0x50  }
0x62: {  	[sflag:s8] =	ssyncset.done $0x0  }
0x63: {  	[sflag:s8] =	ssyncadd.s32 $0xFFFFFFB0  }
0x64: {  	_ =	swait.ge [sflag:s8], $0x50  }
0x65: {  	[sflag:s8] =	ssyncset.done $0x0  }
0x66: {  	[sflag:s8] =	ssyncadd.s32 $0xFFFFFFB0  }
0x67: {  	[tilespmem:s2], [sflag:$0x5] =	stream.indirect.gather [hbm4b:s4+s9], $0x80, s5, s9, $0xb8;
	[tilespmem:$0x1E400] =	vst v63  }
0x68: {  	s15 =	simm.s32 $0x100;
	s6 =	rddreg [dreg:$0x13]  }
0x69: {  	[tilespmem:s15], [sflag:$0x3] =	stream.linear.gather [hbm4b:s6+s5], $0x50, $0x38;
	[tilespmem:$0x1E400] =	vst v63  }
0x6a: {  	s11 =	simm.s32 $0x300;
	s7 =	rddreg [dreg:$0x14]  }
0x6b: {  	[tilespmem:s11], [sflag:$0x3] =	stream.linear.gather [hbm4b:s7+s5], $0x50, $0x38;
	[tilespmem:$0x1E400] =	vst v63  }
0x6c: {  	_ =	swait.ge [sflag:s12], $0x50  }
0x6d: {  	[sflag:s12] =	ssyncset.done $0x0  }
0x6e: {  	[sflag:s12] =	ssyncadd.s32 $0xFFFFFFB0  }
0x6f: {  	_ =	swait.ge [sflag:s12], $0x50  }
0x70: {  	[sflag:s12] =	ssyncset.done $0x0  }
0x71: {  	[sflag:s12] =	ssyncadd.s32 $0xFFFFFFB0  }
0x72: {  	[tilespmem:s18], [sflag:$0x6] =	stream.indirect.gather [hbm4b:s4+s9], $0x80, s31, s9, $0xb8;
	[tilespmem:$0x1E400] =	vst v63  }
0x73: {  	_ =	swait.ge [sflag:s14], $0x2800  }
0x74: {  	[sflag:s14] =	ssyncset.done $0x0  }
0x75: {  	[sflag:s14] =	ssyncadd.s32 $0xFFFFD800  }
0x76: {  	[spmem:s1] =	stream.indirect.scatter.add.f32 [tilespmem:s2], [sflag:$0x9], $0x80, s13, s9, $0xb8;
	[tilespmem:$0x1E400] =	vst v63  }
0x77: {  	s30 =	simm.s32 $0x180;
	s6 =	rddreg [dreg:$0x15]  }
0x78: {  	[tilespmem:s30], [sflag:$0x4] =	stream.linear.gather [hbm4b:s6+s5], $0x50, $0x38;
	[tilespmem:$0x1E400] =	vst v63  }
0x79: {  	s7 =	rddreg [dreg:$0x16];
	s6 =	simm.s32 $0x380  }
0x7a: {  	[tilespmem:s6], [sflag:$0x4] =	stream.linear.gather [hbm4b:s7+s5], $0x50, $0x38;
	[tilespmem:$0x1E400] =	vst v63  }
0x7b: {  	_ =	swait.ge [sflag:s17], $0x50  }
0x7c: {  	[sflag:s17] =	ssyncset.done $0x0  }
0x7d: {  	[sflag:s17] =	ssyncadd.s32 $0xFFFFFFB0  }
0x7e: {  	_ =	swait.ge [sflag:s17], $0x50  }
0x7f: {  	[sflag:s17] =	ssyncset.done $0x0  }
0x80: {  	[sflag:s17] =	ssyncadd.s32 $0xFFFFFFB0  }
0x81: {  	[tilespmem:s16], [sflag:$0x7] =	stream.indirect.gather [hbm4b:s4+s9], $0x80, s15, s9, $0xb8;
	[tilespmem:$0x1E400] =	vst v63  }
0x82: {  	_ =	swait.ge [sflag:s19], $0x2800  }
0x83: {  	[sflag:s19] =	ssyncset.done $0x0  }
0x84: {  	[sflag:s19] =	ssyncadd.s32 $0xFFFFD800  }
0x85: {  	[spmem:s1] =	stream.indirect.scatter.add.f32 [tilespmem:s18], [sflag:$0xA], $0x80, s22, s9, $0xb8;
	[tilespmem:$0x1E400] =	vst v63  }
0x86: {  	_ =	swait.ge [sflag:s20], $0x2800  }
0x87: {  	s0 =	rddreg [dreg:$0x1b]  }
0x88: {  	[sflag:s20] =	ssyncset.done $0x0;
	s6 =	sshrl.u32 s0, $0x3  }
0x89: {  	[sflag:s20] =	ssyncadd.s32 $0xFFFFD800;
	s7 =	sadd.s32 s29, s6  }
0x8a: {  	[tilespmem:s3], [sflag:$0x1] =	stream.linear.gather [hbm4b:s7+s3], $0x50, $0x38;
	[tilespmem:$0x1E400] =	vst v63  }
0x8b: {  	s5 =	sadd.s32 s10, s6  }
0x8c: {  	[tilespmem:s13], [sflag:$0x1] =	stream.linear.gather [hbm4b:s5+s3], $0x50, $0x38;
	[tilespmem:$0x1E400] =	vst v63  }
0x8d: {  	_ =	swait.ge [sflag:s21], $0x50  }
0x8e: {  	[sflag:s21] =	ssyncset.done $0x0  }
0x8f: {  	[sflag:s21] =	ssyncadd.s32 $0xFFFFFFB0  }
0x90: {  	_ =	swait.ge [sflag:s21], $0x50  }
0x91: {  	[sflag:s21] =	ssyncset.done $0x0  }
0x92: {  	s6 =	smov.u32 s10;
	s10 =	simm.s32 $0x7C00;
	[sflag:s21] =	ssyncadd.s32 $0xFFFFFFB0  }
0x93: {  	[tilespmem:s10], [sflag:$0x8] =	stream.indirect.gather [hbm4b:s4+s9], $0x80, s30, s9, $0xb8;
	[tilespmem:$0x1E400] =	vst v63  }
0x94: {  	_ =	swait.ge [sflag:s23], $0x2800  }
0x95: {  	[sflag:s23] =	ssyncset.done $0x0  }
0x96: {  	[sflag:s23] =	ssyncadd.s32 $0xFFFFD800  }
0x97: {  	[spmem:s1] =	stream.indirect.scatter.add.f32 [tilespmem:s16], [sflag:$0xB], $0x80, s11, s9, $0xb8;
	[tilespmem:$0x1E400] =	vst v63  }
0x98: {  	_ =	swait.ge [sflag:s24], $0x2800  }
0x99: {  	s5 =	rddreg [dreg:$0x8];
	[sflag:s24] =	ssyncset.done $0x0  }
0x9a: {  	s7 =	rddreg [dreg:$0x7];
	[sflag:s24] =	ssyncadd.s32 $0xFFFFD800;
	s5 =	sadd.s32 $0x0, s5  }
0x9b: {  	[tilespmem:s31], [sflag:$0x2] =	stream.linear.gather [hbm4b:s5+s3], $0x50, $0x38;
	[tilespmem:$0x1E400] =	vst v63  }
0x9c: {  	s7 =	sadd.s32 $0x0, s7  }
0x9d: {  	[tilespmem:s22], [sflag:$0x2] =	stream.linear.gather [hbm4b:s7+s3], $0x50, $0x38;
	[tilespmem:$0x1E400] =	vst v63  }
0x9e: {  	_ =	swait.ge [sflag:s8], $0x50  }
0x9f: {  	[sflag:s8] =	ssyncset.done $0x0  }
0xa0: {  	[sflag:s8] =	ssyncadd.s32 $0xFFFFFFB0  }
0xa1: {  	_ =	swait.ge [sflag:s8], $0x50  }
0xa2: {  	[sflag:s8] =	ssyncset.done $0x0  }
0xa3: {  	[sflag:s8] =	ssyncadd.s32 $0xFFFFFFB0  }
0xa4: {  	[tilespmem:s2], [sflag:$0x5] =	stream.indirect.gather [hbm4b:s4+s9], $0x80, s3, s9, $0xb8;
	[tilespmem:$0x1E400] =	vst v63  }
0xa5: {  	_ =	swait.ge [sflag:s26], $0x2800  }
0xa6: {  	[sflag:s26] =	ssyncset.done $0x0  }
0xa7: {  	s22 =	simm.s32 $0x380;
	[sflag:s26] =	ssyncadd.s32 $0xFFFFD800  }
0xa8: {  	[spmem:s1] =	stream.indirect.scatter.add.f32 [tilespmem:s10], [sflag:$0xC], $0x80, s22, s9, $0xb8;
	[tilespmem:$0x1E400] =	vst v63  }
0xa9: {  	_ =	swait.ge [sflag:s28], $0x2800  }
0xaa: {  	s5 =	rddreg [dreg:$0x6];
	[sflag:s28] =	ssyncset.done $0x0  }
0xab: {  	s7 =	rddreg [dreg:$0x5];
	[sflag:s28] =	ssyncadd.s32 $0xFFFFD800;
	s5 =	sadd.s32 $0x0, s5  }
0xac: {  	[tilespmem:s15], [sflag:$0x3] =	stream.linear.gather [hbm4b:s5+s3], $0x50, $0x38;
	[tilespmem:$0x1E400] =	vst v63  }
0xad: {  	s7 =	sadd.s32 $0x0, s7  }
0xae: {  	[tilespmem:s11], [sflag:$0x3] =	stream.linear.gather [hbm4b:s7+s3], $0x50, $0x38;
	[tilespmem:$0x1E400] =	vst v63  }
0xaf: {  	_ =	swait.ge [sflag:s12], $0x50  }
0xb0: {  	[sflag:s12] =	ssyncset.done $0x0  }
0xb1: {  	[sflag:s12] =	ssyncadd.s32 $0xFFFFFFB0  }
0xb2: {  	_ =	swait.ge [sflag:s12], $0x50  }
0xb3: {  	[sflag:s12] =	ssyncset.done $0x0  }
0xb4: {  	[sflag:s12] =	ssyncadd.s32 $0xFFFFFFB0  }
0xb5: {  	[tilespmem:s18], [sflag:$0x6] =	stream.indirect.gather [hbm4b:s4+s9], $0x80, s31, s9, $0xb8;
	[tilespmem:$0x1E400] =	vst v63  }
0xb6: {  	_ =	swait.ge [sflag:s14], $0x2800  }
0xb7: {  	[sflag:s14] =	ssyncset.done $0x0  }
0xb8: {  	[sflag:s14] =	ssyncadd.s32 $0xFFFFD800  }
0xb9: {  	[spmem:s1] =	stream.indirect.scatter.add.f32 [tilespmem:s2], [sflag:$0x9], $0x80, s13, s9, $0xb8;
	[tilespmem:$0x1E400] =	vst v63  }
0xba: {  	_ =	swait.ge [sflag:s25], $0x2800  }
0xbb: {  	s13 =	rddreg [dreg:$0x4];
	[sflag:s25] =	ssyncset.done $0x0  }
0xbc: {  	s14 =	rddreg [dreg:$0x3];
	[sflag:s25] =	ssyncadd.s32 $0xFFFFD800;
	s5 =	sadd.s32 $0x0, s13  }
0xbd: {  	[tilespmem:s30], [sflag:$0x4] =	stream.linear.gather [hbm4b:s5+s3], $0x50, $0x38;
	[tilespmem:$0x1E400] =	vst v63  }
0xbe: {  	s22 =	simm.s32 $0x380;
	s31 =	sadd.s32 $0x0, s14  }
0xbf: {  	[tilespmem:s22], [sflag:$0x4] =	stream.linear.gather [hbm4b:s31+s3], $0x50, $0x38;
	[tilespmem:$0x1E400] =	vst v63  }
0xc0: {  	_ =	swait.ge [sflag:s17], $0x50  }
0xc1: {  	[sflag:s17] =	ssyncset.done $0x0  }
0xc2: {  	[sflag:s17] =	ssyncadd.s32 $0xFFFFFFB0  }
0xc3: {  	_ =	swait.ge [sflag:s17], $0x50  }
0xc4: {  	[sflag:s17] =	ssyncset.done $0x0  }
0xc5: {  	[sflag:s17] =	ssyncadd.s32 $0xFFFFFFB0  }
0xc6: {  	[tilespmem:s16], [sflag:$0x7] =	stream.indirect.gather [hbm4b:s4+s9], $0x80, s15, s9, $0xb8;
	[tilespmem:$0x1E400] =	vst v63  }
0xc7: {  	_ =	swait.ge [sflag:s19], $0x2800  }
0xc8: {  	s7 =	simm.s32 $0x28;
	s2 =	simm.s32 $0x400;
	[sflag:s19] =	ssyncset.done $0x0  }
0xc9: {  	s30 =	sadd.s32 $0x140, s0;
	s0 =	smov.u32 s6;
	[sflag:s19] =	ssyncadd.s32 $0xFFFFD800  }
.LBB2_4:
0xca: {  	s11 =	simm.s32 $0x280  }
0xcb: {  	[spmem:s1] =	stream.indirect.scatter.add.f32 [tilespmem:s18], [sflag:$0xA], $0x80, s11, s9, $0xb8;
	[tilespmem:$0x1E400] =	vst v63  }
0xcc: {  	_ =	swait.ge [sflag:s20], $0x2800  }
0xcd: {  	s6 =	sshrl.u32 s30, $0x3;
	[sflag:s20] =	ssyncset.done $0x0  }
0xce: {  	s31 =	smov.u32 s29;
	s29 =	sadd.s32 s29, s6;
	[sflag:s20] =	ssyncadd.s32 $0xFFFFD800  }
0xcf: {  	[tilespmem:s3], [sflag:$0x1] =	stream.linear.gather [hbm4b:s29+s3], $0x50, $0x38;
	[tilespmem:$0x1E400] =	vst v63  }
0xd0: {  	s13 =	simm.s32 $0x200;
	s6 =	sadd.s32 s0, s6  }
0xd1: {  	[tilespmem:s13], [sflag:$0x1] =	stream.linear.gather [hbm4b:s6+s3], $0x50, $0x38;
	[tilespmem:$0x1E400] =	vst v63  }
0xd2: {  	_ =	swait.ge [sflag:s21], $0x50  }
0xd3: {  	[sflag:s21] =	ssyncset.done $0x0  }
0xd4: {  	[sflag:s21] =	ssyncadd.s32 $0xFFFFFFB0  }
0xd5: {  	_ =	swait.ge [sflag:s21], $0x50  }
0xd6: {  	[sflag:s21] =	ssyncset.done $0x0  }
0xd7: {  	s20 =	simm.s32 $0x180;
	[sflag:s21] =	ssyncadd.s32 $0xFFFFFFB0  }
0xd8: {  	[tilespmem:s10], [sflag:$0x8] =	stream.indirect.gather [hbm4b:s4+s9], $0x80, s20, s9, $0xb8;
	[tilespmem:$0x1E400] =	vst v63  }
0xd9: {  	_ =	swait.ge [sflag:s23], $0x2800  }
0xda: {  	[sflag:s23] =	ssyncset.done $0x0  }
0xdb: {  	s14 =	simm.s32 $0x300;
	[sflag:s23] =	ssyncadd.s32 $0xFFFFD800  }
0xdc: {  	[spmem:s1] =	stream.indirect.scatter.add.f32 [tilespmem:s16], [sflag:$0xB], $0x80, s14, s9, $0xb8;
	[tilespmem:$0x1E400] =	vst v63  }
0xdd: {  	s5 =	smov.u32 s7;
	_ =	swait.ge [sflag:s24], $0x2800  }
0xde: {  	s15 =	simm.s32 $0x80;
	s22 =	rddreg [dreg:$0x8];
	[sflag:s24] =	ssyncset.done $0x0  }
0xdf: {  	s29 =	rddreg [dreg:$0x7];
	[sflag:s24] =	ssyncadd.s32 $0xFFFFD800;
	s6 =	sadd.s32 s5, s22  }
0xe0: {  	[tilespmem:s15], [sflag:$0x2] =	stream.linear.gather [hbm4b:s6+s3], $0x50, $0x38;
	[tilespmem:$0x1E400] =	vst v63  }
0xe1: {  	s23 =	sadd.s32 s5, s29  }
0xe2: {  	[tilespmem:s11], [sflag:$0x2] =	stream.linear.gather [hbm4b:s23+s3], $0x50, $0x38;
	[tilespmem:$0x1E400] =	vst v63  }
0xe3: {  	_ =	swait.ge [sflag:s8], $0x50  }
0xe4: {  	[sflag:s8] =	ssyncset.done $0x0  }
0xe5: {  	[sflag:s8] =	ssyncadd.s32 $0xFFFFFFB0  }
0xe6: {  	_ =	swait.ge [sflag:s8], $0x50  }
0xe7: {  	[sflag:s8] =	ssyncset.done $0x0  }
0xe8: {  	[sflag:s8] =	ssyncadd.s32 $0xFFFFFFB0  }
0xe9: {  	[tilespmem:s2], [sflag:$0x5] =	stream.indirect.gather [hbm4b:s4+s9], $0x80, s3, s9, $0xb8;
	[tilespmem:$0x1E400] =	vst v63  }
0xea: {  	_ =	swait.ge [sflag:s26], $0x2800  }
0xeb: {  	[sflag:s26] =	ssyncset.done $0x0  }
0xec: {  	s19 =	simm.s32 $0x380;
	[sflag:s26] =	ssyncadd.s32 $0xFFFFD800  }
0xed: {  	[spmem:s1] =	stream.indirect.scatter.add.f32 [tilespmem:s10], [sflag:$0xC], $0x80, s19, s9, $0xb8;
	[tilespmem:$0x1E400] =	vst v63  }
0xee: {  	_ =	swait.ge [sflag:s28], $0x2800  }
0xef: {  	s23 =	simm.s32 $0x100;
	s11 =	rddreg [dreg:$0x6];
	[sflag:s28] =	ssyncset.done $0x0  }
0xf0: {  	s29 =	rddreg [dreg:$0x5];
	[sflag:s28] =	ssyncadd.s32 $0xFFFFD800;
	s6 =	sadd.s32 s5, s11  }
0xf1: {  	[tilespmem:s23], [sflag:$0x3] =	stream.linear.gather [hbm4b:s6+s3], $0x50, $0x38;
	[tilespmem:$0x1E400] =	vst v63  }
0xf2: {  	s6 =	sadd.s32 s5, s29  }
0xf3: {  	[tilespmem:s14], [sflag:$0x3] =	stream.linear.gather [hbm4b:s6+s3], $0x50, $0x38;
	[tilespmem:$0x1E400] =	vst v63  }
0xf4: {  	_ =	swait.ge [sflag:s12], $0x50  }
0xf5: {  	[sflag:s12] =	ssyncset.done $0x0  }
0xf6: {  	[sflag:s12] =	ssyncadd.s32 $0xFFFFFFB0  }
0xf7: {  	_ =	swait.ge [sflag:s12], $0x50  }
0xf8: {  	[sflag:s12] =	ssyncset.done $0x0  }
0xf9: {  	s14 =	simm.s32 $0x5;
	[sflag:s12] =	ssyncadd.s32 $0xFFFFFFB0  }
0xfa: {  	[tilespmem:s18], [sflag:$0x6] =	stream.indirect.gather [hbm4b:s4+s9], $0x80, s15, s9, $0xb8;
	[tilespmem:$0x1E400] =	vst v63  }
0xfb: {  	_ =	swait.ge [sflag:s14], $0x2800  }
0xfc: {  	[sflag:s14] =	ssyncset.done $0x0  }
0xfd: {  	[sflag:s14] =	ssyncadd.s32 $0xFFFFD800  }
0xfe: {  	[spmem:s1] =	stream.indirect.scatter.add.f32 [tilespmem:s2], [sflag:$0x9], $0x80, s13, s9, $0xb8;
	[tilespmem:$0x1E400] =	vst v63  }
0xff: {  	_ =	swait.ge [sflag:s25], $0x2800  }
0x100: {  	s15 =	rddreg [dreg:$0x4];
	[sflag:s25] =	ssyncset.done $0x0  }
0x101: {  	s29 =	rddreg [dreg:$0x3];
	[sflag:s25] =	ssyncadd.s32 $0xFFFFD800;
	s6 =	sadd.s32 s5, s15  }
0x102: {  	[tilespmem:s20], [sflag:$0x4] =	stream.linear.gather [hbm4b:s6+s3], $0x50, $0x38;
	[tilespmem:$0x1E400] =	vst v63  }
0x103: {  	s5 =	sadd.s32 s5, s29  }
0x104: {  	[tilespmem:s19], [sflag:$0x4] =	stream.linear.gather [hbm4b:s5+s3], $0x50, $0x38;
	[tilespmem:$0x1E400] =	vst v63  }
0x105: {  	_ =	swait.ge [sflag:s17], $0x50  }
0x106: {  	[sflag:s17] =	ssyncset.done $0x0  }
0x107: {  	[sflag:s17] =	ssyncadd.s32 $0xFFFFFFB0  }
0x108: {  	p0 =	sne.s32 s7, $0x488;
	s7 =	sadd.s32 $0x28, s7;
	_ =	swait.ge [sflag:s17], $0x50  }
0x109: {  	s30 =	sadd.s32 $0x140, s30;
	s22 =	simm.s32 $0x280;
	[sflag:s17] =	ssyncset.done $0x0  }
.Ltmp1:
0x10a: {  	s19 =	simm.s32 $0x6;
	[sflag:s17] =	ssyncadd.s32 $0xFFFFFFB0;
	(pc) =	sbr.rel @p0 .LBB2_4-.Ltmp1, $4  }
0x10b: {  	[tilespmem:s16], [sflag:$0x7] =	stream.indirect.gather [hbm4b:s4+s9], $0x80, s23, s9, $0xb8;
	[tilespmem:$0x1E400] =	vst v63  }
0x10c: {  	s11 =	simm.s32 $0x300;
	s13 =	simm.s32 $0x380;
	_ =	swait.ge [sflag:s19], $0x2800  }
0x10d: {  	s15 =	simm.s32 $0x180;
	s29 =	smov.u32 s31;
	[sflag:s19] =	ssyncset.done $0x0  }
0x10e: {  	s20 =	simm.s32 $0x9;
	s23 =	simm.s32 $0x7;
	[sflag:s19] =	ssyncadd.s32 $0xFFFFD800  }
0x10f: {  	[spmem:s1] =	stream.indirect.scatter.add.f32 [tilespmem:s18], [sflag:$0xA], $0x80, s22, s9, $0xb8;
	[tilespmem:$0x1E400] =	vst v63  }
0x110: {  	_ =	swait.ge [sflag:s20], $0x2800  }
0x111: {  	[sflag:s20] =	ssyncset.done $0x0  }
0x112: {  	s5 =	rddreg [dreg:$0x17];
	[sflag:s20] =	ssyncadd.s32 $0xFFFFD800  }
0x113: {  	[tilespmem:s3], [sflag:$0x1] =	stream.linear.gather [hbm4b:s5+s3], $0x50, $0x38;
	[tilespmem:$0x1E400] =	vst v63  }
0x114: {  	s6 =	simm.s32 $0x200;
	s7 =	rddreg [dreg:$0x18]  }
0x115: {  	[tilespmem:s6], [sflag:$0x1] =	stream.linear.gather [hbm4b:s7+s3], $0x50, $0x38;
	[tilespmem:$0x1E400] =	vst v63  }
0x116: {  	_ =	swait.ge [sflag:s21], $0x50  }
0x117: {  	[sflag:s21] =	ssyncset.done $0x0  }
0x118: {  	[sflag:s21] =	ssyncadd.s32 $0xFFFFFFB0  }
0x119: {  	_ =	swait.ge [sflag:s21], $0x50  }
0x11a: {  	[sflag:s21] =	ssyncset.done $0x0  }
0x11b: {  	[sflag:s21] =	ssyncadd.s32 $0xFFFFFFB0  }
0x11c: {  	[tilespmem:s10], [sflag:$0x8] =	stream.indirect.gather [hbm4b:s4+s9], $0x80, s15, s9, $0xb8;
	[tilespmem:$0x1E400] =	vst v63  }
0x11d: {  	_ =	swait.ge [sflag:s23], $0x2800  }
0x11e: {  	[sflag:s23] =	ssyncset.done $0x0  }
0x11f: {  	[sflag:s23] =	ssyncadd.s32 $0xFFFFD800  }
0x120: {  	[spmem:s1] =	stream.indirect.scatter.add.f32 [tilespmem:s16], [sflag:$0xB], $0x80, s11, s9, $0xb8;
	[tilespmem:$0x1E400] =	vst v63  }
0x121: {  	_ =	swait.ge [sflag:s8], $0x50  }
0x122: {  	[sflag:s8] =	ssyncset.done $0x0  }
0x123: {  	[sflag:s8] =	ssyncadd.s32 $0xFFFFFFB0  }
0x124: {  	_ =	swait.ge [sflag:s8], $0x50  }
0x125: {  	[sflag:s8] =	ssyncset.done $0x0  }
0x126: {  	[sflag:s8] =	ssyncadd.s32 $0xFFFFFFB0  }
0x127: {  	[tilespmem:s2], [sflag:$0x5] =	stream.indirect.gather [hbm4b:s4+s9], $0x80, s3, s9, $0xb8;
	[tilespmem:$0x1E400] =	vst v63  }
0x128: {  	_ =	swait.ge [sflag:s26], $0x2800  }
0x129: {  	[sflag:s26] =	ssyncset.done $0x0  }
0x12a: {  	[sflag:s26] =	ssyncadd.s32 $0xFFFFD800  }
0x12b: {  	[spmem:s1] =	stream.indirect.scatter.add.f32 [tilespmem:s10], [sflag:$0xC], $0x80, s13, s9, $0xb8;
	[tilespmem:$0x1E400] =	vst v63  }
0x12c: {  	_ =	swait.ge [sflag:s14], $0x2800  }
0x12d: {  	[sflag:s14] =	ssyncset.done $0x0  }
0x12e: {  	[sflag:s14] =	ssyncadd.s32 $0xFFFFD800  }
0x12f: {  	[spmem:s1] =	stream.indirect.scatter.add.f32 [tilespmem:s2], [sflag:$0x9], $0x80, s6, s9, $0xb8;
	[tilespmem:$0x1E400] =	vst v63  }
0x130: {  	_ =	swait.ge [sflag:s24], $0x2800  }
0x131: {  	[sflag:s24] =	ssyncset.done $0x0  }
0x132: {  	[sflag:s24] =	ssyncadd.s32 $0xFFFFD800  }
0x133: {  	_ =	swait.ge [sflag:s28], $0x2800  }
0x134: {  	[sflag:s28] =	ssyncset.done $0x0  }
0x135: {  	[sflag:s28] =	ssyncadd.s32 $0xFFFFD800  }
0x136: {  	_ =	swait.ge [sflag:s25], $0x2800  }
0x137: {  	[sflag:s25] =	ssyncset.done $0x0  }
0x138: {  	[sflag:s25] =	ssyncadd.s32 $0xFFFFD800  }
0x139: {  	_ =	swait.ge [sflag:s20], $0x2800  }
0x13a: {  	[sflag:s20] =	ssyncset.done $0x0  }
0x13b: {  	[sflag:s20] =	ssyncadd.s32 $0xFFFFD800  }
0x13c: {  	s11 =	stileid.u32;
	[bflag:$0x0] =	sbarrier.arrive $0xFFFF  }
0x13d: {  	s31 =	simm.s32 $0xD;
	s5 =	sshll.u32 s11, $0x6;
	s30 =	rddreg [dreg:$0x9]  }
0x13e: {  	s5 =	sor.u32 $0x1C0D, s5;
	s7 =	rddreg [dreg:$0x19];
	s13 =	sshrl.u32 s30, $0x3  }
0x13f: {  	[hbm:s7], [sflag:s5] =	dma.local [spmem:s13], $0x2800  }
0x140: {  	_ =	swait.ge [sflag:s31], $0x2800  }
0x141: {  	s15 =	rddreg [dreg:$0x1e]  }
0x142: {  	s22 =	rddreg [dreg:$0x1a];
	s7 =	sadd.s32 $0x1, s15  }
0x143: {  	p0 =	sne.s32 s7, s22  }
.Ltmp2:
0x144: {  	_ = 	snop;
	(pc) =	sbr.rel @p0 .LBB2_1-.Ltmp2, $3  }
0x145: {  	_ =	sdelay $0x1  }
0x146: {  	[sflag:s31] =	ssyncset.done $0x0  }
0x147: {  	s10 =	smov.u32 s0;
	s2 =	simm.s32 $0x400;
	[sflag:s31] =	ssyncadd.s32 $0xFFFFD800  }
0x148: {  	_ =	sfence.sel $0x180000  }
0x149: {  	[bflag:$0x0] =	sbarrier.arrive $0xFFFF  }
0x14a: {  	_ =	strace $0x9000004A  }
0x14b: {  	s0 =	stileid.u32;
	[bflag:$0x2] =	sbarrier.arrive $0xFFFF  }
0x14c: {  	p0 =	sne.s32 s0, $0x0;
	s0 =	rddreg [dreg:$0x2]  }
0x14d: {  	s0 =	sadd.s32 @!p0 $0x100000, s0  }
0x14e: {  	[sflag:s0] =	ssyncadd.tile.s32 @!p0 $0x1;
	_ =	shalt  }
.Lfunc_end2:
_tile_overlayer_lowered:
.L_overlay_start_2:
0x14f: {  	(tag) =	ssettag $0x2  }
0x150: {  	s0 =	rddreg [dreg:$0x0];
	s2 =	stileid.u32  }
0x151: {  	s1 =	rddreg [dreg:$0x1];
	p0 =	sne.s32 s2, $0x0  }
0x152: {  	s3 =	rddreg [dreg:$0x2];
	[bflag:$0x3] =	sbarrier.arrive $0xFFFF;
	s2 =	simm.s32 @!p0 $0x1C0D  }
0x153: {  	[timem:s3], [sflag:s2] =	dma.local @!p0 [hbm:s0], s1  }
0x154: {  	s0 =	simm.s32 @!p0 $0xD  }
0x155: {  	_ =	swait.ge @!p0 [sflag:s0], s1  }
0x156: {  	s1 =	ssub.s32 @!p0 $0x0, s1;
	[sflag:s0] =	ssyncset.done @!p0 $0x0  }
0x157: {  	[sflag:s0] =	ssyncadd.s32 @!p0 s1  }
0x158: {  	[bflag:$0x3] =	sbarrier.arrive $0xFFFF  }
0x159: {  	_ =	shalt  }

// kernel: kernel.17.cloned.1.call-start
scs
__scs_entry_jumppad:
0x0: {  	(pc) =	sbr.rel $0x88, $3  }
0x1: {  	(tag) =	ssettag $0x0;
	lr =	simm.s32 $0x1  }
0x2: {  	[smem:$0x3F8C] =	sst lr;
	_ =	strace $0xD0000000  }
0x3: {  	_ = 	snop  }
0x4: {  	_ = 	snop  }
0x5: {  	_ = 	snop  }
0x6: {  	_ = 	snop  }
0x7: {  	_ = 	snop  }
__scs_overlays_trampoline_lowered:
0x8: {  	[smem:$0x3F9B] =	sst s0  }
0x9: {  	[smem:$0x3F9C] =	sst s1  }
0xa: {  	[smem:$0x3F9D] =	sst s2  }
0xb: {  	[smem:$0x3F9E] =	sst s3  }
0xc: {  	[smem:$0x3F9F] =	sst s4  }
0xd: {  	[smem:$0x3FA0] =	sst s5  }
0xe: {  	[smem:$0x3FA1] =	sst s6  }
0xf: {  	[smem:$0x3FA2] =	sst s7  }
0x10: {  	[smem:$0x3FA3] =	sst s8  }
0x11: {  	[smem:$0x3FA4] =	sst s9;
	s0 =	simm.s32 @!p0 $0x0  }
0x12: {  	s1 =	sld [smem:$0x3F8A];
	s0 =	simm.s32 @p0 $0x1  }
0x13: {  	[smem:$0x3FA5] =	sst s0;
	s0 =	simm.s32 @!p1 $0x0  }
0x14: {  	s2 =	sld [smem:$0x3F89];
	s0 =	simm.s32 @p1 $0x1  }
0x15: {  	[smem:$0x3FA6] =	sst s0;
	s0 =	simm.s32 @!p2 $0x0  }
0x16: {  	s3 =	sld [smem:$0x3FDB];
	s0 =	simm.s32 @p2 $0x1  }
0x17: {  	s4 =	simm.s32 $0x1BF5;
	[smem:$0x3FA8] =	sst s0  }
0x18: {  	s0 =	sld [smem:$0x3F8B];
	_ =	swait.ge [sflag:s4], $0x0  }
0x19: {  	s7 =	sld [smem:$0x3F8C]  }
0x1a: {  	s8 =	sadd.s32 $0xFFFFE003, lr  }
0x1b: {  	s9 =	sadd.s32 $0xFFFFFEF7, lr;
	s5 =	simm.s32 $0xFFFFFFFF;
	p2 =	slt.u32 s8, $0xFFFFF086  }
0x1c: {  	p1 =	slt.u32 s9, $0xF7A;
	s5 =	simm.s32 @!p2 $0x0  }
0x1d: {  	s5 =	simm.s32 @p1 $0x1;
	p0 =	seq.s32 s7, s2  }
0x1e: {  	s7 =	smul.u32 @!p0 $0xF7A, s2;
	p2 =	seq.s32 @!p0 s5, $0x0  }
0x1f: {  	s9 =	smul.u32 $0xF7A, s1;
	s8 =	simm.s32 @!p0 $0x1BF5;
	p2 =	por !p2, p0  }
0x20: {  	[sflag:s8] =	ssyncset.s32 @!p0 $0xFFFFF086;
	s6 =	sadd.s32 @!p0 s3, s7;
	s7 =	simm.s32 @!p0 $0x108  }
0x21: {  	s3 =	sadd.s32 s3, s9;
	s6 =	sadd.s32 @!p0 $0x88, s6;
	s7 =	simm.s32 @p2 $0x1082  }
0x22: {  	[simem:s7], [sflag:s8] =	dma.local @!p0 [hbm:s6], $0xF7A  }
0x23: {  	s9 =	sor.u32 $0xD0000000, s2;
	s6 =	simm.s32 $0x108;
	_ =	swait.ge @!p0 [sflag:s8], $0x0  }
0x24: {  	s3 =	sadd.s32 $0x88, s3;
	s6 =	simm.s32 @!p1 $0x1082;
	[sflag:s4] =	ssyncset.s32 $0xFFFFF086  }
0x25: {  	[simem:s6], [sflag:s4] =	dma.local [hbm:s3], $0xF7A  }
0x26: {  	[smem:$0x3F8C] =	sst s1;
	(tag) =	ssettag s2;
	_ =	strace s9  }
0x27: {  	s1 =	sld [smem:$0x3F9C]  }
0x28: {  	s2 =	sld [smem:$0x3F9D]  }
0x29: {  	s4 =	sld [smem:$0x3F9F]  }
0x2a: {  	p0 =	seq.s32 s5, $0x0;
	s5 =	sld [smem:$0x3FA0]  }
0x2b: {  	s6 =	sld [smem:$0x3FA1]  }
0x2c: {  	s7 =	sld [smem:$0x3FA2]  }
0x2d: {  	s3 =	simm.s32 $0x108;
	s8 =	sld [smem:$0x3FA3]  }
0x2e: {  	s3 =	simm.s32 @!p0 $0x1082;
	s9 =	sld [smem:$0x3FA4]  }
0x2f: {  	lr =	sadd.s32 s0, s3;
	s0 =	sld [smem:$0x3F9B]  }
0x30: {  	s3 =	sld [smem:$0x3F9E]  }
0x31: {  	[smem:$0x3FA7] =	sst s10  }
0x32: {  	s10 =	sld [smem:$0x3FA5];
	_ =	sdelay $0x3  }
0x33: {  	p0 =	seq.s32 s10, $0x1;
	s10 =	sld [smem:$0x3FA7];
	_ =	sdelay $0x3  }
0x34: {  	[smem:$0x3FA7] =	sst s10  }
0x35: {  	s10 =	sld [smem:$0x3FA6];
	_ =	sdelay $0x3  }
0x36: {  	p1 =	seq.s32 s10, $0x1;
	s10 =	sld [smem:$0x3FA7];
	_ =	sdelay $0x3  }
0x37: {  	[smem:$0x3FA7] =	sst s10  }
0x38: {  	s10 =	sld [smem:$0x3FA8]  }
0x39: {  	_ = 	snop;
	(pc) =	sbr.ind lr, $3  }
0x3a: {  	_ = 	snop  }
0x3b: {  	_ = 	snop  }
0x3c: {  	p2 =	seq.s32 s10, $0x1;
	s10 =	sld [smem:$0x3FA7]  }
0x3d: {  	_ =	shalt  }
0x3e: {  	_ =	shalt  }
0x3f: {  	_ =	shalt  }
0x40: {  	_ =	shalt  }
0x41: {  	_ =	shalt  }
0x42: {  	_ =	shalt  }
0x43: {  	_ =	shalt  }
0x44: {  	_ =	shalt  }
0x45: {  	_ =	shalt  }
0x46: {  	_ =	shalt  }
0x47: {  	_ =	shalt  }
0x48: {  	_ =	shalt  }
0x49: {  	_ =	shalt  }
0x4a: {  	_ =	shalt  }
0x4b: {  	_ =	shalt  }
0x4c: {  	_ =	shalt  }
0x4d: {  	_ =	shalt  }
0x4e: {  	_ =	shalt  }
0x4f: {  	_ =	shalt  }
0x50: {  	_ =	shalt  }
0x51: {  	_ =	shalt  }
0x52: {  	_ =	shalt  }
0x53: {  	_ =	shalt  }
0x54: {  	_ =	shalt  }
0x55: {  	_ =	shalt  }
0x56: {  	_ =	shalt  }
0x57: {  	_ =	shalt  }
0x58: {  	_ =	shalt  }
0x59: {  	_ =	shalt  }
0x5a: {  	_ =	shalt  }
0x5b: {  	_ =	shalt  }
0x5c: {  	_ =	shalt  }
0x5d: {  	_ =	shalt  }
0x5e: {  	_ =	shalt  }
0x5f: {  	_ =	shalt  }
0x60: {  	_ =	shalt  }
0x61: {  	_ =	shalt  }
0x62: {  	_ =	shalt  }
0x63: {  	_ =	shalt  }
0x64: {  	_ =	shalt  }
0x65: {  	_ =	shalt  }
0x66: {  	_ =	shalt  }
0x67: {  	_ =	shalt  }
0x68: {  	_ =	shalt  }
0x69: {  	_ =	shalt  }
0x6a: {  	_ =	shalt  }
0x6b: {  	_ =	shalt  }
0x6c: {  	_ =	shalt  }
0x6d: {  	_ =	shalt  }
0x6e: {  	_ =	shalt  }
0x6f: {  	_ =	shalt  }
0x70: {  	_ =	shalt  }
0x71: {  	_ =	shalt  }
0x72: {  	_ =	shalt  }
0x73: {  	_ =	shalt  }
0x74: {  	_ =	shalt  }
0x75: {  	_ =	shalt  }
0x76: {  	_ =	shalt  }
0x77: {  	_ =	shalt  }
0x78: {  	_ =	shalt  }
0x79: {  	_ =	shalt  }
0x7a: {  	_ =	shalt  }
0x7b: {  	_ =	shalt  }
0x7c: {  	_ =	shalt  }
0x7d: {  	_ =	shalt  }
0x7e: {  	_ =	shalt  }
0x7f: {  	_ =	shalt  }
0x80: {  	_ =	shalt  }
0x81: {  	_ =	shalt  }
0x82: {  	_ =	shalt  }
0x83: {  	_ =	shalt  }
0x84: {  	_ =	shalt  }
0x85: {  	_ =	shalt  }
0x86: {  	_ =	shalt  }
0x87: {  	_ =	shalt  }
.Lfunc_end0:
.L_simem_size_0:
called_computation.2_lowered:
.L_overlay_start_0:
0x88: {  	s2 =	sld [smem:$0x3FD9]  }
0x89: {  	s3 =	sld [smem:$0x3FFE];
	_ =	sdelay $0x1  }
0x8a: {  	s1 =	srdreg.scid  }
0x8b: {  	s0 =	sand.u32 $0x1, s1  }
0x8c: {  	s16 =	sshll.u32 s0, $0xA;
	s2 =	sadd.s32 s3, s2  }
0x8d: {  	s2 =	sadd.s32 s2, s16  }
0x8e: {  	[smem:$0x3FB3] =	sst s2  }
0x8f: {  	_ = 	snop  }
0x90: {  	(tm) =	ssettm $0x1  }
0x91: {  	s17 =	sld [smem:$0x3FFB];
	_ =	sdelay $0x3  }
0x92: {  	_ =	strace s17  }
0x93: {  	s2 =	sld [smem:$0x3FFC];
	_ =	sdelay $0x3  }
0x94: {  	_ =	strace s2  }
0x95: {  	s2 =	sld [smem:$0x3FFD];
	_ =	sdelay $0x3  }
0x96: {  	_ =	strace s2  }
0x97: {  	_ =	strace $0x8FFFFFFF  }
0x98: {  	s18 =	sld [smem:$0x3FDB];
	_ =	sdelay $0x1  }
0x99: {  	s19 =	simm.s32 $_scs_section_size  }
0x9a: {  	s4 =	simm.s32 $_size__tile_overlayer_lowered;
	s5 =	simm.s32 $_tile_overlayer_lowered  }
0x9b: {  	s22 =	simm.s32 $0x1BFF;
	s21 =	sshll.u32 s5, $0x1;
	s2 =	sadd.s32 s19, s18  }
0x9c: {  	s6 =	simm.s32 $0x0;
	s20 =	sshll.u32 s4, $0x1;
	s4 =	sadd.s32 s21, s2  }
0x9d: {  	[timem:s6], [sflag:s22] =	dma.local [hbm:s4], s20  }
0x9e: {  	_ =	swait.ge [sflag:s22], s20  }
0x9f: {  	s3 =	ssub.s32 $0x0, s20;
	[sflag:s22] =	ssyncset.done $0x0  }
0xa0: {  	[sflag:s22] =	ssyncadd.s32 s3;
	_ =	sdelay $0x1  }
0xa1: {  	s23 =	simm.s32 $0x1B8B  }
0xa2: {  	_ =	swait.ge [sflag:s23], $0x1  }
0xa3: {  	[sflag:s23] =	ssyncset.done $0x0  }
0xa4: {  	s25 =	simm.s32 $0x1B8E;
	s24 =	sld [smem:$0x3FFE];
	[sflag:s23] =	ssyncadd.s32 $0xFFFFFFFF  }
0xa5: {  	s26 =	simm.s32 $execute0_lowered;
	[smem:$0x3FD2] =	sst s25  }
0xa6: {  	s4 =	sshll.u32 s26, $0x1;
	_ =	strace $0x8000004C;
	[dreg:$0x1] =	wrdreg $0xFFFFFFFF  }
0xa7: {  	s28 =	simm.s32 $_size_execute0_lowered;
	s2 =	sadd.s32 s2, s4;
	[dreg:$0x0] =	wrdreg $0x0  }
0xa8: {  	s4 =	sshll.u32 s28, $0x1;
	[dreg:$0x2] =	wrdreg s2  }
0xa9: {  	[dreg:$0x3] =	wrdreg s4  }
0xaa: {  	[dreg:$0x4] =	wrdreg $0xC0  }
0xab: {  	_ =	task [dreg:s6], $0x5FFFF  }
0xac: {  	[dreg:$0x1] =	wrdreg $0xFFFFFFFF  }
0xad: {  	[dreg:$0x0] =	wrdreg $0x60  }
0xae: {  	[dreg:$0x2] =	wrdreg s24  }
0xaf: {  	[dreg:$0x3] =	wrdreg $0xA4000  }
0xb0: {  	[dreg:$0x4] =	wrdreg $0x9  }
0xb1: {  	_ =	task.clear_ibuf [dreg:s6], $0x5FFFF;
	_ =	strace $0x9000004C  }
0xb2: {  	s29 =	simm.s32 $0x9;
	_ =	strace $0x8000004E  }
0xb3: {  	_ =	swait.ge [sflag:s29], $0x1  }
0xb4: {  	[sflag:s29] =	ssyncadd.s32 $0xFFFFFFFF  }
0xb5: {  	_ =	strace $0x9000004E  }
0xb6: {  	_ =	sfence  }
0xb7: {  	s30 =	sld [smem:$0x0];
	_ =	sdelay $0x2  }
0xb8: {  	s31 =	sshll.u32 s1, $0xD;
	s1 =	sshrl.u32 s1, $0x2  }
0xb9: {  	s3 =	sand.u32 $0x4000, s31;
	s1 =	sadd.s32 s1, s30  }
0xba: {  	s0 =	sor.u32 s3, s0;
	s1 =	sshll.u32 s1, $0x11  }
0xbb: {  	s0 =	sor.u32 s1, s0  }
0xbc: {  	s0 =	sadd.s32 $0x8F2B, s0  }
0xbd: {  	[sflag:s0] =	ssyncadd.remote.s32 $0x1  }
0xbe: {  	_ =	sfence.sel $0xFFFF  }
0xbf: {  	[dreg:$0x0] =	wrdreg $0xFFFFFFFF;
	(pc) =	sbr.abs _section_cstart, $3  }
0xc0: {  	[dreg:$0x1] =	wrdreg $0xFFFFFFFF  }
0xc1: {  	_ =	task.clear_ibuf [dreg:s6], $0x2FFFF;
	_ =	strace $0x9FFFFFFF  }
0xc2: {  	(tm) =	ssettm $0x7FFFFFFF  }
0xc3: {  	_ =	shalt  }
tec
execute0_lowered:
.L_overlay_start_1:
0x0: {  	(tag) =	ssettag $0x1  }
0x1: {  	s0 =	rddreg [dreg:$0x0]  }
0x2: {  	s1 =	rddreg [dreg:$0x1];
	s10 =	stileid.u32  }
0x3: {  	s2 =	srdreg.scid;
	s3 =	simm.s32 $0x0;
	s6 =	smul.u32 $0x14000, s10  }
0x4: {  	s31 =	simm.s32 $0xD;
	s28 =	simm.s32 $0xB;
	s7 =	smul.u32 $0x50000, s10  }
0x5: {  	s2 =	sand.u32 $0x1, s2;
	[smem:$0x7FF] =	sst s3;
	s14 =	smul.u32 $0x2710, s10  }
0x6: {  	s4 =	sadd.s32 $0x18600, s0;
	s29 =	sadd.s32 $0x4A00, s0;
	s5 =	smul.u32 $0x140000, s2  }
0x7: {  	_ =	strace $0x8000004D;
	s11 =	ssub.s32 $0x2, s2;
	s8 =	sshll.u32 s2, $0x4  }
0x8: {  	s2 =	smul.u32 $0x27100, s2;
	s9 =	sshrl.u32 s11, $0x1;
	s8 =	sor.u32 s10, s8  }
0x9: {  	s7 =	sshrl.u32 s7, $0x2;
	s5 =	sadd.s32 s6, s5;
	s6 =	sadd.s32 $0xE800, s0  }
0xa: {  	s8 =	smul.u32 $0x2710, s8;
	s30 =	sadd.s32 s7, s1;
	s2 =	sadd.s32 s14, s2  }
0xb: {  	s5 =	sshrl.u32 s5, $0x3;
	s7 =	sadd.s32 $0x2800, s30;
	[dreg:$0x9] =	wrdreg s30  }
0xc: {  	s12 =	sadd.s32 $0x5000, s30;
	s13 =	sadd.s32 $0x7800, s30;
	[dreg:$0xa] =	wrdreg s7  }
0xd: {  	s15 =	sadd.s32 $0xA000, s30;
	s16 =	sadd.s32 $0xC800, s30;
	[dreg:$0xb] =	wrdreg s12  }
0xe: {  	s22 =	sadd.s32 $0x230, s2;
	s26 =	sadd.s32 $0x1E0, s2;
	[dreg:$0xc] =	wrdreg s13  }
0xf: {  	s14 =	sadd.s32 $0x190, s2;
	s7 =	sshrl.u32 s8, $0x3;
	[dreg:$0xd] =	wrdreg s15  }
0x10: {  	[dreg:$0xe] =	wrdreg s16;
	s12 =	sshrl.u32 s26, $0x3;
	s26 =	sadd.s32 $0x11800, s30  }
0x11: {  	s10 =	smov.u32 s6;
	s17 =	sadd.s32 s29, s7;
	[dreg:$0x1d] =	wrdreg s26  }
0x12: {  	s24 =	sshrl.u32 s22, $0x3;
	s18 =	sadd.s32 s6, s7;
	[dreg:$0xf] =	wrdreg s17  }
0x13: {  	s0 =	sadd.s32 s5, s0;
	s25 =	sadd.s32 s24, s6;
	[dreg:$0x10] =	wrdreg s18  }
0x14: {  	s5 =	ssub.s32 s11, s9;
	s11 =	sadd.s32 s24, s29;
	[dreg:$0x3] =	wrdreg s25  }
0x15: {  	s16 =	sshrl.u32 s14, $0x3;
	s13 =	sadd.s32 s12, s6;
	[dreg:$0x4] =	wrdreg s11  }
0x16: {  	s14 =	simm.s32 $0x5;
	s15 =	sadd.s32 s12, s29;
	[dreg:$0x5] =	wrdreg s13  }
0x17: {  	s19 =	sadd.s32 $0xA, s7;
	s0 =	sadd.s32 $0x3F800, s0;
	[dreg:$0x6] =	wrdreg s15  }
0x18: {  	s21 =	sadd.s32 $0x14, s7;
	s24 =	sadd.s32 $0x140, s2;
	[dreg:$0x19] =	wrdreg s0  }
0x19: {  	s2 =	simm.s32 $0x400;
	s20 =	sadd.s32 s29, s19;
	[dreg:$0x1b] =	wrdreg s24  }
0x1a: {  	s12 =	simm.s32 $0x2;
	s9 =	sadd.s32 s6, s19;
	[dreg:$0x11] =	wrdreg s20  }
0x1b: {  	s26 =	simm.s32 $0x8;
	s23 =	sadd.s32 s29, s21;
	[dreg:$0x12] =	wrdreg s9  }
0x1c: {  	s8 =	sadd.s32 s6, s21;
	s17 =	sadd.s32 $0x1E, s7;
	[dreg:$0x13] =	wrdreg s23  }
0x1d: {  	s18 =	sadd.s32 s16, s6;
	s7 =	sadd.s32 $0x4D8, s7;
	[dreg:$0x14] =	wrdreg s8  }
0x1e: {  	s25 =	sadd.s32 $0xF000, s30;
	s24 =	simm.s32 $0xA;
	[dreg:$0x7] =	wrdreg s18  }
0x1f: {  	s19 =	sadd.s32 s29, s17;
	s20 =	sadd.s32 s16, s29;
	[dreg:$0x1c] =	wrdreg s25  }
0x20: {  	s21 =	sadd.s32 s6, s17;
	s22 =	sadd.s32 s29, s7;
	[dreg:$0x15] =	wrdreg s19  }
0x21: {  	s7 =	sadd.s32 s6, s7;
	s23 =	smax.u32 s5, $0x1;
	[dreg:$0x16] =	wrdreg s21  }
0x22: {  	s8 =	simm.s32 $0x1;
	s9 =	simm.s32 $0x50;
	[dreg:$0x8] =	wrdreg s20  }
0x23: {  	s17 =	simm.s32 $0x3;
	s25 =	simm.s32 $0xC;
	[dreg:$0x17] =	wrdreg s22  }
0x24: {  	s18 =	simm.s32 $0x2C00;
	s16 =	simm.s32 $0x5400;
	[dreg:$0x18] =	wrdreg s7  }
0x25: {  	[dreg:$0x1a] =	wrdreg s23;
	s19 =	simm.s32 $0x6;
	s20 =	simm.s32 $0x9  }
0x26: {  	v0 =	vimm.f32 $0.0e+00;
	s21 =	simm.s32 $0x4;
	s23 =	simm.s32 $0x7;
	s7 =	simm.s32 $0x0  }
.LBB2_1:
0x27: {  	[dreg:$0x1e] =	wrdreg s7;
	s5 =	simm.s32 $0x0;
	s7 =	simm.s32 $0x200  }
.LBB2_2:
0x28: {  	p0 =	sne.s32 s7, $0x9E00;
	[tilespmem:s5+$0x470] =	vst v0  }
0x29: {  	[tilespmem:s5+$0x400] =	vst v0  }
0x2a: {  	[tilespmem:s5+$0x410] =	vst v0  }
.Ltmp0:
0x2b: {  	[tilespmem:s5+$0x420] =	vst v0;
	(pc) =	sbr.rel @p0 .LBB2_2-.Ltmp0, $4  }
0x2c: {  	[tilespmem:s5+$0x430] =	vst v0  }
0x2d: {  	[tilespmem:s5+$0x440] =	vst v0  }
0x2e: {  	[tilespmem:s5+$0x450] =	vst v0  }
0x2f: {  	[tilespmem:s5+$0x460] =	vst v0;
	s5 =	sshra.s32 s7, $0x2;
	s7 =	sadd.s32 $0x200, s7  }
0x30: {  	[tilespmem:s5+$0x470] =	vst v0  }
0x31: {  	[tilespmem:s5+$0x400] =	vst v0  }
0x32: {  	[tilespmem:s5+$0x410] =	vst v0  }
0x33: {  	[tilespmem:s5+$0x420] =	vst v0  }
0x34: {  	[tilespmem:s5+$0x430] =	vst v0  }
0x35: {  	[tilespmem:s5+$0x440] =	vst v0  }
0x36: {  	[tilespmem:s5+$0x450] =	vst v0  }
0x37: {  	[tilespmem:s5+$0x460] =	vst v0  }
0x38: {  	[spmem:s30] =	stream.linear.scatter [tilespmem:s2], [sflag:$0xD], $0x2800, $0x38;
	[tilespmem:$0x1E400] =	vst v63  }
0x39: {  	_ =	swait.ge [sflag:s31], $0x2800  }
0x3a: {  	[sflag:s31] =	ssyncset.done $0x0  }
0x3b: {  	s0 =	rddreg [dreg:$0xa];
	[sflag:s31] =	ssyncadd.s32 $0xFFFFD800  }
0x3c: {  	[spmem:s0] =	stream.linear.scatter [tilespmem:s2], [sflag:$0xD], $0x2800, $0x38;
	[tilespmem:$0x1E400] =	vst v63  }
0x3d: {  	_ =	swait.ge [sflag:s31], $0x2800  }
0x3e: {  	[sflag:s31] =	ssyncset.done $0x0  }
0x3f: {  	s7 =	rddreg [dreg:$0xb];
	[sflag:s31] =	ssyncadd.s32 $0xFFFFD800  }
0x40: {  	[spmem:s7] =	stream.linear.scatter [tilespmem:s2], [sflag:$0xD], $0x2800, $0x38;
	[tilespmem:$0x1E400] =	vst v63  }
0x41: {  	_ =	swait.ge [sflag:s31], $0x2800  }
0x42: {  	[sflag:s31] =	ssyncset.done $0x0  }
0x43: {  	s11 =	rddreg [dreg:$0xc];
	[sflag:s31] =	ssyncadd.s32 $0xFFFFD800  }
0x44: {  	[spmem:s11] =	stream.linear.scatter [tilespmem:s2], [sflag:$0xD], $0x2800, $0x38;
	[tilespmem:$0x1E400] =	vst v63  }
0x45: {  	_ =	swait.ge [sflag:s31], $0x2800  }
0x46: {  	[sflag:s31] =	ssyncset.done $0x0  }
0x47: {  	s13 =	rddreg [dreg:$0xd];
	[sflag:s31] =	ssyncadd.s32 $0xFFFFD800  }
0x48: {  	[spmem:s13] =	stream.linear.scatter [tilespmem:s2], [sflag:$0xD], $0x2800, $0x38;
	[tilespmem:$0x1E400] =	vst v63  }
0x49: {  	_ =	swait.ge [sflag:s31], $0x2800  }
0x4a: {  	[sflag:s31] =	ssyncset.done $0x0  }
0x4b: {  	s15 =	rddreg [dreg:$0xe];
	[sflag:s31] =	ssyncadd.s32 $0xFFFFD800  }
0x4c: {  	[spmem:s15] =	stream.linear.scatter [tilespmem:s2], [sflag:$0xD], $0x2800, $0x38;
	[tilespmem:$0x1E400] =	vst v63  }
0x4d: {  	_ =	swait.ge [sflag:s31], $0x2800  }
0x4e: {  	[sflag:s31] =	ssyncset.done $0x0  }
0x4f: {  	s22 =	rddreg [dreg:$0x1c];
	[sflag:s31] =	ssyncadd.s32 $0xFFFFD800  }
0x50: {  	[spmem:s22] =	stream.linear.scatter [tilespmem:s2], [sflag:$0xD], $0x2800, $0x38;
	[tilespmem:$0x1E400] =	vst v63  }
0x51: {  	_ =	swait.ge [sflag:s31], $0x2800  }
0x52: {  	[sflag:s31] =	ssyncset.done $0x0  }
0x53: {  	s5 =	rddreg [dreg:$0x1d];
	[sflag:s31] =	ssyncadd.s32 $0xFFFFD800  }
0x54: {  	[spmem:s5] =	stream.linear.scatter [tilespmem:s2], [sflag:$0xD], $0x2800, $0x38;
	[tilespmem:$0x1E400] =	vst v63  }
0x55: {  	_ =	swait.ge [sflag:s31], $0x2800  }
0x56: {  	[sflag:s31] =	ssyncset.done $0x0  }
0x57: {  	[sflag:s31] =	ssyncadd.s32 $0xFFFFD800  }
0x58: {  	[bflag:$0x0] =	sbarrier.arrive $0xFFFF  }
0x59: {  	s5 =	simm.s32 $0x0;
	s6 =	rddreg [dreg:$0xf]  }
0x5a: {  	[tilespmem:s5], [sflag:$0x1] =	stream.linear.gather [hbm4b:s6+s5], $0x50, $0x38;
	[tilespmem:$0x1E400] =	vst v63  }
0x5b: {  	s13 =	simm.s32 $0x200;
	s7 =	rddreg [dreg:$0x10]  }
0x5c: {  	[tilespmem:s13], [sflag:$0x1] =	stream.linear.gather [hbm4b:s7+s5], $0x50, $0x38;
	[tilespmem:$0x1E400] =	vst v63  }
0x5d: {  	s31 =	simm.s32 $0x80;
	s11 =	rddreg [dreg:$0x11]  }
0x5e: {  	[tilespmem:s31], [sflag:$0x2] =	stream.linear.gather [hbm4b:s11+s5], $0x50, $0x38;
	[tilespmem:$0x1E400] =	vst v63  }
0x5f: {  	s22 =	simm.s32 $0x280;
	s15 =	rddreg [dreg:$0x12]  }
0x60: {  	[tilespmem:s22], [sflag:$0x2] =	stream.linear.gather [hbm4b:s15+s5], $0x50, $0x38;
	[tilespmem:$0x1E400] =	vst v63  }
0x61: {  	_ =	swait.ge [sflag:s8], $0x50  }
0x62: {  	[sflag:s8] =	ssyncset.done $0x0  }
0x63: {  	[sflag:s8] =	ssyncadd.s32 $0xFFFFFFB0  }
0x64: {  	_ =	swait.ge [sflag:s8], $0x50  }
0x65: {  	[sflag:s8] =	ssyncset.done $0x0  }
0x66: {  	[sflag:s8] =	ssyncadd.s32 $0xFFFFFFB0  }
0x67: {  	[tilespmem:s2], [sflag:$0x5] =	stream.indirect.gather [hbm4b:s4+s9], $0x80, s5, s9, $0xb8;
	[tilespmem:$0x1E400] =	vst v63  }
0x68: {  	s15 =	simm.s32 $0x100;
	s6 =	rddreg [dreg:$0x13]  }
0x69: {  	[tilespmem:s15], [sflag:$0x3] =	stream.linear.gather [hbm4b:s6+s5], $0x50, $0x38;
	[tilespmem:$0x1E400] =	vst v63  }
0x6a: {  	s11 =	simm.s32 $0x300;
	s7 =	rddreg [dreg:$0x14]  }
0x6b: {  	[tilespmem:s11], [sflag:$0x3] =	stream.linear.gather [hbm4b:s7+s5], $0x50, $0x38;
	[tilespmem:$0x1E400] =	vst v63  }
0x6c: {  	_ =	swait.ge [sflag:s12], $0x50  }
0x6d: {  	[sflag:s12] =	ssyncset.done $0x0  }
0x6e: {  	[sflag:s12] =	ssyncadd.s32 $0xFFFFFFB0  }
0x6f: {  	_ =	swait.ge [sflag:s12], $0x50  }
0x70: {  	[sflag:s12] =	ssyncset.done $0x0  }
0x71: {  	[sflag:s12] =	ssyncadd.s32 $0xFFFFFFB0  }
0x72: {  	[tilespmem:s18], [sflag:$0x6] =	stream.indirect.gather [hbm4b:s4+s9], $0x80, s31, s9, $0xb8;
	[tilespmem:$0x1E400] =	vst v63  }
0x73: {  	_ =	swait.ge [sflag:s14], $0x2800  }
0x74: {  	[sflag:s14] =	ssyncset.done $0x0  }
0x75: {  	[sflag:s14] =	ssyncadd.s32 $0xFFFFD800  }
0x76: {  	[spmem:s1] =	stream.indirect.scatter.add.f32 [tilespmem:s2], [sflag:$0x9], $0x80, s13, s9, $0xb8;
	[tilespmem:$0x1E400] =	vst v63  }
0x77: {  	s30 =	simm.s32 $0x180;
	s6 =	rddreg [dreg:$0x15]  }
0x78: {  	[tilespmem:s30], [sflag:$0x4] =	stream.linear.gather [hbm4b:s6+s5], $0x50, $0x38;
	[tilespmem:$0x1E400] =	vst v63  }
0x79: {  	s7 =	rddreg [dreg:$0x16];
	s6 =	simm.s32 $0x380  }
0x7a: {  	[tilespmem:s6], [sflag:$0x4] =	stream.linear.gather [hbm4b:s7+s5], $0x50, $0x38;
	[tilespmem:$0x1E400] =	vst v63  }
0x7b: {  	_ =	swait.ge [sflag:s17], $0x50  }
0x7c: {  	[sflag:s17] =	ssyncset.done $0x0  }
0x7d: {  	[sflag:s17] =	ssyncadd.s32 $0xFFFFFFB0  }
0x7e: {  	_ =	swait.ge [sflag:s17], $0x50  }
0x7f: {  	[sflag:s17] =	ssyncset.done $0x0  }
0x80: {  	[sflag:s17] =	ssyncadd.s32 $0xFFFFFFB0  }
0x81: {  	[tilespmem:s16], [sflag:$0x7] =	stream.indirect.gather [hbm4b:s4+s9], $0x80, s15, s9, $0xb8;
	[tilespmem:$0x1E400] =	vst v63  }
0x82: {  	_ =	swait.ge [sflag:s19], $0x2800  }
0x83: {  	[sflag:s19] =	ssyncset.done $0x0  }
0x84: {  	[sflag:s19] =	ssyncadd.s32 $0xFFFFD800  }
0x85: {  	[spmem:s1] =	stream.indirect.scatter.add.f32 [tilespmem:s18], [sflag:$0xA], $0x80, s22, s9, $0xb8;
	[tilespmem:$0x1E400] =	vst v63  }
0x86: {  	_ =	swait.ge [sflag:s20], $0x2800  }
0x87: {  	s0 =	rddreg [dreg:$0x1b]  }
0x88: {  	[sflag:s20] =	ssyncset.done $0x0;
	s6 =	sshrl.u32 s0, $0x3  }
0x89: {  	[sflag:s20] =	ssyncadd.s32 $0xFFFFD800;
	s7 =	sadd.s32 s29, s6  }
0x8a: {  	[tilespmem:s3], [sflag:$0x1] =	stream.linear.gather [hbm4b:s7+s3], $0x50, $0x38;
	[tilespmem:$0x1E400] =	vst v63  }
0x8b: {  	s5 =	sadd.s32 s10, s6  }
0x8c: {  	[tilespmem:s13], [sflag:$0x1] =	stream.linear.gather [hbm4b:s5+s3], $0x50, $0x38;
	[tilespmem:$0x1E400] =	vst v63  }
0x8d: {  	_ =	swait.ge [sflag:s21], $0x50  }
0x8e: {  	[sflag:s21] =	ssyncset.done $0x0  }
0x8f: {  	[sflag:s21] =	ssyncadd.s32 $0xFFFFFFB0  }
0x90: {  	_ =	swait.ge [sflag:s21], $0x50  }
0x91: {  	[sflag:s21] =	ssyncset.done $0x0  }
0x92: {  	s6 =	smov.u32 s10;
	s10 =	simm.s32 $0x7C00;
	[sflag:s21] =	ssyncadd.s32 $0xFFFFFFB0  }
0x93: {  	[tilespmem:s10], [sflag:$0x8] =	stream.indirect.gather [hbm4b:s4+s9], $0x80, s30, s9, $0xb8;
	[tilespmem:$0x1E400] =	vst v63  }
0x94: {  	_ =	swait.ge [sflag:s23], $0x2800  }
0x95: {  	[sflag:s23] =	ssyncset.done $0x0  }
0x96: {  	[sflag:s23] =	ssyncadd.s32 $0xFFFFD800  }
0x97: {  	[spmem:s1] =	stream.indirect.scatter.add.f32 [tilespmem:s16], [sflag:$0xB], $0x80, s11, s9, $0xb8;
	[tilespmem:$0x1E400] =	vst v63  }
0x98: {  	_ =	swait.ge [sflag:s24], $0x2800  }
0x99: {  	s5 =	rddreg [dreg:$0x8];
	[sflag:s24] =	ssyncset.done $0x0  }
0x9a: {  	s7 =	rddreg [dreg:$0x7];
	[sflag:s24] =	ssyncadd.s32 $0xFFFFD800;
	s5 =	sadd.s32 $0x0, s5  }
0x9b: {  	[tilespmem:s31], [sflag:$0x2] =	stream.linear.gather [hbm4b:s5+s3], $0x50, $0x38;
	[tilespmem:$0x1E400] =	vst v63  }
0x9c: {  	s7 =	sadd.s32 $0x0, s7  }
0x9d: {  	[tilespmem:s22], [sflag:$0x2] =	stream.linear.gather [hbm4b:s7+s3], $0x50, $0x38;
	[tilespmem:$0x1E400] =	vst v63  }
0x9e: {  	_ =	swait.ge [sflag:s8], $0x50  }
0x9f: {  	[sflag:s8] =	ssyncset.done $0x0  }
0xa0: {  	[sflag:s8] =	ssyncadd.s32 $0xFFFFFFB0  }
0xa1: {  	_ =	swait.ge [sflag:s8], $0x50  }
0xa2: {  	[sflag:s8] =	ssyncset.done $0x0  }
0xa3: {  	[sflag:s8] =	ssyncadd.s32 $0xFFFFFFB0  }
0xa4: {  	[tilespmem:s2], [sflag:$0x5] =	stream.indirect.gather [hbm4b:s4+s9], $0x80, s3, s9, $0xb8;
	[tilespmem:$0x1E400] =	vst v63  }
0xa5: {  	_ =	swait.ge [sflag:s26], $0x2800  }
0xa6: {  	[sflag:s26] =	ssyncset.done $0x0  }
0xa7: {  	s22 =	simm.s32 $0x380;
	[sflag:s26] =	ssyncadd.s32 $0xFFFFD800  }
0xa8: {  	[spmem:s1] =	stream.indirect.scatter.add.f32 [tilespmem:s10], [sflag:$0xC], $0x80, s22, s9, $0xb8;
	[tilespmem:$0x1E400] =	vst v63  }
0xa9: {  	_ =	swait.ge [sflag:s28], $0x2800  }
0xaa: {  	s5 =	rddreg [dreg:$0x6];
	[sflag:s28] =	ssyncset.done $0x0  }
0xab: {  	s7 =	rddreg [dreg:$0x5];
	[sflag:s28] =	ssyncadd.s32 $0xFFFFD800;
	s5 =	sadd.s32 $0x0, s5  }
0xac: {  	[tilespmem:s15], [sflag:$0x3] =	stream.linear.gather [hbm4b:s5+s3], $0x50, $0x38;
	[tilespmem:$0x1E400] =	vst v63  }
0xad: {  	s7 =	sadd.s32 $0x0, s7  }
0xae: {  	[tilespmem:s11], [sflag:$0x3] =	stream.linear.gather [hbm4b:s7+s3], $0x50, $0x38;
	[tilespmem:$0x1E400] =	vst v63  }
0xaf: {  	_ =	swait.ge [sflag:s12], $0x50  }
0xb0: {  	[sflag:s12] =	ssyncset.done $0x0  }
0xb1: {  	[sflag:s12] =	ssyncadd.s32 $0xFFFFFFB0  }
0xb2: {  	_ =	swait.ge [sflag:s12], $0x50  }
0xb3: {  	[sflag:s12] =	ssyncset.done $0x0  }
0xb4: {  	[sflag:s12] =	ssyncadd.s32 $0xFFFFFFB0  }
0xb5: {  	[tilespmem:s18], [sflag:$0x6] =	stream.indirect.gather [hbm4b:s4+s9], $0x80, s31, s9, $0xb8;
	[tilespmem:$0x1E400] =	vst v63  }
0xb6: {  	_ =	swait.ge [sflag:s14], $0x2800  }
0xb7: {  	[sflag:s14] =	ssyncset.done $0x0  }
0xb8: {  	[sflag:s14] =	ssyncadd.s32 $0xFFFFD800  }
0xb9: {  	[spmem:s1] =	stream.indirect.scatter.add.f32 [tilespmem:s2], [sflag:$0x9], $0x80, s13, s9, $0xb8;
	[tilespmem:$0x1E400] =	vst v63  }
0xba: {  	_ =	swait.ge [sflag:s25], $0x2800  }
0xbb: {  	s13 =	rddreg [dreg:$0x4];
	[sflag:s25] =	ssyncset.done $0x0  }
0xbc: {  	s14 =	rddreg [dreg:$0x3];
	[sflag:s25] =	ssyncadd.s32 $0xFFFFD800;
	s5 =	sadd.s32 $0x0, s13  }
0xbd: {  	[tilespmem:s30], [sflag:$0x4] =	stream.linear.gather [hbm4b:s5+s3], $0x50, $0x38;
	[tilespmem:$0x1E400] =	vst v63  }
0xbe: {  	s22 =	simm.s32 $0x380;
	s31 =	sadd.s32 $0x0, s14  }
0xbf: {  	[tilespmem:s22], [sflag:$0x4] =	stream.linear.gather [hbm4b:s31+s3], $0x50, $0x38;
	[tilespmem:$0x1E400] =	vst v63  }
0xc0: {  	_ =	swait.ge [sflag:s17], $0x50  }
0xc1: {  	[sflag:s17] =	ssyncset.done $0x0  }
0xc2: {  	[sflag:s17] =	ssyncadd.s32 $0xFFFFFFB0  }
0xc3: {  	_ =	swait.ge [sflag:s17], $0x50  }
0xc4: {  	[sflag:s17] =	ssyncset.done $0x0  }
0xc5: {  	[sflag:s17] =	ssyncadd.s32 $0xFFFFFFB0  }
0xc6: {  	[tilespmem:s16], [sflag:$0x7] =	stream.indirect.gather [hbm4b:s4+s9], $0x80, s15, s9, $0xb8;
	[tilespmem:$0x1E400] =	vst v63  }
0xc7: {  	_ =	swait.ge [sflag:s19], $0x2800  }
0xc8: {  	s7 =	simm.s32 $0x28;
	s2 =	simm.s32 $0x400;
	[sflag:s19] =	ssyncset.done $0x0  }
0xc9: {  	s30 =	sadd.s32 $0x140, s0;
	s0 =	smov.u32 s6;
	[sflag:s19] =	ssyncadd.s32 $0xFFFFD800  }
.LBB2_4:
0xca: {  	s11 =	simm.s32 $0x280  }
0xcb: {  	[spmem:s1] =	stream.indirect.scatter.add.f32 [tilespmem:s18], [sflag:$0xA], $0x80, s11, s9, $0xb8;
	[tilespmem:$0x1E400] =	vst v63  }
0xcc: {  	_ =	swait.ge [sflag:s20], $0x2800  }
0xcd: {  	s6 =	sshrl.u32 s30, $0x3;
	[sflag:s20] =	ssyncset.done $0x0  }
0xce: {  	s31 =	smov.u32 s29;
	s29 =	sadd.s32 s29, s6;
	[sflag:s20] =	ssyncadd.s32 $0xFFFFD800  }
0xcf: {  	[tilespmem:s3], [sflag:$0x1] =	stream.linear.gather [hbm4b:s29+s3], $0x50, $0x38;
	[tilespmem:$0x1E400] =	vst v63  }
0xd0: {  	s13 =	simm.s32 $0x200;
	s6 =	sadd.s32 s0, s6  }
0xd1: {  	[tilespmem:s13], [sflag:$0x1] =	stream.linear.gather [hbm4b:s6+s3], $0x50, $0x38;
	[tilespmem:$0x1E400] =	vst v63  }
0xd2: {  	_ =	swait.ge [sflag:s21], $0x50  }
0xd3: {  	[sflag:s21] =	ssyncset.done $0x0  }
0xd4: {  	[sflag:s21] =	ssyncadd.s32 $0xFFFFFFB0  }
0xd5: {  	_ =	swait.ge [sflag:s21], $0x50  }
0xd6: {  	[sflag:s21] =	ssyncset.done $0x0  }
0xd7: {  	s20 =	simm.s32 $0x180;
	[sflag:s21] =	ssyncadd.s32 $0xFFFFFFB0  }
0xd8: {  	[tilespmem:s10], [sflag:$0x8] =	stream.indirect.gather [hbm4b:s4+s9], $0x80, s20, s9, $0xb8;
	[tilespmem:$0x1E400] =	vst v63  }
0xd9: {  	_ =	swait.ge [sflag:s23], $0x2800  }
0xda: {  	[sflag:s23] =	ssyncset.done $0x0  }
0xdb: {  	s14 =	simm.s32 $0x300;
	[sflag:s23] =	ssyncadd.s32 $0xFFFFD800  }
0xdc: {  	[spmem:s1] =	stream.indirect.scatter.add.f32 [tilespmem:s16], [sflag:$0xB], $0x80, s14, s9, $0xb8;
	[tilespmem:$0x1E400] =	vst v63  }
0xdd: {  	s5 =	smov.u32 s7;
	_ =	swait.ge [sflag:s24], $0x2800  }
0xde: {  	s15 =	simm.s32 $0x80;
	s22 =	rddreg [dreg:$0x8];
	[sflag:s24] =	ssyncset.done $0x0  }
0xdf: {  	s29 =	rddreg [dreg:$0x7];
	[sflag:s24] =	ssyncadd.s32 $0xFFFFD800;
	s6 =	sadd.s32 s5, s22  }
0xe0: {  	[tilespmem:s15], [sflag:$0x2] =	stream.linear.gather [hbm4b:s6+s3], $0x50, $0x38;
	[tilespmem:$0x1E400] =	vst v63  }
0xe1: {  	s23 =	sadd.s32 s5, s29  }
0xe2: {  	[tilespmem:s11], [sflag:$0x2] =	stream.linear.gather [hbm4b:s23+s3], $0x50, $0x38;
	[tilespmem:$0x1E400] =	vst v63  }
0xe3: {  	_ =	swait.ge [sflag:s8], $0x50  }
0xe4: {  	[sflag:s8] =	ssyncset.done $0x0  }
0xe5: {  	[sflag:s8] =	ssyncadd.s32 $0xFFFFFFB0  }
0xe6: {  	_ =	swait.ge [sflag:s8], $0x50  }
0xe7: {  	[sflag:s8] =	ssyncset.done $0x0  }
0xe8: {  	[sflag:s8] =	ssyncadd.s32 $0xFFFFFFB0  }
0xe9: {  	[tilespmem:s2], [sflag:$0x5] =	stream.indirect.gather [hbm4b:s4+s9], $0x80, s3, s9, $0xb8;
	[tilespmem:$0x1E400] =	vst v63  }
0xea: {  	_ =	swait.ge [sflag:s26], $0x2800  }
0xeb: {  	[sflag:s26] =	ssyncset.done $0x0  }
0xec: {  	s19 =	simm.s32 $0x380;
	[sflag:s26] =	ssyncadd.s32 $0xFFFFD800  }
0xed: {  	[spmem:s1] =	stream.indirect.scatter.add.f32 [tilespmem:s10], [sflag:$0xC], $0x80, s19, s9, $0xb8;
	[tilespmem:$0x1E400] =	vst v63  }
0xee: {  	_ =	swait.ge [sflag:s28], $0x2800  }
0xef: {  	s23 =	simm.s32 $0x100;
	s11 =	rddreg [dreg:$0x6];
	[sflag:s28] =	ssyncset.done $0x0  }
0xf0: {  	s29 =	rddreg [dreg:$0x5];
	[sflag:s28] =	ssyncadd.s32 $0xFFFFD800;
	s6 =	sadd.s32 s5, s11  }
0xf1: {  	[tilespmem:s23], [sflag:$0x3] =	stream.linear.gather [hbm4b:s6+s3], $0x50, $0x38;
	[tilespmem:$0x1E400] =	vst v63  }
0xf2: {  	s6 =	sadd.s32 s5, s29  }
0xf3: {  	[tilespmem:s14], [sflag:$0x3] =	stream.linear.gather [hbm4b:s6+s3], $0x50, $0x38;
	[tilespmem:$0x1E400] =	vst v63  }
0xf4: {  	_ =	swait.ge [sflag:s12], $0x50  }
0xf5: {  	[sflag:s12] =	ssyncset.done $0x0  }
0xf6: {  	[sflag:s12] =	ssyncadd.s32 $0xFFFFFFB0  }
0xf7: {  	_ =	swait.ge [sflag:s12], $0x50  }
0xf8: {  	[sflag:s12] =	ssyncset.done $0x0  }
0xf9: {  	s14 =	simm.s32 $0x5;
	[sflag:s12] =	ssyncadd.s32 $0xFFFFFFB0  }
0xfa: {  	[tilespmem:s18], [sflag:$0x6] =	stream.indirect.gather [hbm4b:s4+s9], $0x80, s15, s9, $0xb8;
	[tilespmem:$0x1E400] =	vst v63  }
0xfb: {  	_ =	swait.ge [sflag:s14], $0x2800  }
0xfc: {  	[sflag:s14] =	ssyncset.done $0x0  }
0xfd: {  	[sflag:s14] =	ssyncadd.s32 $0xFFFFD800  }
0xfe: {  	[spmem:s1] =	stream.indirect.scatter.add.f32 [tilespmem:s2], [sflag:$0x9], $0x80, s13, s9, $0xb8;
	[tilespmem:$0x1E400] =	vst v63  }
0xff: {  	_ =	swait.ge [sflag:s25], $0x2800  }
0x100: {  	s15 =	rddreg [dreg:$0x4];
	[sflag:s25] =	ssyncset.done $0x0  }
0x101: {  	s29 =	rddreg [dreg:$0x3];
	[sflag:s25] =	ssyncadd.s32 $0xFFFFD800;
	s6 =	sadd.s32 s5, s15  }
0x102: {  	[tilespmem:s20], [sflag:$0x4] =	stream.linear.gather [hbm4b:s6+s3], $0x50, $0x38;
	[tilespmem:$0x1E400] =	vst v63  }
0x103: {  	s5 =	sadd.s32 s5, s29  }
0x104: {  	[tilespmem:s19], [sflag:$0x4] =	stream.linear.gather [hbm4b:s5+s3], $0x50, $0x38;
	[tilespmem:$0x1E400] =	vst v63  }
0x105: {  	_ =	swait.ge [sflag:s17], $0x50  }
0x106: {  	[sflag:s17] =	ssyncset.done $0x0  }
0x107: {  	[sflag:s17] =	ssyncadd.s32 $0xFFFFFFB0  }
0x108: {  	p0 =	sne.s32 s7, $0x488;
	s7 =	sadd.s32 $0x28, s7;
	_ =	swait.ge [sflag:s17], $0x50  }
0x109: {  	s30 =	sadd.s32 $0x140, s30;
	s22 =	simm.s32 $0x280;
	[sflag:s17] =	ssyncset.done $0x0  }
.Ltmp1:
0x10a: {  	s19 =	simm.s32 $0x6;
	[sflag:s17] =	ssyncadd.s32 $0xFFFFFFB0;
	(pc) =	sbr.rel @p0 .LBB2_4-.Ltmp1, $4  }
0x10b: {  	[tilespmem:s16], [sflag:$0x7] =	stream.indirect.gather [hbm4b:s4+s9], $0x80, s23, s9, $0xb8;
	[tilespmem:$0x1E400] =	vst v63  }
0x10c: {  	s11 =	simm.s32 $0x300;
	s13 =	simm.s32 $0x380;
	_ =	swait.ge [sflag:s19], $0x2800  }
0x10d: {  	s15 =	simm.s32 $0x180;
	s29 =	smov.u32 s31;
	[sflag:s19] =	ssyncset.done $0x0  }
0x10e: {  	s20 =	simm.s32 $0x9;
	s23 =	simm.s32 $0x7;
	[sflag:s19] =	ssyncadd.s32 $0xFFFFD800  }
0x10f: {  	[spmem:s1] =	stream.indirect.scatter.add.f32 [tilespmem:s18], [sflag:$0xA], $0x80, s22, s9, $0xb8;
	[tilespmem:$0x1E400] =	vst v63  }
0x110: {  	_ =	swait.ge [sflag:s20], $0x2800  }
0x111: {  	[sflag:s20] =	ssyncset.done $0x0  }
0x112: {  	s5 =	rddreg [dreg:$0x17];
	[sflag:s20] =	ssyncadd.s32 $0xFFFFD800  }
0x113: {  	[tilespmem:s3], [sflag:$0x1] =	stream.linear.gather [hbm4b:s5+s3], $0x50, $0x38;
	[tilespmem:$0x1E400] =	vst v63  }
0x114: {  	s6 =	simm.s32 $0x200;
	s7 =	rddreg [dreg:$0x18]  }
0x115: {  	[tilespmem:s6], [sflag:$0x1] =	stream.linear.gather [hbm4b:s7+s3], $0x50, $0x38;
	[tilespmem:$0x1E400] =	vst v63  }
0x116: {  	_ =	swait.ge [sflag:s21], $0x50  }
0x117: {  	[sflag:s21] =	ssyncset.done $0x0  }
0x118: {  	[sflag:s21] =	ssyncadd.s32 $0xFFFFFFB0  }
0x119: {  	_ =	swait.ge [sflag:s21], $0x50  }
0x11a: {  	[sflag:s21] =	ssyncset.done $0x0  }
0x11b: {  	[sflag:s21] =	ssyncadd.s32 $0xFFFFFFB0  }
0x11c: {  	[tilespmem:s10], [sflag:$0x8] =	stream.indirect.gather [hbm4b:s4+s9], $0x80, s15, s9, $0xb8;
	[tilespmem:$0x1E400] =	vst v63  }
0x11d: {  	_ =	swait.ge [sflag:s23], $0x2800  }
0x11e: {  	[sflag:s23] =	ssyncset.done $0x0  }
0x11f: {  	[sflag:s23] =	ssyncadd.s32 $0xFFFFD800  }
0x120: {  	[spmem:s1] =	stream.indirect.scatter.add.f32 [tilespmem:s16], [sflag:$0xB], $0x80, s11, s9, $0xb8;
	[tilespmem:$0x1E400] =	vst v63  }
0x121: {  	_ =	swait.ge [sflag:s8], $0x50  }
0x122: {  	[sflag:s8] =	ssyncset.done $0x0  }
0x123: {  	[sflag:s8] =	ssyncadd.s32 $0xFFFFFFB0  }
0x124: {  	_ =	swait.ge [sflag:s8], $0x50  }
0x125: {  	[sflag:s8] =	ssyncset.done $0x0  }
0x126: {  	[sflag:s8] =	ssyncadd.s32 $0xFFFFFFB0  }
0x127: {  	[tilespmem:s2], [sflag:$0x5] =	stream.indirect.gather [hbm4b:s4+s9], $0x80, s3, s9, $0xb8;
	[tilespmem:$0x1E400] =	vst v63  }
0x128: {  	_ =	swait.ge [sflag:s26], $0x2800  }
0x129: {  	[sflag:s26] =	ssyncset.done $0x0  }
0x12a: {  	[sflag:s26] =	ssyncadd.s32 $0xFFFFD800  }
0x12b: {  	[spmem:s1] =	stream.indirect.scatter.add.f32 [tilespmem:s10], [sflag:$0xC], $0x80, s13, s9, $0xb8;
	[tilespmem:$0x1E400] =	vst v63  }
0x12c: {  	_ =	swait.ge [sflag:s14], $0x2800  }
0x12d: {  	[sflag:s14] =	ssyncset.done $0x0  }
0x12e: {  	[sflag:s14] =	ssyncadd.s32 $0xFFFFD800  }
0x12f: {  	[spmem:s1] =	stream.indirect.scatter.add.f32 [tilespmem:s2], [sflag:$0x9], $0x80, s6, s9, $0xb8;
	[tilespmem:$0x1E400] =	vst v63  }
0x130: {  	_ =	swait.ge [sflag:s24], $0x2800  }
0x131: {  	[sflag:s24] =	ssyncset.done $0x0  }
0x132: {  	[sflag:s24] =	ssyncadd.s32 $0xFFFFD800  }
0x133: {  	_ =	swait.ge [sflag:s28], $0x2800  }
0x134: {  	[sflag:s28] =	ssyncset.done $0x0  }
0x135: {  	[sflag:s28] =	ssyncadd.s32 $0xFFFFD800  }
0x136: {  	_ =	swait.ge [sflag:s25], $0x2800  }
0x137: {  	[sflag:s25] =	ssyncset.done $0x0  }
0x138: {  	[sflag:s25] =	ssyncadd.s32 $0xFFFFD800  }
0x139: {  	_ =	swait.ge [sflag:s20], $0x2800  }
0x13a: {  	[sflag:s20] =	ssyncset.done $0x0  }
0x13b: {  	[sflag:s20] =	ssyncadd.s32 $0xFFFFD800  }
0x13c: {  	s11 =	stileid.u32;
	[bflag:$0x0] =	sbarrier.arrive $0xFFFF  }
0x13d: {  	s31 =	simm.s32 $0xD;
	s5 =	sshll.u32 s11, $0x6;
	s30 =	rddreg [dreg:$0x9]  }
0x13e: {  	s5 =	sor.u32 $0x1C0D, s5;
	s7 =	rddreg [dreg:$0x19];
	s13 =	sshrl.u32 s30, $0x3  }
0x13f: {  	[hbm:s7], [sflag:s5] =	dma.local [spmem:s13], $0x2800  }
0x140: {  	_ =	swait.ge [sflag:s31], $0x2800  }
0x141: {  	s15 =	rddreg [dreg:$0x1e]  }
0x142: {  	s22 =	rddreg [dreg:$0x1a];
	s7 =	sadd.s32 $0x1, s15  }
0x143: {  	p0 =	sne.s32 s7, s22  }
.Ltmp2:
0x144: {  	_ = 	snop;
	(pc) =	sbr.rel @p0 .LBB2_1-.Ltmp2, $3  }
0x145: {  	_ =	sdelay $0x1  }
0x146: {  	[sflag:s31] =	ssyncset.done $0x0  }
0x147: {  	s10 =	smov.u32 s0;
	s2 =	simm.s32 $0x400;
	[sflag:s31] =	ssyncadd.s32 $0xFFFFD800  }
0x148: {  	_ =	sfence.sel $0x180000  }
0x149: {  	[bflag:$0x0] =	sbarrier.arrive $0xFFFF  }
0x14a: {  	_ =	strace $0x9000004D  }
0x14b: {  	s0 =	stileid.u32;
	[bflag:$0x2] =	sbarrier.arrive $0xFFFF  }
0x14c: {  	p0 =	sne.s32 s0, $0x0;
	s0 =	rddreg [dreg:$0x2]  }
0x14d: {  	s0 =	sadd.s32 @!p0 $0x100000, s0  }
0x14e: {  	[sflag:s0] =	ssyncadd.tile.s32 @!p0 $0x1;
	_ =	shalt  }
.Lfunc_end2:
_tile_overlayer_lowered:
.L_overlay_start_2:
0x14f: {  	(tag) =	ssettag $0x2  }
0x150: {  	s0 =	rddreg [dreg:$0x0];
	s2 =	stileid.u32  }
0x151: {  	s1 =	rddreg [dreg:$0x1];
	p0 =	sne.s32 s2, $0x0  }
0x152: {  	s3 =	rddreg [dreg:$0x2];
	[bflag:$0x3] =	sbarrier.arrive $0xFFFF;
	s2 =	simm.s32 @!p0 $0x1C0D  }
0x153: {  	[timem:s3], [sflag:s2] =	dma.local @!p0 [hbm:s0], s1  }
0x154: {  	s0 =	simm.s32 @!p0 $0xD  }
0x155: {  	_ =	swait.ge @!p0 [sflag:s0], s1  }
0x156: {  	s1 =	ssub.s32 @!p0 $0x0, s1;
	[sflag:s0] =	ssyncset.done @!p0 $0x0  }
0x157: {  	[sflag:s0] =	ssyncadd.s32 @!p0 s1  }
0x158: {  	[bflag:$0x3] =	sbarrier.arrive $0xFFFF  }
0x159: {  	_ =	shalt  }

// kernel: kernel.20.cloned.1.call-start
scs
__scs_entry_jumppad:
0x0: {  	(pc) =	sbr.rel $0x88, $3  }
0x1: {  	(tag) =	ssettag $0x0;
	lr =	simm.s32 $0x1  }
0x2: {  	[smem:$0x3F8C] =	sst lr;
	_ =	strace $0xD0000000  }
0x3: {  	_ = 	snop  }
0x4: {  	_ = 	snop  }
0x5: {  	_ = 	snop  }
0x6: {  	_ = 	snop  }
0x7: {  	_ = 	snop  }
__scs_overlays_trampoline_lowered:
0x8: {  	[smem:$0x3F9B] =	sst s0  }
0x9: {  	[smem:$0x3F9C] =	sst s1  }
0xa: {  	[smem:$0x3F9D] =	sst s2  }
0xb: {  	[smem:$0x3F9E] =	sst s3  }
0xc: {  	[smem:$0x3F9F] =	sst s4  }
0xd: {  	[smem:$0x3FA0] =	sst s5  }
0xe: {  	[smem:$0x3FA1] =	sst s6  }
0xf: {  	[smem:$0x3FA2] =	sst s7  }
0x10: {  	[smem:$0x3FA3] =	sst s8  }
0x11: {  	[smem:$0x3FA4] =	sst s9;
	s0 =	simm.s32 @!p0 $0x0  }
0x12: {  	s1 =	sld [smem:$0x3F8A];
	s0 =	simm.s32 @p0 $0x1  }
0x13: {  	[smem:$0x3FA5] =	sst s0;
	s0 =	simm.s32 @!p1 $0x0  }
0x14: {  	s2 =	sld [smem:$0x3F89];
	s0 =	simm.s32 @p1 $0x1  }
0x15: {  	[smem:$0x3FA6] =	sst s0;
	s0 =	simm.s32 @!p2 $0x0  }
0x16: {  	s3 =	sld [smem:$0x3FDB];
	s0 =	simm.s32 @p2 $0x1  }
0x17: {  	s4 =	simm.s32 $0x1BF5;
	[smem:$0x3FA8] =	sst s0  }
0x18: {  	s0 =	sld [smem:$0x3F8B];
	_ =	swait.ge [sflag:s4], $0x0  }
0x19: {  	s7 =	sld [smem:$0x3F8C]  }
0x1a: {  	s8 =	sadd.s32 $0xFFFFE003, lr  }
0x1b: {  	s9 =	sadd.s32 $0xFFFFFEF7, lr;
	s5 =	simm.s32 $0xFFFFFFFF;
	p2 =	slt.u32 s8, $0xFFFFF086  }
0x1c: {  	p1 =	slt.u32 s9, $0xF7A;
	s5 =	simm.s32 @!p2 $0x0  }
0x1d: {  	s5 =	simm.s32 @p1 $0x1;
	p0 =	seq.s32 s7, s2  }
0x1e: {  	s7 =	smul.u32 @!p0 $0xF7A, s2;
	p2 =	seq.s32 @!p0 s5, $0x0  }
0x1f: {  	s9 =	smul.u32 $0xF7A, s1;
	s8 =	simm.s32 @!p0 $0x1BF5;
	p2 =	por !p2, p0  }
0x20: {  	[sflag:s8] =	ssyncset.s32 @!p0 $0xFFFFF086;
	s6 =	sadd.s32 @!p0 s3, s7;
	s7 =	simm.s32 @!p0 $0x108  }
0x21: {  	s3 =	sadd.s32 s3, s9;
	s6 =	sadd.s32 @!p0 $0x88, s6;
	s7 =	simm.s32 @p2 $0x1082  }
0x22: {  	[simem:s7], [sflag:s8] =	dma.local @!p0 [hbm:s6], $0xF7A  }
0x23: {  	s9 =	sor.u32 $0xD0000000, s2;
	s6 =	simm.s32 $0x108;
	_ =	swait.ge @!p0 [sflag:s8], $0x0  }
0x24: {  	s3 =	sadd.s32 $0x88, s3;
	s6 =	simm.s32 @!p1 $0x1082;
	[sflag:s4] =	ssyncset.s32 $0xFFFFF086  }
0x25: {  	[simem:s6], [sflag:s4] =	dma.local [hbm:s3], $0xF7A  }
0x26: {  	[smem:$0x3F8C] =	sst s1;
	(tag) =	ssettag s2;
	_ =	strace s9  }
0x27: {  	s1 =	sld [smem:$0x3F9C]  }
0x28: {  	s2 =	sld [smem:$0x3F9D]  }
0x29: {  	s4 =	sld [smem:$0x3F9F]  }
0x2a: {  	p0 =	seq.s32 s5, $0x0;
	s5 =	sld [smem:$0x3FA0]  }
0x2b: {  	s6 =	sld [smem:$0x3FA1]  }
0x2c: {  	s7 =	sld [smem:$0x3FA2]  }
0x2d: {  	s3 =	simm.s32 $0x108;
	s8 =	sld [smem:$0x3FA3]  }
0x2e: {  	s3 =	simm.s32 @!p0 $0x1082;
	s9 =	sld [smem:$0x3FA4]  }
0x2f: {  	lr =	sadd.s32 s0, s3;
	s0 =	sld [smem:$0x3F9B]  }
0x30: {  	s3 =	sld [smem:$0x3F9E]  }
0x31: {  	[smem:$0x3FA7] =	sst s10  }
0x32: {  	s10 =	sld [smem:$0x3FA5];
	_ =	sdelay $0x3  }
0x33: {  	p0 =	seq.s32 s10, $0x1;
	s10 =	sld [smem:$0x3FA7];
	_ =	sdelay $0x3  }
0x34: {  	[smem:$0x3FA7] =	sst s10  }
0x35: {  	s10 =	sld [smem:$0x3FA6];
	_ =	sdelay $0x3  }
0x36: {  	p1 =	seq.s32 s10, $0x1;
	s10 =	sld [smem:$0x3FA7];
	_ =	sdelay $0x3  }
0x37: {  	[smem:$0x3FA7] =	sst s10  }
0x38: {  	s10 =	sld [smem:$0x3FA8]  }
0x39: {  	_ = 	snop;
	(pc) =	sbr.ind lr, $3  }
0x3a: {  	_ = 	snop  }
0x3b: {  	_ = 	snop  }
0x3c: {  	p2 =	seq.s32 s10, $0x1;
	s10 =	sld [smem:$0x3FA7]  }
0x3d: {  	_ =	shalt  }
0x3e: {  	_ =	shalt  }
0x3f: {  	_ =	shalt  }
0x40: {  	_ =	shalt  }
0x41: {  	_ =	shalt  }
0x42: {  	_ =	shalt  }
0x43: {  	_ =	shalt  }
0x44: {  	_ =	shalt  }
0x45: {  	_ =	shalt  }
0x46: {  	_ =	shalt  }
0x47: {  	_ =	shalt  }
0x48: {  	_ =	shalt  }
0x49: {  	_ =	shalt  }
0x4a: {  	_ =	shalt  }
0x4b: {  	_ =	shalt  }
0x4c: {  	_ =	shalt  }
0x4d: {  	_ =	shalt  }
0x4e: {  	_ =	shalt  }
0x4f: {  	_ =	shalt  }
0x50: {  	_ =	shalt  }
0x51: {  	_ =	shalt  }
0x52: {  	_ =	shalt  }
0x53: {  	_ =	shalt  }
0x54: {  	_ =	shalt  }
0x55: {  	_ =	shalt  }
0x56: {  	_ =	shalt  }
0x57: {  	_ =	shalt  }
0x58: {  	_ =	shalt  }
0x59: {  	_ =	shalt  }
0x5a: {  	_ =	shalt  }
0x5b: {  	_ =	shalt  }
0x5c: {  	_ =	shalt  }
0x5d: {  	_ =	shalt  }
0x5e: {  	_ =	shalt  }
0x5f: {  	_ =	shalt  }
0x60: {  	_ =	shalt  }
0x61: {  	_ =	shalt  }
0x62: {  	_ =	shalt  }
0x63: {  	_ =	shalt  }
0x64: {  	_ =	shalt  }
0x65: {  	_ =	shalt  }
0x66: {  	_ =	shalt  }
0x67: {  	_ =	shalt  }
0x68: {  	_ =	shalt  }
0x69: {  	_ =	shalt  }
0x6a: {  	_ =	shalt  }
0x6b: {  	_ =	shalt  }
0x6c: {  	_ =	shalt  }
0x6d: {  	_ =	shalt  }
0x6e: {  	_ =	shalt  }
0x6f: {  	_ =	shalt  }
0x70: {  	_ =	shalt  }
0x71: {  	_ =	shalt  }
0x72: {  	_ =	shalt  }
0x73: {  	_ =	shalt  }
0x74: {  	_ =	shalt  }
0x75: {  	_ =	shalt  }
0x76: {  	_ =	shalt  }
0x77: {  	_ =	shalt  }
0x78: {  	_ =	shalt  }
0x79: {  	_ =	shalt  }
0x7a: {  	_ =	shalt  }
0x7b: {  	_ =	shalt  }
0x7c: {  	_ =	shalt  }
0x7d: {  	_ =	shalt  }
0x7e: {  	_ =	shalt  }
0x7f: {  	_ =	shalt  }
0x80: {  	_ =	shalt  }
0x81: {  	_ =	shalt  }
0x82: {  	_ =	shalt  }
0x83: {  	_ =	shalt  }
0x84: {  	_ =	shalt  }
0x85: {  	_ =	shalt  }
0x86: {  	_ =	shalt  }
0x87: {  	_ =	shalt  }
.Lfunc_end0:
.L_simem_size_0:
called_computation.3_lowered:
.L_overlay_start_0:
0x88: {  	s2 =	sld [smem:$0x3FD9]  }
0x89: {  	s3 =	sld [smem:$0x3FFE];
	_ =	sdelay $0x1  }
0x8a: {  	s1 =	srdreg.scid  }
0x8b: {  	s0 =	sand.u32 $0x1, s1  }
0x8c: {  	s16 =	sshll.u32 s0, $0xA;
	s2 =	sadd.s32 s3, s2  }
0x8d: {  	s2 =	sadd.s32 s2, s16  }
0x8e: {  	[smem:$0x3FB3] =	sst s2  }
0x8f: {  	_ = 	snop  }
0x90: {  	(tm) =	ssettm $0x1  }
0x91: {  	s17 =	sld [smem:$0x3FFB];
	_ =	sdelay $0x3  }
0x92: {  	_ =	strace s17  }
0x93: {  	s2 =	sld [smem:$0x3FFC];
	_ =	sdelay $0x3  }
0x94: {  	_ =	strace s2  }
0x95: {  	s2 =	sld [smem:$0x3FFD];
	_ =	sdelay $0x3  }
0x96: {  	_ =	strace s2  }
0x97: {  	_ =	strace $0x8FFFFFFF  }
0x98: {  	s18 =	sld [smem:$0x3FDB];
	_ =	sdelay $0x1  }
0x99: {  	s19 =	simm.s32 $_scs_section_size  }
0x9a: {  	s4 =	simm.s32 $_size__tile_overlayer_lowered;
	s5 =	simm.s32 $_tile_overlayer_lowered  }
0x9b: {  	s22 =	simm.s32 $0x1BFF;
	s21 =	sshll.u32 s5, $0x1;
	s2 =	sadd.s32 s19, s18  }
0x9c: {  	s6 =	simm.s32 $0x0;
	s20 =	sshll.u32 s4, $0x1;
	s4 =	sadd.s32 s21, s2  }
0x9d: {  	[timem:s6], [sflag:s22] =	dma.local [hbm:s4], s20  }
0x9e: {  	_ =	swait.ge [sflag:s22], s20  }
0x9f: {  	s3 =	ssub.s32 $0x0, s20;
	[sflag:s22] =	ssyncset.done $0x0  }
0xa0: {  	[sflag:s22] =	ssyncadd.s32 s3;
	_ =	sdelay $0x1  }
0xa1: {  	s23 =	simm.s32 $0x1B8B  }
0xa2: {  	_ =	swait.ge [sflag:s23], $0x1  }
0xa3: {  	[sflag:s23] =	ssyncset.done $0x0  }
0xa4: {  	s25 =	simm.s32 $0x1B8E;
	s24 =	sld [smem:$0x3FFE];
	[sflag:s23] =	ssyncadd.s32 $0xFFFFFFFF  }
0xa5: {  	s26 =	simm.s32 $execute0_lowered;
	[smem:$0x3FD2] =	sst s25  }
0xa6: {  	s4 =	sshll.u32 s26, $0x1;
	_ =	strace $0x8000004F;
	[dreg:$0x1] =	wrdreg $0xFFFFFFFF  }
0xa7: {  	s28 =	simm.s32 $_size_execute0_lowered;
	s2 =	sadd.s32 s2, s4;
	[dreg:$0x0] =	wrdreg $0x0  }
0xa8: {  	s4 =	sshll.u32 s28, $0x1;
	[dreg:$0x2] =	wrdreg s2  }
0xa9: {  	[dreg:$0x3] =	wrdreg s4  }
0xaa: {  	[dreg:$0x4] =	wrdreg $0xC0  }
0xab: {  	_ =	task [dreg:s6], $0x5FFFF  }
0xac: {  	[dreg:$0x1] =	wrdreg $0xFFFFFFFF  }
0xad: {  	[dreg:$0x0] =	wrdreg $0x60  }
0xae: {  	[dreg:$0x2] =	wrdreg s24  }
0xaf: {  	[dreg:$0x3] =	wrdreg $0xA4000  }
0xb0: {  	[dreg:$0x4] =	wrdreg $0x9  }
0xb1: {  	_ =	task.clear_ibuf [dreg:s6], $0x5FFFF;
	_ =	strace $0x9000004F  }
0xb2: {  	s29 =	simm.s32 $0x9;
	_ =	strace $0x80000051  }
0xb3: {  	_ =	swait.ge [sflag:s29], $0x1  }
0xb4: {  	[sflag:s29] =	ssyncadd.s32 $0xFFFFFFFF  }
0xb5: {  	_ =	strace $0x90000051  }
0xb6: {  	_ =	sfence  }
0xb7: {  	s30 =	sld [smem:$0x0];
	_ =	sdelay $0x2  }
0xb8: {  	s31 =	sshll.u32 s1, $0xD;
	s1 =	sshrl.u32 s1, $0x2  }
0xb9: {  	s3 =	sand.u32 $0x4000, s31;
	s1 =	sadd.s32 s1, s30  }
0xba: {  	s0 =	sor.u32 s3, s0;
	s1 =	sshll.u32 s1, $0x11  }
0xbb: {  	s0 =	sor.u32 s1, s0  }
0xbc: {  	s0 =	sadd.s32 $0x8F2B, s0  }
0xbd: {  	[sflag:s0] =	ssyncadd.remote.s32 $0x1  }
0xbe: {  	_ =	sfence.sel $0xFFFF  }
0xbf: {  	[dreg:$0x0] =	wrdreg $0xFFFFFFFF;
	(pc) =	sbr.abs _section_cstart, $3  }
0xc0: {  	[dreg:$0x1] =	wrdreg $0xFFFFFFFF  }
0xc1: {  	_ =	task.clear_ibuf [dreg:s6], $0x2FFFF;
	_ =	strace $0x9FFFFFFF  }
0xc2: {  	(tm) =	ssettm $0x7FFFFFFF  }
0xc3: {  	_ =	shalt  }
tec
execute0_lowered:
.L_overlay_start_1:
0x0: {  	(tag) =	ssettag $0x1  }
0x1: {  	s0 =	rddreg [dreg:$0x0]  }
0x2: {  	s1 =	rddreg [dreg:$0x1];
	s10 =	stileid.u32  }
0x3: {  	s2 =	srdreg.scid;
	s3 =	simm.s32 $0x0;
	s6 =	smul.u32 $0x14000, s10  }
0x4: {  	s31 =	simm.s32 $0xD;
	s28 =	simm.s32 $0xB;
	s7 =	smul.u32 $0x50000, s10  }
0x5: {  	s2 =	sand.u32 $0x1, s2;
	[smem:$0x7FF] =	sst s3;
	s14 =	smul.u32 $0x2710, s10  }
0x6: {  	s4 =	sadd.s32 $0x18600, s0;
	s29 =	sadd.s32 $0x4A00, s0;
	s5 =	smul.u32 $0x140000, s2  }
0x7: {  	_ =	strace $0x80000050;
	s11 =	ssub.s32 $0x2, s2;
	s8 =	sshll.u32 s2, $0x4  }
0x8: {  	s2 =	smul.u32 $0x27100, s2;
	s9 =	sshrl.u32 s11, $0x1;
	s8 =	sor.u32 s10, s8  }
0x9: {  	s7 =	sshrl.u32 s7, $0x2;
	s5 =	sadd.s32 s6, s5;
	s6 =	sadd.s32 $0xE800, s0  }
0xa: {  	s8 =	smul.u32 $0x2710, s8;
	s30 =	sadd.s32 s7, s1;
	s2 =	sadd.s32 s14, s2  }
0xb: {  	s5 =	sshrl.u32 s5, $0x3;
	s7 =	sadd.s32 $0x2800, s30;
	[dreg:$0x9] =	wrdreg s30  }
0xc: {  	s12 =	sadd.s32 $0x5000, s30;
	s13 =	sadd.s32 $0x7800, s30;
	[dreg:$0xa] =	wrdreg s7  }
0xd: {  	s15 =	sadd.s32 $0xA000, s30;
	s16 =	sadd.s32 $0xC800, s30;
	[dreg:$0xb] =	wrdreg s12  }
0xe: {  	s22 =	sadd.s32 $0x230, s2;
	s26 =	sadd.s32 $0x1E0, s2;
	[dreg:$0xc] =	wrdreg s13  }
0xf: {  	s14 =	sadd.s32 $0x190, s2;
	s7 =	sshrl.u32 s8, $0x3;
	[dreg:$0xd] =	wrdreg s15  }
0x10: {  	[dreg:$0xe] =	wrdreg s16;
	s12 =	sshrl.u32 s26, $0x3;
	s26 =	sadd.s32 $0x11800, s30  }
0x11: {  	s10 =	smov.u32 s6;
	s17 =	sadd.s32 s29, s7;
	[dreg:$0x1d] =	wrdreg s26  }
0x12: {  	s24 =	sshrl.u32 s22, $0x3;
	s18 =	sadd.s32 s6, s7;
	[dreg:$0xf] =	wrdreg s17  }
0x13: {  	s0 =	sadd.s32 s5, s0;
	s25 =	sadd.s32 s24, s6;
	[dreg:$0x10] =	wrdreg s18  }
0x14: {  	s5 =	ssub.s32 s11, s9;
	s11 =	sadd.s32 s24, s29;
	[dreg:$0x3] =	wrdreg s25  }
0x15: {  	s16 =	sshrl.u32 s14, $0x3;
	s13 =	sadd.s32 s12, s6;
	[dreg:$0x4] =	wrdreg s11  }
0x16: {  	s14 =	simm.s32 $0x5;
	s15 =	sadd.s32 s12, s29;
	[dreg:$0x5] =	wrdreg s13  }
0x17: {  	s19 =	sadd.s32 $0xA, s7;
	s0 =	sadd.s32 $0x3F800, s0;
	[dreg:$0x6] =	wrdreg s15  }
0x18: {  	s21 =	sadd.s32 $0x14, s7;
	s24 =	sadd.s32 $0x140, s2;
	[dreg:$0x19] =	wrdreg s0  }
0x19: {  	s2 =	simm.s32 $0x400;
	s20 =	sadd.s32 s29, s19;
	[dreg:$0x1b] =	wrdreg s24  }
0x1a: {  	s12 =	simm.s32 $0x2;
	s9 =	sadd.s32 s6, s19;
	[dreg:$0x11] =	wrdreg s20  }
0x1b: {  	s26 =	simm.s32 $0x8;
	s23 =	sadd.s32 s29, s21;
	[dreg:$0x12] =	wrdreg s9  }
0x1c: {  	s8 =	sadd.s32 s6, s21;
	s17 =	sadd.s32 $0x1E, s7;
	[dreg:$0x13] =	wrdreg s23  }
0x1d: {  	s18 =	sadd.s32 s16, s6;
	s7 =	sadd.s32 $0x4D8, s7;
	[dreg:$0x14] =	wrdreg s8  }
0x1e: {  	s25 =	sadd.s32 $0xF000, s30;
	s24 =	simm.s32 $0xA;
	[dreg:$0x7] =	wrdreg s18  }
0x1f: {  	s19 =	sadd.s32 s29, s17;
	s20 =	sadd.s32 s16, s29;
	[dreg:$0x1c] =	wrdreg s25  }
0x20: {  	s21 =	sadd.s32 s6, s17;
	s22 =	sadd.s32 s29, s7;
	[dreg:$0x15] =	wrdreg s19  }
0x21: {  	s7 =	sadd.s32 s6, s7;
	s23 =	smax.u32 s5, $0x1;
	[dreg:$0x16] =	wrdreg s21  }
0x22: {  	s8 =	simm.s32 $0x1;
	s9 =	simm.s32 $0x50;
	[dreg:$0x8] =	wrdreg s20  }
0x23: {  	s17 =	simm.s32 $0x3;
	s25 =	simm.s32 $0xC;
	[dreg:$0x17] =	wrdreg s22  }
0x24: {  	s18 =	simm.s32 $0x2C00;
	s16 =	simm.s32 $0x5400;
	[dreg:$0x18] =	wrdreg s7  }
0x25: {  	[dreg:$0x1a] =	wrdreg s23;
	s19 =	simm.s32 $0x6;
	s20 =	simm.s32 $0x9  }
0x26: {  	v0 =	vimm.f32 $0.0e+00;
	s21 =	simm.s32 $0x4;
	s23 =	simm.s32 $0x7;
	s7 =	simm.s32 $0x0  }
.LBB2_1:
0x27: {  	[dreg:$0x1e] =	wrdreg s7;
	s5 =	simm.s32 $0x0;
	s7 =	simm.s32 $0x200  }
.LBB2_2:
0x28: {  	p0 =	sne.s32 s7, $0x9E00;
	[tilespmem:s5+$0x470] =	vst v0  }
0x29: {  	[tilespmem:s5+$0x400] =	vst v0  }
0x2a: {  	[tilespmem:s5+$0x410] =	vst v0  }
.Ltmp0:
0x2b: {  	[tilespmem:s5+$0x420] =	vst v0;
	(pc) =	sbr.rel @p0 .LBB2_2-.Ltmp0, $4  }
0x2c: {  	[tilespmem:s5+$0x430] =	vst v0  }
0x2d: {  	[tilespmem:s5+$0x440] =	vst v0  }
0x2e: {  	[tilespmem:s5+$0x450] =	vst v0  }
0x2f: {  	[tilespmem:s5+$0x460] =	vst v0;
	s5 =	sshra.s32 s7, $0x2;
	s7 =	sadd.s32 $0x200, s7  }
0x30: {  	[tilespmem:s5+$0x470] =	vst v0  }
0x31: {  	[tilespmem:s5+$0x400] =	vst v0  }
0x32: {  	[tilespmem:s5+$0x410] =	vst v0  }
0x33: {  	[tilespmem:s5+$0x420] =	vst v0  }
0x34: {  	[tilespmem:s5+$0x430] =	vst v0  }
0x35: {  	[tilespmem:s5+$0x440] =	vst v0  }
0x36: {  	[tilespmem:s5+$0x450] =	vst v0  }
0x37: {  	[tilespmem:s5+$0x460] =	vst v0  }
0x38: {  	[spmem:s30] =	stream.linear.scatter [tilespmem:s2], [sflag:$0xD], $0x2800, $0x38;
	[tilespmem:$0x1E400] =	vst v63  }
0x39: {  	_ =	swait.ge [sflag:s31], $0x2800  }
0x3a: {  	[sflag:s31] =	ssyncset.done $0x0  }
0x3b: {  	s0 =	rddreg [dreg:$0xa];
	[sflag:s31] =	ssyncadd.s32 $0xFFFFD800  }
0x3c: {  	[spmem:s0] =	stream.linear.scatter [tilespmem:s2], [sflag:$0xD], $0x2800, $0x38;
	[tilespmem:$0x1E400] =	vst v63  }
0x3d: {  	_ =	swait.ge [sflag:s31], $0x2800  }
0x3e: {  	[sflag:s31] =	ssyncset.done $0x0  }
0x3f: {  	s7 =	rddreg [dreg:$0xb];
	[sflag:s31] =	ssyncadd.s32 $0xFFFFD800  }
0x40: {  	[spmem:s7] =	stream.linear.scatter [tilespmem:s2], [sflag:$0xD], $0x2800, $0x38;
	[tilespmem:$0x1E400] =	vst v63  }
0x41: {  	_ =	swait.ge [sflag:s31], $0x2800  }
0x42: {  	[sflag:s31] =	ssyncset.done $0x0  }
0x43: {  	s11 =	rddreg [dreg:$0xc];
	[sflag:s31] =	ssyncadd.s32 $0xFFFFD800  }
0x44: {  	[spmem:s11] =	stream.linear.scatter [tilespmem:s2], [sflag:$0xD], $0x2800, $0x38;
	[tilespmem:$0x1E400] =	vst v63  }
0x45: {  	_ =	swait.ge [sflag:s31], $0x2800  }
0x46: {  	[sflag:s31] =	ssyncset.done $0x0  }
0x47: {  	s13 =	rddreg [dreg:$0xd];
	[sflag:s31] =	ssyncadd.s32 $0xFFFFD800  }
0x48: {  	[spmem:s13] =	stream.linear.scatter [tilespmem:s2], [sflag:$0xD], $0x2800, $0x38;
	[tilespmem:$0x1E400] =	vst v63  }
0x49: {  	_ =	swait.ge [sflag:s31], $0x2800  }
0x4a: {  	[sflag:s31] =	ssyncset.done $0x0  }
0x4b: {  	s15 =	rddreg [dreg:$0xe];
	[sflag:s31] =	ssyncadd.s32 $0xFFFFD800  }
0x4c: {  	[spmem:s15] =	stream.linear.scatter [tilespmem:s2], [sflag:$0xD], $0x2800, $0x38;
	[tilespmem:$0x1E400] =	vst v63  }
0x4d: {  	_ =	swait.ge [sflag:s31], $0x2800  }
0x4e: {  	[sflag:s31] =	ssyncset.done $0x0  }
0x4f: {  	s22 =	rddreg [dreg:$0x1c];
	[sflag:s31] =	ssyncadd.s32 $0xFFFFD800  }
0x50: {  	[spmem:s22] =	stream.linear.scatter [tilespmem:s2], [sflag:$0xD], $0x2800, $0x38;
	[tilespmem:$0x1E400] =	vst v63  }
0x51: {  	_ =	swait.ge [sflag:s31], $0x2800  }
0x52: {  	[sflag:s31] =	ssyncset.done $0x0  }
0x53: {  	s5 =	rddreg [dreg:$0x1d];
	[sflag:s31] =	ssyncadd.s32 $0xFFFFD800  }
0x54: {  	[spmem:s5] =	stream.linear.scatter [tilespmem:s2], [sflag:$0xD], $0x2800, $0x38;
	[tilespmem:$0x1E400] =	vst v63  }
0x55: {  	_ =	swait.ge [sflag:s31], $0x2800  }
0x56: {  	[sflag:s31] =	ssyncset.done $0x0  }
0x57: {  	[sflag:s31] =	ssyncadd.s32 $0xFFFFD800  }
0x58: {  	[bflag:$0x0] =	sbarrier.arrive $0xFFFF  }
0x59: {  	s5 =	simm.s32 $0x0;
	s6 =	rddreg [dreg:$0xf]  }
0x5a: {  	[tilespmem:s5], [sflag:$0x1] =	stream.linear.gather [hbm4b:s6+s5], $0x50, $0x38;
	[tilespmem:$0x1E400] =	vst v63  }
0x5b: {  	s13 =	simm.s32 $0x200;
	s7 =	rddreg [dreg:$0x10]  }
0x5c: {  	[tilespmem:s13], [sflag:$0x1] =	stream.linear.gather [hbm4b:s7+s5], $0x50, $0x38;
	[tilespmem:$0x1E400] =	vst v63  }
0x5d: {  	s31 =	simm.s32 $0x80;
	s11 =	rddreg [dreg:$0x11]  }
0x5e: {  	[tilespmem:s31], [sflag:$0x2] =	stream.linear.gather [hbm4b:s11+s5], $0x50, $0x38;
	[tilespmem:$0x1E400] =	vst v63  }
0x5f: {  	s22 =	simm.s32 $0x280;
	s15 =	rddreg [dreg:$0x12]  }
0x60: {  	[tilespmem:s22], [sflag:$0x2] =	stream.linear.gather [hbm4b:s15+s5], $0x50, $0x38;
	[tilespmem:$0x1E400] =	vst v63  }
0x61: {  	_ =	swait.ge [sflag:s8], $0x50  }
0x62: {  	[sflag:s8] =	ssyncset.done $0x0  }
0x63: {  	[sflag:s8] =	ssyncadd.s32 $0xFFFFFFB0  }
0x64: {  	_ =	swait.ge [sflag:s8], $0x50  }
0x65: {  	[sflag:s8] =	ssyncset.done $0x0  }
0x66: {  	[sflag:s8] =	ssyncadd.s32 $0xFFFFFFB0  }
0x67: {  	[tilespmem:s2], [sflag:$0x5] =	stream.indirect.gather [hbm4b:s4+s9], $0x80, s5, s9, $0xb8;
	[tilespmem:$0x1E400] =	vst v63  }
0x68: {  	s15 =	simm.s32 $0x100;
	s6 =	rddreg [dreg:$0x13]  }
0x69: {  	[tilespmem:s15], [sflag:$0x3] =	stream.linear.gather [hbm4b:s6+s5], $0x50, $0x38;
	[tilespmem:$0x1E400] =	vst v63  }
0x6a: {  	s11 =	simm.s32 $0x300;
	s7 =	rddreg [dreg:$0x14]  }
0x6b: {  	[tilespmem:s11], [sflag:$0x3] =	stream.linear.gather [hbm4b:s7+s5], $0x50, $0x38;
	[tilespmem:$0x1E400] =	vst v63  }
0x6c: {  	_ =	swait.ge [sflag:s12], $0x50  }
0x6d: {  	[sflag:s12] =	ssyncset.done $0x0  }
0x6e: {  	[sflag:s12] =	ssyncadd.s32 $0xFFFFFFB0  }
0x6f: {  	_ =	swait.ge [sflag:s12], $0x50  }
0x70: {  	[sflag:s12] =	ssyncset.done $0x0  }
0x71: {  	[sflag:s12] =	ssyncadd.s32 $0xFFFFFFB0  }
0x72: {  	[tilespmem:s18], [sflag:$0x6] =	stream.indirect.gather [hbm4b:s4+s9], $0x80, s31, s9, $0xb8;
	[tilespmem:$0x1E400] =	vst v63  }
0x73: {  	_ =	swait.ge [sflag:s14], $0x2800  }
0x74: {  	[sflag:s14] =	ssyncset.done $0x0  }
0x75: {  	[sflag:s14] =	ssyncadd.s32 $0xFFFFD800  }
0x76: {  	[spmem:s1] =	stream.indirect.scatter.add.f32 [tilespmem:s2], [sflag:$0x9], $0x80, s13, s9, $0xb8;
	[tilespmem:$0x1E400] =	vst v63  }
0x77: {  	s30 =	simm.s32 $0x180;
	s6 =	rddreg [dreg:$0x15]  }
0x78: {  	[tilespmem:s30], [sflag:$0x4] =	stream.linear.gather [hbm4b:s6+s5], $0x50, $0x38;
	[tilespmem:$0x1E400] =	vst v63  }
0x79: {  	s7 =	rddreg [dreg:$0x16];
	s6 =	simm.s32 $0x380  }
0x7a: {  	[tilespmem:s6], [sflag:$0x4] =	stream.linear.gather [hbm4b:s7+s5], $0x50, $0x38;
	[tilespmem:$0x1E400] =	vst v63  }
0x7b: {  	_ =	swait.ge [sflag:s17], $0x50  }
0x7c: {  	[sflag:s17] =	ssyncset.done $0x0  }
0x7d: {  	[sflag:s17] =	ssyncadd.s32 $0xFFFFFFB0  }
0x7e: {  	_ =	swait.ge [sflag:s17], $0x50  }
0x7f: {  	[sflag:s17] =	ssyncset.done $0x0  }
0x80: {  	[sflag:s17] =	ssyncadd.s32 $0xFFFFFFB0  }
0x81: {  	[tilespmem:s16], [sflag:$0x7] =	stream.indirect.gather [hbm4b:s4+s9], $0x80, s15, s9, $0xb8;
	[tilespmem:$0x1E400] =	vst v63  }
0x82: {  	_ =	swait.ge [sflag:s19], $0x2800  }
0x83: {  	[sflag:s19] =	ssyncset.done $0x0  }
0x84: {  	[sflag:s19] =	ssyncadd.s32 $0xFFFFD800  }
0x85: {  	[spmem:s1] =	stream.indirect.scatter.add.f32 [tilespmem:s18], [sflag:$0xA], $0x80, s22, s9, $0xb8;
	[tilespmem:$0x1E400] =	vst v63  }
0x86: {  	_ =	swait.ge [sflag:s20], $0x2800  }
0x87: {  	s0 =	rddreg [dreg:$0x1b]  }
0x88: {  	[sflag:s20] =	ssyncset.done $0x0;
	s6 =	sshrl.u32 s0, $0x3  }
0x89: {  	[sflag:s20] =	ssyncadd.s32 $0xFFFFD800;
	s7 =	sadd.s32 s29, s6  }
0x8a: {  	[tilespmem:s3], [sflag:$0x1] =	stream.linear.gather [hbm4b:s7+s3], $0x50, $0x38;
	[tilespmem:$0x1E400] =	vst v63  }
0x8b: {  	s5 =	sadd.s32 s10, s6  }
0x8c: {  	[tilespmem:s13], [sflag:$0x1] =	stream.linear.gather [hbm4b:s5+s3], $0x50, $0x38;
	[tilespmem:$0x1E400] =	vst v63  }
0x8d: {  	_ =	swait.ge [sflag:s21], $0x50  }
0x8e: {  	[sflag:s21] =	ssyncset.done $0x0  }
0x8f: {  	[sflag:s21] =	ssyncadd.s32 $0xFFFFFFB0  }
0x90: {  	_ =	swait.ge [sflag:s21], $0x50  }
0x91: {  	[sflag:s21] =	ssyncset.done $0x0  }
0x92: {  	s6 =	smov.u32 s10;
	s10 =	simm.s32 $0x7C00;
	[sflag:s21] =	ssyncadd.s32 $0xFFFFFFB0  }
0x93: {  	[tilespmem:s10], [sflag:$0x8] =	stream.indirect.gather [hbm4b:s4+s9], $0x80, s30, s9, $0xb8;
	[tilespmem:$0x1E400] =	vst v63  }
0x94: {  	_ =	swait.ge [sflag:s23], $0x2800  }
0x95: {  	[sflag:s23] =	ssyncset.done $0x0  }
0x96: {  	[sflag:s23] =	ssyncadd.s32 $0xFFFFD800  }
0x97: {  	[spmem:s1] =	stream.indirect.scatter.add.f32 [tilespmem:s16], [sflag:$0xB], $0x80, s11, s9, $0xb8;
	[tilespmem:$0x1E400] =	vst v63  }
0x98: {  	_ =	swait.ge [sflag:s24], $0x2800  }
0x99: {  	s5 =	rddreg [dreg:$0x8];
	[sflag:s24] =	ssyncset.done $0x0  }
0x9a: {  	s7 =	rddreg [dreg:$0x7];
	[sflag:s24] =	ssyncadd.s32 $0xFFFFD800;
	s5 =	sadd.s32 $0x0, s5  }
0x9b: {  	[tilespmem:s31], [sflag:$0x2] =	stream.linear.gather [hbm4b:s5+s3], $0x50, $0x38;
	[tilespmem:$0x1E400] =	vst v63  }
0x9c: {  	s7 =	sadd.s32 $0x0, s7  }
0x9d: {  	[tilespmem:s22], [sflag:$0x2] =	stream.linear.gather [hbm4b:s7+s3], $0x50, $0x38;
	[tilespmem:$0x1E400] =	vst v63  }
0x9e: {  	_ =	swait.ge [sflag:s8], $0x50  }
0x9f: {  	[sflag:s8] =	ssyncset.done $0x0  }
0xa0: {  	[sflag:s8] =	ssyncadd.s32 $0xFFFFFFB0  }
0xa1: {  	_ =	swait.ge [sflag:s8], $0x50  }
0xa2: {  	[sflag:s8] =	ssyncset.done $0x0  }
0xa3: {  	[sflag:s8] =	ssyncadd.s32 $0xFFFFFFB0  }
0xa4: {  	[tilespmem:s2], [sflag:$0x5] =	stream.indirect.gather [hbm4b:s4+s9], $0x80, s3, s9, $0xb8;
	[tilespmem:$0x1E400] =	vst v63  }
0xa5: {  	_ =	swait.ge [sflag:s26], $0x2800  }
0xa6: {  	[sflag:s26] =	ssyncset.done $0x0  }
0xa7: {  	s22 =	simm.s32 $0x380;
	[sflag:s26] =	ssyncadd.s32 $0xFFFFD800  }
0xa8: {  	[spmem:s1] =	stream.indirect.scatter.add.f32 [tilespmem:s10], [sflag:$0xC], $0x80, s22, s9, $0xb8;
	[tilespmem:$0x1E400] =	vst v63  }
0xa9: {  	_ =	swait.ge [sflag:s28], $0x2800  }
0xaa: {  	s5 =	rddreg [dreg:$0x6];
	[sflag:s28] =	ssyncset.done $0x0  }
0xab: {  	s7 =	rddreg [dreg:$0x5];
	[sflag:s28] =	ssyncadd.s32 $0xFFFFD800;
	s5 =	sadd.s32 $0x0, s5  }
0xac: {  	[tilespmem:s15], [sflag:$0x3] =	stream.linear.gather [hbm4b:s5+s3], $0x50, $0x38;
	[tilespmem:$0x1E400] =	vst v63  }
0xad: {  	s7 =	sadd.s32 $0x0, s7  }
0xae: {  	[tilespmem:s11], [sflag:$0x3] =	stream.linear.gather [hbm4b:s7+s3], $0x50, $0x38;
	[tilespmem:$0x1E400] =	vst v63  }
0xaf: {  	_ =	swait.ge [sflag:s12], $0x50  }
0xb0: {  	[sflag:s12] =	ssyncset.done $0x0  }
0xb1: {  	[sflag:s12] =	ssyncadd.s32 $0xFFFFFFB0  }
0xb2: {  	_ =	swait.ge [sflag:s12], $0x50  }
0xb3: {  	[sflag:s12] =	ssyncset.done $0x0  }
0xb4: {  	[sflag:s12] =	ssyncadd.s32 $0xFFFFFFB0  }
0xb5: {  	[tilespmem:s18], [sflag:$0x6] =	stream.indirect.gather [hbm4b:s4+s9], $0x80, s31, s9, $0xb8;
	[tilespmem:$0x1E400] =	vst v63  }
0xb6: {  	_ =	swait.ge [sflag:s14], $0x2800  }
0xb7: {  	[sflag:s14] =	ssyncset.done $0x0  }
0xb8: {  	[sflag:s14] =	ssyncadd.s32 $0xFFFFD800  }
0xb9: {  	[spmem:s1] =	stream.indirect.scatter.add.f32 [tilespmem:s2], [sflag:$0x9], $0x80, s13, s9, $0xb8;
	[tilespmem:$0x1E400] =	vst v63  }
0xba: {  	_ =	swait.ge [sflag:s25], $0x2800  }
0xbb: {  	s13 =	rddreg [dreg:$0x4];
	[sflag:s25] =	ssyncset.done $0x0  }
0xbc: {  	s14 =	rddreg [dreg:$0x3];
	[sflag:s25] =	ssyncadd.s32 $0xFFFFD800;
	s5 =	sadd.s32 $0x0, s13  }
0xbd: {  	[tilespmem:s30], [sflag:$0x4] =	stream.linear.gather [hbm4b:s5+s3], $0x50, $0x38;
	[tilespmem:$0x1E400] =	vst v63  }
0xbe: {  	s22 =	simm.s32 $0x380;
	s31 =	sadd.s32 $0x0, s14  }
0xbf: {  	[tilespmem:s22], [sflag:$0x4] =	stream.linear.gather [hbm4b:s31+s3], $0x50, $0x38;
	[tilespmem:$0x1E400] =	vst v63  }
0xc0: {  	_ =	swait.ge [sflag:s17], $0x50  }
0xc1: {  	[sflag:s17] =	ssyncset.done $0x0  }
0xc2: {  	[sflag:s17] =	ssyncadd.s32 $0xFFFFFFB0  }
0xc3: {  	_ =	swait.ge [sflag:s17], $0x50  }
0xc4: {  	[sflag:s17] =	ssyncset.done $0x0  }
0xc5: {  	[sflag:s17] =	ssyncadd.s32 $0xFFFFFFB0  }
0xc6: {  	[tilespmem:s16], [sflag:$0x7] =	stream.indirect.gather [hbm4b:s4+s9], $0x80, s15, s9, $0xb8;
	[tilespmem:$0x1E400] =	vst v63  }
0xc7: {  	_ =	swait.ge [sflag:s19], $0x2800  }
0xc8: {  	s7 =	simm.s32 $0x28;
	s2 =	simm.s32 $0x400;
	[sflag:s19] =	ssyncset.done $0x0  }
0xc9: {  	s30 =	sadd.s32 $0x140, s0;
	s0 =	smov.u32 s6;
	[sflag:s19] =	ssyncadd.s32 $0xFFFFD800  }
.LBB2_4:
0xca: {  	s11 =	simm.s32 $0x280  }
0xcb: {  	[spmem:s1] =	stream.indirect.scatter.add.f32 [tilespmem:s18], [sflag:$0xA], $0x80, s11, s9, $0xb8;
	[tilespmem:$0x1E400] =	vst v63  }
0xcc: {  	_ =	swait.ge [sflag:s20], $0x2800  }
0xcd: {  	s6 =	sshrl.u32 s30, $0x3;
	[sflag:s20] =	ssyncset.done $0x0  }
0xce: {  	s31 =	smov.u32 s29;
	s29 =	sadd.s32 s29, s6;
	[sflag:s20] =	ssyncadd.s32 $0xFFFFD800  }
0xcf: {  	[tilespmem:s3], [sflag:$0x1] =	stream.linear.gather [hbm4b:s29+s3], $0x50, $0x38;
	[tilespmem:$0x1E400] =	vst v63  }
0xd0: {  	s13 =	simm.s32 $0x200;
	s6 =	sadd.s32 s0, s6  }
0xd1: {  	[tilespmem:s13], [sflag:$0x1] =	stream.linear.gather [hbm4b:s6+s3], $0x50, $0x38;
	[tilespmem:$0x1E400] =	vst v63  }
0xd2: {  	_ =	swait.ge [sflag:s21], $0x50  }
0xd3: {  	[sflag:s21] =	ssyncset.done $0x0  }
0xd4: {  	[sflag:s21] =	ssyncadd.s32 $0xFFFFFFB0  }
0xd5: {  	_ =	swait.ge [sflag:s21], $0x50  }
0xd6: {  	[sflag:s21] =	ssyncset.done $0x0  }
0xd7: {  	s20 =	simm.s32 $0x180;
	[sflag:s21] =	ssyncadd.s32 $0xFFFFFFB0  }
0xd8: {  	[tilespmem:s10], [sflag:$0x8] =	stream.indirect.gather [hbm4b:s4+s9], $0x80, s20, s9, $0xb8;
	[tilespmem:$0x1E400] =	vst v63  }
0xd9: {  	_ =	swait.ge [sflag:s23], $0x2800  }
0xda: {  	[sflag:s23] =	ssyncset.done $0x0  }
0xdb: {  	s14 =	simm.s32 $0x300;
	[sflag:s23] =	ssyncadd.s32 $0xFFFFD800  }
0xdc: {  	[spmem:s1] =	stream.indirect.scatter.add.f32 [tilespmem:s16], [sflag:$0xB], $0x80, s14, s9, $0xb8;
	[tilespmem:$0x1E400] =	vst v63  }
0xdd: {  	s5 =	smov.u32 s7;
	_ =	swait.ge [sflag:s24], $0x2800  }
0xde: {  	s15 =	simm.s32 $0x80;
	s22 =	rddreg [dreg:$0x8];
	[sflag:s24] =	ssyncset.done $0x0  }
0xdf: {  	s29 =	rddreg [dreg:$0x7];
	[sflag:s24] =	ssyncadd.s32 $0xFFFFD800;
	s6 =	sadd.s32 s5, s22  }
0xe0: {  	[tilespmem:s15], [sflag:$0x2] =	stream.linear.gather [hbm4b:s6+s3], $0x50, $0x38;
	[tilespmem:$0x1E400] =	vst v63  }
0xe1: {  	s23 =	sadd.s32 s5, s29  }
0xe2: {  	[tilespmem:s11], [sflag:$0x2] =	stream.linear.gather [hbm4b:s23+s3], $0x50, $0x38;
	[tilespmem:$0x1E400] =	vst v63  }
0xe3: {  	_ =	swait.ge [sflag:s8], $0x50  }
0xe4: {  	[sflag:s8] =	ssyncset.done $0x0  }
0xe5: {  	[sflag:s8] =	ssyncadd.s32 $0xFFFFFFB0  }
0xe6: {  	_ =	swait.ge [sflag:s8], $0x50  }
0xe7: {  	[sflag:s8] =	ssyncset.done $0x0  }
0xe8: {  	[sflag:s8] =	ssyncadd.s32 $0xFFFFFFB0  }
0xe9: {  	[tilespmem:s2], [sflag:$0x5] =	stream.indirect.gather [hbm4b:s4+s9], $0x80, s3, s9, $0xb8;
	[tilespmem:$0x1E400] =	vst v63  }
0xea: {  	_ =	swait.ge [sflag:s26], $0x2800  }
0xeb: {  	[sflag:s26] =	ssyncset.done $0x0  }
0xec: {  	s19 =	simm.s32 $0x380;
	[sflag:s26] =	ssyncadd.s32 $0xFFFFD800  }
0xed: {  	[spmem:s1] =	stream.indirect.scatter.add.f32 [tilespmem:s10], [sflag:$0xC], $0x80, s19, s9, $0xb8;
	[tilespmem:$0x1E400] =	vst v63  }
0xee: {  	_ =	swait.ge [sflag:s28], $0x2800  }
0xef: {  	s23 =	simm.s32 $0x100;
	s11 =	rddreg [dreg:$0x6];
	[sflag:s28] =	ssyncset.done $0x0  }
0xf0: {  	s29 =	rddreg [dreg:$0x5];
	[sflag:s28] =	ssyncadd.s32 $0xFFFFD800;
	s6 =	sadd.s32 s5, s11  }
0xf1: {  	[tilespmem:s23], [sflag:$0x3] =	stream.linear.gather [hbm4b:s6+s3], $0x50, $0x38;
	[tilespmem:$0x1E400] =	vst v63  }
0xf2: {  	s6 =	sadd.s32 s5, s29  }
0xf3: {  	[tilespmem:s14], [sflag:$0x3] =	stream.linear.gather [hbm4b:s6+s3], $0x50, $0x38;
	[tilespmem:$0x1E400] =	vst v63  }
0xf4: {  	_ =	swait.ge [sflag:s12], $0x50  }
0xf5: {  	[sflag:s12] =	ssyncset.done $0x0  }
0xf6: {  	[sflag:s12] =	ssyncadd.s32 $0xFFFFFFB0  }
0xf7: {  	_ =	swait.ge [sflag:s12], $0x50  }
0xf8: {  	[sflag:s12] =	ssyncset.done $0x0  }
0xf9: {  	s14 =	simm.s32 $0x5;
	[sflag:s12] =	ssyncadd.s32 $0xFFFFFFB0  }
0xfa: {  	[tilespmem:s18], [sflag:$0x6] =	stream.indirect.gather [hbm4b:s4+s9], $0x80, s15, s9, $0xb8;
	[tilespmem:$0x1E400] =	vst v63  }
0xfb: {  	_ =	swait.ge [sflag:s14], $0x2800  }
0xfc: {  	[sflag:s14] =	ssyncset.done $0x0  }
0xfd: {  	[sflag:s14] =	ssyncadd.s32 $0xFFFFD800  }
0xfe: {  	[spmem:s1] =	stream.indirect.scatter.add.f32 [tilespmem:s2], [sflag:$0x9], $0x80, s13, s9, $0xb8;
	[tilespmem:$0x1E400] =	vst v63  }
0xff: {  	_ =	swait.ge [sflag:s25], $0x2800  }
0x100: {  	s15 =	rddreg [dreg:$0x4];
	[sflag:s25] =	ssyncset.done $0x0  }
0x101: {  	s29 =	rddreg [dreg:$0x3];
	[sflag:s25] =	ssyncadd.s32 $0xFFFFD800;
	s6 =	sadd.s32 s5, s15  }
0x102: {  	[tilespmem:s20], [sflag:$0x4] =	stream.linear.gather [hbm4b:s6+s3], $0x50, $0x38;
	[tilespmem:$0x1E400] =	vst v63  }
0x103: {  	s5 =	sadd.s32 s5, s29  }
0x104: {  	[tilespmem:s19], [sflag:$0x4] =	stream.linear.gather [hbm4b:s5+s3], $0x50, $0x38;
	[tilespmem:$0x1E400] =	vst v63  }
0x105: {  	_ =	swait.ge [sflag:s17], $0x50  }
0x106: {  	[sflag:s17] =	ssyncset.done $0x0  }
0x107: {  	[sflag:s17] =	ssyncadd.s32 $0xFFFFFFB0  }
0x108: {  	p0 =	sne.s32 s7, $0x488;
	s7 =	sadd.s32 $0x28, s7;
	_ =	swait.ge [sflag:s17], $0x50  }
0x109: {  	s30 =	sadd.s32 $0x140, s30;
	s22 =	simm.s32 $0x280;
	[sflag:s17] =	ssyncset.done $0x0  }
.Ltmp1:
0x10a: {  	s19 =	simm.s32 $0x6;
	[sflag:s17] =	ssyncadd.s32 $0xFFFFFFB0;
	(pc) =	sbr.rel @p0 .LBB2_4-.Ltmp1, $4  }
0x10b: {  	[tilespmem:s16], [sflag:$0x7] =	stream.indirect.gather [hbm4b:s4+s9], $0x80, s23, s9, $0xb8;
	[tilespmem:$0x1E400] =	vst v63  }
0x10c: {  	s11 =	simm.s32 $0x300;
	s13 =	simm.s32 $0x380;
	_ =	swait.ge [sflag:s19], $0x2800  }
0x10d: {  	s15 =	simm.s32 $0x180;
	s29 =	smov.u32 s31;
	[sflag:s19] =	ssyncset.done $0x0  }
0x10e: {  	s20 =	simm.s32 $0x9;
	s23 =	simm.s32 $0x7;
	[sflag:s19] =	ssyncadd.s32 $0xFFFFD800  }
0x10f: {  	[spmem:s1] =	stream.indirect.scatter.add.f32 [tilespmem:s18], [sflag:$0xA], $0x80, s22, s9, $0xb8;
	[tilespmem:$0x1E400] =	vst v63  }
0x110: {  	_ =	swait.ge [sflag:s20], $0x2800  }
0x111: {  	[sflag:s20] =	ssyncset.done $0x0  }
0x112: {  	s5 =	rddreg [dreg:$0x17];
	[sflag:s20] =	ssyncadd.s32 $0xFFFFD800  }
0x113: {  	[tilespmem:s3], [sflag:$0x1] =	stream.linear.gather [hbm4b:s5+s3], $0x50, $0x38;
	[tilespmem:$0x1E400] =	vst v63  }
0x114: {  	s6 =	simm.s32 $0x200;
	s7 =	rddreg [dreg:$0x18]  }
0x115: {  	[tilespmem:s6], [sflag:$0x1] =	stream.linear.gather [hbm4b:s7+s3], $0x50, $0x38;
	[tilespmem:$0x1E400] =	vst v63  }
0x116: {  	_ =	swait.ge [sflag:s21], $0x50  }
0x117: {  	[sflag:s21] =	ssyncset.done $0x0  }
0x118: {  	[sflag:s21] =	ssyncadd.s32 $0xFFFFFFB0  }
0x119: {  	_ =	swait.ge [sflag:s21], $0x50  }
0x11a: {  	[sflag:s21] =	ssyncset.done $0x0  }
0x11b: {  	[sflag:s21] =	ssyncadd.s32 $0xFFFFFFB0  }
0x11c: {  	[tilespmem:s10], [sflag:$0x8] =	stream.indirect.gather [hbm4b:s4+s9], $0x80, s15, s9, $0xb8;
	[tilespmem:$0x1E400] =	vst v63  }
0x11d: {  	_ =	swait.ge [sflag:s23], $0x2800  }
0x11e: {  	[sflag:s23] =	ssyncset.done $0x0  }
0x11f: {  	[sflag:s23] =	ssyncadd.s32 $0xFFFFD800  }
0x120: {  	[spmem:s1] =	stream.indirect.scatter.add.f32 [tilespmem:s16], [sflag:$0xB], $0x80, s11, s9, $0xb8;
	[tilespmem:$0x1E400] =	vst v63  }
0x121: {  	_ =	swait.ge [sflag:s8], $0x50  }
0x122: {  	[sflag:s8] =	ssyncset.done $0x0  }
0x123: {  	[sflag:s8] =	ssyncadd.s32 $0xFFFFFFB0  }
0x124: {  	_ =	swait.ge [sflag:s8], $0x50  }
0x125: {  	[sflag:s8] =	ssyncset.done $0x0  }
0x126: {  	[sflag:s8] =	ssyncadd.s32 $0xFFFFFFB0  }
0x127: {  	[tilespmem:s2], [sflag:$0x5] =	stream.indirect.gather [hbm4b:s4+s9], $0x80, s3, s9, $0xb8;
	[tilespmem:$0x1E400] =	vst v63  }
0x128: {  	_ =	swait.ge [sflag:s26], $0x2800  }
0x129: {  	[sflag:s26] =	ssyncset.done $0x0  }
0x12a: {  	[sflag:s26] =	ssyncadd.s32 $0xFFFFD800  }
0x12b: {  	[spmem:s1] =	stream.indirect.scatter.add.f32 [tilespmem:s10], [sflag:$0xC], $0x80, s13, s9, $0xb8;
	[tilespmem:$0x1E400] =	vst v63  }
0x12c: {  	_ =	swait.ge [sflag:s14], $0x2800  }
0x12d: {  	[sflag:s14] =	ssyncset.done $0x0  }
0x12e: {  	[sflag:s14] =	ssyncadd.s32 $0xFFFFD800  }
0x12f: {  	[spmem:s1] =	stream.indirect.scatter.add.f32 [tilespmem:s2], [sflag:$0x9], $0x80, s6, s9, $0xb8;
	[tilespmem:$0x1E400] =	vst v63  }
0x130: {  	_ =	swait.ge [sflag:s24], $0x2800  }
0x131: {  	[sflag:s24] =	ssyncset.done $0x0  }
0x132: {  	[sflag:s24] =	ssyncadd.s32 $0xFFFFD800  }
0x133: {  	_ =	swait.ge [sflag:s28], $0x2800  }
0x134: {  	[sflag:s28] =	ssyncset.done $0x0  }
0x135: {  	[sflag:s28] =	ssyncadd.s32 $0xFFFFD800  }
0x136: {  	_ =	swait.ge [sflag:s25], $0x2800  }
0x137: {  	[sflag:s25] =	ssyncset.done $0x0  }
0x138: {  	[sflag:s25] =	ssyncadd.s32 $0xFFFFD800  }
0x139: {  	_ =	swait.ge [sflag:s20], $0x2800  }
0x13a: {  	[sflag:s20] =	ssyncset.done $0x0  }
0x13b: {  	[sflag:s20] =	ssyncadd.s32 $0xFFFFD800  }
0x13c: {  	s11 =	stileid.u32;
	[bflag:$0x0] =	sbarrier.arrive $0xFFFF  }
0x13d: {  	s31 =	simm.s32 $0xD;
	s5 =	sshll.u32 s11, $0x6;
	s30 =	rddreg [dreg:$0x9]  }
0x13e: {  	s5 =	sor.u32 $0x1C0D, s5;
	s7 =	rddreg [dreg:$0x19];
	s13 =	sshrl.u32 s30, $0x3  }
0x13f: {  	[hbm:s7], [sflag:s5] =	dma.local [spmem:s13], $0x2800  }
0x140: {  	_ =	swait.ge [sflag:s31], $0x2800  }
0x141: {  	s15 =	rddreg [dreg:$0x1e]  }
0x142: {  	s22 =	rddreg [dreg:$0x1a];
	s7 =	sadd.s32 $0x1, s15  }
0x143: {  	p0 =	sne.s32 s7, s22  }
.Ltmp2:
0x144: {  	_ = 	snop;
	(pc) =	sbr.rel @p0 .LBB2_1-.Ltmp2, $3  }
0x145: {  	_ =	sdelay $0x1  }
0x146: {  	[sflag:s31] =	ssyncset.done $0x0  }
0x147: {  	s10 =	smov.u32 s0;
	s2 =	simm.s32 $0x400;
	[sflag:s31] =	ssyncadd.s32 $0xFFFFD800  }
0x148: {  	_ =	sfence.sel $0x180000  }
0x149: {  	[bflag:$0x0] =	sbarrier.arrive $0xFFFF  }
0x14a: {  	_ =	strace $0x90000050  }
0x14b: {  	s0 =	stileid.u32;
	[bflag:$0x2] =	sbarrier.arrive $0xFFFF  }
0x14c: {  	p0 =	sne.s32 s0, $0x0;
	s0 =	rddreg [dreg:$0x2]  }
0x14d: {  	s0 =	sadd.s32 @!p0 $0x100000, s0  }
0x14e: {  	[sflag:s0] =	ssyncadd.tile.s32 @!p0 $0x1;
	_ =	shalt  }
.Lfunc_end2:
_tile_overlayer_lowered:
.L_overlay_start_2:
0x14f: {  	(tag) =	ssettag $0x2  }
0x150: {  	s0 =	rddreg [dreg:$0x0];
	s2 =	stileid.u32  }
0x151: {  	s1 =	rddreg [dreg:$0x1];
	p0 =	sne.s32 s2, $0x0  }
0x152: {  	s3 =	rddreg [dreg:$0x2];
	[bflag:$0x3] =	sbarrier.arrive $0xFFFF;
	s2 =	simm.s32 @!p0 $0x1C0D  }
0x153: {  	[timem:s3], [sflag:s2] =	dma.local @!p0 [hbm:s0], s1  }
0x154: {  	s0 =	simm.s32 @!p0 $0xD  }
0x155: {  	_ =	swait.ge @!p0 [sflag:s0], s1  }
0x156: {  	s1 =	ssub.s32 @!p0 $0x0, s1;
	[sflag:s0] =	ssyncset.done @!p0 $0x0  }
0x157: {  	[sflag:s0] =	ssyncadd.s32 @!p0 s1  }
0x158: {  	[bflag:$0x3] =	sbarrier.arrive $0xFFFF  }
0x159: {  	_ =	shalt  }

</sc_bundles>
